<compile_context>
chip_gen: v7x
topology: tpu7x:2x2x1
jax: 0.10.2.dev20260603
libtpu: 0.0.44.dev20260713+nightly
codegen_flags: <defaults>
</compile_context>

<pallas_src>
import functools

import jax
import jax.numpy as jnp
from jax import lax
from jax.experimental import pallas as pl
from jax.experimental.pallas import tpu as pltpu
from jax.experimental.pallas import tpu_sc as plsc

N = 10000
E = 160000
G = 100
HID = 256
HALF = 128
E_PAD = 163840
CHK = 128
ROWS = E_PAD // CHK
NT = 10016
ST = 10240
DUMP = 10008
F32 = jnp.float32


def _mesh():
    return plsc.VectorSubcoreMesh(core_axis_name="c", subcore_axis_name="s")


def _sc_dx(ii2d, jj2d, pos_pad):

    @functools.partial(
        pl.kernel,
        out_type=jax.ShapeDtypeStruct((E_PAD, HALF), F32),
        mesh=_mesh(),
        scratch_types=[
            pltpu.VMEM((40, CHK), jnp.int32),
            pltpu.VMEM((CHK,), jnp.int32),
            pltpu.VMEM((CHK, HALF), F32),
            pltpu.VMEM((CHK, HALF), F32),
            pltpu.SemaphoreType.DMA,
            pltpu.SemaphoreType.DMA,
        ],
    )
    def k(ii_hbm, jj_hbm, pos_hbm, dx_out,
          ii_v, jj_c, pi_v, pj_v, sem1, sem2):
        c = lax.axis_index("c")
        s = lax.axis_index("s")
        w = c * 16 + s

        pltpu.sync_copy(ii_hbm.at[pl.ds(w * 40, 40)], ii_v)

        def chunk(kk, _):
            row = w * 40 + kk
            pltpu.sync_copy(jj_hbm.at[row], jj_c)
            d1 = pltpu.async_copy(pos_hbm.at[ii_v.at[kk]], pi_v, sem1)
            d2 = pltpu.async_copy(pos_hbm.at[jj_c], pj_v, sem2)
            d1.wait()
            d2.wait()

            def rowfn(r, _):
                for q in range(8):
                    sl = pl.ds(q * 16, 16)
                    pi_v[r, sl] = pj_v[r, sl] - pi_v[r, sl]
                return 0

            lax.fori_loop(0, CHK, rowfn, 0)
            pltpu.sync_copy(pi_v, dx_out.at[pl.ds(row * CHK, CHK)])
            return 0

        lax.fori_loop(0, 40, chunk, 0)

    return k(ii2d, jj2d, pos_pad)


def _sc_deg(ii2d):

    @functools.partial(
        pl.kernel,
        out_type=jax.ShapeDtypeStruct((2, ST, HALF), F32),
        mesh=_mesh(),
        scratch_types=[
            pltpu.VMEM((40, CHK), jnp.int32),
            pltpu.VMEM((CHK, HALF), F32),
            pltpu.VMEM_SHARED((ST, HALF), F32),
        ],
    )
    def k(ii_hbm, deg_out, ii_v, ones_v, deg_sh):
        c = lax.axis_index("c")
        s = lax.axis_index("s")
        w = c * 16 + s

        def fill(r, _):
            for q in range(8):
                ones_v[r, pl.ds(q * 16, 16)] = jnp.zeros((16,), F32)
            return 0

        lax.fori_loop(0, CHK, fill, 0)
        for z in range(5):
            pltpu.sync_copy(ones_v, deg_sh.at[pl.ds(s * 640 + z * CHK, CHK)])

        def fill1(r, _):
            for q in range(8):
                ones_v[r, pl.ds(q * 16, 16)] = jnp.full((16,), 1.0, F32)
            return 0

        lax.fori_loop(0, CHK, fill1, 0)
        plsc.subcore_barrier()

        pltpu.sync_copy(ii_hbm.at[pl.ds(w * 40, 40)], ii_v)

        def chunk(kk, _):
            pltpu.sync_copy(ones_v, deg_sh.at[ii_v.at[kk]], add=True)
            return 0

        lax.fori_loop(0, 40, chunk, 0)
        plsc.subcore_barrier()
        pltpu.sync_copy(deg_sh.at[pl.ds(s * 640, 640)],
                        deg_out.at[c].at[pl.ds(s * 640, 640)])

    return k(ii2d)


def _sc_edge_pass(ii2d, jj2d, A, B, C):

    @functools.partial(
        pl.kernel,
        out_type=jax.ShapeDtypeStruct((2, ST, HALF), F32),
        mesh=_mesh(),
        scratch_types=[
            pltpu.VMEM((80, CHK), jnp.int32),
            pltpu.VMEM((CHK,), jnp.int32),
            pltpu.VMEM((CHK, HALF), F32),
            pltpu.VMEM((CHK, HALF), F32),
            pltpu.VMEM_SHARED((ST, HALF), F32),
            pltpu.SemaphoreType.DMA,
            pltpu.SemaphoreType.DMA,
            pltpu.SemaphoreType.DMA,
        ],
    )
    def k(ii_hbm, jj_hbm, a_hbm, b_hbm, c_hbm, s_out,
          ii_v, jj_c, a_v, b_v, s_sh, sem1, sem2, sem3):
        c = lax.axis_index("c")
        s = lax.axis_index("s")

        def zrow(r, _):
            for q in range(8):
                a_v[r, pl.ds(q * 16, 16)] = jnp.zeros((16,), F32)
            return 0

        lax.fori_loop(0, CHK, zrow, 0)
        for z in range(5):
            pltpu.sync_copy(a_v, s_sh.at[pl.ds(s * 640 + z * CHK, CHK)])
        plsc.subcore_barrier()

        pltpu.sync_copy(ii_hbm.at[pl.ds(s * 80, 80)], ii_v)

        def chunk(kk, _):
            row = s * 80 + kk
            pltpu.sync_copy(jj_hbm.at[row], jj_c)
            d1 = pltpu.async_copy(a_hbm.at[c].at[ii_v.at[kk]], a_v, sem1)
            d2 = pltpu.async_copy(b_hbm.at[c].at[jj_c], b_v, sem2)
            d1.wait()
            d2.wait()

            def addfn(r, _):
                for q in range(8):
                    sl = pl.ds(q * 16, 16)
                    a_v[r, sl] = a_v[r, sl] + b_v[r, sl]
                return 0

            lax.fori_loop(0, CHK, addfn, 0)
            d3 = pltpu.async_copy(c_hbm.at[c].at[pl.ds(row * CHK, CHK)],
                                  b_v, sem3)
            d3.wait()

            def relufn(r, _):
                for q in range(8):
                    sl = pl.ds(q * 16, 16)
                    a_v[r, sl] = jnp.maximum(a_v[r, sl] + b_v[r, sl], 0.0)
                return 0

            lax.fori_loop(0, CHK, relufn, 0)
            pltpu.sync_copy(a_v, s_sh.at[ii_v.at[kk]], add=True)
            return 0

        lax.fori_loop(0, 80, chunk, 0)
        plsc.subcore_barrier()
        pltpu.sync_copy(s_sh.at[pl.ds(s * 640, 640)],
                        s_out.at[c].at[pl.ds(s * 640, 640)])

    return k(ii2d, jj2d, A, B, C)


def _tc_fold_weights(ee_W2, Wc_all, ee_b2_row, b1cat_row):

    def body(w2_ref, wc_ref, b2_ref, b1_ref, m_ref, b_ref):
        m_ref[...] = jnp.dot(w2_ref[...], wc_ref[...],
                             preferred_element_type=F32)
        b_ref[...] = jnp.dot(b2_ref[...], wc_ref[...],
                             preferred_element_type=F32) + b1_ref[...]

    return pl.pallas_call(
        body,
        out_shape=(
            jax.ShapeDtypeStruct((HID, 3 * HID), F32),
            jax.ShapeDtypeStruct((1, 3 * HID), F32),
        ),
    )(ee_W2, Wc_all, ee_b2_row, b1cat_row)


def _tc_geom(dxa, ee_W1p, ee_b1_row, M_all, b_all):
    BLK = 512

    def body(dx_ref, w1_ref, b1_ref, m_ref, ba_ref, c0, c1, c2):
        dx = dx_ref[...]
        d0 = dx[:, 0:1]
        d1 = dx[:, 1:2]
        d2 = dx[:, 2:3]
        s3 = jnp.sqrt(d0 * d0 + d1 * d1 + d2 * d2)
        sxy = jnp.sqrt(d0 * d0 + d1 * d1)
        g = (s3 * w1_ref[0:1, :] + sxy * w1_ref[1:2, :] + d2 * w1_ref[2:3, :]
             + b1_ref[...])
        r = jnp.maximum(g, 0.0)
        call = jnp.dot(r, m_ref[...], preferred_element_type=F32) + ba_ref[...]
        for l, o in enumerate((c0, c1, c2)):
            o[0] = call[:, l * 256:l * 256 + 128]
            o[1] = call[:, l * 256 + 128:l * 256 + 256]

    outs = pl.pallas_call(
        body,
        grid=(E_PAD // BLK,),
        in_specs=[
            pl.BlockSpec((BLK, HALF), lambda e: (e, 0)),
            pl.BlockSpec((8, HID), lambda e: (0, 0)),
            pl.BlockSpec((1, HID), lambda e: (0, 0)),
            pl.BlockSpec((HID, 3 * HID), lambda e: (0, 0)),
            pl.BlockSpec((1, 3 * HID), lambda e: (0, 0)),
        ],
        out_specs=[
            pl.BlockSpec((2, BLK, HALF), lambda e: (0, e, 0)),
            pl.BlockSpec((2, BLK, HALF), lambda e: (0, e, 0)),
            pl.BlockSpec((2, BLK, HALF), lambda e: (0, e, 0)),
        ],
        out_shape=[jax.ShapeDtypeStruct((2, E_PAD, HALF), F32)] * 3,
    )(dxa, ee_W1p, ee_b1_row, M_all, b_all)
    return outs


def _tc_node_embed(nf_pad, ne_W1p, ne_b1_row, ne_W2, ne_b2_row):
    def body(nf_ref, w1_ref, b1_ref, w2_ref, b2_ref, h_ref):
        hh = jnp.maximum(
            jnp.dot(nf_ref[...], w1_ref[...], preferred_element_type=F32)
            + b1_ref[...], 0.0)
        h_ref[...] = (jnp.dot(hh, w2_ref[...], preferred_element_type=F32)
                      + b2_ref[...])

    return pl.pallas_call(
        body,
        out_shape=jax.ShapeDtypeStruct((N, HID), F32),
    )(nf_pad, ne_W1p, ne_b1_row, ne_W2, ne_b2_row)


def _tc_pre(h, W1a, W1b):

    def body(h_ref, wa_ref, wb_ref, a_ref, b_ref):
        pa = jnp.dot(h_ref[...], wa_ref[...], preferred_element_type=F32)
        pb = jnp.dot(h_ref[...], wb_ref[...], preferred_element_type=F32)
        a_ref[0, pl.ds(0, N), :] = pa
        b_ref[0, pl.ds(0, N), :] = pb
        a_ref[0, pl.ds(N, NT - N), :] = jnp.zeros((NT - N, HALF), F32)
        b_ref[0, pl.ds(N, NT - N), :] = jnp.zeros((NT - N, HALF), F32)

    return pl.pallas_call(
        body,
        grid=(2,),
        in_specs=[
            pl.BlockSpec((N, HID), lambda hf: (0, 0)),
            pl.BlockSpec((HID, HALF), lambda hf: (0, hf)),
            pl.BlockSpec((HID, HALF), lambda hf: (0, hf)),
        ],
        out_specs=[
            pl.BlockSpec((1, NT, HALF), lambda hf: (hf, 0, 0)),
            pl.BlockSpec((1, NT, HALF), lambda hf: (hf, 0, 0)),
        ],
        out_shape=[jax.ShapeDtypeStruct((2, NT, HALF), F32)] * 2,
    )(h, W1a, W1b)


def _tc_update(h, S, deg, W2, b2_row, U1a, U1b, ub1_row, U2, ub2_row):
    BLK = 2000

    def body(h_ref, s_ref, d_ref, w2_ref, b2_ref, ua_ref, ub_ref, ub1_ref,
             u2_ref, ub2_ref, o_ref):
        hcur = h_ref[...]
        degt = d_ref[0, :, 0:1] + d_ref[1, :, 0:1]
        agg = (jnp.dot(s_ref[0], w2_ref[0:HALF, :],
                       preferred_element_type=F32)
               + jnp.dot(s_ref[1], w2_ref[HALF:HID, :],
                         preferred_element_type=F32)
               + degt * b2_ref[...])
        uh = jnp.maximum(
            jnp.dot(hcur, ua_ref[...], preferred_element_type=F32)
            + jnp.dot(agg, ub_ref[...], preferred_element_type=F32)
            + ub1_ref[...], 0.0)
        o_ref[...] = hcur + (jnp.dot(uh, u2_ref[...],
                                     preferred_element_type=F32)
                             + ub2_ref[...])

    return pl.pallas_call(
        body,
        grid=(N // BLK,),
        in_specs=[
            pl.BlockSpec((BLK, HID), lambda n: (n, 0)),
            pl.BlockSpec((2, BLK, HALF), lambda n: (0, n, 0)),
            pl.BlockSpec((2, BLK, HALF), lambda n: (0, n, 0)),
            pl.BlockSpec((HID, HID), lambda n: (0, 0)),
            pl.BlockSpec((1, HID), lambda n: (0, 0)),
            pl.BlockSpec((HID, HID), lambda n: (0, 0)),
            pl.BlockSpec((HID, HID), lambda n: (0, 0)),
            pl.BlockSpec((1, HID), lambda n: (0, 0)),
            pl.BlockSpec((HID, HID), lambda n: (0, 0)),
            pl.BlockSpec((1, HID), lambda n: (0, 0)),
        ],
        out_specs=pl.BlockSpec((BLK, HID), lambda n: (n, 0)),
        out_shape=jax.ShapeDtypeStruct((N, HID), F32),
    )(h, S, deg, W2, b2_row, U1a, U1b, ub1_row, U2, ub2_row)


def _tc_pool_cls(h, batch_row, cls_W1, cls_b1_row, cls_W2p, cls_b2p):
    def body(h_ref, b_ref, w1_ref, b1_ref, w2_ref, b2_ref, o_ref):
        ids = lax.broadcasted_iota(jnp.int32, (HALF, N), 0)
        oht = (b_ref[...] == ids).astype(F32)
        ge = jnp.dot(oht, h_ref[...], preferred_element_type=F32)
        cnt = jnp.sum(oht, axis=1, keepdims=True)
        gem = ge / jnp.maximum(cnt, 1.0)
        hh = jnp.maximum(
            jnp.dot(gem, w1_ref[...], preferred_element_type=F32)
            + b1_ref[...], 0.0)
        o_ref[...] = (jnp.dot(hh, w2_ref[...], preferred_element_type=F32)
                      + b2_ref[...])

    return pl.pallas_call(
        body,
        out_shape=jax.ShapeDtypeStruct((HALF, HALF), F32),
    )(h, batch_row, cls_W1, cls_b1_row, cls_W2p, cls_b2p)


def kernel(positions, node_features, edge_index, batch,
           ne_W1, ne_b1, ne_W2, ne_b2, ee_W1, ee_b1, ee_W2, ee_b2,
           mp0_msg_W1, mp0_msg_b1, mp0_msg_W2, mp0_msg_b2,
           mp0_upd_W1, mp0_upd_b1, mp0_upd_W2, mp0_upd_b2,
           mp1_msg_W1, mp1_msg_b1, mp1_msg_W2, mp1_msg_b2,
           mp1_upd_W1, mp1_upd_b1, mp1_upd_W2, mp1_upd_b2,
           mp2_msg_W1, mp2_msg_b1, mp2_msg_W2, mp2_msg_b2,
           mp2_upd_W1, mp2_upd_b1, mp2_upd_W2, mp2_upd_b2,
           cls_W1, cls_b1, cls_W2, cls_b2):
    msg_W1 = (mp0_msg_W1, mp1_msg_W1, mp2_msg_W1)
    msg_b1 = (mp0_msg_b1, mp1_msg_b1, mp2_msg_b1)
    msg_W2 = (mp0_msg_W2, mp1_msg_W2, mp2_msg_W2)
    msg_b2 = (mp0_msg_b2, mp1_msg_b2, mp2_msg_b2)
    upd_W1 = (mp0_upd_W1, mp1_upd_W1, mp2_upd_W1)
    upd_b1 = (mp0_upd_b1, mp1_upd_b1, mp2_upd_b1)
    upd_W2 = (mp0_upd_W2, mp1_upd_W2, mp2_upd_W2)
    upd_b2 = (mp0_upd_b2, mp1_upd_b2, mp2_upd_b2)

    i_idx = edge_index[0]
    j_idx = edge_index[1]
    pad = E_PAD - E
    ii2d = jnp.concatenate(
        [i_idx, jnp.full((pad,), DUMP, jnp.int32)]).reshape(ROWS, CHK)
    jj2d = jnp.concatenate(
        [j_idx, jnp.zeros((pad,), jnp.int32)]).reshape(ROWS, CHK)
    pos_pad = jnp.pad(positions, ((0, NT - N), (0, HALF - 3)))

    dxa = _sc_dx(ii2d, jj2d, pos_pad)
    deg = _sc_deg(ii2d)

    Wc_all = jnp.concatenate([w[2 * HID:3 * HID] for w in msg_W1], axis=1)
    b1cat = jnp.concatenate(msg_b1).reshape(1, 3 * HID)
    M_all, b_all = _tc_fold_weights(ee_W2, Wc_all, ee_b2.reshape(1, HID),
                                    b1cat)

    ee_W1p = jnp.pad(ee_W1, ((0, 5), (0, 0)))
    C0, C1, C2 = _tc_geom(dxa, ee_W1p, ee_b1.reshape(1, HID), M_all, b_all)
    C = (C0, C1, C2)

    nf_pad = jnp.pad(node_features, ((0, 0), (0, 6)))
    ne_W1p = jnp.pad(ne_W1, ((0, 6), (0, 0)))
    h = _tc_node_embed(nf_pad, ne_W1p, ne_b1.reshape(1, HID), ne_W2,
                       ne_b2.reshape(1, HID))

    for l in range(3):
        A, B = _tc_pre(h, msg_W1[l][0:HID], msg_W1[l][HID:2 * HID])
        S = _sc_edge_pass(ii2d, jj2d, A, B, C[l])
        h = _tc_update(h, S, deg, msg_W2[l], msg_b2[l].reshape(1, HID),
                       upd_W1[l][0:HID], upd_W1[l][HID:2 * HID],
                       upd_b1[l].reshape(1, HID), upd_W2[l],
                       upd_b2[l].reshape(1, HID))

    cls_W2p = jnp.pad(cls_W2, ((0, 0), (0, HALF - 1)))
    cls_b2p = jnp.pad(cls_b2.reshape(1, 1), ((0, 0), (0, HALF - 1)))
    out = _tc_pool_cls(h, batch.reshape(1, N), cls_W1,
                       cls_b1.reshape(1, HID), cls_W2p, cls_b2p)
    return out[:G, 0]

# --- scband reference (transcript-rebuilt; emitter-appended) ---
"""Pipeline reference for scband-multi-hop-parity-violation-egnn-43782896615993 (READ-ONLY COPY).

The authoritative reference and input builder live on the scoring server;
editing this copy changes nothing except your own understanding.
"""

import jax, jax.numpy as jnp
import numpy as np

N_NODES = 10000
N_EDGES = 160000
N_GRAPHS = 100
HID = 256
N_LAYERS = 3


def _mlp(x, W1, b1, W2, b2):
    return jax.nn.relu(x @ W1 + b1) @ W2 + b2


def _lin(key, fi, fo):
    k1, k2 = jax.random.split(key)
    W = jax.random.uniform(k1, (fi, fo), jnp.float32, -1.0, 1.0) / np.sqrt(fi)
    b = jax.random.uniform(k2, (fo,), jnp.float32, -1.0, 1.0) / np.sqrt(fi)
    return W, b


def setup_inputs(seed: int = 0) -> dict:
    key = jax.random.key(seed)
    inp = {}
    inp["positions"] = jax.random.normal(jax.random.fold_in(key, 1), (N_NODES, 3), jnp.float32)
    inp["node_features"] = jax.random.normal(jax.random.fold_in(key, 2), (N_NODES, 2), jnp.float32)
    src = jax.random.randint(jax.random.fold_in(key, 3), (N_EDGES,), 0, N_NODES, dtype=jnp.int32)
    off = jax.random.randint(jax.random.fold_in(key, 4), (N_EDGES,), 1, N_NODES, dtype=jnp.int32)
    dst = (src + off) % N_NODES  # avoid self-loops (zero-distance edges)
    inp["edge_index"] = jnp.stack([src, dst], axis=0)
    b = jnp.sort(jax.random.randint(jax.random.fold_in(key, 5), (N_NODES,), 0, N_GRAPHS, dtype=jnp.int32))
    inp["batch"] = b.at[0].set(0).at[-1].set(N_GRAPHS - 1)
    cnt = [10]

    def nk():
        cnt[0] += 1
        return jax.random.fold_in(key, cnt[0])

    inp["ne_W1"], inp["ne_b1"] = _lin(nk(), 2, HID)
    inp["ne_W2"], inp["ne_b2"] = _lin(nk(), HID, HID)
    inp["ee_W1"], inp["ee_b1"] = _lin(nk(), 3, HID)
    inp["ee_W2"], inp["ee_b2"] = _lin(nk(), HID, HID)
    for l in range(N_LAYERS):
        inp[f"mp{l}_msg_W1"], inp[f"mp{l}_msg_b1"] = _lin(nk(), 3 * HID, HID)
        inp[f"mp{l}_msg_W2"], inp[f"mp{l}_msg_b2"] = _lin(nk(), HID, HID)
        inp[f"mp{l}_upd_W1"], inp[f"mp{l}_upd_b1"] = _lin(nk(), 2 * HID, HID)
        inp[f"mp{l}_upd_W2"], inp[f"mp{l}_upd_b2"] = _lin(nk(), HID, HID)
    inp["cls_W1"], inp["cls_b1"] = _lin(nk(), HID, HID)
    inp["cls_W2"], inp["cls_b2"] = _lin(nk(), HID, 1)
    return inp


def _forward(p, positions, node_features, edge_index, batch):
    h = _mlp(node_features, p["ne_W1"], p["ne_b1"], p["ne_W2"], p["ne_b2"])
    i_idx = edge_index[0]
    j_idx = edge_index[1]
    dx = positions[j_idx] - positions[i_idx]
    d3 = jnp.linalg.norm(dx, axis=-1, keepdims=True)
    dxy = jnp.linalg.norm(dx[:, :2], axis=-1, keepdims=True)
    dz = dx[:, 2:3]
    ef = _mlp(jnp.concatenate([d3, dxy, dz], axis=-1), p["ee_W1"], p["ee_b1"], p["ee_W2"], p["ee_b2"])
    for l in range(N_LAYERS):
        msg_in = jnp.concatenate([h[i_idx], h[j_idx], ef], axis=-1)
        messages = _mlp(msg_in, p[f"mp{l}_msg_W1"], p[f"mp{l}_msg_b1"], p[f"mp{l}_msg_W2"], p[f"mp{l}_msg_b2"])
        agg = jnp.zeros_like(h).at[i_idx].add(messages)
        upd_in = jnp.concatenate([h, agg], axis=-1)
        upd = _mlp(upd_in, p[f"mp{l}_upd_W1"], p[f"mp{l}_upd_b1"], p[f"mp{l}_upd_W2"], p[f"mp{l}_upd_b2"])
        h = h + upd
    bsz = N_GRAPHS
    ge = jax.ops.segment_sum(h, batch, num_segments=bsz)
    counts = jax.ops.segment_sum(jnp.ones((h.shape[0],), jnp.float32), batch, num_segments=bsz)
    ge = ge / jnp.clip(counts, 1.0, None)[:, None]
    logits = _mlp(ge, p["cls_W1"], p["cls_b1"], p["cls_W2"], p["cls_b2"])[:, 0]
    return logits


def reference(
    positions,
    node_features,
    edge_index,
    batch,
    ne_W1,
    ne_b1,
    ne_W2,
    ne_b2,
    ee_W1,
    ee_b1,
    ee_W2,
    ee_b2,
    mp0_msg_W1,
    mp0_msg_b1,
    mp0_msg_W2,
    mp0_msg_b2,
    mp0_upd_W1,
    mp0_upd_b1,
    mp0_upd_W2,
    mp0_upd_b2,
    mp1_msg_W1,
    mp1_msg_b1,
    mp1_msg_W2,
    mp1_msg_b2,
    mp1_upd_W1,
    mp1_upd_b1,
    mp1_upd_W2,
    mp1_upd_b2,
    mp2_msg_W1,
    mp2_msg_b1,
    mp2_msg_W2,
    mp2_msg_b2,
    mp2_upd_W1,
    mp2_upd_b1,
    mp2_upd_W2,
    mp2_upd_b2,
    cls_W1,
    cls_b1,
    cls_W2,
    cls_b2,
):
    p = dict(locals())
    for name in ("positions", "node_features", "edge_index", "batch"):
        p.pop(name)
    return _forward(p, positions, node_features, edge_index, batch)

if __name__ == "__main__":
    import jax
    _d = setup_inputs()
    print(jax.jit(kernel)(*tuple(_d.values())))

</pallas_src>

<mosaic_0001>
#map = affine_map<(d0, d1) -> (0, 0)>
#map1 = affine_map<(d0, d1) -> (0, 0, 0)>
module attributes {stable_mosaic.version = 14 : i64} {
  func.func @k(%arg0: i32, %arg1: i32, %arg2: memref<1280x128xi32, #tpu.memory_space<hbm>>, %arg3: memref<2x10240x128xf32, #tpu.memory_space<hbm>>, %arg4: memref<40x128xi32, #tpu.memory_space<vmem>>, %arg5: memref<128x128xf32, #tpu.memory_space<vmem>>, %arg6: memref<10240x128xf32, #tpu.memory_space<vmem_shared>>) attributes {dimension_semantics = [#tpu.dimension_semantics<core_parallel>, #tpu.dimension_semantics<subcore_parallel>], iteration_bounds = array<i64: 2, 16>, scalar_prefetch = 0 : i64, scratch_operands = 3 : i64, tpu.core_type = #tpu.core_type<sc_vector_subcore>, window_params = [{transform_indices = #map}, {transform_indices = #map1}]} {
    %mul3A = arith.constant 16 : i32
    %mul3A_0 = arith.muli %arg0, %mul3A : i32
    %add3A = arith.addi %mul3A_0, %arg1 : i32
    %scan3A = arith.constant 0 : i32
    %scan3A_1 = arith.constant 0 : i32
    %scan3A_2 = arith.constant 128 : i32
    %scan3A_3 = arith.addi %scan3A_1, %scan3A_2 : i32
    %scan3A_4 = arith.constant 1 : i32
    %scan3A_5 = scf.for %scan3A_48 = %scan3A_1 to %scan3A_3 step %scan3A_4 iter_args(%scan3A_49 = %scan3A) -> (i32)  : i32 {
      %broadcast_in_dim3A = arith.constant 0.000000e+00 : f32
      %broadcast_in_dim3A_50 = vector.broadcast %broadcast_in_dim3A : f32 to vector<16xf32>
      %swap3A = arith.index_cast %scan3A_48 : i32 to index
      %swap3A_51 = arith.constant 0 : index
      %swap3A_52 = tpu.vector_load %arg5[%swap3A, %swap3A_51] {strides = array<i32>} : memref<128x128xf32, #tpu.memory_space<vmem>>, vector<1x16xf32>,
      %swap3A_53 = vector.shape_cast %swap3A_52 : vector<1x16xf32> to vector<16xf32>
      %swap3A_54 = vector.shape_cast %broadcast_in_dim3A_50 : vector<16xf32> to vector<1x16xf32>
      tpu.vector_store %arg5[%swap3A, %swap3A_51], %swap3A_54 {strides = array<i32>} : memref<128x128xf32, #tpu.memory_space<vmem>>, vector<1x16xf32>,
      %broadcast_in_dim3A_55 = arith.constant 0.000000e+00 : f32
      %broadcast_in_dim3A_56 = vector.broadcast %broadcast_in_dim3A_55 : f32 to vector<16xf32>
      %swap3A_57 = arith.index_cast %scan3A_48 : i32 to index
      %swap3A_58 = arith.constant 16 : index
      %swap3A_59 = tpu.vector_load %arg5[%swap3A_57, %swap3A_58] {strides = array<i32>} : memref<128x128xf32, #tpu.memory_space<vmem>>, vector<1x16xf32>,
      %swap3A_60 = vector.shape_cast %swap3A_59 : vector<1x16xf32> to vector<16xf32>
      %swap3A_61 = vector.shape_cast %broadcast_in_dim3A_56 : vector<16xf32> to vector<1x16xf32>
      tpu.vector_store %arg5[%swap3A_57, %swap3A_58], %swap3A_61 {strides = array<i32>} : memref<128x128xf32, #tpu.memory_space<vmem>>, vector<1x16xf32>,
      %broadcast_in_dim3A_62 = arith.constant 0.000000e+00 : f32
      %broadcast_in_dim3A_63 = vector.broadcast %broadcast_in_dim3A_62 : f32 to vector<16xf32>
      %swap3A_64 = arith.index_cast %scan3A_48 : i32 to index
      %swap3A_65 = arith.constant 32 : index
      %swap3A_66 = tpu.vector_load %arg5[%swap3A_64, %swap3A_65] {strides = array<i32>} : memref<128x128xf32, #tpu.memory_space<vmem>>, vector<1x16xf32>,
      %swap3A_67 = vector.shape_cast %swap3A_66 : vector<1x16xf32> to vector<16xf32>
      %swap3A_68 = vector.shape_cast %broadcast_in_dim3A_63 : vector<16xf32> to vector<1x16xf32>
      tpu.vector_store %arg5[%swap3A_64, %swap3A_65], %swap3A_68 {strides = array<i32>} : memref<128x128xf32, #tpu.memory_space<vmem>>, vector<1x16xf32>,
      %broadcast_in_dim3A_69 = arith.constant 0.000000e+00 : f32
      %broadcast_in_dim3A_70 = vector.broadcast %broadcast_in_dim3A_69 : f32 to vector<16xf32>
      %swap3A_71 = arith.index_cast %scan3A_48 : i32 to index
      %swap3A_72 = arith.constant 48 : index
      %swap3A_73 = tpu.vector_load %arg5[%swap3A_71, %swap3A_72] {strides = array<i32>} : memref<128x128xf32, #tpu.memory_space<vmem>>, vector<1x16xf32>,
      %swap3A_74 = vector.shape_cast %swap3A_73 : vector<1x16xf32> to vector<16xf32>
      %swap3A_75 = vector.shape_cast %broadcast_in_dim3A_70 : vector<16xf32> to vector<1x16xf32>
      tpu.vector_store %arg5[%swap3A_71, %swap3A_72], %swap3A_75 {strides = array<i32>} : memref<128x128xf32, #tpu.memory_space<vmem>>, vector<1x16xf32>,
      %broadcast_in_dim3A_76 = arith.constant 0.000000e+00 : f32
      %broadcast_in_dim3A_77 = vector.broadcast %broadcast_in_dim3A_76 : f32 to vector<16xf32>
      %swap3A_78 = arith.index_cast %scan3A_48 : i32 to index
      %swap3A_79 = arith.constant 64 : index
      %swap3A_80 = tpu.vector_load %arg5[%swap3A_78, %swap3A_79] {strides = array<i32>} : memref<128x128xf32, #tpu.memory_space<vmem>>, vector<1x16xf32>,
      %swap3A_81 = vector.shape_cast %swap3A_80 : vector<1x16xf32> to vector<16xf32>
      %swap3A_82 = vector.shape_cast %broadcast_in_dim3A_77 : vector<16xf32> to vector<1x16xf32>
      tpu.vector_store %arg5[%swap3A_78, %swap3A_79], %swap3A_82 {strides = array<i32>} : memref<128x128xf32, #tpu.memory_space<vmem>>, vector<1x16xf32>,
      %broadcast_in_dim3A_83 = arith.constant 0.000000e+00 : f32
      %broadcast_in_dim3A_84 = vector.broadcast %broadcast_in_dim3A_83 : f32 to vector<16xf32>
      %swap3A_85 = arith.index_cast %scan3A_48 : i32 to index
      %swap3A_86 = arith.constant 80 : index
      %swap3A_87 = tpu.vector_load %arg5[%swap3A_85, %swap3A_86] {strides = array<i32>} : memref<128x128xf32, #tpu.memory_space<vmem>>, vector<1x16xf32>,
      %swap3A_88 = vector.shape_cast %swap3A_87 : vector<1x16xf32> to vector<16xf32>
      %swap3A_89 = vector.shape_cast %broadcast_in_dim3A_84 : vector<16xf32> to vector<1x16xf32>
      tpu.vector_store %arg5[%swap3A_85, %swap3A_86], %swap3A_89 {strides = array<i32>} : memref<128x128xf32, #tpu.memory_space<vmem>>, vector<1x16xf32>,
      %broadcast_in_dim3A_90 = arith.constant 0.000000e+00 : f32
      %broadcast_in_dim3A_91 = vector.broadcast %broadcast_in_dim3A_90 : f32 to vector<16xf32>
      %swap3A_92 = arith.index_cast %scan3A_48 : i32 to index
      %swap3A_93 = arith.constant 96 : index
      %swap3A_94 = tpu.vector_load %arg5[%swap3A_92, %swap3A_93] {strides = array<i32>} : memref<128x128xf32, #tpu.memory_space<vmem>>, vector<1x16xf32>,
      %swap3A_95 = vector.shape_cast %swap3A_94 : vector<1x16xf32> to vector<16xf32>
      %swap3A_96 = vector.shape_cast %broadcast_in_dim3A_91 : vector<16xf32> to vector<1x16xf32>
      tpu.vector_store %arg5[%swap3A_92, %swap3A_93], %swap3A_96 {strides = array<i32>} : memref<128x128xf32, #tpu.memory_space<vmem>>, vector<1x16xf32>,
      %broadcast_in_dim3A_97 = arith.constant 0.000000e+00 : f32
      %broadcast_in_dim3A_98 = vector.broadcast %broadcast_in_dim3A_97 : f32 to vector<16xf32>
      %swap3A_99 = arith.index_cast %scan3A_48 : i32 to index
      %swap3A_100 = arith.constant 112 : index
      %swap3A_101 = tpu.vector_load %arg5[%swap3A_99, %swap3A_100] {strides = array<i32>} : memref<128x128xf32, #tpu.memory_space<vmem>>, vector<1x16xf32>,
      %swap3A_102 = vector.shape_cast %swap3A_101 : vector<1x16xf32> to vector<16xf32>
      %swap3A_103 = vector.shape_cast %broadcast_in_dim3A_98 : vector<16xf32> to vector<1x16xf32>
      tpu.vector_store %arg5[%swap3A_99, %swap3A_100], %swap3A_103 {strides = array<i32>} : memref<128x128xf32, #tpu.memory_space<vmem>>, vector<1x16xf32>,
      %scan3A_104 = arith.constant 0 : i32
      scf.yield %scan3A_104 : i32
    }
    %scan3A_6 = arith.constant 128 : i32
    %mul3A_7 = arith.constant 640 : i32
    %mul3A_8 = arith.muli %arg1, %mul3A_7 : i32
    %add3A_9 = arith.constant 0 : i32
    %add3A_10 = arith.addi %mul3A_8, %add3A_9 : i32
    "tpu.region"() ({
      %run_scoped3A = tpu.sem_alloc : memref<!tpu.dma_semaphore, #tpu.memory_space<semaphore_mem>>
      %dma_start3A = arith.constant 0 : i32
      %dma_start3A_48 = tpu.memref_slice %arg6[%add3A_10, %dma_start3A] : memref<10240x128xf32, #tpu.memory_space<vmem_shared>> -> memref<128x128xf32, #tpu.memory_space<vmem_shared>>
      %dma_start3A_49 = arith.constant 0 : i32
      %dma_start3A_50 = tpu.memref_slice %arg6[%add3A_10, %dma_start3A_49] : memref<10240x128xf32, #tpu.memory_space<vmem_shared>> -> memref<128x128xf32, #tpu.memory_space<vmem_shared>>
      tpu.enqueue_dma source(%arg5 : memref<128x128xf32, #tpu.memory_space<vmem>>) target(%dma_start3A_50 : memref<128x128xf32, #tpu.memory_space<vmem_shared>>) target_semaphore(%run_scoped3A : memref<!tpu.dma_semaphore, #tpu.memory_space<semaphore_mem>>)
      %dma_wait3A = arith.constant 0 : i32
      %dma_wait3A_51 = tpu.memref_slice %arg6[%add3A_10, %dma_wait3A] : memref<10240x128xf32, #tpu.memory_space<vmem_shared>> -> memref<128x128xf32, #tpu.memory_space<vmem_shared>>
      %dma_wait3A_52 = arith.constant 0 : i32
      %dma_wait3A_53 = tpu.memref_slice %arg6[%add3A_10, %dma_wait3A_52] : memref<10240x128xf32, #tpu.memory_space<vmem_shared>> -> memref<128x128xf32, #tpu.memory_space<vmem_shared>>
      tpu.wait_dma2 semaphore(%run_scoped3A : memref<!tpu.dma_semaphore, #tpu.memory_space<semaphore_mem>>) src(%arg5 : memref<128x128xf32, #tpu.memory_space<vmem>>) dst(%dma_wait3A_53 : memref<128x128xf32, #tpu.memory_space<vmem_shared>>)
      tpu.yield
    }) : () -> ()
    %mul3A_11 = arith.constant 640 : i32
    %mul3A_12 = arith.muli %arg1, %mul3A_11 : i32
    %add3A_13 = arith.constant 128 : i32
    %add3A_14 = arith.addi %mul3A_12, %add3A_13 : i32
    "tpu.region"() ({
      %run_scoped3A = tpu.sem_alloc : memref<!tpu.dma_semaphore, #tpu.memory_space<semaphore_mem>>
      %dma_start3A = arith.constant 0 : i32
      %dma_start3A_48 = tpu.memref_slice %arg6[%add3A_14, %dma_start3A] : memref<10240x128xf32, #tpu.memory_space<vmem_shared>> -> memref<128x128xf32, #tpu.memory_space<vmem_shared>>
      %dma_start3A_49 = arith.constant 0 : i32
      %dma_start3A_50 = tpu.memref_slice %arg6[%add3A_14, %dma_start3A_49] : memref<10240x128xf32, #tpu.memory_space<vmem_shared>> -> memref<128x128xf32, #tpu.memory_space<vmem_shared>>
      tpu.enqueue_dma source(%arg5 : memref<128x128xf32, #tpu.memory_space<vmem>>) target(%dma_start3A_50 : memref<128x128xf32, #tpu.memory_space<vmem_shared>>) target_semaphore(%run_scoped3A : memref<!tpu.dma_semaphore, #tpu.memory_space<semaphore_mem>>)
      %dma_wait3A = arith.constant 0 : i32
      %dma_wait3A_51 = tpu.memref_slice %arg6[%add3A_14, %dma_wait3A] : memref<10240x128xf32, #tpu.memory_space<vmem_shared>> -> memref<128x128xf32, #tpu.memory_space<vmem_shared>>
      %dma_wait3A_52 = arith.constant 0 : i32
      %dma_wait3A_53 = tpu.memref_slice %arg6[%add3A_14, %dma_wait3A_52] : memref<10240x128xf32, #tpu.memory_space<vmem_shared>> -> memref<128x128xf32, #tpu.memory_space<vmem_shared>>
      tpu.wait_dma2 semaphore(%run_scoped3A : memref<!tpu.dma_semaphore, #tpu.memory_space<semaphore_mem>>) src(%arg5 : memref<128x128xf32, #tpu.memory_space<vmem>>) dst(%dma_wait3A_53 : memref<128x128xf32, #tpu.memory_space<vmem_shared>>)
      tpu.yield
    }) : () -> ()
    %mul3A_15 = arith.constant 640 : i32
    %mul3A_16 = arith.muli %arg1, %mul3A_15 : i32
    %add3A_17 = arith.constant 256 : i32
    %add3A_18 = arith.addi %mul3A_16, %add3A_17 : i32
    "tpu.region"() ({
      %run_scoped3A = tpu.sem_alloc : memref<!tpu.dma_semaphore, #tpu.memory_space<semaphore_mem>>
      %dma_start3A = arith.constant 0 : i32
      %dma_start3A_48 = tpu.memref_slice %arg6[%add3A_18, %dma_start3A] : memref<10240x128xf32, #tpu.memory_space<vmem_shared>> -> memref<128x128xf32, #tpu.memory_space<vmem_shared>>
      %dma_start3A_49 = arith.constant 0 : i32
      %dma_start3A_50 = tpu.memref_slice %arg6[%add3A_18, %dma_start3A_49] : memref<10240x128xf32, #tpu.memory_space<vmem_shared>> -> memref<128x128xf32, #tpu.memory_space<vmem_shared>>
      tpu.enqueue_dma source(%arg5 : memref<128x128xf32, #tpu.memory_space<vmem>>) target(%dma_start3A_50 : memref<128x128xf32, #tpu.memory_space<vmem_shared>>) target_semaphore(%run_scoped3A : memref<!tpu.dma_semaphore, #tpu.memory_space<semaphore_mem>>)
      %dma_wait3A = arith.constant 0 : i32
      %dma_wait3A_51 = tpu.memref_slice %arg6[%add3A_18, %dma_wait3A] : memref<10240x128xf32, #tpu.memory_space<vmem_shared>> -> memref<128x128xf32, #tpu.memory_space<vmem_shared>>
      %dma_wait3A_52 = arith.constant 0 : i32
      %dma_wait3A_53 = tpu.memref_slice %arg6[%add3A_18, %dma_wait3A_52] : memref<10240x128xf32, #tpu.memory_space<vmem_shared>> -> memref<128x128xf32, #tpu.memory_space<vmem_shared>>
      tpu.wait_dma2 semaphore(%run_scoped3A : memref<!tpu.dma_semaphore, #tpu.memory_space<semaphore_mem>>) src(%arg5 : memref<128x128xf32, #tpu.memory_space<vmem>>) dst(%dma_wait3A_53 : memref<128x128xf32, #tpu.memory_space<vmem_shared>>)
      tpu.yield
    }) : () -> ()
    %mul3A_19 = arith.constant 640 : i32
    %mul3A_20 = arith.muli %arg1, %mul3A_19 : i32
    %add3A_21 = arith.constant 384 : i32
    %add3A_22 = arith.addi %mul3A_20, %add3A_21 : i32
    "tpu.region"() ({
      %run_scoped3A = tpu.sem_alloc : memref<!tpu.dma_semaphore, #tpu.memory_space<semaphore_mem>>
      %dma_start3A = arith.constant 0 : i32
      %dma_start3A_48 = tpu.memref_slice %arg6[%add3A_22, %dma_start3A] : memref<10240x128xf32, #tpu.memory_space<vmem_shared>> -> memref<128x128xf32, #tpu.memory_space<vmem_shared>>
      %dma_start3A_49 = arith.constant 0 : i32
      %dma_start3A_50 = tpu.memref_slice %arg6[%add3A_22, %dma_start3A_49] : memref<10240x128xf32, #tpu.memory_space<vmem_shared>> -> memref<128x128xf32, #tpu.memory_space<vmem_shared>>
      tpu.enqueue_dma source(%arg5 : memref<128x128xf32, #tpu.memory_space<vmem>>) target(%dma_start3A_50 : memref<128x128xf32, #tpu.memory_space<vmem_shared>>) target_semaphore(%run_scoped3A : memref<!tpu.dma_semaphore, #tpu.memory_space<semaphore_mem>>)
      %dma_wait3A = arith.constant 0 : i32
      %dma_wait3A_51 = tpu.memref_slice %arg6[%add3A_22, %dma_wait3A] : memref<10240x128xf32, #tpu.memory_space<vmem_shared>> -> memref<128x128xf32, #tpu.memory_space<vmem_shared>>
      %dma_wait3A_52 = arith.constant 0 : i32
      %dma_wait3A_53 = tpu.memref_slice %arg6[%add3A_22, %dma_wait3A_52] : memref<10240x128xf32, #tpu.memory_space<vmem_shared>> -> memref<128x128xf32, #tpu.memory_space<vmem_shared>>
      tpu.wait_dma2 semaphore(%run_scoped3A : memref<!tpu.dma_semaphore, #tpu.memory_space<semaphore_mem>>) src(%arg5 : memref<128x128xf32, #tpu.memory_space<vmem>>) dst(%dma_wait3A_53 : memref<128x128xf32, #tpu.memory_space<vmem_shared>>)
      tpu.yield
    }) : () -> ()
    %mul3A_23 = arith.constant 640 : i32
    %mul3A_24 = arith.muli %arg1, %mul3A_23 : i32
    %add3A_25 = arith.constant 512 : i32
    %add3A_26 = arith.addi %mul3A_24, %add3A_25 : i32
    "tpu.region"() ({
      %run_scoped3A = tpu.sem_alloc : memref<!tpu.dma_semaphore, #tpu.memory_space<semaphore_mem>>
      %dma_start3A = arith.constant 0 : i32
      %dma_start3A_48 = tpu.memref_slice %arg6[%add3A_26, %dma_start3A] : memref<10240x128xf32, #tpu.memory_space<vmem_shared>> -> memref<128x128xf32, #tpu.memory_space<vmem_shared>>
      %dma_start3A_49 = arith.constant 0 : i32
      %dma_start3A_50 = tpu.memref_slice %arg6[%add3A_26, %dma_start3A_49] : memref<10240x128xf32, #tpu.memory_space<vmem_shared>> -> memref<128x128xf32, #tpu.memory_space<vmem_shared>>
      tpu.enqueue_dma source(%arg5 : memref<128x128xf32, #tpu.memory_space<vmem>>) target(%dma_start3A_50 : memref<128x128xf32, #tpu.memory_space<vmem_shared>>) target_semaphore(%run_scoped3A : memref<!tpu.dma_semaphore, #tpu.memory_space<semaphore_mem>>)
      %dma_wait3A = arith.constant 0 : i32
      %dma_wait3A_51 = tpu.memref_slice %arg6[%add3A_26, %dma_wait3A] : memref<10240x128xf32, #tpu.memory_space<vmem_shared>> -> memref<128x128xf32, #tpu.memory_space<vmem_shared>>
      %dma_wait3A_52 = arith.constant 0 : i32
      %dma_wait3A_53 = tpu.memref_slice %arg6[%add3A_26, %dma_wait3A_52] : memref<10240x128xf32, #tpu.memory_space<vmem_shared>> -> memref<128x128xf32, #tpu.memory_space<vmem_shared>>
      tpu.wait_dma2 semaphore(%run_scoped3A : memref<!tpu.dma_semaphore, #tpu.memory_space<semaphore_mem>>) src(%arg5 : memref<128x128xf32, #tpu.memory_space<vmem>>) dst(%dma_wait3A_53 : memref<128x128xf32, #tpu.memory_space<vmem_shared>>)
      tpu.yield
    }) : () -> ()
    %scan3A_27 = arith.constant 0 : i32
    %scan3A_28 = arith.constant 0 : i32
    %scan3A_29 = arith.constant 128 : i32
    %scan3A_30 = arith.addi %scan3A_28, %scan3A_29 : i32
    %scan3A_31 = arith.constant 1 : i32
    %scan3A_32 = scf.for %scan3A_48 = %scan3A_28 to %scan3A_30 step %scan3A_31 iter_args(%scan3A_49 = %scan3A_27) -> (i32)  : i32 {
      %broadcast_in_dim3A = arith.constant 1.000000e+00 : f32
      %broadcast_in_dim3A_50 = vector.broadcast %broadcast_in_dim3A : f32 to vector<16xf32>
      %swap3A = arith.index_cast %scan3A_48 : i32 to index
      %swap3A_51 = arith.constant 0 : index
      %swap3A_52 = tpu.vector_load %arg5[%swap3A, %swap3A_51] {strides = array<i32>} : memref<128x128xf32, #tpu.memory_space<vmem>>, vector<1x16xf32>,
      %swap3A_53 = vector.shape_cast %swap3A_52 : vector<1x16xf32> to vector<16xf32>
      %swap3A_54 = vector.shape_cast %broadcast_in_dim3A_50 : vector<16xf32> to vector<1x16xf32>
      tpu.vector_store %arg5[%swap3A, %swap3A_51], %swap3A_54 {strides = array<i32>} : memref<128x128xf32, #tpu.memory_space<vmem>>, vector<1x16xf32>,
      %broadcast_in_dim3A_55 = arith.constant 1.000000e+00 : f32
      %broadcast_in_dim3A_56 = vector.broadcast %broadcast_in_dim3A_55 : f32 to vector<16xf32>
      %swap3A_57 = arith.index_cast %scan3A_48 : i32 to index
      %swap3A_58 = arith.constant 16 : index
      %swap3A_59 = tpu.vector_load %arg5[%swap3A_57, %swap3A_58] {strides = array<i32>} : memref<128x128xf32, #tpu.memory_space<vmem>>, vector<1x16xf32>,
      %swap3A_60 = vector.shape_cast %swap3A_59 : vector<1x16xf32> to vector<16xf32>
      %swap3A_61 = vector.shape_cast %broadcast_in_dim3A_56 : vector<16xf32> to vector<1x16xf32>
      tpu.vector_store %arg5[%swap3A_57, %swap3A_58], %swap3A_61 {strides = array<i32>} : memref<128x128xf32, #tpu.memory_space<vmem>>, vector<1x16xf32>,
      %broadcast_in_dim3A_62 = arith.constant 1.000000e+00 : f32
      %broadcast_in_dim3A_63 = vector.broadcast %broadcast_in_dim3A_62 : f32 to vector<16xf32>
      %swap3A_64 = arith.index_cast %scan3A_48 : i32 to index
      %swap3A_65 = arith.constant 32 : index
      %swap3A_66 = tpu.vector_load %arg5[%swap3A_64, %swap3A_65] {strides = array<i32>} : memref<128x128xf32, #tpu.memory_space<vmem>>, vector<1x16xf32>,
      %swap3A_67 = vector.shape_cast %swap3A_66 : vector<1x16xf32> to vector<16xf32>
      %swap3A_68 = vector.shape_cast %broadcast_in_dim3A_63 : vector<16xf32> to vector<1x16xf32>
      tpu.vector_store %arg5[%swap3A_64, %swap3A_65], %swap3A_68 {strides = array<i32>} : memref<128x128xf32, #tpu.memory_space<vmem>>, vector<1x16xf32>,
      %broadcast_in_dim3A_69 = arith.constant 1.000000e+00 : f32
      %broadcast_in_dim3A_70 = vector.broadcast %broadcast_in_dim3A_69 : f32 to vector<16xf32>
      %swap3A_71 = arith.index_cast %scan3A_48 : i32 to index
      %swap3A_72 = arith.constant 48 : index
      %swap3A_73 = tpu.vector_load %arg5[%swap3A_71, %swap3A_72] {strides = array<i32>} : memref<128x128xf32, #tpu.memory_space<vmem>>, vector<1x16xf32>,
      %swap3A_74 = vector.shape_cast %swap3A_73 : vector<1x16xf32> to vector<16xf32>
      %swap3A_75 = vector.shape_cast %broadcast_in_dim3A_70 : vector<16xf32> to vector<1x16xf32>
      tpu.vector_store %arg5[%swap3A_71, %swap3A_72], %swap3A_75 {strides = array<i32>} : memref<128x128xf32, #tpu.memory_space<vmem>>, vector<1x16xf32>,
      %broadcast_in_dim3A_76 = arith.constant 1.000000e+00 : f32
      %broadcast_in_dim3A_77 = vector.broadcast %broadcast_in_dim3A_76 : f32 to vector<16xf32>
      %swap3A_78 = arith.index_cast %scan3A_48 : i32 to index
      %swap3A_79 = arith.constant 64 : index
      %swap3A_80 = tpu.vector_load %arg5[%swap3A_78, %swap3A_79] {strides = array<i32>} : memref<128x128xf32, #tpu.memory_space<vmem>>, vector<1x16xf32>,
      %swap3A_81 = vector.shape_cast %swap3A_80 : vector<1x16xf32> to vector<16xf32>
      %swap3A_82 = vector.shape_cast %broadcast_in_dim3A_77 : vector<16xf32> to vector<1x16xf32>
      tpu.vector_store %arg5[%swap3A_78, %swap3A_79], %swap3A_82 {strides = array<i32>} : memref<128x128xf32, #tpu.memory_space<vmem>>, vector<1x16xf32>,
      %broadcast_in_dim3A_83 = arith.constant 1.000000e+00 : f32
      %broadcast_in_dim3A_84 = vector.broadcast %broadcast_in_dim3A_83 : f32 to vector<16xf32>
      %swap3A_85 = arith.index_cast %scan3A_48 : i32 to index
      %swap3A_86 = arith.constant 80 : index
      %swap3A_87 = tpu.vector_load %arg5[%swap3A_85, %swap3A_86] {strides = array<i32>} : memref<128x128xf32, #tpu.memory_space<vmem>>, vector<1x16xf32>,
      %swap3A_88 = vector.shape_cast %swap3A_87 : vector<1x16xf32> to vector<16xf32>
      %swap3A_89 = vector.shape_cast %broadcast_in_dim3A_84 : vector<16xf32> to vector<1x16xf32>
      tpu.vector_store %arg5[%swap3A_85, %swap3A_86], %swap3A_89 {strides = array<i32>} : memref<128x128xf32, #tpu.memory_space<vmem>>, vector<1x16xf32>,
      %broadcast_in_dim3A_90 = arith.constant 1.000000e+00 : f32
      %broadcast_in_dim3A_91 = vector.broadcast %broadcast_in_dim3A_90 : f32 to vector<16xf32>
      %swap3A_92 = arith.index_cast %scan3A_48 : i32 to index
      %swap3A_93 = arith.constant 96 : index
      %swap3A_94 = tpu.vector_load %arg5[%swap3A_92, %swap3A_93] {strides = array<i32>} : memref<128x128xf32, #tpu.memory_space<vmem>>, vector<1x16xf32>,
      %swap3A_95 = vector.shape_cast %swap3A_94 : vector<1x16xf32> to vector<16xf32>
      %swap3A_96 = vector.shape_cast %broadcast_in_dim3A_91 : vector<16xf32> to vector<1x16xf32>
      tpu.vector_store %arg5[%swap3A_92, %swap3A_93], %swap3A_96 {strides = array<i32>} : memref<128x128xf32, #tpu.memory_space<vmem>>, vector<1x16xf32>,
      %broadcast_in_dim3A_97 = arith.constant 1.000000e+00 : f32
      %broadcast_in_dim3A_98 = vector.broadcast %broadcast_in_dim3A_97 : f32 to vector<16xf32>
      %swap3A_99 = arith.index_cast %scan3A_48 : i32 to index
      %swap3A_100 = arith.constant 112 : index
      %swap3A_101 = tpu.vector_load %arg5[%swap3A_99, %swap3A_100] {strides = array<i32>} : memref<128x128xf32, #tpu.memory_space<vmem>>, vector<1x16xf32>,
      %swap3A_102 = vector.shape_cast %swap3A_101 : vector<1x16xf32> to vector<16xf32>
      %swap3A_103 = vector.shape_cast %broadcast_in_dim3A_98 : vector<16xf32> to vector<1x16xf32>
      tpu.vector_store %arg5[%swap3A_99, %swap3A_100], %swap3A_103 {strides = array<i32>} : memref<128x128xf32, #tpu.memory_space<vmem>>, vector<1x16xf32>,
      %scan3A_104 = arith.constant 0 : i32
      scf.yield %scan3A_104 : i32
    }
    %scan3A_33 = arith.constant 128 : i32
    %barrier3A = arith.constant 0 : index
    tpu.barrier barrier_id(%barrier3A)
    %mul3A_34 = arith.constant 40 : i32
    %mul3A_35 = arith.muli %add3A, %mul3A_34 : i32
    "tpu.region"() ({
      %run_scoped3A = tpu.sem_alloc : memref<!tpu.dma_semaphore, #tpu.memory_space<semaphore_mem>>
      %dma_start3A = arith.constant 0 : i32
      %dma_start3A_48 = tpu.memref_slice %arg2[%mul3A_35, %dma_start3A] : memref<1280x128xi32, #tpu.memory_space<hbm>> -> memref<40x128xi32, #tpu.memory_space<hbm>>
      %dma_start3A_49 = arith.constant 0 : i32
      %dma_start3A_50 = tpu.memref_slice %arg2[%mul3A_35, %dma_start3A_49] : memref<1280x128xi32, #tpu.memory_space<hbm>> -> memref<40x128xi32, #tpu.memory_space<hbm>>
      tpu.enqueue_dma source(%dma_start3A_50 : memref<40x128xi32, #tpu.memory_space<hbm>>) target(%arg4 : memref<40x128xi32, #tpu.memory_space<vmem>>) target_semaphore(%run_scoped3A : memref<!tpu.dma_semaphore, #tpu.memory_space<semaphore_mem>>)
      %dma_wait3A = arith.constant 0 : i32
      %dma_wait3A_51 = tpu.memref_slice %arg2[%mul3A_35, %dma_wait3A] : memref<1280x128xi32, #tpu.memory_space<hbm>> -> memref<40x128xi32, #tpu.memory_space<hbm>>
      %dma_wait3A_52 = arith.constant 0 : i32
      %dma_wait3A_53 = tpu.memref_slice %arg2[%mul3A_35, %dma_wait3A_52] : memref<1280x128xi32, #tpu.memory_space<hbm>> -> memref<40x128xi32, #tpu.memory_space<hbm>>
      tpu.wait_dma2 semaphore(%run_scoped3A : memref<!tpu.dma_semaphore, #tpu.memory_space<semaphore_mem>>) src(%dma_wait3A_53 : memref<40x128xi32, #tpu.memory_space<hbm>>) dst(%arg4 : memref<40x128xi32, #tpu.memory_space<vmem>>)
      tpu.yield
    }) : () -> ()
    %scan3A_36 = arith.constant 0 : i32
    %scan3A_37 = arith.constant 0 : i32
    %scan3A_38 = arith.constant 40 : i32
    %scan3A_39 = arith.addi %scan3A_37, %scan3A_38 : i32
    %scan3A_40 = arith.constant 1 : i32
    %scan3A_41 = scf.for %scan3A_48 = %scan3A_37 to %scan3A_39 step %scan3A_40 iter_args(%scan3A_49 = %scan3A_36) -> (i32)  : i32 {
      "tpu.region"() ({
        %run_scoped3A = tpu.sem_alloc : memref<!tpu.dma_semaphore, #tpu.memory_space<semaphore_mem>>
        %dma_start3A = arith.constant 0 : i32
        %dma_start3A_51 = tpu.memref_slice %arg4[%scan3A_48, %dma_start3A] : memref<40x128xi32, #tpu.memory_space<vmem>> -> memref<1x128xi32, #tpu.memory_space<vmem>>
        %dma_start3A_52 = tpu.memref_squeeze %dma_start3A_51 : memref<1x128xi32, #tpu.memory_space<vmem>> -> memref<128xi32, #tpu.memory_space<vmem>>
        %dma_start3A_53 = arith.constant 0 : i32
        %dma_start3A_54 = arith.constant 0 : i32
        %dma_start3A_55 = tpu.memref_slice %arg6[%dma_start3A_53, %dma_start3A_54] : memref<10240x128xf32, #tpu.memory_space<vmem_shared>> -> memref<10240x128xf32, #tpu.memory_space<vmem_shared>>
        tpu.enqueue_indirect_dma source(%arg5 : memref<128x128xf32, #tpu.memory_space<vmem>>) target(%dma_start3A_55 : memref<10240x128xf32, #tpu.memory_space<vmem_shared>>) offsets(%dma_start3A_52 : memref<128xi32, #tpu.memory_space<vmem>>) semaphore(%run_scoped3A : memref<!tpu.dma_semaphore, #tpu.memory_space<semaphore_mem>>) {add = true}
        %dma_wait3A = arith.constant 0 : i32
        %dma_wait3A_56 = tpu.memref_slice %arg4[%scan3A_48, %dma_wait3A] : memref<40x128xi32, #tpu.memory_space<vmem>> -> memref<1x128xi32, #tpu.memory_space<vmem>>
        %dma_wait3A_57 = tpu.memref_squeeze %dma_wait3A_56 : memref<1x128xi32, #tpu.memory_space<vmem>> -> memref<128xi32, #tpu.memory_space<vmem>>
        %dma_wait3A_58 = arith.constant 0 : i32
        %dma_wait3A_59 = arith.constant 0 : i32
        %dma_wait3A_60 = tpu.memref_slice %arg6[%dma_wait3A_58, %dma_wait3A_59] : memref<10240x128xf32, #tpu.memory_space<vmem_shared>> -> memref<10240x128xf32, #tpu.memory_space<vmem_shared>>
        tpu.wait_indirect_dma semaphore(%run_scoped3A : memref<!tpu.dma_semaphore, #tpu.memory_space<semaphore_mem>>) src(%arg5 : memref<128x128xf32, #tpu.memory_space<vmem>>) dst(%dma_wait3A_60 : memref<10240x128xf32, #tpu.memory_space<vmem_shared>>)
        tpu.yield
      }) : () -> ()
      %scan3A_50 = arith.constant 0 : i32
      scf.yield %scan3A_50 : i32
    }
    %scan3A_42 = arith.constant 40 : i32
    %barrier3A_43 = arith.constant 0 : index
    tpu.barrier barrier_id(%barrier3A_43)
    %mul3A_44 = arith.constant 640 : i32
    %mul3A_45 = arith.muli %arg1, %mul3A_44 : i32
    %mul3A_46 = arith.constant 640 : i32
    %mul3A_47 = arith.muli %arg1, %mul3A_46 : i32
    "tpu.region"() ({
      %run_scoped3A = tpu.sem_alloc : memref<!tpu.dma_semaphore, #tpu.memory_space<semaphore_mem>>
      %dma_start3A = arith.constant 0 : i32
      %dma_start3A_48 = arith.constant 0 : i32
      %dma_start3A_49 = tpu.memref_slice %arg3[%arg0, %dma_start3A, %dma_start3A_48] : memref<2x10240x128xf32, #tpu.memory_space<hbm>> -> memref<1x10240x128xf32, #tpu.memory_space<hbm>>
      %dma_start3A_50 = tpu.memref_squeeze %dma_start3A_49 : memref<1x10240x128xf32, #tpu.memory_space<hbm>> -> memref<10240x128xf32, #tpu.memory_space<hbm>>
      %dma_start3A_51 = arith.constant 0 : i32
      %dma_start3A_52 = tpu.memref_slice %dma_start3A_50[%mul3A_47, %dma_start3A_51] : memref<10240x128xf32, #tpu.memory_space<hbm>> -> memref<640x128xf32, #tpu.memory_space<hbm>>
      %dma_start3A_53 = arith.constant 0 : i32
      %dma_start3A_54 = tpu.memref_slice %arg6[%mul3A_45, %dma_start3A_53] : memref<10240x128xf32, #tpu.memory_space<vmem_shared>> -> memref<640x128xf32, #tpu.memory_space<vmem_shared>>
      tpu.enqueue_dma source(%dma_start3A_54 : memref<640x128xf32, #tpu.memory_space<vmem_shared>>) target(%dma_start3A_52 : memref<640x128xf32, #tpu.memory_space<hbm>>) target_semaphore(%run_scoped3A : memref<!tpu.dma_semaphore, #tpu.memory_space<semaphore_mem>>)
      %dma_wait3A = arith.constant 0 : i32
      %dma_wait3A_55 = arith.constant 0 : i32
      %dma_wait3A_56 = tpu.memref_slice %arg3[%arg0, %dma_wait3A, %dma_wait3A_55] : memref<2x10240x128xf32, #tpu.memory_space<hbm>> -> memref<1x10240x128xf32, #tpu.memory_space<hbm>>
      %dma_wait3A_57 = tpu.memref_squeeze %dma_wait3A_56 : memref<1x10240x128xf32, #tpu.memory_space<hbm>> -> memref<10240x128xf32, #tpu.memory_space<hbm>>
      %dma_wait3A_58 = arith.constant 0 : i32
      %dma_wait3A_59 = tpu.memref_slice %dma_wait3A_57[%mul3A_47, %dma_wait3A_58] : memref<10240x128xf32, #tpu.memory_space<hbm>> -> memref<640x128xf32, #tpu.memory_space<hbm>>
      %dma_wait3A_60 = arith.constant 0 : i32
      %dma_wait3A_61 = tpu.memref_slice %arg6[%mul3A_45, %dma_wait3A_60] : memref<10240x128xf32, #tpu.memory_space<vmem_shared>> -> memref<640x128xf32, #tpu.memory_space<vmem_shared>>
      tpu.wait_dma2 semaphore(%run_scoped3A : memref<!tpu.dma_semaphore, #tpu.memory_space<semaphore_mem>>) src(%dma_wait3A_61 : memref<640x128xf32, #tpu.memory_space<vmem_shared>>) dst(%dma_wait3A_59 : memref<640x128xf32, #tpu.memory_space<hbm>>)
      tpu.yield
    }) : () -> ()
    return
  }
}

#map = affine_map<(d0, d1) -> (0, 0)>
module attributes {stable_mosaic.version = 14 : i64} {
  func.func @k(%arg0: i32, %arg1: i32, %arg2: memref<1280x128xi32, #tpu.memory_space<hbm>>, %arg3: memref<1280x128xi32, #tpu.memory_space<hbm>>, %arg4: memref<10016x128xf32, #tpu.memory_space<hbm>>, %arg5: memref<163840x128xf32, #tpu.memory_space<hbm>>, %arg6: memref<40x128xi32, #tpu.memory_space<vmem>>, %arg7: memref<128xi32, #tpu.memory_space<vmem>>, %arg8: memref<128x128xf32, #tpu.memory_space<vmem>>, %arg9: memref<128x128xf32, #tpu.memory_space<vmem>>, %arg10: memref<!tpu.dma_semaphore, #tpu.memory_space<semaphore_mem>>, %arg11: memref<!tpu.dma_semaphore, #tpu.memory_space<semaphore_mem>>) attributes {dimension_semantics = [#tpu.dimension_semantics<core_parallel>, #tpu.dimension_semantics<subcore_parallel>], iteration_bounds = array<i64: 2, 16>, scalar_prefetch = 0 : i64, scratch_operands = 6 : i64, tpu.core_type = #tpu.core_type<sc_vector_subcore>, window_params = [{transform_indices = #map}, {transform_indices = #map}, {transform_indices = #map}, {transform_indices = #map}]} {
    %mul3A = arith.constant 16 : i32
    %mul3A_0 = arith.muli %arg0, %mul3A : i32
    %add3A = arith.addi %mul3A_0, %arg1 : i32
    %mul3A_1 = arith.constant 40 : i32
    %mul3A_2 = arith.muli %add3A, %mul3A_1 : i32
    "tpu.region"() ({
      %run_scoped3A = tpu.sem_alloc : memref<!tpu.dma_semaphore, #tpu.memory_space<semaphore_mem>>
      %dma_start3A = arith.constant 0 : i32
      %dma_start3A_9 = tpu.memref_slice %arg2[%mul3A_2, %dma_start3A] : memref<1280x128xi32, #tpu.memory_space<hbm>> -> memref<40x128xi32, #tpu.memory_space<hbm>>
      %dma_start3A_10 = arith.constant 0 : i32
      %dma_start3A_11 = tpu.memref_slice %arg2[%mul3A_2, %dma_start3A_10] : memref<1280x128xi32, #tpu.memory_space<hbm>> -> memref<40x128xi32, #tpu.memory_space<hbm>>
      tpu.enqueue_dma source(%dma_start3A_11 : memref<40x128xi32, #tpu.memory_space<hbm>>) target(%arg6 : memref<40x128xi32, #tpu.memory_space<vmem>>) target_semaphore(%run_scoped3A : memref<!tpu.dma_semaphore, #tpu.memory_space<semaphore_mem>>)
      %dma_wait3A = arith.constant 0 : i32
      %dma_wait3A_12 = tpu.memref_slice %arg2[%mul3A_2, %dma_wait3A] : memref<1280x128xi32, #tpu.memory_space<hbm>> -> memref<40x128xi32, #tpu.memory_space<hbm>>
      %dma_wait3A_13 = arith.constant 0 : i32
      %dma_wait3A_14 = tpu.memref_slice %arg2[%mul3A_2, %dma_wait3A_13] : memref<1280x128xi32, #tpu.memory_space<hbm>> -> memref<40x128xi32, #tpu.memory_space<hbm>>
      tpu.wait_dma2 semaphore(%run_scoped3A : memref<!tpu.dma_semaphore, #tpu.memory_space<semaphore_mem>>) src(%dma_wait3A_14 : memref<40x128xi32, #tpu.memory_space<hbm>>) dst(%arg6 : memref<40x128xi32, #tpu.memory_space<vmem>>)
      tpu.yield
    }) : () -> ()
    %scan3A = arith.constant 0 : i32
    %scan3A_3 = arith.constant 0 : i32
    %scan3A_4 = arith.constant 40 : i32
    %scan3A_5 = arith.addi %scan3A_3, %scan3A_4 : i32
    %scan3A_6 = arith.constant 1 : i32
    %scan3A_7 = scf.for %scan3A_9 = %scan3A_3 to %scan3A_5 step %scan3A_6 iter_args(%scan3A_10 = %scan3A) -> (i32)  : i32 {
      %mul3A_11 = arith.constant 40 : i32
      %mul3A_12 = arith.muli %add3A, %mul3A_11 : i32
      %add3A_13 = arith.addi %mul3A_12, %scan3A_9 : i32
      "tpu.region"() ({
        %run_scoped3A = tpu.sem_alloc : memref<!tpu.dma_semaphore, #tpu.memory_space<semaphore_mem>>
        %dma_start3A_40 = arith.constant 0 : i32
        %dma_start3A_41 = tpu.memref_slice %arg3[%add3A_13, %dma_start3A_40] : memref<1280x128xi32, #tpu.memory_space<hbm>> -> memref<1x128xi32, #tpu.memory_space<hbm>>
        %dma_start3A_42 = tpu.memref_squeeze %dma_start3A_41 : memref<1x128xi32, #tpu.memory_space<hbm>> -> memref<128xi32, #tpu.memory_space<hbm>>
        %dma_start3A_43 = arith.constant 0 : i32
        %dma_start3A_44 = tpu.memref_slice %arg3[%add3A_13, %dma_start3A_43] : memref<1280x128xi32, #tpu.memory_space<hbm>> -> memref<1x128xi32, #tpu.memory_space<hbm>>
        %dma_start3A_45 = tpu.memref_squeeze %dma_start3A_44 : memref<1x128xi32, #tpu.memory_space<hbm>> -> memref<128xi32, #tpu.memory_space<hbm>>
        tpu.enqueue_dma source(%dma_start3A_45 : memref<128xi32, #tpu.memory_space<hbm>>) target(%arg7 : memref<128xi32, #tpu.memory_space<vmem>>) target_semaphore(%run_scoped3A : memref<!tpu.dma_semaphore, #tpu.memory_space<semaphore_mem>>)
        %dma_wait3A_46 = arith.constant 0 : i32
        %dma_wait3A_47 = tpu.memref_slice %arg3[%add3A_13, %dma_wait3A_46] : memref<1280x128xi32, #tpu.memory_space<hbm>> -> memref<1x128xi32, #tpu.memory_space<hbm>>
        %dma_wait3A_48 = tpu.memref_squeeze %dma_wait3A_47 : memref<1x128xi32, #tpu.memory_space<hbm>> -> memref<128xi32, #tpu.memory_space<hbm>>
        %dma_wait3A_49 = arith.constant 0 : i32
        %dma_wait3A_50 = tpu.memref_slice %arg3[%add3A_13, %dma_wait3A_49] : memref<1280x128xi32, #tpu.memory_space<hbm>> -> memref<1x128xi32, #tpu.memory_space<hbm>>
        %dma_wait3A_51 = tpu.memref_squeeze %dma_wait3A_50 : memref<1x128xi32, #tpu.memory_space<hbm>> -> memref<128xi32, #tpu.memory_space<hbm>>
        tpu.wait_dma2 semaphore(%run_scoped3A : memref<!tpu.dma_semaphore, #tpu.memory_space<semaphore_mem>>) src(%dma_wait3A_51 : memref<128xi32, #tpu.memory_space<hbm>>) dst(%arg7 : memref<128xi32, #tpu.memory_space<vmem>>)
        tpu.yield
      }) : () -> ()
      %dma_start3A = arith.constant 0 : i32
      %dma_start3A_14 = tpu.memref_slice %arg6[%scan3A_9, %dma_start3A] : memref<40x128xi32, #tpu.memory_space<vmem>> -> memref<1x128xi32, #tpu.memory_space<vmem>>
      %dma_start3A_15 = tpu.memref_squeeze %dma_start3A_14 : memref<1x128xi32, #tpu.memory_space<vmem>> -> memref<128xi32, #tpu.memory_space<vmem>>
      %dma_start3A_16 = arith.constant 0 : i32
      %dma_start3A_17 = arith.constant 0 : i32
      %dma_start3A_18 = tpu.memref_slice %arg4[%dma_start3A_16, %dma_start3A_17] : memref<10016x128xf32, #tpu.memory_space<hbm>> -> memref<10016x128xf32, #tpu.memory_space<hbm>>
      tpu.enqueue_indirect_dma source(%dma_start3A_18 : memref<10016x128xf32, #tpu.memory_space<hbm>>) target(%arg8 : memref<128x128xf32, #tpu.memory_space<vmem>>) offsets(%dma_start3A_15 : memref<128xi32, #tpu.memory_space<vmem>>) semaphore(%arg10 : memref<!tpu.dma_semaphore, #tpu.memory_space<semaphore_mem>>)
      %dma_start3A_19 = arith.constant 0 : i32
      %dma_start3A_20 = arith.constant 0 : i32
      %dma_start3A_21 = tpu.memref_slice %arg4[%dma_start3A_19, %dma_start3A_20] : memref<10016x128xf32, #tpu.memory_space<hbm>> -> memref<10016x128xf32, #tpu.memory_space<hbm>>
      tpu.enqueue_indirect_dma source(%dma_start3A_21 : memref<10016x128xf32, #tpu.memory_space<hbm>>) target(%arg9 : memref<128x128xf32, #tpu.memory_space<vmem>>) offsets(%arg7 : memref<128xi32, #tpu.memory_space<vmem>>) semaphore(%arg11 : memref<!tpu.dma_semaphore, #tpu.memory_space<semaphore_mem>>)
      %dma_wait3A = arith.constant 0 : i32
      %dma_wait3A_22 = tpu.memref_slice %arg6[%scan3A_9, %dma_wait3A] : memref<40x128xi32, #tpu.memory_space<vmem>> -> memref<1x128xi32, #tpu.memory_space<vmem>>
      %dma_wait3A_23 = tpu.memref_squeeze %dma_wait3A_22 : memref<1x128xi32, #tpu.memory_space<vmem>> -> memref<128xi32, #tpu.memory_space<vmem>>
      %dma_wait3A_24 = arith.constant 0 : i32
      %dma_wait3A_25 = arith.constant 0 : i32
      %dma_wait3A_26 = tpu.memref_slice %arg4[%dma_wait3A_24, %dma_wait3A_25] : memref<10016x128xf32, #tpu.memory_space<hbm>> -> memref<10016x128xf32, #tpu.memory_space<hbm>>
      tpu.wait_indirect_dma semaphore(%arg10 : memref<!tpu.dma_semaphore, #tpu.memory_space<semaphore_mem>>) src(%dma_wait3A_26 : memref<10016x128xf32, #tpu.memory_space<hbm>>) dst(%arg8 : memref<128x128xf32, #tpu.memory_space<vmem>>)
      %dma_wait3A_27 = arith.constant 0 : i32
      %dma_wait3A_28 = arith.constant 0 : i32
      %dma_wait3A_29 = tpu.memref_slice %arg4[%dma_wait3A_27, %dma_wait3A_28] : memref<10016x128xf32, #tpu.memory_space<hbm>> -> memref<10016x128xf32, #tpu.memory_space<hbm>>
      tpu.wait_indirect_dma semaphore(%arg11 : memref<!tpu.dma_semaphore, #tpu.memory_space<semaphore_mem>>) src(%dma_wait3A_29 : memref<10016x128xf32, #tpu.memory_space<hbm>>) dst(%arg9 : memref<128x128xf32, #tpu.memory_space<vmem>>)
      %scan3A_30 = arith.constant 0 : i32
      %scan3A_31 = arith.constant 0 : i32
      %scan3A_32 = arith.constant 128 : i32
      %scan3A_33 = arith.addi %scan3A_31, %scan3A_32 : i32
      %scan3A_34 = arith.constant 1 : i32
      %scan3A_35 = scf.for %scan3A_40 = %scan3A_31 to %scan3A_33 step %scan3A_34 iter_args(%scan3A_41 = %scan3A_30) -> (i32)  : i32 {
        %get3A = arith.index_cast %scan3A_40 : i32 to index
        %get3A_42 = arith.constant 0 : index
        %get3A_43 = tpu.vector_load %arg9[%get3A, %get3A_42] {strides = array<i32>} : memref<128x128xf32, #tpu.memory_space<vmem>>, vector<1x16xf32>,
        %get3A_44 = vector.shape_cast %get3A_43 : vector<1x16xf32> to vector<16xf32>
        %get3A_45 = arith.index_cast %scan3A_40 : i32 to index
        %get3A_46 = arith.constant 0 : index
        %get3A_47 = tpu.vector_load %arg8[%get3A_45, %get3A_46] {strides = array<i32>} : memref<128x128xf32, #tpu.memory_space<vmem>>, vector<1x16xf32>,
        %get3A_48 = vector.shape_cast %get3A_47 : vector<1x16xf32> to vector<16xf32>
        %sub3A = arith.subf %get3A_44, %get3A_48 : vector<16xf32>
        %swap3A = arith.index_cast %scan3A_40 : i32 to index
        %swap3A_49 = arith.constant 0 : index
        %swap3A_50 = tpu.vector_load %arg8[%swap3A, %swap3A_49] {strides = array<i32>} : memref<128x128xf32, #tpu.memory_space<vmem>>, vector<1x16xf32>,
        %swap3A_51 = vector.shape_cast %swap3A_50 : vector<1x16xf32> to vector<16xf32>
        %swap3A_52 = vector.shape_cast %sub3A : vector<16xf32> to vector<1x16xf32>
        tpu.vector_store %arg8[%swap3A, %swap3A_49], %swap3A_52 {strides = array<i32>} : memref<128x128xf32, #tpu.memory_space<vmem>>, vector<1x16xf32>,
        %get3A_53 = arith.index_cast %scan3A_40 : i32 to index
        %get3A_54 = arith.constant 16 : index
        %get3A_55 = tpu.vector_load %arg9[%get3A_53, %get3A_54] {strides = array<i32>} : memref<128x128xf32, #tpu.memory_space<vmem>>, vector<1x16xf32>,
        %get3A_56 = vector.shape_cast %get3A_55 : vector<1x16xf32> to vector<16xf32>
        %get3A_57 = arith.index_cast %scan3A_40 : i32 to index
        %get3A_58 = arith.constant 16 : index
        %get3A_59 = tpu.vector_load %arg8[%get3A_57, %get3A_58] {strides = array<i32>} : memref<128x128xf32, #tpu.memory_space<vmem>>, vector<1x16xf32>,
        %get3A_60 = vector.shape_cast %get3A_59 : vector<1x16xf32> to vector<16xf32>
        %sub3A_61 = arith.subf %get3A_56, %get3A_60 : vector<16xf32>
        %swap3A_62 = arith.index_cast %scan3A_40 : i32 to index
        %swap3A_63 = arith.constant 16 : index
        %swap3A_64 = tpu.vector_load %arg8[%swap3A_62, %swap3A_63] {strides = array<i32>} : memref<128x128xf32, #tpu.memory_space<vmem>>, vector<1x16xf32>,
        %swap3A_65 = vector.shape_cast %swap3A_64 : vector<1x16xf32> to vector<16xf32>
        %swap3A_66 = vector.shape_cast %sub3A_61 : vector<16xf32> to vector<1x16xf32>
        tpu.vector_store %arg8[%swap3A_62, %swap3A_63], %swap3A_66 {strides = array<i32>} : memref<128x128xf32, #tpu.memory_space<vmem>>, vector<1x16xf32>,
        %get3A_67 = arith.index_cast %scan3A_40 : i32 to index
        %get3A_68 = arith.constant 32 : index
        %get3A_69 = tpu.vector_load %arg9[%get3A_67, %get3A_68] {strides = array<i32>} : memref<128x128xf32, #tpu.memory_space<vmem>>, vector<1x16xf32>,
        %get3A_70 = vector.shape_cast %get3A_69 : vector<1x16xf32> to vector<16xf32>
        %get3A_71 = arith.index_cast %scan3A_40 : i32 to index
        %get3A_72 = arith.constant 32 : index
        %get3A_73 = tpu.vector_load %arg8[%get3A_71, %get3A_72] {strides = array<i32>} : memref<128x128xf32, #tpu.memory_space<vmem>>, vector<1x16xf32>,
        %get3A_74 = vector.shape_cast %get3A_73 : vector<1x16xf32> to vector<16xf32>
        %sub3A_75 = arith.subf %get3A_70, %get3A_74 : vector<16xf32>
        %swap3A_76 = arith.index_cast %scan3A_40 : i32 to index
        %swap3A_77 = arith.constant 32 : index
        %swap3A_78 = tpu.vector_load %arg8[%swap3A_76, %swap3A_77] {strides = array<i32>} : memref<128x128xf32, #tpu.memory_space<vmem>>, vector<1x16xf32>,
        %swap3A_79 = vector.shape_cast %swap3A_78 : vector<1x16xf32> to vector<16xf32>
        %swap3A_80 = vector.shape_cast %sub3A_75 : vector<16xf32> to vector<1x16xf32>
        tpu.vector_store %arg8[%swap3A_76, %swap3A_77], %swap3A_80 {strides = array<i32>} : memref<128x128xf32, #tpu.memory_space<vmem>>, vector<1x16xf32>,
        %get3A_81 = arith.index_cast %scan3A_40 : i32 to index
        %get3A_82 = arith.constant 48 : index
        %get3A_83 = tpu.vector_load %arg9[%get3A_81, %get3A_82] {strides = array<i32>} : memref<128x128xf32, #tpu.memory_space<vmem>>, vector<1x16xf32>,
        %get3A_84 = vector.shape_cast %get3A_83 : vector<1x16xf32> to vector<16xf32>
        %get3A_85 = arith.index_cast %scan3A_40 : i32 to index
        %get3A_86 = arith.constant 48 : index
        %get3A_87 = tpu.vector_load %arg8[%get3A_85, %get3A_86] {strides = array<i32>} : memref<128x128xf32, #tpu.memory_space<vmem>>, vector<1x16xf32>,
        %get3A_88 = vector.shape_cast %get3A_87 : vector<1x16xf32> to vector<16xf32>
        %sub3A_89 = arith.subf %get3A_84, %get3A_88 : vector<16xf32>
        %swap3A_90 = arith.index_cast %scan3A_40 : i32 to index
        %swap3A_91 = arith.constant 48 : index
        %swap3A_92 = tpu.vector_load %arg8[%swap3A_90, %swap3A_91] {strides = array<i32>} : memref<128x128xf32, #tpu.memory_space<vmem>>, vector<1x16xf32>,
        %swap3A_93 = vector.shape_cast %swap3A_92 : vector<1x16xf32> to vector<16xf32>
        %swap3A_94 = vector.shape_cast %sub3A_89 : vector<16xf32> to vector<1x16xf32>
        tpu.vector_store %arg8[%swap3A_90, %swap3A_91], %swap3A_94 {strides = array<i32>} : memref<128x128xf32, #tpu.memory_space<vmem>>, vector<1x16xf32>,
        %get3A_95 = arith.index_cast %scan3A_40 : i32 to index
        %get3A_96 = arith.constant 64 : index
        %get3A_97 = tpu.vector_load %arg9[%get3A_95, %get3A_96] {strides = array<i32>} : memref<128x128xf32, #tpu.memory_space<vmem>>, vector<1x16xf32>,
        %get3A_98 = vector.shape_cast %get3A_97 : vector<1x16xf32> to vector<16xf32>
        %get3A_99 = arith.index_cast %scan3A_40 : i32 to index
        %get3A_100 = arith.constant 64 : index
        %get3A_101 = tpu.vector_load %arg8[%get3A_99, %get3A_100] {strides = array<i32>} : memref<128x128xf32, #tpu.memory_space<vmem>>, vector<1x16xf32>,
        %get3A_102 = vector.shape_cast %get3A_101 : vector<1x16xf32> to vector<16xf32>
        %sub3A_103 = arith.subf %get3A_98, %get3A_102 : vector<16xf32>
        %swap3A_104 = arith.index_cast %scan3A_40 : i32 to index
        %swap3A_105 = arith.constant 64 : index
        %swap3A_106 = tpu.vector_load %arg8[%swap3A_104, %swap3A_105] {strides = array<i32>} : memref<128x128xf32, #tpu.memory_space<vmem>>, vector<1x16xf32>,
        %swap3A_107 = vector.shape_cast %swap3A_106 : vector<1x16xf32> to vector<16xf32>
        %swap3A_108 = vector.shape_cast %sub3A_103 : vector<16xf32> to vector<1x16xf32>
        tpu.vector_store %arg8[%swap3A_104, %swap3A_105], %swap3A_108 {strides = array<i32>} : memref<128x128xf32, #tpu.memory_space<vmem>>, vector<1x16xf32>,
        %get3A_109 = arith.index_cast %scan3A_40 : i32 to index
        %get3A_110 = arith.constant 80 : index
        %get3A_111 = tpu.vector_load %arg9[%get3A_109, %get3A_110] {strides = array<i32>} : memref<128x128xf32, #tpu.memory_space<vmem>>, vector<1x16xf32>,
        %get3A_112 = vector.shape_cast %get3A_111 : vector<1x16xf32> to vector<16xf32>
        %get3A_113 = arith.index_cast %scan3A_40 : i32 to index
        %get3A_114 = arith.constant 80 : index
        %get3A_115 = tpu.vector_load %arg8[%get3A_113, %get3A_114] {strides = array<i32>} : memref<128x128xf32, #tpu.memory_space<vmem>>, vector<1x16xf32>,
        %get3A_116 = vector.shape_cast %get3A_115 : vector<1x16xf32> to vector<16xf32>
        %sub3A_117 = arith.subf %get3A_112, %get3A_116 : vector<16xf32>
        %swap3A_118 = arith.index_cast %scan3A_40 : i32 to index
        %swap3A_119 = arith.constant 80 : index
        %swap3A_120 = tpu.vector_load %arg8[%swap3A_118, %swap3A_119] {strides = array<i32>} : memref<128x128xf32, #tpu.memory_space<vmem>>, vector<1x16xf32>,
        %swap3A_121 = vector.shape_cast %swap3A_120 : vector<1x16xf32> to vector<16xf32>
        %swap3A_122 = vector.shape_cast %sub3A_117 : vector<16xf32> to vector<1x16xf32>
        tpu.vector_store %arg8[%swap3A_118, %swap3A_119], %swap3A_122 {strides = array<i32>} : memref<128x128xf32, #tpu.memory_space<vmem>>, vector<1x16xf32>,
        %get3A_123 = arith.index_cast %scan3A_40 : i32 to index
        %get3A_124 = arith.constant 96 : index
        %get3A_125 = tpu.vector_load %arg9[%get3A_123, %get3A_124] {strides = array<i32>} : memref<128x128xf32, #tpu.memory_space<vmem>>, vector<1x16xf32>,
        %get3A_126 = vector.shape_cast %get3A_125 : vector<1x16xf32> to vector<16xf32>
        %get3A_127 = arith.index_cast %scan3A_40 : i32 to index
        %get3A_128 = arith.constant 96 : index
        %get3A_129 = tpu.vector_load %arg8[%get3A_127, %get3A_128] {strides = array<i32>} : memref<128x128xf32, #tpu.memory_space<vmem>>, vector<1x16xf32>,
        %get3A_130 = vector.shape_cast %get3A_129 : vector<1x16xf32> to vector<16xf32>
        %sub3A_131 = arith.subf %get3A_126, %get3A_130 : vector<16xf32>
        %swap3A_132 = arith.index_cast %scan3A_40 : i32 to index
        %swap3A_133 = arith.constant 96 : index
        %swap3A_134 = tpu.vector_load %arg8[%swap3A_132, %swap3A_133] {strides = array<i32>} : memref<128x128xf32, #tpu.memory_space<vmem>>, vector<1x16xf32>,
        %swap3A_135 = vector.shape_cast %swap3A_134 : vector<1x16xf32> to vector<16xf32>
        %swap3A_136 = vector.shape_cast %sub3A_131 : vector<16xf32> to vector<1x16xf32>
        tpu.vector_store %arg8[%swap3A_132, %swap3A_133], %swap3A_136 {strides = array<i32>} : memref<128x128xf32, #tpu.memory_space<vmem>>, vector<1x16xf32>,
        %get3A_137 = arith.index_cast %scan3A_40 : i32 to index
        %get3A_138 = arith.constant 112 : index
        %get3A_139 = tpu.vector_load %arg9[%get3A_137, %get3A_138] {strides = array<i32>} : memref<128x128xf32, #tpu.memory_space<vmem>>, vector<1x16xf32>,
        %get3A_140 = vector.shape_cast %get3A_139 : vector<1x16xf32> to vector<16xf32>
        %get3A_141 = arith.index_cast %scan3A_40 : i32 to index
        %get3A_142 = arith.constant 112 : index
        %get3A_143 = tpu.vector_load %arg8[%get3A_141, %get3A_142] {strides = array<i32>} : memref<128x128xf32, #tpu.memory_space<vmem>>, vector<1x16xf32>,
        %get3A_144 = vector.shape_cast %get3A_143 : vector<1x16xf32> to vector<16xf32>
        %sub3A_145 = arith.subf %get3A_140, %get3A_144 : vector<16xf32>
        %swap3A_146 = arith.index_cast %scan3A_40 : i32 to index
        %swap3A_147 = arith.constant 112 : index
        %swap3A_148 = tpu.vector_load %arg8[%swap3A_146, %swap3A_147] {strides = array<i32>} : memref<128x128xf32, #tpu.memory_space<vmem>>, vector<1x16xf32>,
        %swap3A_149 = vector.shape_cast %swap3A_148 : vector<1x16xf32> to vector<16xf32>
        %swap3A_150 = vector.shape_cast %sub3A_145 : vector<16xf32> to vector<1x16xf32>
        tpu.vector_store %arg8[%swap3A_146, %swap3A_147], %swap3A_150 {strides = array<i32>} : memref<128x128xf32, #tpu.memory_space<vmem>>, vector<1x16xf32>,
        %scan3A_151 = arith.constant 0 : i32
        scf.yield %scan3A_151 : i32
      }
      %scan3A_36 = arith.constant 128 : i32
      %mul3A_37 = arith.constant 128 : i32
      %mul3A_38 = arith.muli %add3A_13, %mul3A_37 : i32
      "tpu.region"() ({
        %run_scoped3A = tpu.sem_alloc : memref<!tpu.dma_semaphore, #tpu.memory_space<semaphore_mem>>
        %dma_start3A_40 = arith.constant 0 : i32
        %dma_start3A_41 = tpu.memref_slice %arg5[%mul3A_38, %dma_start3A_40] : memref<163840x128xf32, #tpu.memory_space<hbm>> -> memref<128x128xf32, #tpu.memory_space<hbm>>
        %dma_start3A_42 = arith.constant 0 : i32
        %dma_start3A_43 = tpu.memref_slice %arg5[%mul3A_38, %dma_start3A_42] : memref<163840x128xf32, #tpu.memory_space<hbm>> -> memref<128x128xf32, #tpu.memory_space<hbm>>
        tpu.enqueue_dma source(%arg8 : memref<128x128xf32, #tpu.memory_space<vmem>>) target(%dma_start3A_43 : memref<128x128xf32, #tpu.memory_space<hbm>>) target_semaphore(%run_scoped3A : memref<!tpu.dma_semaphore, #tpu.memory_space<semaphore_mem>>)
        %dma_wait3A_44 = arith.constant 0 : i32
        %dma_wait3A_45 = tpu.memref_slice %arg5[%mul3A_38, %dma_wait3A_44] : memref<163840x128xf32, #tpu.memory_space<hbm>> -> memref<128x128xf32, #tpu.memory_space<hbm>>
        %dma_wait3A_46 = arith.constant 0 : i32
        %dma_wait3A_47 = tpu.memref_slice %arg5[%mul3A_38, %dma_wait3A_46] : memref<163840x128xf32, #tpu.memory_space<hbm>> -> memref<128x128xf32, #tpu.memory_space<hbm>>
        tpu.wait_dma2 semaphore(%run_scoped3A : memref<!tpu.dma_semaphore, #tpu.memory_space<semaphore_mem>>) src(%arg8 : memref<128x128xf32, #tpu.memory_space<vmem>>) dst(%dma_wait3A_47 : memref<128x128xf32, #tpu.memory_space<hbm>>)
        tpu.yield
      }) : () -> ()
      %scan3A_39 = arith.constant 0 : i32
      scf.yield %scan3A_39 : i32
    }
    %scan3A_8 = arith.constant 40 : i32
    return
  }
}

#map = affine_map<(d0, d1) -> (0, 0)>
#map1 = affine_map<(d0, d1) -> (0, 0, 0)>
module attributes {stable_mosaic.version = 14 : i64} {
  func.func @k(%arg0: i32, %arg1: i32, %arg2: memref<1280x128xi32, #tpu.memory_space<hbm>>, %arg3: memref<1280x128xi32, #tpu.memory_space<hbm>>, %arg4: memref<2x10016x128xf32, #tpu.memory_space<hbm>>, %arg5: memref<2x10016x128xf32, #tpu.memory_space<hbm>>, %arg6: memref<2x163840x128xf32, #tpu.memory_space<hbm>>, %arg7: memref<2x10240x128xf32, #tpu.memory_space<hbm>>, %arg8: memref<80x128xi32, #tpu.memory_space<vmem>>, %arg9: memref<128xi32, #tpu.memory_space<vmem>>, %arg10: memref<128x128xf32, #tpu.memory_space<vmem>>, %arg11: memref<128x128xf32, #tpu.memory_space<vmem>>, %arg12: memref<10240x128xf32, #tpu.memory_space<vmem_shared>>, %arg13: memref<!tpu.dma_semaphore, #tpu.memory_space<semaphore_mem>>, %arg14: memref<!tpu.dma_semaphore, #tpu.memory_space<semaphore_mem>>, %arg15: memref<!tpu.dma_semaphore, #tpu.memory_space<semaphore_mem>>) attributes {dimension_semantics = [#tpu.dimension_semantics<core_parallel>, #tpu.dimension_semantics<subcore_parallel>], iteration_bounds = array<i64: 2, 16>, scalar_prefetch = 0 : i64, scratch_operands = 8 : i64, tpu.core_type = #tpu.core_type<sc_vector_subcore>, window_params = [{transform_indices = #map}, {transform_indices = #map}, {transform_indices = #map1}, {transform_indices = #map1}, {transform_indices = #map1}, {transform_indices = #map1}]} {
    %scan3A = arith.constant 0 : i32
    %scan3A_0 = arith.constant 0 : i32
    %scan3A_1 = arith.constant 128 : i32
    %scan3A_2 = arith.addi %scan3A_0, %scan3A_1 : i32
    %scan3A_3 = arith.constant 1 : i32
    %scan3A_4 = scf.for %scan3A_38 = %scan3A_0 to %scan3A_2 step %scan3A_3 iter_args(%scan3A_39 = %scan3A) -> (i32)  : i32 {
      %broadcast_in_dim3A = arith.constant 0.000000e+00 : f32
      %broadcast_in_dim3A_40 = vector.broadcast %broadcast_in_dim3A : f32 to vector<16xf32>
      %swap3A = arith.index_cast %scan3A_38 : i32 to index
      %swap3A_41 = arith.constant 0 : index
      %swap3A_42 = tpu.vector_load %arg10[%swap3A, %swap3A_41] {strides = array<i32>} : memref<128x128xf32, #tpu.memory_space<vmem>>, vector<1x16xf32>,
      %swap3A_43 = vector.shape_cast %swap3A_42 : vector<1x16xf32> to vector<16xf32>
      %swap3A_44 = vector.shape_cast %broadcast_in_dim3A_40 : vector<16xf32> to vector<1x16xf32>
      tpu.vector_store %arg10[%swap3A, %swap3A_41], %swap3A_44 {strides = array<i32>} : memref<128x128xf32, #tpu.memory_space<vmem>>, vector<1x16xf32>,
      %broadcast_in_dim3A_45 = arith.constant 0.000000e+00 : f32
      %broadcast_in_dim3A_46 = vector.broadcast %broadcast_in_dim3A_45 : f32 to vector<16xf32>
      %swap3A_47 = arith.index_cast %scan3A_38 : i32 to index
      %swap3A_48 = arith.constant 16 : index
      %swap3A_49 = tpu.vector_load %arg10[%swap3A_47, %swap3A_48] {strides = array<i32>} : memref<128x128xf32, #tpu.memory_space<vmem>>, vector<1x16xf32>,
      %swap3A_50 = vector.shape_cast %swap3A_49 : vector<1x16xf32> to vector<16xf32>
      %swap3A_51 = vector.shape_cast %broadcast_in_dim3A_46 : vector<16xf32> to vector<1x16xf32>
      tpu.vector_store %arg10[%swap3A_47, %swap3A_48], %swap3A_51 {strides = array<i32>} : memref<128x128xf32, #tpu.memory_space<vmem>>, vector<1x16xf32>,
      %broadcast_in_dim3A_52 = arith.constant 0.000000e+00 : f32
      %broadcast_in_dim3A_53 = vector.broadcast %broadcast_in_dim3A_52 : f32 to vector<16xf32>
      %swap3A_54 = arith.index_cast %scan3A_38 : i32 to index
      %swap3A_55 = arith.constant 32 : index
      %swap3A_56 = tpu.vector_load %arg10[%swap3A_54, %swap3A_55] {strides = array<i32>} : memref<128x128xf32, #tpu.memory_space<vmem>>, vector<1x16xf32>,
      %swap3A_57 = vector.shape_cast %swap3A_56 : vector<1x16xf32> to vector<16xf32>
      %swap3A_58 = vector.shape_cast %broadcast_in_dim3A_53 : vector<16xf32> to vector<1x16xf32>
      tpu.vector_store %arg10[%swap3A_54, %swap3A_55], %swap3A_58 {strides = array<i32>} : memref<128x128xf32, #tpu.memory_space<vmem>>, vector<1x16xf32>,
      %broadcast_in_dim3A_59 = arith.constant 0.000000e+00 : f32
      %broadcast_in_dim3A_60 = vector.broadcast %broadcast_in_dim3A_59 : f32 to vector<16xf32>
      %swap3A_61 = arith.index_cast %scan3A_38 : i32 to index
      %swap3A_62 = arith.constant 48 : index
      %swap3A_63 = tpu.vector_load %arg10[%swap3A_61, %swap3A_62] {strides = array<i32>} : memref<128x128xf32, #tpu.memory_space<vmem>>, vector<1x16xf32>,
      %swap3A_64 = vector.shape_cast %swap3A_63 : vector<1x16xf32> to vector<16xf32>
      %swap3A_65 = vector.shape_cast %broadcast_in_dim3A_60 : vector<16xf32> to vector<1x16xf32>
      tpu.vector_store %arg10[%swap3A_61, %swap3A_62], %swap3A_65 {strides = array<i32>} : memref<128x128xf32, #tpu.memory_space<vmem>>, vector<1x16xf32>,
      %broadcast_in_dim3A_66 = arith.constant 0.000000e+00 : f32
      %broadcast_in_dim3A_67 = vector.broadcast %broadcast_in_dim3A_66 : f32 to vector<16xf32>
      %swap3A_68 = arith.index_cast %scan3A_38 : i32 to index
      %swap3A_69 = arith.constant 64 : index
      %swap3A_70 = tpu.vector_load %arg10[%swap3A_68, %swap3A_69] {strides = array<i32>} : memref<128x128xf32, #tpu.memory_space<vmem>>, vector<1x16xf32>,
      %swap3A_71 = vector.shape_cast %swap3A_70 : vector<1x16xf32> to vector<16xf32>
      %swap3A_72 = vector.shape_cast %broadcast_in_dim3A_67 : vector<16xf32> to vector<1x16xf32>
      tpu.vector_store %arg10[%swap3A_68, %swap3A_69], %swap3A_72 {strides = array<i32>} : memref<128x128xf32, #tpu.memory_space<vmem>>, vector<1x16xf32>,
      %broadcast_in_dim3A_73 = arith.constant 0.000000e+00 : f32
      %broadcast_in_dim3A_74 = vector.broadcast %broadcast_in_dim3A_73 : f32 to vector<16xf32>
      %swap3A_75 = arith.index_cast %scan3A_38 : i32 to index
      %swap3A_76 = arith.constant 80 : index
      %swap3A_77 = tpu.vector_load %arg10[%swap3A_75, %swap3A_76] {strides = array<i32>} : memref<128x128xf32, #tpu.memory_space<vmem>>, vector<1x16xf32>,
      %swap3A_78 = vector.shape_cast %swap3A_77 : vector<1x16xf32> to vector<16xf32>
      %swap3A_79 = vector.shape_cast %broadcast_in_dim3A_74 : vector<16xf32> to vector<1x16xf32>
      tpu.vector_store %arg10[%swap3A_75, %swap3A_76], %swap3A_79 {strides = array<i32>} : memref<128x128xf32, #tpu.memory_space<vmem>>, vector<1x16xf32>,
      %broadcast_in_dim3A_80 = arith.constant 0.000000e+00 : f32
      %broadcast_in_dim3A_81 = vector.broadcast %broadcast_in_dim3A_80 : f32 to vector<16xf32>
      %swap3A_82 = arith.index_cast %scan3A_38 : i32 to index
      %swap3A_83 = arith.constant 96 : index
      %swap3A_84 = tpu.vector_load %arg10[%swap3A_82, %swap3A_83] {strides = array<i32>} : memref<128x128xf32, #tpu.memory_space<vmem>>, vector<1x16xf32>,
      %swap3A_85 = vector.shape_cast %swap3A_84 : vector<1x16xf32> to vector<16xf32>
      %swap3A_86 = vector.shape_cast %broadcast_in_dim3A_81 : vector<16xf32> to vector<1x16xf32>
      tpu.vector_store %arg10[%swap3A_82, %swap3A_83], %swap3A_86 {strides = array<i32>} : memref<128x128xf32, #tpu.memory_space<vmem>>, vector<1x16xf32>,
      %broadcast_in_dim3A_87 = arith.constant 0.000000e+00 : f32
      %broadcast_in_dim3A_88 = vector.broadcast %broadcast_in_dim3A_87 : f32 to vector<16xf32>
      %swap3A_89 = arith.index_cast %scan3A_38 : i32 to index
      %swap3A_90 = arith.constant 112 : index
      %swap3A_91 = tpu.vector_load %arg10[%swap3A_89, %swap3A_90] {strides = array<i32>} : memref<128x128xf32, #tpu.memory_space<vmem>>, vector<1x16xf32>,
      %swap3A_92 = vector.shape_cast %swap3A_91 : vector<1x16xf32> to vector<16xf32>
      %swap3A_93 = vector.shape_cast %broadcast_in_dim3A_88 : vector<16xf32> to vector<1x16xf32>
      tpu.vector_store %arg10[%swap3A_89, %swap3A_90], %swap3A_93 {strides = array<i32>} : memref<128x128xf32, #tpu.memory_space<vmem>>, vector<1x16xf32>,
      %scan3A_94 = arith.constant 0 : i32
      scf.yield %scan3A_94 : i32
    }
    %scan3A_5 = arith.constant 128 : i32
    %mul3A = arith.constant 640 : i32
    %mul3A_6 = arith.muli %arg1, %mul3A : i32
    %add3A = arith.constant 0 : i32
    %add3A_7 = arith.addi %mul3A_6, %add3A : i32
    "tpu.region"() ({
      %run_scoped3A = tpu.sem_alloc : memref<!tpu.dma_semaphore, #tpu.memory_space<semaphore_mem>>
      %dma_start3A = arith.constant 0 : i32
      %dma_start3A_38 = tpu.memref_slice %arg12[%add3A_7, %dma_start3A] : memref<10240x128xf32, #tpu.memory_space<vmem_shared>> -> memref<128x128xf32, #tpu.memory_space<vmem_shared>>
      %dma_start3A_39 = arith.constant 0 : i32
      %dma_start3A_40 = tpu.memref_slice %arg12[%add3A_7, %dma_start3A_39] : memref<10240x128xf32, #tpu.memory_space<vmem_shared>> -> memref<128x128xf32, #tpu.memory_space<vmem_shared>>
      tpu.enqueue_dma source(%arg10 : memref<128x128xf32, #tpu.memory_space<vmem>>) target(%dma_start3A_40 : memref<128x128xf32, #tpu.memory_space<vmem_shared>>) target_semaphore(%run_scoped3A : memref<!tpu.dma_semaphore, #tpu.memory_space<semaphore_mem>>)
      %dma_wait3A = arith.constant 0 : i32
      %dma_wait3A_41 = tpu.memref_slice %arg12[%add3A_7, %dma_wait3A] : memref<10240x128xf32, #tpu.memory_space<vmem_shared>> -> memref<128x128xf32, #tpu.memory_space<vmem_shared>>
      %dma_wait3A_42 = arith.constant 0 : i32
      %dma_wait3A_43 = tpu.memref_slice %arg12[%add3A_7, %dma_wait3A_42] : memref<10240x128xf32, #tpu.memory_space<vmem_shared>> -> memref<128x128xf32, #tpu.memory_space<vmem_shared>>
      tpu.wait_dma2 semaphore(%run_scoped3A : memref<!tpu.dma_semaphore, #tpu.memory_space<semaphore_mem>>) src(%arg10 : memref<128x128xf32, #tpu.memory_space<vmem>>) dst(%dma_wait3A_43 : memref<128x128xf32, #tpu.memory_space<vmem_shared>>)
      tpu.yield
    }) : () -> ()
    %mul3A_8 = arith.constant 640 : i32
    %mul3A_9 = arith.muli %arg1, %mul3A_8 : i32
    %add3A_10 = arith.constant 128 : i32
    %add3A_11 = arith.addi %mul3A_9, %add3A_10 : i32
    "tpu.region"() ({
      %run_scoped3A = tpu.sem_alloc : memref<!tpu.dma_semaphore, #tpu.memory_space<semaphore_mem>>
      %dma_start3A = arith.constant 0 : i32
      %dma_start3A_38 = tpu.memref_slice %arg12[%add3A_11, %dma_start3A] : memref<10240x128xf32, #tpu.memory_space<vmem_shared>> -> memref<128x128xf32, #tpu.memory_space<vmem_shared>>
      %dma_start3A_39 = arith.constant 0 : i32
      %dma_start3A_40 = tpu.memref_slice %arg12[%add3A_11, %dma_start3A_39] : memref<10240x128xf32, #tpu.memory_space<vmem_shared>> -> memref<128x128xf32, #tpu.memory_space<vmem_shared>>
      tpu.enqueue_dma source(%arg10 : memref<128x128xf32, #tpu.memory_space<vmem>>) target(%dma_start3A_40 : memref<128x128xf32, #tpu.memory_space<vmem_shared>>) target_semaphore(%run_scoped3A : memref<!tpu.dma_semaphore, #tpu.memory_space<semaphore_mem>>)
      %dma_wait3A = arith.constant 0 : i32
      %dma_wait3A_41 = tpu.memref_slice %arg12[%add3A_11, %dma_wait3A] : memref<10240x128xf32, #tpu.memory_space<vmem_shared>> -> memref<128x128xf32, #tpu.memory_space<vmem_shared>>
      %dma_wait3A_42 = arith.constant 0 : i32
      %dma_wait3A_43 = tpu.memref_slice %arg12[%add3A_11, %dma_wait3A_42] : memref<10240x128xf32, #tpu.memory_space<vmem_shared>> -> memref<128x128xf32, #tpu.memory_space<vmem_shared>>
      tpu.wait_dma2 semaphore(%run_scoped3A : memref<!tpu.dma_semaphore, #tpu.memory_space<semaphore_mem>>) src(%arg10 : memref<128x128xf32, #tpu.memory_space<vmem>>) dst(%dma_wait3A_43 : memref<128x128xf32, #tpu.memory_space<vmem_shared>>)
      tpu.yield
    }) : () -> ()
    %mul3A_12 = arith.constant 640 : i32
    %mul3A_13 = arith.muli %arg1, %mul3A_12 : i32
    %add3A_14 = arith.constant 256 : i32
    %add3A_15 = arith.addi %mul3A_13, %add3A_14 : i32
    "tpu.region"() ({
      %run_scoped3A = tpu.sem_alloc : memref<!tpu.dma_semaphore, #tpu.memory_space<semaphore_mem>>
      %dma_start3A = arith.constant 0 : i32
      %dma_start3A_38 = tpu.memref_slice %arg12[%add3A_15, %dma_start3A] : memref<10240x128xf32, #tpu.memory_space<vmem_shared>> -> memref<128x128xf32, #tpu.memory_space<vmem_shared>>
      %dma_start3A_39 = arith.constant 0 : i32
      %dma_start3A_40 = tpu.memref_slice %arg12[%add3A_15, %dma_start3A_39] : memref<10240x128xf32, #tpu.memory_space<vmem_shared>> -> memref<128x128xf32, #tpu.memory_space<vmem_shared>>
      tpu.enqueue_dma source(%arg10 : memref<128x128xf32, #tpu.memory_space<vmem>>) target(%dma_start3A_40 : memref<128x128xf32, #tpu.memory_space<vmem_shared>>) target_semaphore(%run_scoped3A : memref<!tpu.dma_semaphore, #tpu.memory_space<semaphore_mem>>)
      %dma_wait3A = arith.constant 0 : i32
      %dma_wait3A_41 = tpu.memref_slice %arg12[%add3A_15, %dma_wait3A] : memref<10240x128xf32, #tpu.memory_space<vmem_shared>> -> memref<128x128xf32, #tpu.memory_space<vmem_shared>>
      %dma_wait3A_42 = arith.constant 0 : i32
      %dma_wait3A_43 = tpu.memref_slice %arg12[%add3A_15, %dma_wait3A_42] : memref<10240x128xf32, #tpu.memory_space<vmem_shared>> -> memref<128x128xf32, #tpu.memory_space<vmem_shared>>
      tpu.wait_dma2 semaphore(%run_scoped3A : memref<!tpu.dma_semaphore, #tpu.memory_space<semaphore_mem>>) src(%arg10 : memref<128x128xf32, #tpu.memory_space<vmem>>) dst(%dma_wait3A_43 : memref<128x128xf32, #tpu.memory_space<vmem_shared>>)
      tpu.yield
    }) : () -> ()
    %mul3A_16 = arith.constant 640 : i32
    %mul3A_17 = arith.muli %arg1, %mul3A_16 : i32
    %add3A_18 = arith.constant 384 : i32
    %add3A_19 = arith.addi %mul3A_17, %add3A_18 : i32
    "tpu.region"() ({
      %run_scoped3A = tpu.sem_alloc : memref<!tpu.dma_semaphore, #tpu.memory_space<semaphore_mem>>
      %dma_start3A = arith.constant 0 : i32
      %dma_start3A_38 = tpu.memref_slice %arg12[%add3A_19, %dma_start3A] : memref<10240x128xf32, #tpu.memory_space<vmem_shared>> -> memref<128x128xf32, #tpu.memory_space<vmem_shared>>
      %dma_start3A_39 = arith.constant 0 : i32
      %dma_start3A_40 = tpu.memref_slice %arg12[%add3A_19, %dma_start3A_39] : memref<10240x128xf32, #tpu.memory_space<vmem_shared>> -> memref<128x128xf32, #tpu.memory_space<vmem_shared>>
      tpu.enqueue_dma source(%arg10 : memref<128x128xf32, #tpu.memory_space<vmem>>) target(%dma_start3A_40 : memref<128x128xf32, #tpu.memory_space<vmem_shared>>) target_semaphore(%run_scoped3A : memref<!tpu.dma_semaphore, #tpu.memory_space<semaphore_mem>>)
      %dma_wait3A = arith.constant 0 : i32
      %dma_wait3A_41 = tpu.memref_slice %arg12[%add3A_19, %dma_wait3A] : memref<10240x128xf32, #tpu.memory_space<vmem_shared>> -> memref<128x128xf32, #tpu.memory_space<vmem_shared>>
      %dma_wait3A_42 = arith.constant 0 : i32
      %dma_wait3A_43 = tpu.memref_slice %arg12[%add3A_19, %dma_wait3A_42] : memref<10240x128xf32, #tpu.memory_space<vmem_shared>> -> memref<128x128xf32, #tpu.memory_space<vmem_shared>>
      tpu.wait_dma2 semaphore(%run_scoped3A : memref<!tpu.dma_semaphore, #tpu.memory_space<semaphore_mem>>) src(%arg10 : memref<128x128xf32, #tpu.memory_space<vmem>>) dst(%dma_wait3A_43 : memref<128x128xf32, #tpu.memory_space<vmem_shared>>)
      tpu.yield
    }) : () -> ()
    %mul3A_20 = arith.constant 640 : i32
    %mul3A_21 = arith.muli %arg1, %mul3A_20 : i32
    %add3A_22 = arith.constant 512 : i32
    %add3A_23 = arith.addi %mul3A_21, %add3A_22 : i32
    "tpu.region"() ({
      %run_scoped3A = tpu.sem_alloc : memref<!tpu.dma_semaphore, #tpu.memory_space<semaphore_mem>>
      %dma_start3A = arith.constant 0 : i32
      %dma_start3A_38 = tpu.memref_slice %arg12[%add3A_23, %dma_start3A] : memref<10240x128xf32, #tpu.memory_space<vmem_shared>> -> memref<128x128xf32, #tpu.memory_space<vmem_shared>>
      %dma_start3A_39 = arith.constant 0 : i32
      %dma_start3A_40 = tpu.memref_slice %arg12[%add3A_23, %dma_start3A_39] : memref<10240x128xf32, #tpu.memory_space<vmem_shared>> -> memref<128x128xf32, #tpu.memory_space<vmem_shared>>
      tpu.enqueue_dma source(%arg10 : memref<128x128xf32, #tpu.memory_space<vmem>>) target(%dma_start3A_40 : memref<128x128xf32, #tpu.memory_space<vmem_shared>>) target_semaphore(%run_scoped3A : memref<!tpu.dma_semaphore, #tpu.memory_space<semaphore_mem>>)
      %dma_wait3A = arith.constant 0 : i32
      %dma_wait3A_41 = tpu.memref_slice %arg12[%add3A_23, %dma_wait3A] : memref<10240x128xf32, #tpu.memory_space<vmem_shared>> -> memref<128x128xf32, #tpu.memory_space<vmem_shared>>
      %dma_wait3A_42 = arith.constant 0 : i32
      %dma_wait3A_43 = tpu.memref_slice %arg12[%add3A_23, %dma_wait3A_42] : memref<10240x128xf32, #tpu.memory_space<vmem_shared>> -> memref<128x128xf32, #tpu.memory_space<vmem_shared>>
      tpu.wait_dma2 semaphore(%run_scoped3A : memref<!tpu.dma_semaphore, #tpu.memory_space<semaphore_mem>>) src(%arg10 : memref<128x128xf32, #tpu.memory_space<vmem>>) dst(%dma_wait3A_43 : memref<128x128xf32, #tpu.memory_space<vmem_shared>>)
      tpu.yield
    }) : () -> ()
    %barrier3A = arith.constant 0 : index
    tpu.barrier barrier_id(%barrier3A)
    %mul3A_24 = arith.constant 80 : i32
    %mul3A_25 = arith.muli %arg1, %mul3A_24 : i32
    "tpu.region"() ({
      %run_scoped3A = tpu.sem_alloc : memref<!tpu.dma_semaphore, #tpu.memory_space<semaphore_mem>>
      %dma_start3A = arith.constant 0 : i32
      %dma_start3A_38 = tpu.memref_slice %arg2[%mul3A_25, %dma_start3A] : memref<1280x128xi32, #tpu.memory_space<hbm>> -> memref<80x128xi32, #tpu.memory_space<hbm>>
      %dma_start3A_39 = arith.constant 0 : i32
      %dma_start3A_40 = tpu.memref_slice %arg2[%mul3A_25, %dma_start3A_39] : memref<1280x128xi32, #tpu.memory_space<hbm>> -> memref<80x128xi32, #tpu.memory_space<hbm>>
      tpu.enqueue_dma source(%dma_start3A_40 : memref<80x128xi32, #tpu.memory_space<hbm>>) target(%arg8 : memref<80x128xi32, #tpu.memory_space<vmem>>) target_semaphore(%run_scoped3A : memref<!tpu.dma_semaphore, #tpu.memory_space<semaphore_mem>>)
      %dma_wait3A = arith.constant 0 : i32
      %dma_wait3A_41 = tpu.memref_slice %arg2[%mul3A_25, %dma_wait3A] : memref<1280x128xi32, #tpu.memory_space<hbm>> -> memref<80x128xi32, #tpu.memory_space<hbm>>
      %dma_wait3A_42 = arith.constant 0 : i32
      %dma_wait3A_43 = tpu.memref_slice %arg2[%mul3A_25, %dma_wait3A_42] : memref<1280x128xi32, #tpu.memory_space<hbm>> -> memref<80x128xi32, #tpu.memory_space<hbm>>
      tpu.wait_dma2 semaphore(%run_scoped3A : memref<!tpu.dma_semaphore, #tpu.memory_space<semaphore_mem>>) src(%dma_wait3A_43 : memref<80x128xi32, #tpu.memory_space<hbm>>) dst(%arg8 : memref<80x128xi32, #tpu.memory_space<vmem>>)
      tpu.yield
    }) : () -> ()
    %scan3A_26 = arith.constant 0 : i32
    %scan3A_27 = arith.constant 0 : i32
    %scan3A_28 = arith.constant 80 : i32
    %scan3A_29 = arith.addi %scan3A_27, %scan3A_28 : i32
    %scan3A_30 = arith.constant 1 : i32
    %scan3A_31 = scf.for %scan3A_38 = %scan3A_27 to %scan3A_29 step %scan3A_30 iter_args(%scan3A_39 = %scan3A_26) -> (i32)  : i32 {
      %mul3A_40 = arith.constant 80 : i32
      %mul3A_41 = arith.muli %arg1, %mul3A_40 : i32
      %add3A_42 = arith.addi %mul3A_41, %scan3A_38 : i32
      "tpu.region"() ({
        %run_scoped3A = tpu.sem_alloc : memref<!tpu.dma_semaphore, #tpu.memory_space<semaphore_mem>>
        %dma_start3A_116 = arith.constant 0 : i32
        %dma_start3A_117 = tpu.memref_slice %arg3[%add3A_42, %dma_start3A_116] : memref<1280x128xi32, #tpu.memory_space<hbm>> -> memref<1x128xi32, #tpu.memory_space<hbm>>
        %dma_start3A_118 = tpu.memref_squeeze %dma_start3A_117 : memref<1x128xi32, #tpu.memory_space<hbm>> -> memref<128xi32, #tpu.memory_space<hbm>>
        %dma_start3A_119 = arith.constant 0 : i32
        %dma_start3A_120 = tpu.memref_slice %arg3[%add3A_42, %dma_start3A_119] : memref<1280x128xi32, #tpu.memory_space<hbm>> -> memref<1x128xi32, #tpu.memory_space<hbm>>
        %dma_start3A_121 = tpu.memref_squeeze %dma_start3A_120 : memref<1x128xi32, #tpu.memory_space<hbm>> -> memref<128xi32, #tpu.memory_space<hbm>>
        tpu.enqueue_dma source(%dma_start3A_121 : memref<128xi32, #tpu.memory_space<hbm>>) target(%arg9 : memref<128xi32, #tpu.memory_space<vmem>>) target_semaphore(%run_scoped3A : memref<!tpu.dma_semaphore, #tpu.memory_space<semaphore_mem>>)
        %dma_wait3A_122 = arith.constant 0 : i32
        %dma_wait3A_123 = tpu.memref_slice %arg3[%add3A_42, %dma_wait3A_122] : memref<1280x128xi32, #tpu.memory_space<hbm>> -> memref<1x128xi32, #tpu.memory_space<hbm>>
        %dma_wait3A_124 = tpu.memref_squeeze %dma_wait3A_123 : memref<1x128xi32, #tpu.memory_space<hbm>> -> memref<128xi32, #tpu.memory_space<hbm>>
        %dma_wait3A_125 = arith.constant 0 : i32
        %dma_wait3A_126 = tpu.memref_slice %arg3[%add3A_42, %dma_wait3A_125] : memref<1280x128xi32, #tpu.memory_space<hbm>> -> memref<1x128xi32, #tpu.memory_space<hbm>>
        %dma_wait3A_127 = tpu.memref_squeeze %dma_wait3A_126 : memref<1x128xi32, #tpu.memory_space<hbm>> -> memref<128xi32, #tpu.memory_space<hbm>>
        tpu.wait_dma2 semaphore(%run_scoped3A : memref<!tpu.dma_semaphore, #tpu.memory_space<semaphore_mem>>) src(%dma_wait3A_127 : memref<128xi32, #tpu.memory_space<hbm>>) dst(%arg9 : memref<128xi32, #tpu.memory_space<vmem>>)
        tpu.yield
      }) : () -> ()
      %dma_start3A = arith.constant 0 : i32
      %dma_start3A_43 = tpu.memref_slice %arg8[%scan3A_38, %dma_start3A] : memref<80x128xi32, #tpu.memory_space<vmem>> -> memref<1x128xi32, #tpu.memory_space<vmem>>
      %dma_start3A_44 = tpu.memref_squeeze %dma_start3A_43 : memref<1x128xi32, #tpu.memory_space<vmem>> -> memref<128xi32, #tpu.memory_space<vmem>>
      %dma_start3A_45 = arith.constant 0 : i32
      %dma_start3A_46 = arith.constant 0 : i32
      %dma_start3A_47 = tpu.memref_slice %arg4[%arg0, %dma_start3A_45, %dma_start3A_46] : memref<2x10016x128xf32, #tpu.memory_space<hbm>> -> memref<1x10016x128xf32, #tpu.memory_space<hbm>>
      %dma_start3A_48 = tpu.memref_squeeze %dma_start3A_47 : memref<1x10016x128xf32, #tpu.memory_space<hbm>> -> memref<10016x128xf32, #tpu.memory_space<hbm>>
      %dma_start3A_49 = arith.constant 0 : i32
      %dma_start3A_50 = arith.constant 0 : i32
      %dma_start3A_51 = tpu.memref_slice %dma_start3A_48[%dma_start3A_49, %dma_start3A_50] : memref<10016x128xf32, #tpu.memory_space<hbm>> -> memref<10016x128xf32, #tpu.memory_space<hbm>>
      tpu.enqueue_indirect_dma source(%dma_start3A_51 : memref<10016x128xf32, #tpu.memory_space<hbm>>) target(%arg10 : memref<128x128xf32, #tpu.memory_space<vmem>>) offsets(%dma_start3A_44 : memref<128xi32, #tpu.memory_space<vmem>>) semaphore(%arg13 : memref<!tpu.dma_semaphore, #tpu.memory_space<semaphore_mem>>)
      %dma_start3A_52 = arith.constant 0 : i32
      %dma_start3A_53 = arith.constant 0 : i32
      %dma_start3A_54 = tpu.memref_slice %arg5[%arg0, %dma_start3A_52, %dma_start3A_53] : memref<2x10016x128xf32, #tpu.memory_space<hbm>> -> memref<1x10016x128xf32, #tpu.memory_space<hbm>>
      %dma_start3A_55 = tpu.memref_squeeze %dma_start3A_54 : memref<1x10016x128xf32, #tpu.memory_space<hbm>> -> memref<10016x128xf32, #tpu.memory_space<hbm>>
      %dma_start3A_56 = arith.constant 0 : i32
      %dma_start3A_57 = arith.constant 0 : i32
      %dma_start3A_58 = tpu.memref_slice %dma_start3A_55[%dma_start3A_56, %dma_start3A_57] : memref<10016x128xf32, #tpu.memory_space<hbm>> -> memref<10016x128xf32, #tpu.memory_space<hbm>>
      tpu.enqueue_indirect_dma source(%dma_start3A_58 : memref<10016x128xf32, #tpu.memory_space<hbm>>) target(%arg11 : memref<128x128xf32, #tpu.memory_space<vmem>>) offsets(%arg9 : memref<128xi32, #tpu.memory_space<vmem>>) semaphore(%arg14 : memref<!tpu.dma_semaphore, #tpu.memory_space<semaphore_mem>>)
      %dma_wait3A = arith.constant 0 : i32
      %dma_wait3A_59 = tpu.memref_slice %arg8[%scan3A_38, %dma_wait3A] : memref<80x128xi32, #tpu.memory_space<vmem>> -> memref<1x128xi32, #tpu.memory_space<vmem>>
      %dma_wait3A_60 = tpu.memref_squeeze %dma_wait3A_59 : memref<1x128xi32, #tpu.memory_space<vmem>> -> memref<128xi32, #tpu.memory_space<vmem>>
      %dma_wait3A_61 = arith.constant 0 : i32
      %dma_wait3A_62 = arith.constant 0 : i32
      %dma_wait3A_63 = tpu.memref_slice %arg4[%arg0, %dma_wait3A_61, %dma_wait3A_62] : memref<2x10016x128xf32, #tpu.memory_space<hbm>> -> memref<1x10016x128xf32, #tpu.memory_space<hbm>>
      %dma_wait3A_64 = tpu.memref_squeeze %dma_wait3A_63 : memref<1x10016x128xf32, #tpu.memory_space<hbm>> -> memref<10016x128xf32, #tpu.memory_space<hbm>>
      %dma_wait3A_65 = arith.constant 0 : i32
      %dma_wait3A_66 = arith.constant 0 : i32
      %dma_wait3A_67 = tpu.memref_slice %dma_wait3A_64[%dma_wait3A_65, %dma_wait3A_66] : memref<10016x128xf32, #tpu.memory_space<hbm>> -> memref<10016x128xf32, #tpu.memory_space<hbm>>
      tpu.wait_indirect_dma semaphore(%arg13 : memref<!tpu.dma_semaphore, #tpu.memory_space<semaphore_mem>>) src(%dma_wait3A_67 : memref<10016x128xf32, #tpu.memory_space<hbm>>) dst(%arg10 : memref<128x128xf32, #tpu.memory_space<vmem>>)
      %dma_wait3A_68 = arith.constant 0 : i32
      %dma_wait3A_69 = arith.constant 0 : i32
      %dma_wait3A_70 = tpu.memref_slice %arg5[%arg0, %dma_wait3A_68, %dma_wait3A_69] : memref<2x10016x128xf32, #tpu.memory_space<hbm>> -> memref<1x10016x128xf32, #tpu.memory_space<hbm>>
      %dma_wait3A_71 = tpu.memref_squeeze %dma_wait3A_70 : memref<1x10016x128xf32, #tpu.memory_space<hbm>> -> memref<10016x128xf32, #tpu.memory_space<hbm>>
      %dma_wait3A_72 = arith.constant 0 : i32
      %dma_wait3A_73 = arith.constant 0 : i32
      %dma_wait3A_74 = tpu.memref_slice %dma_wait3A_71[%dma_wait3A_72, %dma_wait3A_73] : memref<10016x128xf32, #tpu.memory_space<hbm>> -> memref<10016x128xf32, #tpu.memory_space<hbm>>
      tpu.wait_indirect_dma semaphore(%arg14 : memref<!tpu.dma_semaphore, #tpu.memory_space<semaphore_mem>>) src(%dma_wait3A_74 : memref<10016x128xf32, #tpu.memory_space<hbm>>) dst(%arg11 : memref<128x128xf32, #tpu.memory_space<vmem>>)
      %scan3A_75 = arith.constant 0 : i32
      %scan3A_76 = arith.constant 0 : i32
      %scan3A_77 = arith.constant 128 : i32
      %scan3A_78 = arith.addi %scan3A_76, %scan3A_77 : i32
      %scan3A_79 = arith.constant 1 : i32
      %scan3A_80 = scf.for %scan3A_116 = %scan3A_76 to %scan3A_78 step %scan3A_79 iter_args(%scan3A_117 = %scan3A_75) -> (i32)  : i32 {
        %get3A = arith.index_cast %scan3A_116 : i32 to index
        %get3A_118 = arith.constant 0 : index
        %get3A_119 = tpu.vector_load %arg10[%get3A, %get3A_118] {strides = array<i32>} : memref<128x128xf32, #tpu.memory_space<vmem>>, vector<1x16xf32>,
        %get3A_120 = vector.shape_cast %get3A_119 : vector<1x16xf32> to vector<16xf32>
        %get3A_121 = arith.index_cast %scan3A_116 : i32 to index
        %get3A_122 = arith.constant 0 : index
        %get3A_123 = tpu.vector_load %arg11[%get3A_121, %get3A_122] {strides = array<i32>} : memref<128x128xf32, #tpu.memory_space<vmem>>, vector<1x16xf32>,
        %get3A_124 = vector.shape_cast %get3A_123 : vector<1x16xf32> to vector<16xf32>
        %add3A_125 = arith.addf %get3A_120, %get3A_124 : vector<16xf32>
        %swap3A = arith.index_cast %scan3A_116 : i32 to index
        %swap3A_126 = arith.constant 0 : index
        %swap3A_127 = tpu.vector_load %arg10[%swap3A, %swap3A_126] {strides = array<i32>} : memref<128x128xf32, #tpu.memory_space<vmem>>, vector<1x16xf32>,
        %swap3A_128 = vector.shape_cast %swap3A_127 : vector<1x16xf32> to vector<16xf32>
        %swap3A_129 = vector.shape_cast %add3A_125 : vector<16xf32> to vector<1x16xf32>
        tpu.vector_store %arg10[%swap3A, %swap3A_126], %swap3A_129 {strides = array<i32>} : memref<128x128xf32, #tpu.memory_space<vmem>>, vector<1x16xf32>,
        %get3A_130 = arith.index_cast %scan3A_116 : i32 to index
        %get3A_131 = arith.constant 16 : index
        %get3A_132 = tpu.vector_load %arg10[%get3A_130, %get3A_131] {strides = array<i32>} : memref<128x128xf32, #tpu.memory_space<vmem>>, vector<1x16xf32>,
        %get3A_133 = vector.shape_cast %get3A_132 : vector<1x16xf32> to vector<16xf32>
        %get3A_134 = arith.index_cast %scan3A_116 : i32 to index
        %get3A_135 = arith.constant 16 : index
        %get3A_136 = tpu.vector_load %arg11[%get3A_134, %get3A_135] {strides = array<i32>} : memref<128x128xf32, #tpu.memory_space<vmem>>, vector<1x16xf32>,
        %get3A_137 = vector.shape_cast %get3A_136 : vector<1x16xf32> to vector<16xf32>
        %add3A_138 = arith.addf %get3A_133, %get3A_137 : vector<16xf32>
        %swap3A_139 = arith.index_cast %scan3A_116 : i32 to index
        %swap3A_140 = arith.constant 16 : index
        %swap3A_141 = tpu.vector_load %arg10[%swap3A_139, %swap3A_140] {strides = array<i32>} : memref<128x128xf32, #tpu.memory_space<vmem>>, vector<1x16xf32>,
        %swap3A_142 = vector.shape_cast %swap3A_141 : vector<1x16xf32> to vector<16xf32>
        %swap3A_143 = vector.shape_cast %add3A_138 : vector<16xf32> to vector<1x16xf32>
        tpu.vector_store %arg10[%swap3A_139, %swap3A_140], %swap3A_143 {strides = array<i32>} : memref<128x128xf32, #tpu.memory_space<vmem>>, vector<1x16xf32>,
        %get3A_144 = arith.index_cast %scan3A_116 : i32 to index
        %get3A_145 = arith.constant 32 : index
        %get3A_146 = tpu.vector_load %arg10[%get3A_144, %get3A_145] {strides = array<i32>} : memref<128x128xf32, #tpu.memory_space<vmem>>, vector<1x16xf32>,
        %get3A_147 = vector.shape_cast %get3A_146 : vector<1x16xf32> to vector<16xf32>
        %get3A_148 = arith.index_cast %scan3A_116 : i32 to index
        %get3A_149 = arith.constant 32 : index
        %get3A_150 = tpu.vector_load %arg11[%get3A_148, %get3A_149] {strides = array<i32>} : memref<128x128xf32, #tpu.memory_space<vmem>>, vector<1x16xf32>,
        %get3A_151 = vector.shape_cast %get3A_150 : vector<1x16xf32> to vector<16xf32>
        %add3A_152 = arith.addf %get3A_147, %get3A_151 : vector<16xf32>
        %swap3A_153 = arith.index_cast %scan3A_116 : i32 to index
        %swap3A_154 = arith.constant 32 : index
        %swap3A_155 = tpu.vector_load %arg10[%swap3A_153, %swap3A_154] {strides = array<i32>} : memref<128x128xf32, #tpu.memory_space<vmem>>, vector<1x16xf32>,
        %swap3A_156 = vector.shape_cast %swap3A_155 : vector<1x16xf32> to vector<16xf32>
        %swap3A_157 = vector.shape_cast %add3A_152 : vector<16xf32> to vector<1x16xf32>
        tpu.vector_store %arg10[%swap3A_153, %swap3A_154], %swap3A_157 {strides = array<i32>} : memref<128x128xf32, #tpu.memory_space<vmem>>, vector<1x16xf32>,
        %get3A_158 = arith.index_cast %scan3A_116 : i32 to index
        %get3A_159 = arith.constant 48 : index
        %get3A_160 = tpu.vector_load %arg10[%get3A_158, %get3A_159] {strides = array<i32>} : memref<128x128xf32, #tpu.memory_space<vmem>>, vector<1x16xf32>,
        %get3A_161 = vector.shape_cast %get3A_160 : vector<1x16xf32> to vector<16xf32>
        %get3A_162 = arith.index_cast %scan3A_116 : i32 to index
        %get3A_163 = arith.constant 48 : index
        %get3A_164 = tpu.vector_load %arg11[%get3A_162, %get3A_163] {strides = array<i32>} : memref<128x128xf32, #tpu.memory_space<vmem>>, vector<1x16xf32>,
        %get3A_165 = vector.shape_cast %get3A_164 : vector<1x16xf32> to vector<16xf32>
        %add3A_166 = arith.addf %get3A_161, %get3A_165 : vector<16xf32>
        %swap3A_167 = arith.index_cast %scan3A_116 : i32 to index
        %swap3A_168 = arith.constant 48 : index
        %swap3A_169 = tpu.vector_load %arg10[%swap3A_167, %swap3A_168] {strides = array<i32>} : memref<128x128xf32, #tpu.memory_space<vmem>>, vector<1x16xf32>,
        %swap3A_170 = vector.shape_cast %swap3A_169 : vector<1x16xf32> to vector<16xf32>
        %swap3A_171 = vector.shape_cast %add3A_166 : vector<16xf32> to vector<1x16xf32>
        tpu.vector_store %arg10[%swap3A_167, %swap3A_168], %swap3A_171 {strides = array<i32>} : memref<128x128xf32, #tpu.memory_space<vmem>>, vector<1x16xf32>,
        %get3A_172 = arith.index_cast %scan3A_116 : i32 to index
        %get3A_173 = arith.constant 64 : index
        %get3A_174 = tpu.vector_load %arg10[%get3A_172, %get3A_173] {strides = array<i32>} : memref<128x128xf32, #tpu.memory_space<vmem>>, vector<1x16xf32>,
        %get3A_175 = vector.shape_cast %get3A_174 : vector<1x16xf32> to vector<16xf32>
        %get3A_176 = arith.index_cast %scan3A_116 : i32 to index
        %get3A_177 = arith.constant 64 : index
        %get3A_178 = tpu.vector_load %arg11[%get3A_176, %get3A_177] {strides = array<i32>} : memref<128x128xf32, #tpu.memory_space<vmem>>, vector<1x16xf32>,
        %get3A_179 = vector.shape_cast %get3A_178 : vector<1x16xf32> to vector<16xf32>
        %add3A_180 = arith.addf %get3A_175, %get3A_179 : vector<16xf32>
        %swap3A_181 = arith.index_cast %scan3A_116 : i32 to index
        %swap3A_182 = arith.constant 64 : index
        %swap3A_183 = tpu.vector_load %arg10[%swap3A_181, %swap3A_182] {strides = array<i32>} : memref<128x128xf32, #tpu.memory_space<vmem>>, vector<1x16xf32>,
        %swap3A_184 = vector.shape_cast %swap3A_183 : vector<1x16xf32> to vector<16xf32>
        %swap3A_185 = vector.shape_cast %add3A_180 : vector<16xf32> to vector<1x16xf32>
        tpu.vector_store %arg10[%swap3A_181, %swap3A_182], %swap3A_185 {strides = array<i32>} : memref<128x128xf32, #tpu.memory_space<vmem>>, vector<1x16xf32>,
        %get3A_186 = arith.index_cast %scan3A_116 : i32 to index
        %get3A_187 = arith.constant 80 : index
        %get3A_188 = tpu.vector_load %arg10[%get3A_186, %get3A_187] {strides = array<i32>} : memref<128x128xf32, #tpu.memory_space<vmem>>, vector<1x16xf32>,
        %get3A_189 = vector.shape_cast %get3A_188 : vector<1x16xf32> to vector<16xf32>
        %get3A_190 = arith.index_cast %scan3A_116 : i32 to index
        %get3A_191 = arith.constant 80 : index
        %get3A_192 = tpu.vector_load %arg11[%get3A_190, %get3A_191] {strides = array<i32>} : memref<128x128xf32, #tpu.memory_space<vmem>>, vector<1x16xf32>,
        %get3A_193 = vector.shape_cast %get3A_192 : vector<1x16xf32> to vector<16xf32>
        %add3A_194 = arith.addf %get3A_189, %get3A_193 : vector<16xf32>
        %swap3A_195 = arith.index_cast %scan3A_116 : i32 to index
        %swap3A_196 = arith.constant 80 : index
        %swap3A_197 = tpu.vector_load %arg10[%swap3A_195, %swap3A_196] {strides = array<i32>} : memref<128x128xf32, #tpu.memory_space<vmem>>, vector<1x16xf32>,
        %swap3A_198 = vector.shape_cast %swap3A_197 : vector<1x16xf32> to vector<16xf32>
        %swap3A_199 = vector.shape_cast %add3A_194 : vector<16xf32> to vector<1x16xf32>
        tpu.vector_store %arg10[%swap3A_195, %swap3A_196], %swap3A_199 {strides = array<i32>} : memref<128x128xf32, #tpu.memory_space<vmem>>, vector<1x16xf32>,
        %get3A_200 = arith.index_cast %scan3A_116 : i32 to index
        %get3A_201 = arith.constant 96 : index
        %get3A_202 = tpu.vector_load %arg10[%get3A_200, %get3A_201] {strides = array<i32>} : memref<128x128xf32, #tpu.memory_space<vmem>>, vector<1x16xf32>,
        %get3A_203 = vector.shape_cast %get3A_202 : vector<1x16xf32> to vector<16xf32>
        %get3A_204 = arith.index_cast %scan3A_116 : i32 to index
        %get3A_205 = arith.constant 96 : index
        %get3A_206 = tpu.vector_load %arg11[%get3A_204, %get3A_205] {strides = array<i32>} : memref<128x128xf32, #tpu.memory_space<vmem>>, vector<1x16xf32>,
        %get3A_207 = vector.shape_cast %get3A_206 : vector<1x16xf32> to vector<16xf32>
        %add3A_208 = arith.addf %get3A_203, %get3A_207 : vector<16xf32>
        %swap3A_209 = arith.index_cast %scan3A_116 : i32 to index
        %swap3A_210 = arith.constant 96 : index
        %swap3A_211 = tpu.vector_load %arg10[%swap3A_209, %swap3A_210] {strides = array<i32>} : memref<128x128xf32, #tpu.memory_space<vmem>>, vector<1x16xf32>,
        %swap3A_212 = vector.shape_cast %swap3A_211 : vector<1x16xf32> to vector<16xf32>
        %swap3A_213 = vector.shape_cast %add3A_208 : vector<16xf32> to vector<1x16xf32>
        tpu.vector_store %arg10[%swap3A_209, %swap3A_210], %swap3A_213 {strides = array<i32>} : memref<128x128xf32, #tpu.memory_space<vmem>>, vector<1x16xf32>,
        %get3A_214 = arith.index_cast %scan3A_116 : i32 to index
        %get3A_215 = arith.constant 112 : index
        %get3A_216 = tpu.vector_load %arg10[%get3A_214, %get3A_215] {strides = array<i32>} : memref<128x128xf32, #tpu.memory_space<vmem>>, vector<1x16xf32>,
        %get3A_217 = vector.shape_cast %get3A_216 : vector<1x16xf32> to vector<16xf32>
        %get3A_218 = arith.index_cast %scan3A_116 : i32 to index
        %get3A_219 = arith.constant 112 : index
        %get3A_220 = tpu.vector_load %arg11[%get3A_218, %get3A_219] {strides = array<i32>} : memref<128x128xf32, #tpu.memory_space<vmem>>, vector<1x16xf32>,
        %get3A_221 = vector.shape_cast %get3A_220 : vector<1x16xf32> to vector<16xf32>
        %add3A_222 = arith.addf %get3A_217, %get3A_221 : vector<16xf32>
        %swap3A_223 = arith.index_cast %scan3A_116 : i32 to index
        %swap3A_224 = arith.constant 112 : index
        %swap3A_225 = tpu.vector_load %arg10[%swap3A_223, %swap3A_224] {strides = array<i32>} : memref<128x128xf32, #tpu.memory_space<vmem>>, vector<1x16xf32>,
        %swap3A_226 = vector.shape_cast %swap3A_225 : vector<1x16xf32> to vector<16xf32>
        %swap3A_227 = vector.shape_cast %add3A_222 : vector<16xf32> to vector<1x16xf32>
        tpu.vector_store %arg10[%swap3A_223, %swap3A_224], %swap3A_227 {strides = array<i32>} : memref<128x128xf32, #tpu.memory_space<vmem>>, vector<1x16xf32>,
        %scan3A_228 = arith.constant 0 : i32
        scf.yield %scan3A_228 : i32
      }
      %scan3A_81 = arith.constant 128 : i32
      %mul3A_82 = arith.constant 128 : i32
      %mul3A_83 = arith.muli %add3A_42, %mul3A_82 : i32
      %dma_start3A_84 = arith.constant 0 : i32
      %dma_start3A_85 = arith.constant 0 : i32
      %dma_start3A_86 = tpu.memref_slice %arg6[%arg0, %dma_start3A_84, %dma_start3A_85] : memref<2x163840x128xf32, #tpu.memory_space<hbm>> -> memref<1x163840x128xf32, #tpu.memory_space<hbm>>
      %dma_start3A_87 = tpu.memref_squeeze %dma_start3A_86 : memref<1x163840x128xf32, #tpu.memory_space<hbm>> -> memref<163840x128xf32, #tpu.memory_space<hbm>>
      %dma_start3A_88 = arith.constant 0 : i32
      %dma_start3A_89 = tpu.memref_slice %dma_start3A_87[%mul3A_83, %dma_start3A_88] : memref<163840x128xf32, #tpu.memory_space<hbm>> -> memref<128x128xf32, #tpu.memory_space<hbm>>
      %dma_start3A_90 = arith.constant 0 : i32
      %dma_start3A_91 = arith.constant 0 : i32
      %dma_start3A_92 = tpu.memref_slice %arg6[%arg0, %dma_start3A_90, %dma_start3A_91] : memref<2x163840x128xf32, #tpu.memory_space<hbm>> -> memref<1x163840x128xf32, #tpu.memory_space<hbm>>
      %dma_start3A_93 = tpu.memref_squeeze %dma_start3A_92 : memref<1x163840x128xf32, #tpu.memory_space<hbm>> -> memref<163840x128xf32, #tpu.memory_space<hbm>>
      %dma_start3A_94 = arith.constant 0 : i32
      %dma_start3A_95 = tpu.memref_slice %dma_start3A_93[%mul3A_83, %dma_start3A_94] : memref<163840x128xf32, #tpu.memory_space<hbm>> -> memref<128x128xf32, #tpu.memory_space<hbm>>
      tpu.enqueue_dma source(%dma_start3A_95 : memref<128x128xf32, #tpu.memory_space<hbm>>) target(%arg11 : memref<128x128xf32, #tpu.memory_space<vmem>>) target_semaphore(%arg15 : memref<!tpu.dma_semaphore, #tpu.memory_space<semaphore_mem>>)
      %dma_wait3A_96 = arith.constant 0 : i32
      %dma_wait3A_97 = arith.constant 0 : i32
      %dma_wait3A_98 = tpu.memref_slice %arg6[%arg0, %dma_wait3A_96, %dma_wait3A_97] : memref<2x163840x128xf32, #tpu.memory_space<hbm>> -> memref<1x163840x128xf32, #tpu.memory_space<hbm>>
      %dma_wait3A_99 = tpu.memref_squeeze %dma_wait3A_98 : memref<1x163840x128xf32, #tpu.memory_space<hbm>> -> memref<163840x128xf32, #tpu.memory_space<hbm>>
      %dma_wait3A_100 = arith.constant 0 : i32
      %dma_wait3A_101 = tpu.memref_slice %dma_wait3A_99[%mul3A_83, %dma_wait3A_100] : memref<163840x128xf32, #tpu.memory_space<hbm>> -> memref<128x128xf32, #tpu.memory_space<hbm>>
      %dma_wait3A_102 = arith.constant 0 : i32
      %dma_wait3A_103 = arith.constant 0 : i32
      %dma_wait3A_104 = tpu.memref_slice %arg6[%arg0, %dma_wait3A_102, %dma_wait3A_103] : memref<2x163840x128xf32, #tpu.memory_space<hbm>> -> memref<1x163840x128xf32, #tpu.memory_space<hbm>>
      %dma_wait3A_105 = tpu.memref_squeeze %dma_wait3A_104 : memref<1x163840x128xf32, #tpu.memory_space<hbm>> -> memref<163840x128xf32, #tpu.memory_space<hbm>>
      %dma_wait3A_106 = arith.constant 0 : i32
      %dma_wait3A_107 = tpu.memref_slice %dma_wait3A_105[%mul3A_83, %dma_wait3A_106] : memref<163840x128xf32, #tpu.memory_space<hbm>> -> memref<128x128xf32, #tpu.memory_space<hbm>>
      tpu.wait_dma2 semaphore(%arg15 : memref<!tpu.dma_semaphore, #tpu.memory_space<semaphore_mem>>) src(%dma_wait3A_107 : memref<128x128xf32, #tpu.memory_space<hbm>>) dst(%arg11 : memref<128x128xf32, #tpu.memory_space<vmem>>)
      %scan3A_108 = arith.constant 0 : i32
      %scan3A_109 = arith.constant 0 : i32
      %scan3A_110 = arith.constant 128 : i32
      %scan3A_111 = arith.addi %scan3A_109, %scan3A_110 : i32
      %scan3A_112 = arith.constant 1 : i32
      %scan3A_113 = scf.for %scan3A_116 = %scan3A_109 to %scan3A_111 step %scan3A_112 iter_args(%scan3A_117 = %scan3A_108) -> (i32)  : i32 {
        %get3A = arith.index_cast %scan3A_116 : i32 to index
        %get3A_118 = arith.constant 0 : index
        %get3A_119 = tpu.vector_load %arg10[%get3A, %get3A_118] {strides = array<i32>} : memref<128x128xf32, #tpu.memory_space<vmem>>, vector<1x16xf32>,
        %get3A_120 = vector.shape_cast %get3A_119 : vector<1x16xf32> to vector<16xf32>
        %get3A_121 = arith.index_cast %scan3A_116 : i32 to index
        %get3A_122 = arith.constant 0 : index
        %get3A_123 = tpu.vector_load %arg11[%get3A_121, %get3A_122] {strides = array<i32>} : memref<128x128xf32, #tpu.memory_space<vmem>>, vector<1x16xf32>,
        %get3A_124 = vector.shape_cast %get3A_123 : vector<1x16xf32> to vector<16xf32>
        %add3A_125 = arith.addf %get3A_120, %get3A_124 : vector<16xf32>
        %max3A = arith.constant 0.000000e+00 : f32
        %max3A_126 = vector.broadcast %max3A : f32 to vector<16xf32>
        %max3A_127 = arith.maximumf %add3A_125, %max3A_126 : vector<16xf32>
        %swap3A = arith.index_cast %scan3A_116 : i32 to index
        %swap3A_128 = arith.constant 0 : index
        %swap3A_129 = tpu.vector_load %arg10[%swap3A, %swap3A_128] {strides = array<i32>} : memref<128x128xf32, #tpu.memory_space<vmem>>, vector<1x16xf32>,
        %swap3A_130 = vector.shape_cast %swap3A_129 : vector<1x16xf32> to vector<16xf32>
        %swap3A_131 = vector.shape_cast %max3A_127 : vector<16xf32> to vector<1x16xf32>
        tpu.vector_store %arg10[%swap3A, %swap3A_128], %swap3A_131 {strides = array<i32>} : memref<128x128xf32, #tpu.memory_space<vmem>>, vector<1x16xf32>,
        %get3A_132 = arith.index_cast %scan3A_116 : i32 to index
        %get3A_133 = arith.constant 16 : index
        %get3A_134 = tpu.vector_load %arg10[%get3A_132, %get3A_133] {strides = array<i32>} : memref<128x128xf32, #tpu.memory_space<vmem>>, vector<1x16xf32>,
        %get3A_135 = vector.shape_cast %get3A_134 : vector<1x16xf32> to vector<16xf32>
        %get3A_136 = arith.index_cast %scan3A_116 : i32 to index
        %get3A_137 = arith.constant 16 : index
        %get3A_138 = tpu.vector_load %arg11[%get3A_136, %get3A_137] {strides = array<i32>} : memref<128x128xf32, #tpu.memory_space<vmem>>, vector<1x16xf32>,
        %get3A_139 = vector.shape_cast %get3A_138 : vector<1x16xf32> to vector<16xf32>
        %add3A_140 = arith.addf %get3A_135, %get3A_139 : vector<16xf32>
        %max3A_141 = arith.constant 0.000000e+00 : f32
        %max3A_142 = vector.broadcast %max3A_141 : f32 to vector<16xf32>
        %max3A_143 = arith.maximumf %add3A_140, %max3A_142 : vector<16xf32>
        %swap3A_144 = arith.index_cast %scan3A_116 : i32 to index
        %swap3A_145 = arith.constant 16 : index
        %swap3A_146 = tpu.vector_load %arg10[%swap3A_144, %swap3A_145] {strides = array<i32>} : memref<128x128xf32, #tpu.memory_space<vmem>>, vector<1x16xf32>,
        %swap3A_147 = vector.shape_cast %swap3A_146 : vector<1x16xf32> to vector<16xf32>
        %swap3A_148 = vector.shape_cast %max3A_143 : vector<16xf32> to vector<1x16xf32>
        tpu.vector_store %arg10[%swap3A_144, %swap3A_145], %swap3A_148 {strides = array<i32>} : memref<128x128xf32, #tpu.memory_space<vmem>>, vector<1x16xf32>,
        %get3A_149 = arith.index_cast %scan3A_116 : i32 to index
        %get3A_150 = arith.constant 32 : index
        %get3A_151 = tpu.vector_load %arg10[%get3A_149, %get3A_150] {strides = array<i32>} : memref<128x128xf32, #tpu.memory_space<vmem>>, vector<1x16xf32>,
        %get3A_152 = vector.shape_cast %get3A_151 : vector<1x16xf32> to vector<16xf32>
        %get3A_153 = arith.index_cast %scan3A_116 : i32 to index
        %get3A_154 = arith.constant 32 : index
        %get3A_155 = tpu.vector_load %arg11[%get3A_153, %get3A_154] {strides = array<i32>} : memref<128x128xf32, #tpu.memory_space<vmem>>, vector<1x16xf32>,
        %get3A_156 = vector.shape_cast %get3A_155 : vector<1x16xf32> to vector<16xf32>
        %add3A_157 = arith.addf %get3A_152, %get3A_156 : vector<16xf32>
        %max3A_158 = arith.constant 0.000000e+00 : f32
        %max3A_159 = vector.broadcast %max3A_158 : f32 to vector<16xf32>
        %max3A_160 = arith.maximumf %add3A_157, %max3A_159 : vector<16xf32>
        %swap3A_161 = arith.index_cast %scan3A_116 : i32 to index
        %swap3A_162 = arith.constant 32 : index
        %swap3A_163 = tpu.vector_load %arg10[%swap3A_161, %swap3A_162] {strides = array<i32>} : memref<128x128xf32, #tpu.memory_space<vmem>>, vector<1x16xf32>,
        %swap3A_164 = vector.shape_cast %swap3A_163 : vector<1x16xf32> to vector<16xf32>
        %swap3A_165 = vector.shape_cast %max3A_160 : vector<16xf32> to vector<1x16xf32>
        tpu.vector_store %arg10[%swap3A_161, %swap3A_162], %swap3A_165 {strides = array<i32>} : memref<128x128xf32, #tpu.memory_space<vmem>>, vector<1x16xf32>,
        %get3A_166 = arith.index_cast %scan3A_116 : i32 to index
        %get3A_167 = arith.constant 48 : index
        %get3A_168 = tpu.vector_load %arg10[%get3A_166, %get3A_167] {strides = array<i32>} : memref<128x128xf32, #tpu.memory_space<vmem>>, vector<1x16xf32>,
        %get3A_169 = vector.shape_cast %get3A_168 : vector<1x16xf32> to vector<16xf32>
        %get3A_170 = arith.index_cast %scan3A_116 : i32 to index
        %get3A_171 = arith.constant 48 : index
        %get3A_172 = tpu.vector_load %arg11[%get3A_170, %get3A_171] {strides = array<i32>} : memref<128x128xf32, #tpu.memory_space<vmem>>, vector<1x16xf32>,
        %get3A_173 = vector.shape_cast %get3A_172 : vector<1x16xf32> to vector<16xf32>
        %add3A_174 = arith.addf %get3A_169, %get3A_173 : vector<16xf32>
        %max3A_175 = arith.constant 0.000000e+00 : f32
        %max3A_176 = vector.broadcast %max3A_175 : f32 to vector<16xf32>
        %max3A_177 = arith.maximumf %add3A_174, %max3A_176 : vector<16xf32>
        %swap3A_178 = arith.index_cast %scan3A_116 : i32 to index
        %swap3A_179 = arith.constant 48 : index
        %swap3A_180 = tpu.vector_load %arg10[%swap3A_178, %swap3A_179] {strides = array<i32>} : memref<128x128xf32, #tpu.memory_space<vmem>>, vector<1x16xf32>,
        %swap3A_181 = vector.shape_cast %swap3A_180 : vector<1x16xf32> to vector<16xf32>
        %swap3A_182 = vector.shape_cast %max3A_177 : vector<16xf32> to vector<1x16xf32>
        tpu.vector_store %arg10[%swap3A_178, %swap3A_179], %swap3A_182 {strides = array<i32>} : memref<128x128xf32, #tpu.memory_space<vmem>>, vector<1x16xf32>,
        %get3A_183 = arith.index_cast %scan3A_116 : i32 to index
        %get3A_184 = arith.constant 64 : index
        %get3A_185 = tpu.vector_load %arg10[%get3A_183, %get3A_184] {strides = array<i32>} : memref<128x128xf32, #tpu.memory_space<vmem>>, vector<1x16xf32>,
        %get3A_186 = vector.shape_cast %get3A_185 : vector<1x16xf32> to vector<16xf32>
        %get3A_187 = arith.index_cast %scan3A_116 : i32 to index
        %get3A_188 = arith.constant 64 : index
        %get3A_189 = tpu.vector_load %arg11[%get3A_187, %get3A_188] {strides = array<i32>} : memref<128x128xf32, #tpu.memory_space<vmem>>, vector<1x16xf32>,
        %get3A_190 = vector.shape_cast %get3A_189 : vector<1x16xf32> to vector<16xf32>
        %add3A_191 = arith.addf %get3A_186, %get3A_190 : vector<16xf32>
        %max3A_192 = arith.constant 0.000000e+00 : f32
        %max3A_193 = vector.broadcast %max3A_192 : f32 to vector<16xf32>
        %max3A_194 = arith.maximumf %add3A_191, %max3A_193 : vector<16xf32>
        %swap3A_195 = arith.index_cast %scan3A_116 : i32 to index
        %swap3A_196 = arith.constant 64 : index
        %swap3A_197 = tpu.vector_load %arg10[%swap3A_195, %swap3A_196] {strides = array<i32>} : memref<128x128xf32, #tpu.memory_space<vmem>>, vector<1x16xf32>,
        %swap3A_198 = vector.shape_cast %swap3A_197 : vector<1x16xf32> to vector<16xf32>
        %swap3A_199 = vector.shape_cast %max3A_194 : vector<16xf32> to vector<1x16xf32>
        tpu.vector_store %arg10[%swap3A_195, %swap3A_196], %swap3A_199 {strides = array<i32>} : memref<128x128xf32, #tpu.memory_space<vmem>>, vector<1x16xf32>,
        %get3A_200 = arith.index_cast %scan3A_116 : i32 to index
        %get3A_201 = arith.constant 80 : index
        %get3A_202 = tpu.vector_load %arg10[%get3A_200, %get3A_201] {strides = array<i32>} : memref<128x128xf32, #tpu.memory_space<vmem>>, vector<1x16xf32>,
        %get3A_203 = vector.shape_cast %get3A_202 : vector<1x16xf32> to vector<16xf32>
        %get3A_204 = arith.index_cast %scan3A_116 : i32 to index
        %get3A_205 = arith.constant 80 : index
        %get3A_206 = tpu.vector_load %arg11[%get3A_204, %get3A_205] {strides = array<i32>} : memref<128x128xf32, #tpu.memory_space<vmem>>, vector<1x16xf32>,
        %get3A_207 = vector.shape_cast %get3A_206 : vector<1x16xf32> to vector<16xf32>
        %add3A_208 = arith.addf %get3A_203, %get3A_207 : vector<16xf32>
        %max3A_209 = arith.constant 0.000000e+00 : f32
        %max3A_210 = vector.broadcast %max3A_209 : f32 to vector<16xf32>
        %max3A_211 = arith.maximumf %add3A_208, %max3A_210 : vector<16xf32>
        %swap3A_212 = arith.index_cast %scan3A_116 : i32 to index
        %swap3A_213 = arith.constant 80 : index
        %swap3A_214 = tpu.vector_load %arg10[%swap3A_212, %swap3A_213] {strides = array<i32>} : memref<128x128xf32, #tpu.memory_space<vmem>>, vector<1x16xf32>,
        %swap3A_215 = vector.shape_cast %swap3A_214 : vector<1x16xf32> to vector<16xf32>
        %swap3A_216 = vector.shape_cast %max3A_211 : vector<16xf32> to vector<1x16xf32>
        tpu.vector_store %arg10[%swap3A_212, %swap3A_213], %swap3A_216 {strides = array<i32>} : memref<128x128xf32, #tpu.memory_space<vmem>>, vector<1x16xf32>,
        %get3A_217 = arith.index_cast %scan3A_116 : i32 to index
        %get3A_218 = arith.constant 96 : index
        %get3A_219 = tpu.vector_load %arg10[%get3A_217, %get3A_218] {strides = array<i32>} : memref<128x128xf32, #tpu.memory_space<vmem>>, vector<1x16xf32>,
        %get3A_220 = vector.shape_cast %get3A_219 : vector<1x16xf32> to vector<16xf32>
        %get3A_221 = arith.index_cast %scan3A_116 : i32 to index
        %get3A_222 = arith.constant 96 : index
        %get3A_223 = tpu.vector_load %arg11[%get3A_221, %get3A_222] {strides = array<i32>} : memref<128x128xf32, #tpu.memory_space<vmem>>, vector<1x16xf32>,
        %get3A_224 = vector.shape_cast %get3A_223 : vector<1x16xf32> to vector<16xf32>
        %add3A_225 = arith.addf %get3A_220, %get3A_224 : vector<16xf32>
        %max3A_226 = arith.constant 0.000000e+00 : f32
        %max3A_227 = vector.broadcast %max3A_226 : f32 to vector<16xf32>
        %max3A_228 = arith.maximumf %add3A_225, %max3A_227 : vector<16xf32>
        %swap3A_229 = arith.index_cast %scan3A_116 : i32 to index
        %swap3A_230 = arith.constant 96 : index
        %swap3A_231 = tpu.vector_load %arg10[%swap3A_229, %swap3A_230] {strides = array<i32>} : memref<128x128xf32, #tpu.memory_space<vmem>>, vector<1x16xf32>,
        %swap3A_232 = vector.shape_cast %swap3A_231 : vector<1x16xf32> to vector<16xf32>
        %swap3A_233 = vector.shape_cast %max3A_228 : vector<16xf32> to vector<1x16xf32>
        tpu.vector_store %arg10[%swap3A_229, %swap3A_230], %swap3A_233 {strides = array<i32>} : memref<128x128xf32, #tpu.memory_space<vmem>>, vector<1x16xf32>,
        %get3A_234 = arith.index_cast %scan3A_116 : i32 to index
        %get3A_235 = arith.constant 112 : index
        %get3A_236 = tpu.vector_load %arg10[%get3A_234, %get3A_235] {strides = array<i32>} : memref<128x128xf32, #tpu.memory_space<vmem>>, vector<1x16xf32>,
        %get3A_237 = vector.shape_cast %get3A_236 : vector<1x16xf32> to vector<16xf32>
        %get3A_238 = arith.index_cast %scan3A_116 : i32 to index
        %get3A_239 = arith.constant 112 : index
        %get3A_240 = tpu.vector_load %arg11[%get3A_238, %get3A_239] {strides = array<i32>} : memref<128x128xf32, #tpu.memory_space<vmem>>, vector<1x16xf32>,
        %get3A_241 = vector.shape_cast %get3A_240 : vector<1x16xf32> to vector<16xf32>
        %add3A_242 = arith.addf %get3A_237, %get3A_241 : vector<16xf32>
        %max3A_243 = arith.constant 0.000000e+00 : f32
        %max3A_244 = vector.broadcast %max3A_243 : f32 to vector<16xf32>
        %max3A_245 = arith.maximumf %add3A_242, %max3A_244 : vector<16xf32>
        %swap3A_246 = arith.index_cast %scan3A_116 : i32 to index
        %swap3A_247 = arith.constant 112 : index
        %swap3A_248 = tpu.vector_load %arg10[%swap3A_246, %swap3A_247] {strides = array<i32>} : memref<128x128xf32, #tpu.memory_space<vmem>>, vector<1x16xf32>,
        %swap3A_249 = vector.shape_cast %swap3A_248 : vector<1x16xf32> to vector<16xf32>
        %swap3A_250 = vector.shape_cast %max3A_245 : vector<16xf32> to vector<1x16xf32>
        tpu.vector_store %arg10[%swap3A_246, %swap3A_247], %swap3A_250 {strides = array<i32>} : memref<128x128xf32, #tpu.memory_space<vmem>>, vector<1x16xf32>,
        %scan3A_251 = arith.constant 0 : i32
        scf.yield %scan3A_251 : i32
      }
      %scan3A_114 = arith.constant 128 : i32
      "tpu.region"() ({
        %run_scoped3A = tpu.sem_alloc : memref<!tpu.dma_semaphore, #tpu.memory_space<semaphore_mem>>
        %dma_start3A_116 = arith.constant 0 : i32
        %dma_start3A_117 = tpu.memref_slice %arg8[%scan3A_38, %dma_start3A_116] : memref<80x128xi32, #tpu.memory_space<vmem>> -> memref<1x128xi32, #tpu.memory_space<vmem>>
        %dma_start3A_118 = tpu.memref_squeeze %dma_start3A_117 : memref<1x128xi32, #tpu.memory_space<vmem>> -> memref<128xi32, #tpu.memory_space<vmem>>
        %dma_start3A_119 = arith.constant 0 : i32
        %dma_start3A_120 = arith.constant 0 : i32
        %dma_start3A_121 = tpu.memref_slice %arg12[%dma_start3A_119, %dma_start3A_120] : memref<10240x128xf32, #tpu.memory_space<vmem_shared>> -> memref<10240x128xf32, #tpu.memory_space<vmem_shared>>
        tpu.enqueue_indirect_dma source(%arg10 : memref<128x128xf32, #tpu.memory_space<vmem>>) target(%dma_start3A_121 : memref<10240x128xf32, #tpu.memory_space<vmem_shared>>) offsets(%dma_start3A_118 : memref<128xi32, #tpu.memory_space<vmem>>) semaphore(%run_scoped3A : memref<!tpu.dma_semaphore, #tpu.memory_space<semaphore_mem>>) {add = true}
        %dma_wait3A_122 = arith.constant 0 : i32
        %dma_wait3A_123 = tpu.memref_slice %arg8[%scan3A_38, %dma_wait3A_122] : memref<80x128xi32, #tpu.memory_space<vmem>> -> memref<1x128xi32, #tpu.memory_space<vmem>>
        %dma_wait3A_124 = tpu.memref_squeeze %dma_wait3A_123 : memref<1x128xi32, #tpu.memory_space<vmem>> -> memref<128xi32, #tpu.memory_space<vmem>>
        %dma_wait3A_125 = arith.constant 0 : i32
        %dma_wait3A_126 = arith.constant 0 : i32
        %dma_wait3A_127 = tpu.memref_slice %arg12[%dma_wait3A_125, %dma_wait3A_126] : memref<10240x128xf32, #tpu.memory_space<vmem_shared>> -> memref<10240x128xf32, #tpu.memory_space<vmem_shared>>
        tpu.wait_indirect_dma semaphore(%run_scoped3A : memref<!tpu.dma_semaphore, #tpu.memory_space<semaphore_mem>>) src(%arg10 : memref<128x128xf32, #tpu.memory_space<vmem>>) dst(%dma_wait3A_127 : memref<10240x128xf32, #tpu.memory_space<vmem_shared>>)
        tpu.yield
      }) : () -> ()
      %scan3A_115 = arith.constant 0 : i32
      scf.yield %scan3A_115 : i32
    }
    %scan3A_32 = arith.constant 80 : i32
    %barrier3A_33 = arith.constant 0 : index
    tpu.barrier barrier_id(%barrier3A_33)
    %mul3A_34 = arith.constant 640 : i32
    %mul3A_35 = arith.muli %arg1, %mul3A_34 : i32
    %mul3A_36 = arith.constant 640 : i32
    %mul3A_37 = arith.muli %arg1, %mul3A_36 : i32
    "tpu.region"() ({
      %run_scoped3A = tpu.sem_alloc : memref<!tpu.dma_semaphore, #tpu.memory_space<semaphore_mem>>
      %dma_start3A = arith.constant 0 : i32
      %dma_start3A_38 = arith.constant 0 : i32
      %dma_start3A_39 = tpu.memref_slice %arg7[%arg0, %dma_start3A, %dma_start3A_38] : memref<2x10240x128xf32, #tpu.memory_space<hbm>> -> memref<1x10240x128xf32, #tpu.memory_space<hbm>>
      %dma_start3A_40 = tpu.memref_squeeze %dma_start3A_39 : memref<1x10240x128xf32, #tpu.memory_space<hbm>> -> memref<10240x128xf32, #tpu.memory_space<hbm>>
      %dma_start3A_41 = arith.constant 0 : i32
      %dma_start3A_42 = tpu.memref_slice %dma_start3A_40[%mul3A_37, %dma_start3A_41] : memref<10240x128xf32, #tpu.memory_space<hbm>> -> memref<640x128xf32, #tpu.memory_space<hbm>>
      %dma_start3A_43 = arith.constant 0 : i32
      %dma_start3A_44 = tpu.memref_slice %arg12[%mul3A_35, %dma_start3A_43] : memref<10240x128xf32, #tpu.memory_space<vmem_shared>> -> memref<640x128xf32, #tpu.memory_space<vmem_shared>>
      tpu.enqueue_dma source(%dma_start3A_44 : memref<640x128xf32, #tpu.memory_space<vmem_shared>>) target(%dma_start3A_42 : memref<640x128xf32, #tpu.memory_space<hbm>>) target_semaphore(%run_scoped3A : memref<!tpu.dma_semaphore, #tpu.memory_space<semaphore_mem>>)
      %dma_wait3A = arith.constant 0 : i32
      %dma_wait3A_45 = arith.constant 0 : i32
      %dma_wait3A_46 = tpu.memref_slice %arg7[%arg0, %dma_wait3A, %dma_wait3A_45] : memref<2x10240x128xf32, #tpu.memory_space<hbm>> -> memref<1x10240x128xf32, #tpu.memory_space<hbm>>
      %dma_wait3A_47 = tpu.memref_squeeze %dma_wait3A_46 : memref<1x10240x128xf32, #tpu.memory_space<hbm>> -> memref<10240x128xf32, #tpu.memory_space<hbm>>
      %dma_wait3A_48 = arith.constant 0 : i32
      %dma_wait3A_49 = tpu.memref_slice %dma_wait3A_47[%mul3A_37, %dma_wait3A_48] : memref<10240x128xf32, #tpu.memory_space<hbm>> -> memref<640x128xf32, #tpu.memory_space<hbm>>
      %dma_wait3A_50 = arith.constant 0 : i32
      %dma_wait3A_51 = tpu.memref_slice %arg12[%mul3A_35, %dma_wait3A_50] : memref<10240x128xf32, #tpu.memory_space<vmem_shared>> -> memref<640x128xf32, #tpu.memory_space<vmem_shared>>
      tpu.wait_dma2 semaphore(%run_scoped3A : memref<!tpu.dma_semaphore, #tpu.memory_space<semaphore_mem>>) src(%dma_wait3A_51 : memref<640x128xf32, #tpu.memory_space<vmem_shared>>) dst(%dma_wait3A_49 : memref<640x128xf32, #tpu.memory_space<hbm>>)
      tpu.yield
    }) : () -> ()
    return
  }
}

#map = affine_map<(d0, d1) -> (0, 0)>
#map1 = affine_map<(d0, d1) -> (0, 0, 0)>
module attributes {stable_mosaic.version = 14 : i64} {
  func.func @k(%arg0: i32, %arg1: i32, %arg2: memref<1280x128xi32, #tpu.memory_space<hbm>>, %arg3: memref<1280x128xi32, #tpu.memory_space<hbm>>, %arg4: memref<2x10016x128xf32, #tpu.memory_space<hbm>>, %arg5: memref<2x10016x128xf32, #tpu.memory_space<hbm>>, %arg6: memref<2x163840x128xf32, #tpu.memory_space<hbm>>, %arg7: memref<2x10240x128xf32, #tpu.memory_space<hbm>>, %arg8: memref<80x128xi32, #tpu.memory_space<vmem>>, %arg9: memref<128xi32, #tpu.memory_space<vmem>>, %arg10: memref<128x128xf32, #tpu.memory_space<vmem>>, %arg11: memref<128x128xf32, #tpu.memory_space<vmem>>, %arg12: memref<10240x128xf32, #tpu.memory_space<vmem_shared>>, %arg13: memref<!tpu.dma_semaphore, #tpu.memory_space<semaphore_mem>>, %arg14: memref<!tpu.dma_semaphore, #tpu.memory_space<semaphore_mem>>, %arg15: memref<!tpu.dma_semaphore, #tpu.memory_space<semaphore_mem>>) attributes {dimension_semantics = [#tpu.dimension_semantics<core_parallel>, #tpu.dimension_semantics<subcore_parallel>], iteration_bounds = array<i64: 2, 16>, scalar_prefetch = 0 : i64, scratch_operands = 8 : i64, tpu.core_type = #tpu.core_type<sc_vector_subcore>, window_params = [{transform_indices = #map}, {transform_indices = #map}, {transform_indices = #map1}, {transform_indices = #map1}, {transform_indices = #map1}, {transform_indices = #map1}]} {
    %scan3A = arith.constant 0 : i32
    %scan3A_0 = arith.constant 0 : i32
    %scan3A_1 = arith.constant 128 : i32
    %scan3A_2 = arith.addi %scan3A_0, %scan3A_1 : i32
    %scan3A_3 = arith.constant 1 : i32
    %scan3A_4 = scf.for %scan3A_38 = %scan3A_0 to %scan3A_2 step %scan3A_3 iter_args(%scan3A_39 = %scan3A) -> (i32)  : i32 {
      %broadcast_in_dim3A = arith.constant 0.000000e+00 : f32
      %broadcast_in_dim3A_40 = vector.broadcast %broadcast_in_dim3A : f32 to vector<16xf32>
      %swap3A = arith.index_cast %scan3A_38 : i32 to index
      %swap3A_41 = arith.constant 0 : index
      %swap3A_42 = tpu.vector_load %arg10[%swap3A, %swap3A_41] {strides = array<i32>} : memref<128x128xf32, #tpu.memory_space<vmem>>, vector<1x16xf32>,
      %swap3A_43 = vector.shape_cast %swap3A_42 : vector<1x16xf32> to vector<16xf32>
      %swap3A_44 = vector.shape_cast %broadcast_in_dim3A_40 : vector<16xf32> to vector<1x16xf32>
      tpu.vector_store %arg10[%swap3A, %swap3A_41], %swap3A_44 {strides = array<i32>} : memref<128x128xf32, #tpu.memory_space<vmem>>, vector<1x16xf32>,
      %broadcast_in_dim3A_45 = arith.constant 0.000000e+00 : f32
      %broadcast_in_dim3A_46 = vector.broadcast %broadcast_in_dim3A_45 : f32 to vector<16xf32>
      %swap3A_47 = arith.index_cast %scan3A_38 : i32 to index
      %swap3A_48 = arith.constant 16 : index
      %swap3A_49 = tpu.vector_load %arg10[%swap3A_47, %swap3A_48] {strides = array<i32>} : memref<128x128xf32, #tpu.memory_space<vmem>>, vector<1x16xf32>,
      %swap3A_50 = vector.shape_cast %swap3A_49 : vector<1x16xf32> to vector<16xf32>
      %swap3A_51 = vector.shape_cast %broadcast_in_dim3A_46 : vector<16xf32> to vector<1x16xf32>
      tpu.vector_store %arg10[%swap3A_47, %swap3A_48], %swap3A_51 {strides = array<i32>} : memref<128x128xf32, #tpu.memory_space<vmem>>, vector<1x16xf32>,
      %broadcast_in_dim3A_52 = arith.constant 0.000000e+00 : f32
      %broadcast_in_dim3A_53 = vector.broadcast %broadcast_in_dim3A_52 : f32 to vector<16xf32>
      %swap3A_54 = arith.index_cast %scan3A_38 : i32 to index
      %swap3A_55 = arith.constant 32 : index
      %swap3A_56 = tpu.vector_load %arg10[%swap3A_54, %swap3A_55] {strides = array<i32>} : memref<128x128xf32, #tpu.memory_space<vmem>>, vector<1x16xf32>,
      %swap3A_57 = vector.shape_cast %swap3A_56 : vector<1x16xf32> to vector<16xf32>
      %swap3A_58 = vector.shape_cast %broadcast_in_dim3A_53 : vector<16xf32> to vector<1x16xf32>
      tpu.vector_store %arg10[%swap3A_54, %swap3A_55], %swap3A_58 {strides = array<i32>} : memref<128x128xf32, #tpu.memory_space<vmem>>, vector<1x16xf32>,
      %broadcast_in_dim3A_59 = arith.constant 0.000000e+00 : f32
      %broadcast_in_dim3A_60 = vector.broadcast %broadcast_in_dim3A_59 : f32 to vector<16xf32>
      %swap3A_61 = arith.index_cast %scan3A_38 : i32 to index
      %swap3A_62 = arith.constant 48 : index
      %swap3A_63 = tpu.vector_load %arg10[%swap3A_61, %swap3A_62] {strides = array<i32>} : memref<128x128xf32, #tpu.memory_space<vmem>>, vector<1x16xf32>,
      %swap3A_64 = vector.shape_cast %swap3A_63 : vector<1x16xf32> to vector<16xf32>
      %swap3A_65 = vector.shape_cast %broadcast_in_dim3A_60 : vector<16xf32> to vector<1x16xf32>
      tpu.vector_store %arg10[%swap3A_61, %swap3A_62], %swap3A_65 {strides = array<i32>} : memref<128x128xf32, #tpu.memory_space<vmem>>, vector<1x16xf32>,
      %broadcast_in_dim3A_66 = arith.constant 0.000000e+00 : f32
      %broadcast_in_dim3A_67 = vector.broadcast %broadcast_in_dim3A_66 : f32 to vector<16xf32>
      %swap3A_68 = arith.index_cast %scan3A_38 : i32 to index
      %swap3A_69 = arith.constant 64 : index
      %swap3A_70 = tpu.vector_load %arg10[%swap3A_68, %swap3A_69] {strides = array<i32>} : memref<128x128xf32, #tpu.memory_space<vmem>>, vector<1x16xf32>,
      %swap3A_71 = vector.shape_cast %swap3A_70 : vector<1x16xf32> to vector<16xf32>
      %swap3A_72 = vector.shape_cast %broadcast_in_dim3A_67 : vector<16xf32> to vector<1x16xf32>
      tpu.vector_store %arg10[%swap3A_68, %swap3A_69], %swap3A_72 {strides = array<i32>} : memref<128x128xf32, #tpu.memory_space<vmem>>, vector<1x16xf32>,
      %broadcast_in_dim3A_73 = arith.constant 0.000000e+00 : f32
      %broadcast_in_dim3A_74 = vector.broadcast %broadcast_in_dim3A_73 : f32 to vector<16xf32>
      %swap3A_75 = arith.index_cast %scan3A_38 : i32 to index
      %swap3A_76 = arith.constant 80 : index
      %swap3A_77 = tpu.vector_load %arg10[%swap3A_75, %swap3A_76] {strides = array<i32>} : memref<128x128xf32, #tpu.memory_space<vmem>>, vector<1x16xf32>,
      %swap3A_78 = vector.shape_cast %swap3A_77 : vector<1x16xf32> to vector<16xf32>
      %swap3A_79 = vector.shape_cast %broadcast_in_dim3A_74 : vector<16xf32> to vector<1x16xf32>
      tpu.vector_store %arg10[%swap3A_75, %swap3A_76], %swap3A_79 {strides = array<i32>} : memref<128x128xf32, #tpu.memory_space<vmem>>, vector<1x16xf32>,
      %broadcast_in_dim3A_80 = arith.constant 0.000000e+00 : f32
      %broadcast_in_dim3A_81 = vector.broadcast %broadcast_in_dim3A_80 : f32 to vector<16xf32>
      %swap3A_82 = arith.index_cast %scan3A_38 : i32 to index
      %swap3A_83 = arith.constant 96 : index
      %swap3A_84 = tpu.vector_load %arg10[%swap3A_82, %swap3A_83] {strides = array<i32>} : memref<128x128xf32, #tpu.memory_space<vmem>>, vector<1x16xf32>,
      %swap3A_85 = vector.shape_cast %swap3A_84 : vector<1x16xf32> to vector<16xf32>
      %swap3A_86 = vector.shape_cast %broadcast_in_dim3A_81 : vector<16xf32> to vector<1x16xf32>
      tpu.vector_store %arg10[%swap3A_82, %swap3A_83], %swap3A_86 {strides = array<i32>} : memref<128x128xf32, #tpu.memory_space<vmem>>, vector<1x16xf32>,
      %broadcast_in_dim3A_87 = arith.constant 0.000000e+00 : f32
      %broadcast_in_dim3A_88 = vector.broadcast %broadcast_in_dim3A_87 : f32 to vector<16xf32>
      %swap3A_89 = arith.index_cast %scan3A_38 : i32 to index
      %swap3A_90 = arith.constant 112 : index
      %swap3A_91 = tpu.vector_load %arg10[%swap3A_89, %swap3A_90] {strides = array<i32>} : memref<128x128xf32, #tpu.memory_space<vmem>>, vector<1x16xf32>,
      %swap3A_92 = vector.shape_cast %swap3A_91 : vector<1x16xf32> to vector<16xf32>
      %swap3A_93 = vector.shape_cast %broadcast_in_dim3A_88 : vector<16xf32> to vector<1x16xf32>
      tpu.vector_store %arg10[%swap3A_89, %swap3A_90], %swap3A_93 {strides = array<i32>} : memref<128x128xf32, #tpu.memory_space<vmem>>, vector<1x16xf32>,
      %scan3A_94 = arith.constant 0 : i32
      scf.yield %scan3A_94 : i32
    }
    %scan3A_5 = arith.constant 128 : i32
    %mul3A = arith.constant 640 : i32
    %mul3A_6 = arith.muli %arg1, %mul3A : i32
    %add3A = arith.constant 0 : i32
    %add3A_7 = arith.addi %mul3A_6, %add3A : i32
    "tpu.region"() ({
      %run_scoped3A = tpu.sem_alloc : memref<!tpu.dma_semaphore, #tpu.memory_space<semaphore_mem>>
      %dma_start3A = arith.constant 0 : i32
      %dma_start3A_38 = tpu.memref_slice %arg12[%add3A_7, %dma_start3A] : memref<10240x128xf32, #tpu.memory_space<vmem_shared>> -> memref<128x128xf32, #tpu.memory_space<vmem_shared>>
      %dma_start3A_39 = arith.constant 0 : i32
      %dma_start3A_40 = tpu.memref_slice %arg12[%add3A_7, %dma_start3A_39] : memref<10240x128xf32, #tpu.memory_space<vmem_shared>> -> memref<128x128xf32, #tpu.memory_space<vmem_shared>>
      tpu.enqueue_dma source(%arg10 : memref<128x128xf32, #tpu.memory_space<vmem>>) target(%dma_start3A_40 : memref<128x128xf32, #tpu.memory_space<vmem_shared>>) target_semaphore(%run_scoped3A : memref<!tpu.dma_semaphore, #tpu.memory_space<semaphore_mem>>)
      %dma_wait3A = arith.constant 0 : i32
      %dma_wait3A_41 = tpu.memref_slice %arg12[%add3A_7, %dma_wait3A] : memref<10240x128xf32, #tpu.memory_space<vmem_shared>> -> memref<128x128xf32, #tpu.memory_space<vmem_shared>>
      %dma_wait3A_42 = arith.constant 0 : i32
      %dma_wait3A_43 = tpu.memref_slice %arg12[%add3A_7, %dma_wait3A_42] : memref<10240x128xf32, #tpu.memory_space<vmem_shared>> -> memref<128x128xf32, #tpu.memory_space<vmem_shared>>
      tpu.wait_dma2 semaphore(%run_scoped3A : memref<!tpu.dma_semaphore, #tpu.memory_space<semaphore_mem>>) src(%arg10 : memref<128x128xf32, #tpu.memory_space<vmem>>) dst(%dma_wait3A_43 : memref<128x128xf32, #tpu.memory_space<vmem_shared>>)
      tpu.yield
    }) : () -> ()
    %mul3A_8 = arith.constant 640 : i32
    %mul3A_9 = arith.muli %arg1, %mul3A_8 : i32
    %add3A_10 = arith.constant 128 : i32
    %add3A_11 = arith.addi %mul3A_9, %add3A_10 : i32
    "tpu.region"() ({
      %run_scoped3A = tpu.sem_alloc : memref<!tpu.dma_semaphore, #tpu.memory_space<semaphore_mem>>
      %dma_start3A = arith.constant 0 : i32
      %dma_start3A_38 = tpu.memref_slice %arg12[%add3A_11, %dma_start3A] : memref<10240x128xf32, #tpu.memory_space<vmem_shared>> -> memref<128x128xf32, #tpu.memory_space<vmem_shared>>
      %dma_start3A_39 = arith.constant 0 : i32
      %dma_start3A_40 = tpu.memref_slice %arg12[%add3A_11, %dma_start3A_39] : memref<10240x128xf32, #tpu.memory_space<vmem_shared>> -> memref<128x128xf32, #tpu.memory_space<vmem_shared>>
      tpu.enqueue_dma source(%arg10 : memref<128x128xf32, #tpu.memory_space<vmem>>) target(%dma_start3A_40 : memref<128x128xf32, #tpu.memory_space<vmem_shared>>) target_semaphore(%run_scoped3A : memref<!tpu.dma_semaphore, #tpu.memory_space<semaphore_mem>>)
      %dma_wait3A = arith.constant 0 : i32
      %dma_wait3A_41 = tpu.memref_slice %arg12[%add3A_11, %dma_wait3A] : memref<10240x128xf32, #tpu.memory_space<vmem_shared>> -> memref<128x128xf32, #tpu.memory_space<vmem_shared>>
      %dma_wait3A_42 = arith.constant 0 : i32
      %dma_wait3A_43 = tpu.memref_slice %arg12[%add3A_11, %dma_wait3A_42] : memref<10240x128xf32, #tpu.memory_space<vmem_shared>> -> memref<128x128xf32, #tpu.memory_space<vmem_shared>>
      tpu.wait_dma2 semaphore(%run_scoped3A : memref<!tpu.dma_semaphore, #tpu.memory_space<semaphore_mem>>) src(%arg10 : memref<128x128xf32, #tpu.memory_space<vmem>>) dst(%dma_wait3A_43 : memref<128x128xf32, #tpu.memory_space<vmem_shared>>)
      tpu.yield
    }) : () -> ()
    %mul3A_12 = arith.constant 640 : i32
    %mul3A_13 = arith.muli %arg1, %mul3A_12 : i32
    %add3A_14 = arith.constant 256 : i32
    %add3A_15 = arith.addi %mul3A_13, %add3A_14 : i32
    "tpu.region"() ({
      %run_scoped3A = tpu.sem_alloc : memref<!tpu.dma_semaphore, #tpu.memory_space<semaphore_mem>>
      %dma_start3A = arith.constant 0 : i32
      %dma_start3A_38 = tpu.memref_slice %arg12[%add3A_15, %dma_start3A] : memref<10240x128xf32, #tpu.memory_space<vmem_shared>> -> memref<128x128xf32, #tpu.memory_space<vmem_shared>>
      %dma_start3A_39 = arith.constant 0 : i32
      %dma_start3A_40 = tpu.memref_slice %arg12[%add3A_15, %dma_start3A_39] : memref<10240x128xf32, #tpu.memory_space<vmem_shared>> -> memref<128x128xf32, #tpu.memory_space<vmem_shared>>
      tpu.enqueue_dma source(%arg10 : memref<128x128xf32, #tpu.memory_space<vmem>>) target(%dma_start3A_40 : memref<128x128xf32, #tpu.memory_space<vmem_shared>>) target_semaphore(%run_scoped3A : memref<!tpu.dma_semaphore, #tpu.memory_space<semaphore_mem>>)
      %dma_wait3A = arith.constant 0 : i32
      %dma_wait3A_41 = tpu.memref_slice %arg12[%add3A_15, %dma_wait3A] : memref<10240x128xf32, #tpu.memory_space<vmem_shared>> -> memref<128x128xf32, #tpu.memory_space<vmem_shared>>
      %dma_wait3A_42 = arith.constant 0 : i32
      %dma_wait3A_43 = tpu.memref_slice %arg12[%add3A_15, %dma_wait3A_42] : memref<10240x128xf32, #tpu.memory_space<vmem_shared>> -> memref<128x128xf32, #tpu.memory_space<vmem_shared>>
      tpu.wait_dma2 semaphore(%run_scoped3A : memref<!tpu.dma_semaphore, #tpu.memory_space<semaphore_mem>>) src(%arg10 : memref<128x128xf32, #tpu.memory_space<vmem>>) dst(%dma_wait3A_43 : memref<128x128xf32, #tpu.memory_space<vmem_shared>>)
      tpu.yield
    }) : () -> ()
    %mul3A_16 = arith.constant 640 : i32
    %mul3A_17 = arith.muli %arg1, %mul3A_16 : i32
    %add3A_18 = arith.constant 384 : i32
    %add3A_19 = arith.addi %mul3A_17, %add3A_18 : i32
    "tpu.region"() ({
      %run_scoped3A = tpu.sem_alloc : memref<!tpu.dma_semaphore, #tpu.memory_space<semaphore_mem>>
      %dma_start3A = arith.constant 0 : i32
      %dma_start3A_38 = tpu.memref_slice %arg12[%add3A_19, %dma_start3A] : memref<10240x128xf32, #tpu.memory_space<vmem_shared>> -> memref<128x128xf32, #tpu.memory_space<vmem_shared>>
      %dma_start3A_39 = arith.constant 0 : i32
      %dma_start3A_40 = tpu.memref_slice %arg12[%add3A_19, %dma_start3A_39] : memref<10240x128xf32, #tpu.memory_space<vmem_shared>> -> memref<128x128xf32, #tpu.memory_space<vmem_shared>>
      tpu.enqueue_dma source(%arg10 : memref<128x128xf32, #tpu.memory_space<vmem>>) target(%dma_start3A_40 : memref<128x128xf32, #tpu.memory_space<vmem_shared>>) target_semaphore(%run_scoped3A : memref<!tpu.dma_semaphore, #tpu.memory_space<semaphore_mem>>)
      %dma_wait3A = arith.constant 0 : i32
      %dma_wait3A_41 = tpu.memref_slice %arg12[%add3A_19, %dma_wait3A] : memref<10240x128xf32, #tpu.memory_space<vmem_shared>> -> memref<128x128xf32, #tpu.memory_space<vmem_shared>>
      %dma_wait3A_42 = arith.constant 0 : i32
      %dma_wait3A_43 = tpu.memref_slice %arg12[%add3A_19, %dma_wait3A_42] : memref<10240x128xf32, #tpu.memory_space<vmem_shared>> -> memref<128x128xf32, #tpu.memory_space<vmem_shared>>
      tpu.wait_dma2 semaphore(%run_scoped3A : memref<!tpu.dma_semaphore, #tpu.memory_space<semaphore_mem>>) src(%arg10 : memref<128x128xf32, #tpu.memory_space<vmem>>) dst(%dma_wait3A_43 : memref<128x128xf32, #tpu.memory_space<vmem_shared>>)
      tpu.yield
    }) : () -> ()
    %mul3A_20 = arith.constant 640 : i32
    %mul3A_21 = arith.muli %arg1, %mul3A_20 : i32
    %add3A_22 = arith.constant 512 : i32
    %add3A_23 = arith.addi %mul3A_21, %add3A_22 : i32
    "tpu.region"() ({
      %run_scoped3A = tpu.sem_alloc : memref<!tpu.dma_semaphore, #tpu.memory_space<semaphore_mem>>
      %dma_start3A = arith.constant 0 : i32
      %dma_start3A_38 = tpu.memref_slice %arg12[%add3A_23, %dma_start3A] : memref<10240x128xf32, #tpu.memory_space<vmem_shared>> -> memref<128x128xf32, #tpu.memory_space<vmem_shared>>
      %dma_start3A_39 = arith.constant 0 : i32
      %dma_start3A_40 = tpu.memref_slice %arg12[%add3A_23, %dma_start3A_39] : memref<10240x128xf32, #tpu.memory_space<vmem_shared>> -> memref<128x128xf32, #tpu.memory_space<vmem_shared>>
      tpu.enqueue_dma source(%arg10 : memref<128x128xf32, #tpu.memory_space<vmem>>) target(%dma_start3A_40 : memref<128x128xf32, #tpu.memory_space<vmem_shared>>) target_semaphore(%run_scoped3A : memref<!tpu.dma_semaphore, #tpu.memory_space<semaphore_mem>>)
      %dma_wait3A = arith.constant 0 : i32
      %dma_wait3A_41 = tpu.memref_slice %arg12[%add3A_23, %dma_wait3A] : memref<10240x128xf32, #tpu.memory_space<vmem_shared>> -> memref<128x128xf32, #tpu.memory_space<vmem_shared>>
      %dma_wait3A_42 = arith.constant 0 : i32
      %dma_wait3A_43 = tpu.memref_slice %arg12[%add3A_23, %dma_wait3A_42] : memref<10240x128xf32, #tpu.memory_space<vmem_shared>> -> memref<128x128xf32, #tpu.memory_space<vmem_shared>>
      tpu.wait_dma2 semaphore(%run_scoped3A : memref<!tpu.dma_semaphore, #tpu.memory_space<semaphore_mem>>) src(%arg10 : memref<128x128xf32, #tpu.memory_space<vmem>>) dst(%dma_wait3A_43 : memref<128x128xf32, #tpu.memory_space<vmem_shared>>)
      tpu.yield
    }) : () -> ()
    %barrier3A = arith.constant 0 : index
    tpu.barrier barrier_id(%barrier3A)
    %mul3A_24 = arith.constant 80 : i32
    %mul3A_25 = arith.muli %arg1, %mul3A_24 : i32
    "tpu.region"() ({
      %run_scoped3A = tpu.sem_alloc : memref<!tpu.dma_semaphore, #tpu.memory_space<semaphore_mem>>
      %dma_start3A = arith.constant 0 : i32
      %dma_start3A_38 = tpu.memref_slice %arg2[%mul3A_25, %dma_start3A] : memref<1280x128xi32, #tpu.memory_space<hbm>> -> memref<80x128xi32, #tpu.memory_space<hbm>>
      %dma_start3A_39 = arith.constant 0 : i32
      %dma_start3A_40 = tpu.memref_slice %arg2[%mul3A_25, %dma_start3A_39] : memref<1280x128xi32, #tpu.memory_space<hbm>> -> memref<80x128xi32, #tpu.memory_space<hbm>>
      tpu.enqueue_dma source(%dma_start3A_40 : memref<80x128xi32, #tpu.memory_space<hbm>>) target(%arg8 : memref<80x128xi32, #tpu.memory_space<vmem>>) target_semaphore(%run_scoped3A : memref<!tpu.dma_semaphore, #tpu.memory_space<semaphore_mem>>)
      %dma_wait3A = arith.constant 0 : i32
      %dma_wait3A_41 = tpu.memref_slice %arg2[%mul3A_25, %dma_wait3A] : memref<1280x128xi32, #tpu.memory_space<hbm>> -> memref<80x128xi32, #tpu.memory_space<hbm>>
      %dma_wait3A_42 = arith.constant 0 : i32
      %dma_wait3A_43 = tpu.memref_slice %arg2[%mul3A_25, %dma_wait3A_42] : memref<1280x128xi32, #tpu.memory_space<hbm>> -> memref<80x128xi32, #tpu.memory_space<hbm>>
      tpu.wait_dma2 semaphore(%run_scoped3A : memref<!tpu.dma_semaphore, #tpu.memory_space<semaphore_mem>>) src(%dma_wait3A_43 : memref<80x128xi32, #tpu.memory_space<hbm>>) dst(%arg8 : memref<80x128xi32, #tpu.memory_space<vmem>>)
      tpu.yield
    }) : () -> ()
    %scan3A_26 = arith.constant 0 : i32
    %scan3A_27 = arith.constant 0 : i32
    %scan3A_28 = arith.constant 80 : i32
    %scan3A_29 = arith.addi %scan3A_27, %scan3A_28 : i32
    %scan3A_30 = arith.constant 1 : i32
    %scan3A_31 = scf.for %scan3A_38 = %scan3A_27 to %scan3A_29 step %scan3A_30 iter_args(%scan3A_39 = %scan3A_26) -> (i32)  : i32 {
      %mul3A_40 = arith.constant 80 : i32
      %mul3A_41 = arith.muli %arg1, %mul3A_40 : i32
      %add3A_42 = arith.addi %mul3A_41, %scan3A_38 : i32
      "tpu.region"() ({
        %run_scoped3A = tpu.sem_alloc : memref<!tpu.dma_semaphore, #tpu.memory_space<semaphore_mem>>
        %dma_start3A_116 = arith.constant 0 : i32
        %dma_start3A_117 = tpu.memref_slice %arg3[%add3A_42, %dma_start3A_116] : memref<1280x128xi32, #tpu.memory_space<hbm>> -> memref<1x128xi32, #tpu.memory_space<hbm>>
        %dma_start3A_118 = tpu.memref_squeeze %dma_start3A_117 : memref<1x128xi32, #tpu.memory_space<hbm>> -> memref<128xi32, #tpu.memory_space<hbm>>
        %dma_start3A_119 = arith.constant 0 : i32
        %dma_start3A_120 = tpu.memref_slice %arg3[%add3A_42, %dma_start3A_119] : memref<1280x128xi32, #tpu.memory_space<hbm>> -> memref<1x128xi32, #tpu.memory_space<hbm>>
        %dma_start3A_121 = tpu.memref_squeeze %dma_start3A_120 : memref<1x128xi32, #tpu.memory_space<hbm>> -> memref<128xi32, #tpu.memory_space<hbm>>
        tpu.enqueue_dma source(%dma_start3A_121 : memref<128xi32, #tpu.memory_space<hbm>>) target(%arg9 : memref<128xi32, #tpu.memory_space<vmem>>) target_semaphore(%run_scoped3A : memref<!tpu.dma_semaphore, #tpu.memory_space<semaphore_mem>>)
        %dma_wait3A_122 = arith.constant 0 : i32
        %dma_wait3A_123 = tpu.memref_slice %arg3[%add3A_42, %dma_wait3A_122] : memref<1280x128xi32, #tpu.memory_space<hbm>> -> memref<1x128xi32, #tpu.memory_space<hbm>>
        %dma_wait3A_124 = tpu.memref_squeeze %dma_wait3A_123 : memref<1x128xi32, #tpu.memory_space<hbm>> -> memref<128xi32, #tpu.memory_space<hbm>>
        %dma_wait3A_125 = arith.constant 0 : i32
        %dma_wait3A_126 = tpu.memref_slice %arg3[%add3A_42, %dma_wait3A_125] : memref<1280x128xi32, #tpu.memory_space<hbm>> -> memref<1x128xi32, #tpu.memory_space<hbm>>
        %dma_wait3A_127 = tpu.memref_squeeze %dma_wait3A_126 : memref<1x128xi32, #tpu.memory_space<hbm>> -> memref<128xi32, #tpu.memory_space<hbm>>
        tpu.wait_dma2 semaphore(%run_scoped3A : memref<!tpu.dma_semaphore, #tpu.memory_space<semaphore_mem>>) src(%dma_wait3A_127 : memref<128xi32, #tpu.memory_space<hbm>>) dst(%arg9 : memref<128xi32, #tpu.memory_space<vmem>>)
        tpu.yield
      }) : () -> ()
      %dma_start3A = arith.constant 0 : i32
      %dma_start3A_43 = tpu.memref_slice %arg8[%scan3A_38, %dma_start3A] : memref<80x128xi32, #tpu.memory_space<vmem>> -> memref<1x128xi32, #tpu.memory_space<vmem>>
      %dma_start3A_44 = tpu.memref_squeeze %dma_start3A_43 : memref<1x128xi32, #tpu.memory_space<vmem>> -> memref<128xi32, #tpu.memory_space<vmem>>
      %dma_start3A_45 = arith.constant 0 : i32
      %dma_start3A_46 = arith.constant 0 : i32
      %dma_start3A_47 = tpu.memref_slice %arg4[%arg0, %dma_start3A_45, %dma_start3A_46] : memref<2x10016x128xf32, #tpu.memory_space<hbm>> -> memref<1x10016x128xf32, #tpu.memory_space<hbm>>
      %dma_start3A_48 = tpu.memref_squeeze %dma_start3A_47 : memref<1x10016x128xf32, #tpu.memory_space<hbm>> -> memref<10016x128xf32, #tpu.memory_space<hbm>>
      %dma_start3A_49 = arith.constant 0 : i32
      %dma_start3A_50 = arith.constant 0 : i32
      %dma_start3A_51 = tpu.memref_slice %dma_start3A_48[%dma_start3A_49, %dma_start3A_50] : memref<10016x128xf32, #tpu.memory_space<hbm>> -> memref<10016x128xf32, #tpu.memory_space<hbm>>
      tpu.enqueue_indirect_dma source(%dma_start3A_51 : memref<10016x128xf32, #tpu.memory_space<hbm>>) target(%arg10 : memref<128x128xf32, #tpu.memory_space<vmem>>) offsets(%dma_start3A_44 : memref<128xi32, #tpu.memory_space<vmem>>) semaphore(%arg13 : memref<!tpu.dma_semaphore, #tpu.memory_space<semaphore_mem>>)
      %dma_start3A_52 = arith.constant 0 : i32
      %dma_start3A_53 = arith.constant 0 : i32
      %dma_start3A_54 = tpu.memref_slice %arg5[%arg0, %dma_start3A_52, %dma_start3A_53] : memref<2x10016x128xf32, #tpu.memory_space<hbm>> -> memref<1x10016x128xf32, #tpu.memory_space<hbm>>
      %dma_start3A_55 = tpu.memref_squeeze %dma_start3A_54 : memref<1x10016x128xf32, #tpu.memory_space<hbm>> -> memref<10016x128xf32, #tpu.memory_space<hbm>>
      %dma_start3A_56 = arith.constant 0 : i32
      %dma_start3A_57 = arith.constant 0 : i32
      %dma_start3A_58 = tpu.memref_slice %dma_start3A_55[%dma_start3A_56, %dma_start3A_57] : memref<10016x128xf32, #tpu.memory_space<hbm>> -> memref<10016x128xf32, #tpu.memory_space<hbm>>
      tpu.enqueue_indirect_dma source(%dma_start3A_58 : memref<10016x128xf32, #tpu.memory_space<hbm>>) target(%arg11 : memref<128x128xf32, #tpu.memory_space<vmem>>) offsets(%arg9 : memref<128xi32, #tpu.memory_space<vmem>>) semaphore(%arg14 : memref<!tpu.dma_semaphore, #tpu.memory_space<semaphore_mem>>)
      %dma_wait3A = arith.constant 0 : i32
      %dma_wait3A_59 = tpu.memref_slice %arg8[%scan3A_38, %dma_wait3A] : memref<80x128xi32, #tpu.memory_space<vmem>> -> memref<1x128xi32, #tpu.memory_space<vmem>>
      %dma_wait3A_60 = tpu.memref_squeeze %dma_wait3A_59 : memref<1x128xi32, #tpu.memory_space<vmem>> -> memref<128xi32, #tpu.memory_space<vmem>>
      %dma_wait3A_61 = arith.constant 0 : i32
      %dma_wait3A_62 = arith.constant 0 : i32
      %dma_wait3A_63 = tpu.memref_slice %arg4[%arg0, %dma_wait3A_61, %dma_wait3A_62] : memref<2x10016x128xf32, #tpu.memory_space<hbm>> -> memref<1x10016x128xf32, #tpu.memory_space<hbm>>
      %dma_wait3A_64 = tpu.memref_squeeze %dma_wait3A_63 : memref<1x10016x128xf32, #tpu.memory_space<hbm>> -> memref<10016x128xf32, #tpu.memory_space<hbm>>
      %dma_wait3A_65 = arith.constant 0 : i32
      %dma_wait3A_66 = arith.constant 0 : i32
      %dma_wait3A_67 = tpu.memref_slice %dma_wait3A_64[%dma_wait3A_65, %dma_wait3A_66] : memref<10016x128xf32, #tpu.memory_space<hbm>> -> memref<10016x128xf32, #tpu.memory_space<hbm>>
      tpu.wait_indirect_dma semaphore(%arg13 : memref<!tpu.dma_semaphore, #tpu.memory_space<semaphore_mem>>) src(%dma_wait3A_67 : memref<10016x128xf32, #tpu.memory_space<hbm>>) dst(%arg10 : memref<128x128xf32, #tpu.memory_space<vmem>>)
      %dma_wait3A_68 = arith.constant 0 : i32
      %dma_wait3A_69 = arith.constant 0 : i32
      %dma_wait3A_70 = tpu.memref_slice %arg5[%arg0, %dma_wait3A_68, %dma_wait3A_69] : memref<2x10016x128xf32, #tpu.memory_space<hbm>> -> memref<1x10016x128xf32, #tpu.memory_space<hbm>>
      %dma_wait3A_71 = tpu.memref_squeeze %dma_wait3A_70 : memref<1x10016x128xf32, #tpu.memory_space<hbm>> -> memref<10016x128xf32, #tpu.memory_space<hbm>>
      %dma_wait3A_72 = arith.constant 0 : i32
      %dma_wait3A_73 = arith.constant 0 : i32
      %dma_wait3A_74 = tpu.memref_slice %dma_wait3A_71[%dma_wait3A_72, %dma_wait3A_73] : memref<10016x128xf32, #tpu.memory_space<hbm>> -> memref<10016x128xf32, #tpu.memory_space<hbm>>
      tpu.wait_indirect_dma semaphore(%arg14 : memref<!tpu.dma_semaphore, #tpu.memory_space<semaphore_mem>>) src(%dma_wait3A_74 : memref<10016x128xf32, #tpu.memory_space<hbm>>) dst(%arg11 : memref<128x128xf32, #tpu.memory_space<vmem>>)
      %scan3A_75 = arith.constant 0 : i32
      %scan3A_76 = arith.constant 0 : i32
      %scan3A_77 = arith.constant 128 : i32
      %scan3A_78 = arith.addi %scan3A_76, %scan3A_77 : i32
      %scan3A_79 = arith.constant 1 : i32
      %scan3A_80 = scf.for %scan3A_116 = %scan3A_76 to %scan3A_78 step %scan3A_79 iter_args(%scan3A_117 = %scan3A_75) -> (i32)  : i32 {
        %get3A = arith.index_cast %scan3A_116 : i32 to index
        %get3A_118 = arith.constant 0 : index
        %get3A_119 = tpu.vector_load %arg10[%get3A, %get3A_118] {strides = array<i32>} : memref<128x128xf32, #tpu.memory_space<vmem>>, vector<1x16xf32>,
        %get3A_120 = vector.shape_cast %get3A_119 : vector<1x16xf32> to vector<16xf32>
        %get3A_121 = arith.index_cast %scan3A_116 : i32 to index
        %get3A_122 = arith.constant 0 : index
        %get3A_123 = tpu.vector_load %arg11[%get3A_121, %get3A_122] {strides = array<i32>} : memref<128x128xf32, #tpu.memory_space<vmem>>, vector<1x16xf32>,
        %get3A_124 = vector.shape_cast %get3A_123 : vector<1x16xf32> to vector<16xf32>
        %add3A_125 = arith.addf %get3A_120, %get3A_124 : vector<16xf32>
        %swap3A = arith.index_cast %scan3A_116 : i32 to index
        %swap3A_126 = arith.constant 0 : index
        %swap3A_127 = tpu.vector_load %arg10[%swap3A, %swap3A_126] {strides = array<i32>} : memref<128x128xf32, #tpu.memory_space<vmem>>, vector<1x16xf32>,
        %swap3A_128 = vector.shape_cast %swap3A_127 : vector<1x16xf32> to vector<16xf32>
        %swap3A_129 = vector.shape_cast %add3A_125 : vector<16xf32> to vector<1x16xf32>
        tpu.vector_store %arg10[%swap3A, %swap3A_126], %swap3A_129 {strides = array<i32>} : memref<128x128xf32, #tpu.memory_space<vmem>>, vector<1x16xf32>,
        %get3A_130 = arith.index_cast %scan3A_116 : i32 to index
        %get3A_131 = arith.constant 16 : index
        %get3A_132 = tpu.vector_load %arg10[%get3A_130, %get3A_131] {strides = array<i32>} : memref<128x128xf32, #tpu.memory_space<vmem>>, vector<1x16xf32>,
        %get3A_133 = vector.shape_cast %get3A_132 : vector<1x16xf32> to vector<16xf32>
        %get3A_134 = arith.index_cast %scan3A_116 : i32 to index
        %get3A_135 = arith.constant 16 : index
        %get3A_136 = tpu.vector_load %arg11[%get3A_134, %get3A_135] {strides = array<i32>} : memref<128x128xf32, #tpu.memory_space<vmem>>, vector<1x16xf32>,
        %get3A_137 = vector.shape_cast %get3A_136 : vector<1x16xf32> to vector<16xf32>
        %add3A_138 = arith.addf %get3A_133, %get3A_137 : vector<16xf32>
        %swap3A_139 = arith.index_cast %scan3A_116 : i32 to index
        %swap3A_140 = arith.constant 16 : index
        %swap3A_141 = tpu.vector_load %arg10[%swap3A_139, %swap3A_140] {strides = array<i32>} : memref<128x128xf32, #tpu.memory_space<vmem>>, vector<1x16xf32>,
        %swap3A_142 = vector.shape_cast %swap3A_141 : vector<1x16xf32> to vector<16xf32>
        %swap3A_143 = vector.shape_cast %add3A_138 : vector<16xf32> to vector<1x16xf32>
        tpu.vector_store %arg10[%swap3A_139, %swap3A_140], %swap3A_143 {strides = array<i32>} : memref<128x128xf32, #tpu.memory_space<vmem>>, vector<1x16xf32>,
        %get3A_144 = arith.index_cast %scan3A_116 : i32 to index
        %get3A_145 = arith.constant 32 : index
        %get3A_146 = tpu.vector_load %arg10[%get3A_144, %get3A_145] {strides = array<i32>} : memref<128x128xf32, #tpu.memory_space<vmem>>, vector<1x16xf32>,
        %get3A_147 = vector.shape_cast %get3A_146 : vector<1x16xf32> to vector<16xf32>
        %get3A_148 = arith.index_cast %scan3A_116 : i32 to index
        %get3A_149 = arith.constant 32 : index
        %get3A_150 = tpu.vector_load %arg11[%get3A_148, %get3A_149] {strides = array<i32>} : memref<128x128xf32, #tpu.memory_space<vmem>>, vector<1x16xf32>,
        %get3A_151 = vector.shape_cast %get3A_150 : vector<1x16xf32> to vector<16xf32>
        %add3A_152 = arith.addf %get3A_147, %get3A_151 : vector<16xf32>
        %swap3A_153 = arith.index_cast %scan3A_116 : i32 to index
        %swap3A_154 = arith.constant 32 : index
        %swap3A_155 = tpu.vector_load %arg10[%swap3A_153, %swap3A_154] {strides = array<i32>} : memref<128x128xf32, #tpu.memory_space<vmem>>, vector<1x16xf32>,
        %swap3A_156 = vector.shape_cast %swap3A_155 : vector<1x16xf32> to vector<16xf32>
        %swap3A_157 = vector.shape_cast %add3A_152 : vector<16xf32> to vector<1x16xf32>
        tpu.vector_store %arg10[%swap3A_153, %swap3A_154], %swap3A_157 {strides = array<i32>} : memref<128x128xf32, #tpu.memory_space<vmem>>, vector<1x16xf32>,
        %get3A_158 = arith.index_cast %scan3A_116 : i32 to index
        %get3A_159 = arith.constant 48 : index
        %get3A_160 = tpu.vector_load %arg10[%get3A_158, %get3A_159] {strides = array<i32>} : memref<128x128xf32, #tpu.memory_space<vmem>>, vector<1x16xf32>,
        %get3A_161 = vector.shape_cast %get3A_160 : vector<1x16xf32> to vector<16xf32>
        %get3A_162 = arith.index_cast %scan3A_116 : i32 to index
        %get3A_163 = arith.constant 48 : index
        %get3A_164 = tpu.vector_load %arg11[%get3A_162, %get3A_163] {strides = array<i32>} : memref<128x128xf32, #tpu.memory_space<vmem>>, vector<1x16xf32>,
        %get3A_165 = vector.shape_cast %get3A_164 : vector<1x16xf32> to vector<16xf32>
        %add3A_166 = arith.addf %get3A_161, %get3A_165 : vector<16xf32>
        %swap3A_167 = arith.index_cast %scan3A_116 : i32 to index
        %swap3A_168 = arith.constant 48 : index
        %swap3A_169 = tpu.vector_load %arg10[%swap3A_167, %swap3A_168] {strides = array<i32>} : memref<128x128xf32, #tpu.memory_space<vmem>>, vector<1x16xf32>,
        %swap3A_170 = vector.shape_cast %swap3A_169 : vector<1x16xf32> to vector<16xf32>
        %swap3A_171 = vector.shape_cast %add3A_166 : vector<16xf32> to vector<1x16xf32>
        tpu.vector_store %arg10[%swap3A_167, %swap3A_168], %swap3A_171 {strides = array<i32>} : memref<128x128xf32, #tpu.memory_space<vmem>>, vector<1x16xf32>,
        %get3A_172 = arith.index_cast %scan3A_116 : i32 to index
        %get3A_173 = arith.constant 64 : index
        %get3A_174 = tpu.vector_load %arg10[%get3A_172, %get3A_173] {strides = array<i32>} : memref<128x128xf32, #tpu.memory_space<vmem>>, vector<1x16xf32>,
        %get3A_175 = vector.shape_cast %get3A_174 : vector<1x16xf32> to vector<16xf32>
        %get3A_176 = arith.index_cast %scan3A_116 : i32 to index
        %get3A_177 = arith.constant 64 : index
        %get3A_178 = tpu.vector_load %arg11[%get3A_176, %get3A_177] {strides = array<i32>} : memref<128x128xf32, #tpu.memory_space<vmem>>, vector<1x16xf32>,
        %get3A_179 = vector.shape_cast %get3A_178 : vector<1x16xf32> to vector<16xf32>
        %add3A_180 = arith.addf %get3A_175, %get3A_179 : vector<16xf32>
        %swap3A_181 = arith.index_cast %scan3A_116 : i32 to index
        %swap3A_182 = arith.constant 64 : index
        %swap3A_183 = tpu.vector_load %arg10[%swap3A_181, %swap3A_182] {strides = array<i32>} : memref<128x128xf32, #tpu.memory_space<vmem>>, vector<1x16xf32>,
        %swap3A_184 = vector.shape_cast %swap3A_183 : vector<1x16xf32> to vector<16xf32>
        %swap3A_185 = vector.shape_cast %add3A_180 : vector<16xf32> to vector<1x16xf32>
        tpu.vector_store %arg10[%swap3A_181, %swap3A_182], %swap3A_185 {strides = array<i32>} : memref<128x128xf32, #tpu.memory_space<vmem>>, vector<1x16xf32>,
        %get3A_186 = arith.index_cast %scan3A_116 : i32 to index
        %get3A_187 = arith.constant 80 : index
        %get3A_188 = tpu.vector_load %arg10[%get3A_186, %get3A_187] {strides = array<i32>} : memref<128x128xf32, #tpu.memory_space<vmem>>, vector<1x16xf32>,
        %get3A_189 = vector.shape_cast %get3A_188 : vector<1x16xf32> to vector<16xf32>
        %get3A_190 = arith.index_cast %scan3A_116 : i32 to index
        %get3A_191 = arith.constant 80 : index
        %get3A_192 = tpu.vector_load %arg11[%get3A_190, %get3A_191] {strides = array<i32>} : memref<128x128xf32, #tpu.memory_space<vmem>>, vector<1x16xf32>,
        %get3A_193 = vector.shape_cast %get3A_192 : vector<1x16xf32> to vector<16xf32>
        %add3A_194 = arith.addf %get3A_189, %get3A_193 : vector<16xf32>
        %swap3A_195 = arith.index_cast %scan3A_116 : i32 to index
        %swap3A_196 = arith.constant 80 : index
        %swap3A_197 = tpu.vector_load %arg10[%swap3A_195, %swap3A_196] {strides = array<i32>} : memref<128x128xf32, #tpu.memory_space<vmem>>, vector<1x16xf32>,
        %swap3A_198 = vector.shape_cast %swap3A_197 : vector<1x16xf32> to vector<16xf32>
        %swap3A_199 = vector.shape_cast %add3A_194 : vector<16xf32> to vector<1x16xf32>
        tpu.vector_store %arg10[%swap3A_195, %swap3A_196], %swap3A_199 {strides = array<i32>} : memref<128x128xf32, #tpu.memory_space<vmem>>, vector<1x16xf32>,
        %get3A_200 = arith.index_cast %scan3A_116 : i32 to index
        %get3A_201 = arith.constant 96 : index
        %get3A_202 = tpu.vector_load %arg10[%get3A_200, %get3A_201] {strides = array<i32>} : memref<128x128xf32, #tpu.memory_space<vmem>>, vector<1x16xf32>,
        %get3A_203 = vector.shape_cast %get3A_202 : vector<1x16xf32> to vector<16xf32>
        %get3A_204 = arith.index_cast %scan3A_116 : i32 to index
        %get3A_205 = arith.constant 96 : index
        %get3A_206 = tpu.vector_load %arg11[%get3A_204, %get3A_205] {strides = array<i32>} : memref<128x128xf32, #tpu.memory_space<vmem>>, vector<1x16xf32>,
        %get3A_207 = vector.shape_cast %get3A_206 : vector<1x16xf32> to vector<16xf32>
        %add3A_208 = arith.addf %get3A_203, %get3A_207 : vector<16xf32>
        %swap3A_209 = arith.index_cast %scan3A_116 : i32 to index
        %swap3A_210 = arith.constant 96 : index
        %swap3A_211 = tpu.vector_load %arg10[%swap3A_209, %swap3A_210] {strides = array<i32>} : memref<128x128xf32, #tpu.memory_space<vmem>>, vector<1x16xf32>,
        %swap3A_212 = vector.shape_cast %swap3A_211 : vector<1x16xf32> to vector<16xf32>
        %swap3A_213 = vector.shape_cast %add3A_208 : vector<16xf32> to vector<1x16xf32>
        tpu.vector_store %arg10[%swap3A_209, %swap3A_210], %swap3A_213 {strides = array<i32>} : memref<128x128xf32, #tpu.memory_space<vmem>>, vector<1x16xf32>,
        %get3A_214 = arith.index_cast %scan3A_116 : i32 to index
        %get3A_215 = arith.constant 112 : index
        %get3A_216 = tpu.vector_load %arg10[%get3A_214, %get3A_215] {strides = array<i32>} : memref<128x128xf32, #tpu.memory_space<vmem>>, vector<1x16xf32>,
        %get3A_217 = vector.shape_cast %get3A_216 : vector<1x16xf32> to vector<16xf32>
        %get3A_218 = arith.index_cast %scan3A_116 : i32 to index
        %get3A_219 = arith.constant 112 : index
        %get3A_220 = tpu.vector_load %arg11[%get3A_218, %get3A_219] {strides = array<i32>} : memref<128x128xf32, #tpu.memory_space<vmem>>, vector<1x16xf32>,
        %get3A_221 = vector.shape_cast %get3A_220 : vector<1x16xf32> to vector<16xf32>
        %add3A_222 = arith.addf %get3A_217, %get3A_221 : vector<16xf32>
        %swap3A_223 = arith.index_cast %scan3A_116 : i32 to index
        %swap3A_224 = arith.constant 112 : index
        %swap3A_225 = tpu.vector_load %arg10[%swap3A_223, %swap3A_224] {strides = array<i32>} : memref<128x128xf32, #tpu.memory_space<vmem>>, vector<1x16xf32>,
        %swap3A_226 = vector.shape_cast %swap3A_225 : vector<1x16xf32> to vector<16xf32>
        %swap3A_227 = vector.shape_cast %add3A_222 : vector<16xf32> to vector<1x16xf32>
        tpu.vector_store %arg10[%swap3A_223, %swap3A_224], %swap3A_227 {strides = array<i32>} : memref<128x128xf32, #tpu.memory_space<vmem>>, vector<1x16xf32>,
        %scan3A_228 = arith.constant 0 : i32
        scf.yield %scan3A_228 : i32
      }
      %scan3A_81 = arith.constant 128 : i32
      %mul3A_82 = arith.constant 128 : i32
      %mul3A_83 = arith.muli %add3A_42, %mul3A_82 : i32
      %dma_start3A_84 = arith.constant 0 : i32
      %dma_start3A_85 = arith.constant 0 : i32
      %dma_start3A_86 = tpu.memref_slice %arg6[%arg0, %dma_start3A_84, %dma_start3A_85] : memref<2x163840x128xf32, #tpu.memory_space<hbm>> -> memref<1x163840x128xf32, #tpu.memory_space<hbm>>
      %dma_start3A_87 = tpu.memref_squeeze %dma_start3A_86 : memref<1x163840x128xf32, #tpu.memory_space<hbm>> -> memref<163840x128xf32, #tpu.memory_space<hbm>>
      %dma_start3A_88 = arith.constant 0 : i32
      %dma_start3A_89 = tpu.memref_slice %dma_start3A_87[%mul3A_83, %dma_start3A_88] : memref<163840x128xf32, #tpu.memory_space<hbm>> -> memref<128x128xf32, #tpu.memory_space<hbm>>
      %dma_start3A_90 = arith.constant 0 : i32
      %dma_start3A_91 = arith.constant 0 : i32
      %dma_start3A_92 = tpu.memref_slice %arg6[%arg0, %dma_start3A_90, %dma_start3A_91] : memref<2x163840x128xf32, #tpu.memory_space<hbm>> -> memref<1x163840x128xf32, #tpu.memory_space<hbm>>
      %dma_start3A_93 = tpu.memref_squeeze %dma_start3A_92 : memref<1x163840x128xf32, #tpu.memory_space<hbm>> -> memref<163840x128xf32, #tpu.memory_space<hbm>>
      %dma_start3A_94 = arith.constant 0 : i32
      %dma_start3A_95 = tpu.memref_slice %dma_start3A_93[%mul3A_83, %dma_start3A_94] : memref<163840x128xf32, #tpu.memory_space<hbm>> -> memref<128x128xf32, #tpu.memory_space<hbm>>
      tpu.enqueue_dma source(%dma_start3A_95 : memref<128x128xf32, #tpu.memory_space<hbm>>) target(%arg11 : memref<128x128xf32, #tpu.memory_space<vmem>>) target_semaphore(%arg15 : memref<!tpu.dma_semaphore, #tpu.memory_space<semaphore_mem>>)
      %dma_wait3A_96 = arith.constant 0 : i32
      %dma_wait3A_97 = arith.constant 0 : i32
      %dma_wait3A_98 = tpu.memref_slice %arg6[%arg0, %dma_wait3A_96, %dma_wait3A_97] : memref<2x163840x128xf32, #tpu.memory_space<hbm>> -> memref<1x163840x128xf32, #tpu.memory_space<hbm>>
      %dma_wait3A_99 = tpu.memref_squeeze %dma_wait3A_98 : memref<1x163840x128xf32, #tpu.memory_space<hbm>> -> memref<163840x128xf32, #tpu.memory_space<hbm>>
      %dma_wait3A_100 = arith.constant 0 : i32
      %dma_wait3A_101 = tpu.memref_slice %dma_wait3A_99[%mul3A_83, %dma_wait3A_100] : memref<163840x128xf32, #tpu.memory_space<hbm>> -> memref<128x128xf32, #tpu.memory_space<hbm>>
      %dma_wait3A_102 = arith.constant 0 : i32
      %dma_wait3A_103 = arith.constant 0 : i32
      %dma_wait3A_104 = tpu.memref_slice %arg6[%arg0, %dma_wait3A_102, %dma_wait3A_103] : memref<2x163840x128xf32, #tpu.memory_space<hbm>> -> memref<1x163840x128xf32, #tpu.memory_space<hbm>>
      %dma_wait3A_105 = tpu.memref_squeeze %dma_wait3A_104 : memref<1x163840x128xf32, #tpu.memory_space<hbm>> -> memref<163840x128xf32, #tpu.memory_space<hbm>>
      %dma_wait3A_106 = arith.constant 0 : i32
      %dma_wait3A_107 = tpu.memref_slice %dma_wait3A_105[%mul3A_83, %dma_wait3A_106] : memref<163840x128xf32, #tpu.memory_space<hbm>> -> memref<128x128xf32, #tpu.memory_space<hbm>>
      tpu.wait_dma2 semaphore(%arg15 : memref<!tpu.dma_semaphore, #tpu.memory_space<semaphore_mem>>) src(%dma_wait3A_107 : memref<128x128xf32, #tpu.memory_space<hbm>>) dst(%arg11 : memref<128x128xf32, #tpu.memory_space<vmem>>)
      %scan3A_108 = arith.constant 0 : i32
      %scan3A_109 = arith.constant 0 : i32
      %scan3A_110 = arith.constant 128 : i32
      %scan3A_111 = arith.addi %scan3A_109, %scan3A_110 : i32
      %scan3A_112 = arith.constant 1 : i32
      %scan3A_113 = scf.for %scan3A_116 = %scan3A_109 to %scan3A_111 step %scan3A_112 iter_args(%scan3A_117 = %scan3A_108) -> (i32)  : i32 {
        %get3A = arith.index_cast %scan3A_116 : i32 to index
        %get3A_118 = arith.constant 0 : index
        %get3A_119 = tpu.vector_load %arg10[%get3A, %get3A_118] {strides = array<i32>} : memref<128x128xf32, #tpu.memory_space<vmem>>, vector<1x16xf32>,
        %get3A_120 = vector.shape_cast %get3A_119 : vector<1x16xf32> to vector<16xf32>
        %get3A_121 = arith.index_cast %scan3A_116 : i32 to index
        %get3A_122 = arith.constant 0 : index
        %get3A_123 = tpu.vector_load %arg11[%get3A_121, %get3A_122] {strides = array<i32>} : memref<128x128xf32, #tpu.memory_space<vmem>>, vector<1x16xf32>,
        %get3A_124 = vector.shape_cast %get3A_123 : vector<1x16xf32> to vector<16xf32>
        %add3A_125 = arith.addf %get3A_120, %get3A_124 : vector<16xf32>
        %max3A = arith.constant 0.000000e+00 : f32
        %max3A_126 = vector.broadcast %max3A : f32 to vector<16xf32>
        %max3A_127 = arith.maximumf %add3A_125, %max3A_126 : vector<16xf32>
        %swap3A = arith.index_cast %scan3A_116 : i32 to index
        %swap3A_128 = arith.constant 0 : index
        %swap3A_129 = tpu.vector_load %arg10[%swap3A, %swap3A_128] {strides = array<i32>} : memref<128x128xf32, #tpu.memory_space<vmem>>, vector<1x16xf32>,
        %swap3A_130 = vector.shape_cast %swap3A_129 : vector<1x16xf32> to vector<16xf32>
        %swap3A_131 = vector.shape_cast %max3A_127 : vector<16xf32> to vector<1x16xf32>
        tpu.vector_store %arg10[%swap3A, %swap3A_128], %swap3A_131 {strides = array<i32>} : memref<128x128xf32, #tpu.memory_space<vmem>>, vector<1x16xf32>,
        %get3A_132 = arith.index_cast %scan3A_116 : i32 to index
        %get3A_133 = arith.constant 16 : index
        %get3A_134 = tpu.vector_load %arg10[%get3A_132, %get3A_133] {strides = array<i32>} : memref<128x128xf32, #tpu.memory_space<vmem>>, vector<1x16xf32>,
        %get3A_135 = vector.shape_cast %get3A_134 : vector<1x16xf32> to vector<16xf32>
        %get3A_136 = arith.index_cast %scan3A_116 : i32 to index
        %get3A_137 = arith.constant 16 : index
        %get3A_138 = tpu.vector_load %arg11[%get3A_136, %get3A_137] {strides = array<i32>} : memref<128x128xf32, #tpu.memory_space<vmem>>, vector<1x16xf32>,
        %get3A_139 = vector.shape_cast %get3A_138 : vector<1x16xf32> to vector<16xf32>
        %add3A_140 = arith.addf %get3A_135, %get3A_139 : vector<16xf32>
        %max3A_141 = arith.constant 0.000000e+00 : f32
        %max3A_142 = vector.broadcast %max3A_141 : f32 to vector<16xf32>
        %max3A_143 = arith.maximumf %add3A_140, %max3A_142 : vector<16xf32>
        %swap3A_144 = arith.index_cast %scan3A_116 : i32 to index
        %swap3A_145 = arith.constant 16 : index
        %swap3A_146 = tpu.vector_load %arg10[%swap3A_144, %swap3A_145] {strides = array<i32>} : memref<128x128xf32, #tpu.memory_space<vmem>>, vector<1x16xf32>,
        %swap3A_147 = vector.shape_cast %swap3A_146 : vector<1x16xf32> to vector<16xf32>
        %swap3A_148 = vector.shape_cast %max3A_143 : vector<16xf32> to vector<1x16xf32>
        tpu.vector_store %arg10[%swap3A_144, %swap3A_145], %swap3A_148 {strides = array<i32>} : memref<128x128xf32, #tpu.memory_space<vmem>>, vector<1x16xf32>,
        %get3A_149 = arith.index_cast %scan3A_116 : i32 to index
        %get3A_150 = arith.constant 32 : index
        %get3A_151 = tpu.vector_load %arg10[%get3A_149, %get3A_150] {strides = array<i32>} : memref<128x128xf32, #tpu.memory_space<vmem>>, vector<1x16xf32>,
        %get3A_152 = vector.shape_cast %get3A_151 : vector<1x16xf32> to vector<16xf32>
        %get3A_153 = arith.index_cast %scan3A_116 : i32 to index
        %get3A_154 = arith.constant 32 : index
        %get3A_155 = tpu.vector_load %arg11[%get3A_153, %get3A_154] {strides = array<i32>} : memref<128x128xf32, #tpu.memory_space<vmem>>, vector<1x16xf32>,
        %get3A_156 = vector.shape_cast %get3A_155 : vector<1x16xf32> to vector<16xf32>
        %add3A_157 = arith.addf %get3A_152, %get3A_156 : vector<16xf32>
        %max3A_158 = arith.constant 0.000000e+00 : f32
        %max3A_159 = vector.broadcast %max3A_158 : f32 to vector<16xf32>
        %max3A_160 = arith.maximumf %add3A_157, %max3A_159 : vector<16xf32>
        %swap3A_161 = arith.index_cast %scan3A_116 : i32 to index
        %swap3A_162 = arith.constant 32 : index
        %swap3A_163 = tpu.vector_load %arg10[%swap3A_161, %swap3A_162] {strides = array<i32>} : memref<128x128xf32, #tpu.memory_space<vmem>>, vector<1x16xf32>,
        %swap3A_164 = vector.shape_cast %swap3A_163 : vector<1x16xf32> to vector<16xf32>
        %swap3A_165 = vector.shape_cast %max3A_160 : vector<16xf32> to vector<1x16xf32>
        tpu.vector_store %arg10[%swap3A_161, %swap3A_162], %swap3A_165 {strides = array<i32>} : memref<128x128xf32, #tpu.memory_space<vmem>>, vector<1x16xf32>,
        %get3A_166 = arith.index_cast %scan3A_116 : i32 to index
        %get3A_167 = arith.constant 48 : index
        %get3A_168 = tpu.vector_load %arg10[%get3A_166, %get3A_167] {strides = array<i32>} : memref<128x128xf32, #tpu.memory_space<vmem>>, vector<1x16xf32>,
        %get3A_169 = vector.shape_cast %get3A_168 : vector<1x16xf32> to vector<16xf32>
        %get3A_170 = arith.index_cast %scan3A_116 : i32 to index
        %get3A_171 = arith.constant 48 : index
        %get3A_172 = tpu.vector_load %arg11[%get3A_170, %get3A_171] {strides = array<i32>} : memref<128x128xf32, #tpu.memory_space<vmem>>, vector<1x16xf32>,
        %get3A_173 = vector.shape_cast %get3A_172 : vector<1x16xf32> to vector<16xf32>
        %add3A_174 = arith.addf %get3A_169, %get3A_173 : vector<16xf32>
        %max3A_175 = arith.constant 0.000000e+00 : f32
        %max3A_176 = vector.broadcast %max3A_175 : f32 to vector<16xf32>
        %max3A_177 = arith.maximumf %add3A_174, %max3A_176 : vector<16xf32>
        %swap3A_178 = arith.index_cast %scan3A_116 : i32 to index
        %swap3A_179 = arith.constant 48 : index
        %swap3A_180 = tpu.vector_load %arg10[%swap3A_178, %swap3A_179] {strides = array<i32>} : memref<128x128xf32, #tpu.memory_space<vmem>>, vector<1x16xf32>,
        %swap3A_181 = vector.shape_cast %swap3A_180 : vector<1x16xf32> to vector<16xf32>
        %swap3A_182 = vector.shape_cast %max3A_177 : vector<16xf32> to vector<1x16xf32>
        tpu.vector_store %arg10[%swap3A_178, %swap3A_179], %swap3A_182 {strides = array<i32>} : memref<128x128xf32, #tpu.memory_space<vmem>>, vector<1x16xf32>,
        %get3A_183 = arith.index_cast %scan3A_116 : i32 to index
        %get3A_184 = arith.constant 64 : index
        %get3A_185 = tpu.vector_load %arg10[%get3A_183, %get3A_184] {strides = array<i32>} : memref<128x128xf32, #tpu.memory_space<vmem>>, vector<1x16xf32>,
        %get3A_186 = vector.shape_cast %get3A_185 : vector<1x16xf32> to vector<16xf32>
        %get3A_187 = arith.index_cast %scan3A_116 : i32 to index
        %get3A_188 = arith.constant 64 : index
        %get3A_189 = tpu.vector_load %arg11[%get3A_187, %get3A_188] {strides = array<i32>} : memref<128x128xf32, #tpu.memory_space<vmem>>, vector<1x16xf32>,
        %get3A_190 = vector.shape_cast %get3A_189 : vector<1x16xf32> to vector<16xf32>
        %add3A_191 = arith.addf %get3A_186, %get3A_190 : vector<16xf32>
        %max3A_192 = arith.constant 0.000000e+00 : f32
        %max3A_193 = vector.broadcast %max3A_192 : f32 to vector<16xf32>
        %max3A_194 = arith.maximumf %add3A_191, %max3A_193 : vector<16xf32>
        %swap3A_195 = arith.index_cast %scan3A_116 : i32 to index
        %swap3A_196 = arith.constant 64 : index
        %swap3A_197 = tpu.vector_load %arg10[%swap3A_195, %swap3A_196] {strides = array<i32>} : memref<128x128xf32, #tpu.memory_space<vmem>>, vector<1x16xf32>,
        %swap3A_198 = vector.shape_cast %swap3A_197 : vector<1x16xf32> to vector<16xf32>
        %swap3A_199 = vector.shape_cast %max3A_194 : vector<16xf32> to vector<1x16xf32>
        tpu.vector_store %arg10[%swap3A_195, %swap3A_196], %swap3A_199 {strides = array<i32>} : memref<128x128xf32, #tpu.memory_space<vmem>>, vector<1x16xf32>,
        %get3A_200 = arith.index_cast %scan3A_116 : i32 to index
        %get3A_201 = arith.constant 80 : index
        %get3A_202 = tpu.vector_load %arg10[%get3A_200, %get3A_201] {strides = array<i32>} : memref<128x128xf32, #tpu.memory_space<vmem>>, vector<1x16xf32>,
        %get3A_203 = vector.shape_cast %get3A_202 : vector<1x16xf32> to vector<16xf32>
        %get3A_204 = arith.index_cast %scan3A_116 : i32 to index
        %get3A_205 = arith.constant 80 : index
        %get3A_206 = tpu.vector_load %arg11[%get3A_204, %get3A_205] {strides = array<i32>} : memref<128x128xf32, #tpu.memory_space<vmem>>, vector<1x16xf32>,
        %get3A_207 = vector.shape_cast %get3A_206 : vector<1x16xf32> to vector<16xf32>
        %add3A_208 = arith.addf %get3A_203, %get3A_207 : vector<16xf32>
        %max3A_209 = arith.constant 0.000000e+00 : f32
        %max3A_210 = vector.broadcast %max3A_209 : f32 to vector<16xf32>
        %max3A_211 = arith.maximumf %add3A_208, %max3A_210 : vector<16xf32>
        %swap3A_212 = arith.index_cast %scan3A_116 : i32 to index
        %swap3A_213 = arith.constant 80 : index
        %swap3A_214 = tpu.vector_load %arg10[%swap3A_212, %swap3A_213] {strides = array<i32>} : memref<128x128xf32, #tpu.memory_space<vmem>>, vector<1x16xf32>,
        %swap3A_215 = vector.shape_cast %swap3A_214 : vector<1x16xf32> to vector<16xf32>
        %swap3A_216 = vector.shape_cast %max3A_211 : vector<16xf32> to vector<1x16xf32>
        tpu.vector_store %arg10[%swap3A_212, %swap3A_213], %swap3A_216 {strides = array<i32>} : memref<128x128xf32, #tpu.memory_space<vmem>>, vector<1x16xf32>,
        %get3A_217 = arith.index_cast %scan3A_116 : i32 to index
        %get3A_218 = arith.constant 96 : index
        %get3A_219 = tpu.vector_load %arg10[%get3A_217, %get3A_218] {strides = array<i32>} : memref<128x128xf32, #tpu.memory_space<vmem>>, vector<1x16xf32>,
        %get3A_220 = vector.shape_cast %get3A_219 : vector<1x16xf32> to vector<16xf32>
        %get3A_221 = arith.index_cast %scan3A_116 : i32 to index
        %get3A_222 = arith.constant 96 : index
        %get3A_223 = tpu.vector_load %arg11[%get3A_221, %get3A_222] {strides = array<i32>} : memref<128x128xf32, #tpu.memory_space<vmem>>, vector<1x16xf32>,
        %get3A_224 = vector.shape_cast %get3A_223 : vector<1x16xf32> to vector<16xf32>
        %add3A_225 = arith.addf %get3A_220, %get3A_224 : vector<16xf32>
        %max3A_226 = arith.constant 0.000000e+00 : f32
        %max3A_227 = vector.broadcast %max3A_226 : f32 to vector<16xf32>
        %max3A_228 = arith.maximumf %add3A_225, %max3A_227 : vector<16xf32>
        %swap3A_229 = arith.index_cast %scan3A_116 : i32 to index
        %swap3A_230 = arith.constant 96 : index
        %swap3A_231 = tpu.vector_load %arg10[%swap3A_229, %swap3A_230] {strides = array<i32>} : memref<128x128xf32, #tpu.memory_space<vmem>>, vector<1x16xf32>,
        %swap3A_232 = vector.shape_cast %swap3A_231 : vector<1x16xf32> to vector<16xf32>
        %swap3A_233 = vector.shape_cast %max3A_228 : vector<16xf32> to vector<1x16xf32>
        tpu.vector_store %arg10[%swap3A_229, %swap3A_230], %swap3A_233 {strides = array<i32>} : memref<128x128xf32, #tpu.memory_space<vmem>>, vector<1x16xf32>,
        %get3A_234 = arith.index_cast %scan3A_116 : i32 to index
        %get3A_235 = arith.constant 112 : index
        %get3A_236 = tpu.vector_load %arg10[%get3A_234, %get3A_235] {strides = array<i32>} : memref<128x128xf32, #tpu.memory_space<vmem>>, vector<1x16xf32>,
        %get3A_237 = vector.shape_cast %get3A_236 : vector<1x16xf32> to vector<16xf32>
        %get3A_238 = arith.index_cast %scan3A_116 : i32 to index
        %get3A_239 = arith.constant 112 : index
        %get3A_240 = tpu.vector_load %arg11[%get3A_238, %get3A_239] {strides = array<i32>} : memref<128x128xf32, #tpu.memory_space<vmem>>, vector<1x16xf32>,
        %get3A_241 = vector.shape_cast %get3A_240 : vector<1x16xf32> to vector<16xf32>
        %add3A_242 = arith.addf %get3A_237, %get3A_241 : vector<16xf32>
        %max3A_243 = arith.constant 0.000000e+00 : f32
        %max3A_244 = vector.broadcast %max3A_243 : f32 to vector<16xf32>
        %max3A_245 = arith.maximumf %add3A_242, %max3A_244 : vector<16xf32>
        %swap3A_246 = arith.index_cast %scan3A_116 : i32 to index
        %swap3A_247 = arith.constant 112 : index
        %swap3A_248 = tpu.vector_load %arg10[%swap3A_246, %swap3A_247] {strides = array<i32>} : memref<128x128xf32, #tpu.memory_space<vmem>>, vector<1x16xf32>,
        %swap3A_249 = vector.shape_cast %swap3A_248 : vector<1x16xf32> to vector<16xf32>
        %swap3A_250 = vector.shape_cast %max3A_245 : vector<16xf32> to vector<1x16xf32>
        tpu.vector_store %arg10[%swap3A_246, %swap3A_247], %swap3A_250 {strides = array<i32>} : memref<128x128xf32, #tpu.memory_space<vmem>>, vector<1x16xf32>,
        %scan3A_251 = arith.constant 0 : i32
        scf.yield %scan3A_251 : i32
      }
      %scan3A_114 = arith.constant 128 : i32
      "tpu.region"() ({
        %run_scoped3A = tpu.sem_alloc : memref<!tpu.dma_semaphore, #tpu.memory_space<semaphore_mem>>
        %dma_start3A_116 = arith.constant 0 : i32
        %dma_start3A_117 = tpu.memref_slice %arg8[%scan3A_38, %dma_start3A_116] : memref<80x128xi32, #tpu.memory_space<vmem>> -> memref<1x128xi32, #tpu.memory_space<vmem>>
        %dma_start3A_118 = tpu.memref_squeeze %dma_start3A_117 : memref<1x128xi32, #tpu.memory_space<vmem>> -> memref<128xi32, #tpu.memory_space<vmem>>
        %dma_start3A_119 = arith.constant 0 : i32
        %dma_start3A_120 = arith.constant 0 : i32
        %dma_start3A_121 = tpu.memref_slice %arg12[%dma_start3A_119, %dma_start3A_120] : memref<10240x128xf32, #tpu.memory_space<vmem_shared>> -> memref<10240x128xf32, #tpu.memory_space<vmem_shared>>
        tpu.enqueue_indirect_dma source(%arg10 : memref<128x128xf32, #tpu.memory_space<vmem>>) target(%dma_start3A_121 : memref<10240x128xf32, #tpu.memory_space<vmem_shared>>) offsets(%dma_start3A_118 : memref<128xi32, #tpu.memory_space<vmem>>) semaphore(%run_scoped3A : memref<!tpu.dma_semaphore, #tpu.memory_space<semaphore_mem>>) {add = true}
        %dma_wait3A_122 = arith.constant 0 : i32
        %dma_wait3A_123 = tpu.memref_slice %arg8[%scan3A_38, %dma_wait3A_122] : memref<80x128xi32, #tpu.memory_space<vmem>> -> memref<1x128xi32, #tpu.memory_space<vmem>>
        %dma_wait3A_124 = tpu.memref_squeeze %dma_wait3A_123 : memref<1x128xi32, #tpu.memory_space<vmem>> -> memref<128xi32, #tpu.memory_space<vmem>>
        %dma_wait3A_125 = arith.constant 0 : i32
        %dma_wait3A_126 = arith.constant 0 : i32
        %dma_wait3A_127 = tpu.memref_slice %arg12[%dma_wait3A_125, %dma_wait3A_126] : memref<10240x128xf32, #tpu.memory_space<vmem_shared>> -> memref<10240x128xf32, #tpu.memory_space<vmem_shared>>
        tpu.wait_indirect_dma semaphore(%run_scoped3A : memref<!tpu.dma_semaphore, #tpu.memory_space<semaphore_mem>>) src(%arg10 : memref<128x128xf32, #tpu.memory_space<vmem>>) dst(%dma_wait3A_127 : memref<10240x128xf32, #tpu.memory_space<vmem_shared>>)
        tpu.yield
      }) : () -> ()
      %scan3A_115 = arith.constant 0 : i32
      scf.yield %scan3A_115 : i32
    }
    %scan3A_32 = arith.constant 80 : i32
    %barrier3A_33 = arith.constant 0 : index
    tpu.barrier barrier_id(%barrier3A_33)
    %mul3A_34 = arith.constant 640 : i32
    %mul3A_35 = arith.muli %arg1, %mul3A_34 : i32
    %mul3A_36 = arith.constant 640 : i32
    %mul3A_37 = arith.muli %arg1, %mul3A_36 : i32
    "tpu.region"() ({
      %run_scoped3A = tpu.sem_alloc : memref<!tpu.dma_semaphore, #tpu.memory_space<semaphore_mem>>
      %dma_start3A = arith.constant 0 : i32
      %dma_start3A_38 = arith.constant 0 : i32
      %dma_start3A_39 = tpu.memref_slice %arg7[%arg0, %dma_start3A, %dma_start3A_38] : memref<2x10240x128xf32, #tpu.memory_space<hbm>> -> memref<1x10240x128xf32, #tpu.memory_space<hbm>>
      %dma_start3A_40 = tpu.memref_squeeze %dma_start3A_39 : memref<1x10240x128xf32, #tpu.memory_space<hbm>> -> memref<10240x128xf32, #tpu.memory_space<hbm>>
      %dma_start3A_41 = arith.constant 0 : i32
      %dma_start3A_42 = tpu.memref_slice %dma_start3A_40[%mul3A_37, %dma_start3A_41] : memref<10240x128xf32, #tpu.memory_space<hbm>> -> memref<640x128xf32, #tpu.memory_space<hbm>>
      %dma_start3A_43 = arith.constant 0 : i32
      %dma_start3A_44 = tpu.memref_slice %arg12[%mul3A_35, %dma_start3A_43] : memref<10240x128xf32, #tpu.memory_space<vmem_shared>> -> memref<640x128xf32, #tpu.memory_space<vmem_shared>>
      tpu.enqueue_dma source(%dma_start3A_44 : memref<640x128xf32, #tpu.memory_space<vmem_shared>>) target(%dma_start3A_42 : memref<640x128xf32, #tpu.memory_space<hbm>>) target_semaphore(%run_scoped3A : memref<!tpu.dma_semaphore, #tpu.memory_space<semaphore_mem>>)
      %dma_wait3A = arith.constant 0 : i32
      %dma_wait3A_45 = arith.constant 0 : i32
      %dma_wait3A_46 = tpu.memref_slice %arg7[%arg0, %dma_wait3A, %dma_wait3A_45] : memref<2x10240x128xf32, #tpu.memory_space<hbm>> -> memref<1x10240x128xf32, #tpu.memory_space<hbm>>
      %dma_wait3A_47 = tpu.memref_squeeze %dma_wait3A_46 : memref<1x10240x128xf32, #tpu.memory_space<hbm>> -> memref<10240x128xf32, #tpu.memory_space<hbm>>
      %dma_wait3A_48 = arith.constant 0 : i32
      %dma_wait3A_49 = tpu.memref_slice %dma_wait3A_47[%mul3A_37, %dma_wait3A_48] : memref<10240x128xf32, #tpu.memory_space<hbm>> -> memref<640x128xf32, #tpu.memory_space<hbm>>
      %dma_wait3A_50 = arith.constant 0 : i32
      %dma_wait3A_51 = tpu.memref_slice %arg12[%mul3A_35, %dma_wait3A_50] : memref<10240x128xf32, #tpu.memory_space<vmem_shared>> -> memref<640x128xf32, #tpu.memory_space<vmem_shared>>
      tpu.wait_dma2 semaphore(%run_scoped3A : memref<!tpu.dma_semaphore, #tpu.memory_space<semaphore_mem>>) src(%dma_wait3A_51 : memref<640x128xf32, #tpu.memory_space<vmem_shared>>) dst(%dma_wait3A_49 : memref<640x128xf32, #tpu.memory_space<hbm>>)
      tpu.yield
    }) : () -> ()
    return
  }
}

#map = affine_map<(d0, d1) -> (0, 0)>
#map1 = affine_map<(d0, d1) -> (0, 0, 0)>
module attributes {stable_mosaic.version = 14 : i64} {
  func.func @k(%arg0: i32, %arg1: i32, %arg2: memref<1280x128xi32, #tpu.memory_space<hbm>>, %arg3: memref<1280x128xi32, #tpu.memory_space<hbm>>, %arg4: memref<2x10016x128xf32, #tpu.memory_space<hbm>>, %arg5: memref<2x10016x128xf32, #tpu.memory_space<hbm>>, %arg6: memref<2x163840x128xf32, #tpu.memory_space<hbm>>, %arg7: memref<2x10240x128xf32, #tpu.memory_space<hbm>>, %arg8: memref<80x128xi32, #tpu.memory_space<vmem>>, %arg9: memref<128xi32, #tpu.memory_space<vmem>>, %arg10: memref<128x128xf32, #tpu.memory_space<vmem>>, %arg11: memref<128x128xf32, #tpu.memory_space<vmem>>, %arg12: memref<10240x128xf32, #tpu.memory_space<vmem_shared>>, %arg13: memref<!tpu.dma_semaphore, #tpu.memory_space<semaphore_mem>>, %arg14: memref<!tpu.dma_semaphore, #tpu.memory_space<semaphore_mem>>, %arg15: memref<!tpu.dma_semaphore, #tpu.memory_space<semaphore_mem>>) attributes {dimension_semantics = [#tpu.dimension_semantics<core_parallel>, #tpu.dimension_semantics<subcore_parallel>], iteration_bounds = array<i64: 2, 16>, scalar_prefetch = 0 : i64, scratch_operands = 8 : i64, tpu.core_type = #tpu.core_type<sc_vector_subcore>, window_params = [{transform_indices = #map}, {transform_indices = #map}, {transform_indices = #map1}, {transform_indices = #map1}, {transform_indices = #map1}, {transform_indices = #map1}]} {
    %scan3A = arith.constant 0 : i32
    %scan3A_0 = arith.constant 0 : i32
    %scan3A_1 = arith.constant 128 : i32
    %scan3A_2 = arith.addi %scan3A_0, %scan3A_1 : i32
    %scan3A_3 = arith.constant 1 : i32
    %scan3A_4 = scf.for %scan3A_38 = %scan3A_0 to %scan3A_2 step %scan3A_3 iter_args(%scan3A_39 = %scan3A) -> (i32)  : i32 {
      %broadcast_in_dim3A = arith.constant 0.000000e+00 : f32
      %broadcast_in_dim3A_40 = vector.broadcast %broadcast_in_dim3A : f32 to vector<16xf32>
      %swap3A = arith.index_cast %scan3A_38 : i32 to index
      %swap3A_41 = arith.constant 0 : index
      %swap3A_42 = tpu.vector_load %arg10[%swap3A, %swap3A_41] {strides = array<i32>} : memref<128x128xf32, #tpu.memory_space<vmem>>, vector<1x16xf32>,
      %swap3A_43 = vector.shape_cast %swap3A_42 : vector<1x16xf32> to vector<16xf32>
      %swap3A_44 = vector.shape_cast %broadcast_in_dim3A_40 : vector<16xf32> to vector<1x16xf32>
      tpu.vector_store %arg10[%swap3A, %swap3A_41], %swap3A_44 {strides = array<i32>} : memref<128x128xf32, #tpu.memory_space<vmem>>, vector<1x16xf32>,
      %broadcast_in_dim3A_45 = arith.constant 0.000000e+00 : f32
      %broadcast_in_dim3A_46 = vector.broadcast %broadcast_in_dim3A_45 : f32 to vector<16xf32>
      %swap3A_47 = arith.index_cast %scan3A_38 : i32 to index
      %swap3A_48 = arith.constant 16 : index
      %swap3A_49 = tpu.vector_load %arg10[%swap3A_47, %swap3A_48] {strides = array<i32>} : memref<128x128xf32, #tpu.memory_space<vmem>>, vector<1x16xf32>,
      %swap3A_50 = vector.shape_cast %swap3A_49 : vector<1x16xf32> to vector<16xf32>
      %swap3A_51 = vector.shape_cast %broadcast_in_dim3A_46 : vector<16xf32> to vector<1x16xf32>
      tpu.vector_store %arg10[%swap3A_47, %swap3A_48], %swap3A_51 {strides = array<i32>} : memref<128x128xf32, #tpu.memory_space<vmem>>, vector<1x16xf32>,
      %broadcast_in_dim3A_52 = arith.constant 0.000000e+00 : f32
      %broadcast_in_dim3A_53 = vector.broadcast %broadcast_in_dim3A_52 : f32 to vector<16xf32>
      %swap3A_54 = arith.index_cast %scan3A_38 : i32 to index
      %swap3A_55 = arith.constant 32 : index
      %swap3A_56 = tpu.vector_load %arg10[%swap3A_54, %swap3A_55] {strides = array<i32>} : memref<128x128xf32, #tpu.memory_space<vmem>>, vector<1x16xf32>,
      %swap3A_57 = vector.shape_cast %swap3A_56 : vector<1x16xf32> to vector<16xf32>
      %swap3A_58 = vector.shape_cast %broadcast_in_dim3A_53 : vector<16xf32> to vector<1x16xf32>
      tpu.vector_store %arg10[%swap3A_54, %swap3A_55], %swap3A_58 {strides = array<i32>} : memref<128x128xf32, #tpu.memory_space<vmem>>, vector<1x16xf32>,
      %broadcast_in_dim3A_59 = arith.constant 0.000000e+00 : f32
      %broadcast_in_dim3A_60 = vector.broadcast %broadcast_in_dim3A_59 : f32 to vector<16xf32>
      %swap3A_61 = arith.index_cast %scan3A_38 : i32 to index
      %swap3A_62 = arith.constant 48 : index
      %swap3A_63 = tpu.vector_load %arg10[%swap3A_61, %swap3A_62] {strides = array<i32>} : memref<128x128xf32, #tpu.memory_space<vmem>>, vector<1x16xf32>,
      %swap3A_64 = vector.shape_cast %swap3A_63 : vector<1x16xf32> to vector<16xf32>
      %swap3A_65 = vector.shape_cast %broadcast_in_dim3A_60 : vector<16xf32> to vector<1x16xf32>
      tpu.vector_store %arg10[%swap3A_61, %swap3A_62], %swap3A_65 {strides = array<i32>} : memref<128x128xf32, #tpu.memory_space<vmem>>, vector<1x16xf32>,
      %broadcast_in_dim3A_66 = arith.constant 0.000000e+00 : f32
      %broadcast_in_dim3A_67 = vector.broadcast %broadcast_in_dim3A_66 : f32 to vector<16xf32>
      %swap3A_68 = arith.index_cast %scan3A_38 : i32 to index
      %swap3A_69 = arith.constant 64 : index
      %swap3A_70 = tpu.vector_load %arg10[%swap3A_68, %swap3A_69] {strides = array<i32>} : memref<128x128xf32, #tpu.memory_space<vmem>>, vector<1x16xf32>,
      %swap3A_71 = vector.shape_cast %swap3A_70 : vector<1x16xf32> to vector<16xf32>
      %swap3A_72 = vector.shape_cast %broadcast_in_dim3A_67 : vector<16xf32> to vector<1x16xf32>
      tpu.vector_store %arg10[%swap3A_68, %swap3A_69], %swap3A_72 {strides = array<i32>} : memref<128x128xf32, #tpu.memory_space<vmem>>, vector<1x16xf32>,
      %broadcast_in_dim3A_73 = arith.constant 0.000000e+00 : f32
      %broadcast_in_dim3A_74 = vector.broadcast %broadcast_in_dim3A_73 : f32 to vector<16xf32>
      %swap3A_75 = arith.index_cast %scan3A_38 : i32 to index
      %swap3A_76 = arith.constant 80 : index
      %swap3A_77 = tpu.vector_load %arg10[%swap3A_75, %swap3A_76] {strides = array<i32>} : memref<128x128xf32, #tpu.memory_space<vmem>>, vector<1x16xf32>,
      %swap3A_78 = vector.shape_cast %swap3A_77 : vector<1x16xf32> to vector<16xf32>
      %swap3A_79 = vector.shape_cast %broadcast_in_dim3A_74 : vector<16xf32> to vector<1x16xf32>
      tpu.vector_store %arg10[%swap3A_75, %swap3A_76], %swap3A_79 {strides = array<i32>} : memref<128x128xf32, #tpu.memory_space<vmem>>, vector<1x16xf32>,
      %broadcast_in_dim3A_80 = arith.constant 0.000000e+00 : f32
      %broadcast_in_dim3A_81 = vector.broadcast %broadcast_in_dim3A_80 : f32 to vector<16xf32>
      %swap3A_82 = arith.index_cast %scan3A_38 : i32 to index
      %swap3A_83 = arith.constant 96 : index
      %swap3A_84 = tpu.vector_load %arg10[%swap3A_82, %swap3A_83] {strides = array<i32>} : memref<128x128xf32, #tpu.memory_space<vmem>>, vector<1x16xf32>,
      %swap3A_85 = vector.shape_cast %swap3A_84 : vector<1x16xf32> to vector<16xf32>
      %swap3A_86 = vector.shape_cast %broadcast_in_dim3A_81 : vector<16xf32> to vector<1x16xf32>
      tpu.vector_store %arg10[%swap3A_82, %swap3A_83], %swap3A_86 {strides = array<i32>} : memref<128x128xf32, #tpu.memory_space<vmem>>, vector<1x16xf32>,
      %broadcast_in_dim3A_87 = arith.constant 0.000000e+00 : f32
      %broadcast_in_dim3A_88 = vector.broadcast %broadcast_in_dim3A_87 : f32 to vector<16xf32>
      %swap3A_89 = arith.index_cast %scan3A_38 : i32 to index
      %swap3A_90 = arith.constant 112 : index
      %swap3A_91 = tpu.vector_load %arg10[%swap3A_89, %swap3A_90] {strides = array<i32>} : memref<128x128xf32, #tpu.memory_space<vmem>>, vector<1x16xf32>,
      %swap3A_92 = vector.shape_cast %swap3A_91 : vector<1x16xf32> to vector<16xf32>
      %swap3A_93 = vector.shape_cast %broadcast_in_dim3A_88 : vector<16xf32> to vector<1x16xf32>
      tpu.vector_store %arg10[%swap3A_89, %swap3A_90], %swap3A_93 {strides = array<i32>} : memref<128x128xf32, #tpu.memory_space<vmem>>, vector<1x16xf32>,
      %scan3A_94 = arith.constant 0 : i32
      scf.yield %scan3A_94 : i32
    }
    %scan3A_5 = arith.constant 128 : i32
    %mul3A = arith.constant 640 : i32
    %mul3A_6 = arith.muli %arg1, %mul3A : i32
    %add3A = arith.constant 0 : i32
    %add3A_7 = arith.addi %mul3A_6, %add3A : i32
    "tpu.region"() ({
      %run_scoped3A = tpu.sem_alloc : memref<!tpu.dma_semaphore, #tpu.memory_space<semaphore_mem>>
      %dma_start3A = arith.constant 0 : i32
      %dma_start3A_38 = tpu.memref_slice %arg12[%add3A_7, %dma_start3A] : memref<10240x128xf32, #tpu.memory_space<vmem_shared>> -> memref<128x128xf32, #tpu.memory_space<vmem_shared>>
      %dma_start3A_39 = arith.constant 0 : i32
      %dma_start3A_40 = tpu.memref_slice %arg12[%add3A_7, %dma_start3A_39] : memref<10240x128xf32, #tpu.memory_space<vmem_shared>> -> memref<128x128xf32, #tpu.memory_space<vmem_shared>>
      tpu.enqueue_dma source(%arg10 : memref<128x128xf32, #tpu.memory_space<vmem>>) target(%dma_start3A_40 : memref<128x128xf32, #tpu.memory_space<vmem_shared>>) target_semaphore(%run_scoped3A : memref<!tpu.dma_semaphore, #tpu.memory_space<semaphore_mem>>)
      %dma_wait3A = arith.constant 0 : i32
      %dma_wait3A_41 = tpu.memref_slice %arg12[%add3A_7, %dma_wait3A] : memref<10240x128xf32, #tpu.memory_space<vmem_shared>> -> memref<128x128xf32, #tpu.memory_space<vmem_shared>>
      %dma_wait3A_42 = arith.constant 0 : i32
      %dma_wait3A_43 = tpu.memref_slice %arg12[%add3A_7, %dma_wait3A_42] : memref<10240x128xf32, #tpu.memory_space<vmem_shared>> -> memref<128x128xf32, #tpu.memory_space<vmem_shared>>
      tpu.wait_dma2 semaphore(%run_scoped3A : memref<!tpu.dma_semaphore, #tpu.memory_space<semaphore_mem>>) src(%arg10 : memref<128x128xf32, #tpu.memory_space<vmem>>) dst(%dma_wait3A_43 : memref<128x128xf32, #tpu.memory_space<vmem_shared>>)
      tpu.yield
    }) : () -> ()
    %mul3A_8 = arith.constant 640 : i32
    %mul3A_9 = arith.muli %arg1, %mul3A_8 : i32
    %add3A_10 = arith.constant 128 : i32
    %add3A_11 = arith.addi %mul3A_9, %add3A_10 : i32
    "tpu.region"() ({
      %run_scoped3A = tpu.sem_alloc : memref<!tpu.dma_semaphore, #tpu.memory_space<semaphore_mem>>
      %dma_start3A = arith.constant 0 : i32
      %dma_start3A_38 = tpu.memref_slice %arg12[%add3A_11, %dma_start3A] : memref<10240x128xf32, #tpu.memory_space<vmem_shared>> -> memref<128x128xf32, #tpu.memory_space<vmem_shared>>
      %dma_start3A_39 = arith.constant 0 : i32
      %dma_start3A_40 = tpu.memref_slice %arg12[%add3A_11, %dma_start3A_39] : memref<10240x128xf32, #tpu.memory_space<vmem_shared>> -> memref<128x128xf32, #tpu.memory_space<vmem_shared>>
      tpu.enqueue_dma source(%arg10 : memref<128x128xf32, #tpu.memory_space<vmem>>) target(%dma_start3A_40 : memref<128x128xf32, #tpu.memory_space<vmem_shared>>) target_semaphore(%run_scoped3A : memref<!tpu.dma_semaphore, #tpu.memory_space<semaphore_mem>>)
      %dma_wait3A = arith.constant 0 : i32
      %dma_wait3A_41 = tpu.memref_slice %arg12[%add3A_11, %dma_wait3A] : memref<10240x128xf32, #tpu.memory_space<vmem_shared>> -> memref<128x128xf32, #tpu.memory_space<vmem_shared>>
      %dma_wait3A_42 = arith.constant 0 : i32
      %dma_wait3A_43 = tpu.memref_slice %arg12[%add3A_11, %dma_wait3A_42] : memref<10240x128xf32, #tpu.memory_space<vmem_shared>> -> memref<128x128xf32, #tpu.memory_space<vmem_shared>>
      tpu.wait_dma2 semaphore(%run_scoped3A : memref<!tpu.dma_semaphore, #tpu.memory_space<semaphore_mem>>) src(%arg10 : memref<128x128xf32, #tpu.memory_space<vmem>>) dst(%dma_wait3A_43 : memref<128x128xf32, #tpu.memory_space<vmem_shared>>)
      tpu.yield
    }) : () -> ()
    %mul3A_12 = arith.constant 640 : i32
    %mul3A_13 = arith.muli %arg1, %mul3A_12 : i32
    %add3A_14 = arith.constant 256 : i32
    %add3A_15 = arith.addi %mul3A_13, %add3A_14 : i32
    "tpu.region"() ({
      %run_scoped3A = tpu.sem_alloc : memref<!tpu.dma_semaphore, #tpu.memory_space<semaphore_mem>>
      %dma_start3A = arith.constant 0 : i32
      %dma_start3A_38 = tpu.memref_slice %arg12[%add3A_15, %dma_start3A] : memref<10240x128xf32, #tpu.memory_space<vmem_shared>> -> memref<128x128xf32, #tpu.memory_space<vmem_shared>>
      %dma_start3A_39 = arith.constant 0 : i32
      %dma_start3A_40 = tpu.memref_slice %arg12[%add3A_15, %dma_start3A_39] : memref<10240x128xf32, #tpu.memory_space<vmem_shared>> -> memref<128x128xf32, #tpu.memory_space<vmem_shared>>
      tpu.enqueue_dma source(%arg10 : memref<128x128xf32, #tpu.memory_space<vmem>>) target(%dma_start3A_40 : memref<128x128xf32, #tpu.memory_space<vmem_shared>>) target_semaphore(%run_scoped3A : memref<!tpu.dma_semaphore, #tpu.memory_space<semaphore_mem>>)
      %dma_wait3A = arith.constant 0 : i32
      %dma_wait3A_41 = tpu.memref_slice %arg12[%add3A_15, %dma_wait3A] : memref<10240x128xf32, #tpu.memory_space<vmem_shared>> -> memref<128x128xf32, #tpu.memory_space<vmem_shared>>
      %dma_wait3A_42 = arith.constant 0 : i32
      %dma_wait3A_43 = tpu.memref_slice %arg12[%add3A_15, %dma_wait3A_42] : memref<10240x128xf32, #tpu.memory_space<vmem_shared>> -> memref<128x128xf32, #tpu.memory_space<vmem_shared>>
      tpu.wait_dma2 semaphore(%run_scoped3A : memref<!tpu.dma_semaphore, #tpu.memory_space<semaphore_mem>>) src(%arg10 : memref<128x128xf32, #tpu.memory_space<vmem>>) dst(%dma_wait3A_43 : memref<128x128xf32, #tpu.memory_space<vmem_shared>>)
      tpu.yield
    }) : () -> ()
    %mul3A_16 = arith.constant 640 : i32
    %mul3A_17 = arith.muli %arg1, %mul3A_16 : i32
    %add3A_18 = arith.constant 384 : i32
    %add3A_19 = arith.addi %mul3A_17, %add3A_18 : i32
    "tpu.region"() ({
      %run_scoped3A = tpu.sem_alloc : memref<!tpu.dma_semaphore, #tpu.memory_space<semaphore_mem>>
      %dma_start3A = arith.constant 0 : i32
      %dma_start3A_38 = tpu.memref_slice %arg12[%add3A_19, %dma_start3A] : memref<10240x128xf32, #tpu.memory_space<vmem_shared>> -> memref<128x128xf32, #tpu.memory_space<vmem_shared>>
      %dma_start3A_39 = arith.constant 0 : i32
      %dma_start3A_40 = tpu.memref_slice %arg12[%add3A_19, %dma_start3A_39] : memref<10240x128xf32, #tpu.memory_space<vmem_shared>> -> memref<128x128xf32, #tpu.memory_space<vmem_shared>>
      tpu.enqueue_dma source(%arg10 : memref<128x128xf32, #tpu.memory_space<vmem>>) target(%dma_start3A_40 : memref<128x128xf32, #tpu.memory_space<vmem_shared>>) target_semaphore(%run_scoped3A : memref<!tpu.dma_semaphore, #tpu.memory_space<semaphore_mem>>)
      %dma_wait3A = arith.constant 0 : i32
      %dma_wait3A_41 = tpu.memref_slice %arg12[%add3A_19, %dma_wait3A] : memref<10240x128xf32, #tpu.memory_space<vmem_shared>> -> memref<128x128xf32, #tpu.memory_space<vmem_shared>>
      %dma_wait3A_42 = arith.constant 0 : i32
      %dma_wait3A_43 = tpu.memref_slice %arg12[%add3A_19, %dma_wait3A_42] : memref<10240x128xf32, #tpu.memory_space<vmem_shared>> -> memref<128x128xf32, #tpu.memory_space<vmem_shared>>
      tpu.wait_dma2 semaphore(%run_scoped3A : memref<!tpu.dma_semaphore, #tpu.memory_space<semaphore_mem>>) src(%arg10 : memref<128x128xf32, #tpu.memory_space<vmem>>) dst(%dma_wait3A_43 : memref<128x128xf32, #tpu.memory_space<vmem_shared>>)
      tpu.yield
    }) : () -> ()
    %mul3A_20 = arith.constant 640 : i32
    %mul3A_21 = arith.muli %arg1, %mul3A_20 : i32
    %add3A_22 = arith.constant 512 : i32
    %add3A_23 = arith.addi %mul3A_21, %add3A_22 : i32
    "tpu.region"() ({
      %run_scoped3A = tpu.sem_alloc : memref<!tpu.dma_semaphore, #tpu.memory_space<semaphore_mem>>
      %dma_start3A = arith.constant 0 : i32
      %dma_start3A_38 = tpu.memref_slice %arg12[%add3A_23, %dma_start3A] : memref<10240x128xf32, #tpu.memory_space<vmem_shared>> -> memref<128x128xf32, #tpu.memory_space<vmem_shared>>
      %dma_start3A_39 = arith.constant 0 : i32
      %dma_start3A_40 = tpu.memref_slice %arg12[%add3A_23, %dma_start3A_39] : memref<10240x128xf32, #tpu.memory_space<vmem_shared>> -> memref<128x128xf32, #tpu.memory_space<vmem_shared>>
      tpu.enqueue_dma source(%arg10 : memref<128x128xf32, #tpu.memory_space<vmem>>) target(%dma_start3A_40 : memref<128x128xf32, #tpu.memory_space<vmem_shared>>) target_semaphore(%run_scoped3A : memref<!tpu.dma_semaphore, #tpu.memory_space<semaphore_mem>>)
      %dma_wait3A = arith.constant 0 : i32
      %dma_wait3A_41 = tpu.memref_slice %arg12[%add3A_23, %dma_wait3A] : memref<10240x128xf32, #tpu.memory_space<vmem_shared>> -> memref<128x128xf32, #tpu.memory_space<vmem_shared>>
      %dma_wait3A_42 = arith.constant 0 : i32
      %dma_wait3A_43 = tpu.memref_slice %arg12[%add3A_23, %dma_wait3A_42] : memref<10240x128xf32, #tpu.memory_space<vmem_shared>> -> memref<128x128xf32, #tpu.memory_space<vmem_shared>>
      tpu.wait_dma2 semaphore(%run_scoped3A : memref<!tpu.dma_semaphore, #tpu.memory_space<semaphore_mem>>) src(%arg10 : memref<128x128xf32, #tpu.memory_space<vmem>>) dst(%dma_wait3A_43 : memref<128x128xf32, #tpu.memory_space<vmem_shared>>)
      tpu.yield
    }) : () -> ()
    %barrier3A = arith.constant 0 : index
    tpu.barrier barrier_id(%barrier3A)
    %mul3A_24 = arith.constant 80 : i32
    %mul3A_25 = arith.muli %arg1, %mul3A_24 : i32
    "tpu.region"() ({
      %run_scoped3A = tpu.sem_alloc : memref<!tpu.dma_semaphore, #tpu.memory_space<semaphore_mem>>
      %dma_start3A = arith.constant 0 : i32
      %dma_start3A_38 = tpu.memref_slice %arg2[%mul3A_25, %dma_start3A] : memref<1280x128xi32, #tpu.memory_space<hbm>> -> memref<80x128xi32, #tpu.memory_space<hbm>>
      %dma_start3A_39 = arith.constant 0 : i32
      %dma_start3A_40 = tpu.memref_slice %arg2[%mul3A_25, %dma_start3A_39] : memref<1280x128xi32, #tpu.memory_space<hbm>> -> memref<80x128xi32, #tpu.memory_space<hbm>>
      tpu.enqueue_dma source(%dma_start3A_40 : memref<80x128xi32, #tpu.memory_space<hbm>>) target(%arg8 : memref<80x128xi32, #tpu.memory_space<vmem>>) target_semaphore(%run_scoped3A : memref<!tpu.dma_semaphore, #tpu.memory_space<semaphore_mem>>)
      %dma_wait3A = arith.constant 0 : i32
      %dma_wait3A_41 = tpu.memref_slice %arg2[%mul3A_25, %dma_wait3A] : memref<1280x128xi32, #tpu.memory_space<hbm>> -> memref<80x128xi32, #tpu.memory_space<hbm>>
      %dma_wait3A_42 = arith.constant 0 : i32
      %dma_wait3A_43 = tpu.memref_slice %arg2[%mul3A_25, %dma_wait3A_42] : memref<1280x128xi32, #tpu.memory_space<hbm>> -> memref<80x128xi32, #tpu.memory_space<hbm>>
      tpu.wait_dma2 semaphore(%run_scoped3A : memref<!tpu.dma_semaphore, #tpu.memory_space<semaphore_mem>>) src(%dma_wait3A_43 : memref<80x128xi32, #tpu.memory_space<hbm>>) dst(%arg8 : memref<80x128xi32, #tpu.memory_space<vmem>>)
      tpu.yield
    }) : () -> ()
    %scan3A_26 = arith.constant 0 : i32
    %scan3A_27 = arith.constant 0 : i32
    %scan3A_28 = arith.constant 80 : i32
    %scan3A_29 = arith.addi %scan3A_27, %scan3A_28 : i32
    %scan3A_30 = arith.constant 1 : i32
    %scan3A_31 = scf.for %scan3A_38 = %scan3A_27 to %scan3A_29 step %scan3A_30 iter_args(%scan3A_39 = %scan3A_26) -> (i32)  : i32 {
      %mul3A_40 = arith.constant 80 : i32
      %mul3A_41 = arith.muli %arg1, %mul3A_40 : i32
      %add3A_42 = arith.addi %mul3A_41, %scan3A_38 : i32
      "tpu.region"() ({
        %run_scoped3A = tpu.sem_alloc : memref<!tpu.dma_semaphore, #tpu.memory_space<semaphore_mem>>
        %dma_start3A_116 = arith.constant 0 : i32
        %dma_start3A_117 = tpu.memref_slice %arg3[%add3A_42, %dma_start3A_116] : memref<1280x128xi32, #tpu.memory_space<hbm>> -> memref<1x128xi32, #tpu.memory_space<hbm>>
        %dma_start3A_118 = tpu.memref_squeeze %dma_start3A_117 : memref<1x128xi32, #tpu.memory_space<hbm>> -> memref<128xi32, #tpu.memory_space<hbm>>
        %dma_start3A_119 = arith.constant 0 : i32
        %dma_start3A_120 = tpu.memref_slice %arg3[%add3A_42, %dma_start3A_119] : memref<1280x128xi32, #tpu.memory_space<hbm>> -> memref<1x128xi32, #tpu.memory_space<hbm>>
        %dma_start3A_121 = tpu.memref_squeeze %dma_start3A_120 : memref<1x128xi32, #tpu.memory_space<hbm>> -> memref<128xi32, #tpu.memory_space<hbm>>
        tpu.enqueue_dma source(%dma_start3A_121 : memref<128xi32, #tpu.memory_space<hbm>>) target(%arg9 : memref<128xi32, #tpu.memory_space<vmem>>) target_semaphore(%run_scoped3A : memref<!tpu.dma_semaphore, #tpu.memory_space<semaphore_mem>>)
        %dma_wait3A_122 = arith.constant 0 : i32
        %dma_wait3A_123 = tpu.memref_slice %arg3[%add3A_42, %dma_wait3A_122] : memref<1280x128xi32, #tpu.memory_space<hbm>> -> memref<1x128xi32, #tpu.memory_space<hbm>>
        %dma_wait3A_124 = tpu.memref_squeeze %dma_wait3A_123 : memref<1x128xi32, #tpu.memory_space<hbm>> -> memref<128xi32, #tpu.memory_space<hbm>>
        %dma_wait3A_125 = arith.constant 0 : i32
        %dma_wait3A_126 = tpu.memref_slice %arg3[%add3A_42, %dma_wait3A_125] : memref<1280x128xi32, #tpu.memory_space<hbm>> -> memref<1x128xi32, #tpu.memory_space<hbm>>
        %dma_wait3A_127 = tpu.memref_squeeze %dma_wait3A_126 : memref<1x128xi32, #tpu.memory_space<hbm>> -> memref<128xi32, #tpu.memory_space<hbm>>
        tpu.wait_dma2 semaphore(%run_scoped3A : memref<!tpu.dma_semaphore, #tpu.memory_space<semaphore_mem>>) src(%dma_wait3A_127 : memref<128xi32, #tpu.memory_space<hbm>>) dst(%arg9 : memref<128xi32, #tpu.memory_space<vmem>>)
        tpu.yield
      }) : () -> ()
      %dma_start3A = arith.constant 0 : i32
      %dma_start3A_43 = tpu.memref_slice %arg8[%scan3A_38, %dma_start3A] : memref<80x128xi32, #tpu.memory_space<vmem>> -> memref<1x128xi32, #tpu.memory_space<vmem>>
      %dma_start3A_44 = tpu.memref_squeeze %dma_start3A_43 : memref<1x128xi32, #tpu.memory_space<vmem>> -> memref<128xi32, #tpu.memory_space<vmem>>
      %dma_start3A_45 = arith.constant 0 : i32
      %dma_start3A_46 = arith.constant 0 : i32
      %dma_start3A_47 = tpu.memref_slice %arg4[%arg0, %dma_start3A_45, %dma_start3A_46] : memref<2x10016x128xf32, #tpu.memory_space<hbm>> -> memref<1x10016x128xf32, #tpu.memory_space<hbm>>
      %dma_start3A_48 = tpu.memref_squeeze %dma_start3A_47 : memref<1x10016x128xf32, #tpu.memory_space<hbm>> -> memref<10016x128xf32, #tpu.memory_space<hbm>>
      %dma_start3A_49 = arith.constant 0 : i32
      %dma_start3A_50 = arith.constant 0 : i32
      %dma_start3A_51 = tpu.memref_slice %dma_start3A_48[%dma_start3A_49, %dma_start3A_50] : memref<10016x128xf32, #tpu.memory_space<hbm>> -> memref<10016x128xf32, #tpu.memory_space<hbm>>
      tpu.enqueue_indirect_dma source(%dma_start3A_51 : memref<10016x128xf32, #tpu.memory_space<hbm>>) target(%arg10 : memref<128x128xf32, #tpu.memory_space<vmem>>) offsets(%dma_start3A_44 : memref<128xi32, #tpu.memory_space<vmem>>) semaphore(%arg13 : memref<!tpu.dma_semaphore, #tpu.memory_space<semaphore_mem>>)
      %dma_start3A_52 = arith.constant 0 : i32
      %dma_start3A_53 = arith.constant 0 : i32
      %dma_start3A_54 = tpu.memref_slice %arg5[%arg0, %dma_start3A_52, %dma_start3A_53] : memref<2x10016x128xf32, #tpu.memory_space<hbm>> -> memref<1x10016x128xf32, #tpu.memory_space<hbm>>
      %dma_start3A_55 = tpu.memref_squeeze %dma_start3A_54 : memref<1x10016x128xf32, #tpu.memory_space<hbm>> -> memref<10016x128xf32, #tpu.memory_space<hbm>>
      %dma_start3A_56 = arith.constant 0 : i32
      %dma_start3A_57 = arith.constant 0 : i32
      %dma_start3A_58 = tpu.memref_slice %dma_start3A_55[%dma_start3A_56, %dma_start3A_57] : memref<10016x128xf32, #tpu.memory_space<hbm>> -> memref<10016x128xf32, #tpu.memory_space<hbm>>
      tpu.enqueue_indirect_dma source(%dma_start3A_58 : memref<10016x128xf32, #tpu.memory_space<hbm>>) target(%arg11 : memref<128x128xf32, #tpu.memory_space<vmem>>) offsets(%arg9 : memref<128xi32, #tpu.memory_space<vmem>>) semaphore(%arg14 : memref<!tpu.dma_semaphore, #tpu.memory_space<semaphore_mem>>)
      %dma_wait3A = arith.constant 0 : i32
      %dma_wait3A_59 = tpu.memref_slice %arg8[%scan3A_38, %dma_wait3A] : memref<80x128xi32, #tpu.memory_space<vmem>> -> memref<1x128xi32, #tpu.memory_space<vmem>>
      %dma_wait3A_60 = tpu.memref_squeeze %dma_wait3A_59 : memref<1x128xi32, #tpu.memory_space<vmem>> -> memref<128xi32, #tpu.memory_space<vmem>>
      %dma_wait3A_61 = arith.constant 0 : i32
      %dma_wait3A_62 = arith.constant 0 : i32
      %dma_wait3A_63 = tpu.memref_slice %arg4[%arg0, %dma_wait3A_61, %dma_wait3A_62] : memref<2x10016x128xf32, #tpu.memory_space<hbm>> -> memref<1x10016x128xf32, #tpu.memory_space<hbm>>
      %dma_wait3A_64 = tpu.memref_squeeze %dma_wait3A_63 : memref<1x10016x128xf32, #tpu.memory_space<hbm>> -> memref<10016x128xf32, #tpu.memory_space<hbm>>
      %dma_wait3A_65 = arith.constant 0 : i32
      %dma_wait3A_66 = arith.constant 0 : i32
      %dma_wait3A_67 = tpu.memref_slice %dma_wait3A_64[%dma_wait3A_65, %dma_wait3A_66] : memref<10016x128xf32, #tpu.memory_space<hbm>> -> memref<10016x128xf32, #tpu.memory_space<hbm>>
      tpu.wait_indirect_dma semaphore(%arg13 : memref<!tpu.dma_semaphore, #tpu.memory_space<semaphore_mem>>) src(%dma_wait3A_67 : memref<10016x128xf32, #tpu.memory_space<hbm>>) dst(%arg10 : memref<128x128xf32, #tpu.memory_space<vmem>>)
      %dma_wait3A_68 = arith.constant 0 : i32
      %dma_wait3A_69 = arith.constant 0 : i32
      %dma_wait3A_70 = tpu.memref_slice %arg5[%arg0, %dma_wait3A_68, %dma_wait3A_69] : memref<2x10016x128xf32, #tpu.memory_space<hbm>> -> memref<1x10016x128xf32, #tpu.memory_space<hbm>>
      %dma_wait3A_71 = tpu.memref_squeeze %dma_wait3A_70 : memref<1x10016x128xf32, #tpu.memory_space<hbm>> -> memref<10016x128xf32, #tpu.memory_space<hbm>>
      %dma_wait3A_72 = arith.constant 0 : i32
      %dma_wait3A_73 = arith.constant 0 : i32
      %dma_wait3A_74 = tpu.memref_slice %dma_wait3A_71[%dma_wait3A_72, %dma_wait3A_73] : memref<10016x128xf32, #tpu.memory_space<hbm>> -> memref<10016x128xf32, #tpu.memory_space<hbm>>
      tpu.wait_indirect_dma semaphore(%arg14 : memref<!tpu.dma_semaphore, #tpu.memory_space<semaphore_mem>>) src(%dma_wait3A_74 : memref<10016x128xf32, #tpu.memory_space<hbm>>) dst(%arg11 : memref<128x128xf32, #tpu.memory_space<vmem>>)
      %scan3A_75 = arith.constant 0 : i32
      %scan3A_76 = arith.constant 0 : i32
      %scan3A_77 = arith.constant 128 : i32
      %scan3A_78 = arith.addi %scan3A_76, %scan3A_77 : i32
      %scan3A_79 = arith.constant 1 : i32
      %scan3A_80 = scf.for %scan3A_116 = %scan3A_76 to %scan3A_78 step %scan3A_79 iter_args(%scan3A_117 = %scan3A_75) -> (i32)  : i32 {
        %get3A = arith.index_cast %scan3A_116 : i32 to index
        %get3A_118 = arith.constant 0 : index
        %get3A_119 = tpu.vector_load %arg10[%get3A, %get3A_118] {strides = array<i32>} : memref<128x128xf32, #tpu.memory_space<vmem>>, vector<1x16xf32>,
        %get3A_120 = vector.shape_cast %get3A_119 : vector<1x16xf32> to vector<16xf32>
        %get3A_121 = arith.index_cast %scan3A_116 : i32 to index
        %get3A_122 = arith.constant 0 : index
        %get3A_123 = tpu.vector_load %arg11[%get3A_121, %get3A_122] {strides = array<i32>} : memref<128x128xf32, #tpu.memory_space<vmem>>, vector<1x16xf32>,
        %get3A_124 = vector.shape_cast %get3A_123 : vector<1x16xf32> to vector<16xf32>
        %add3A_125 = arith.addf %get3A_120, %get3A_124 : vector<16xf32>
        %swap3A = arith.index_cast %scan3A_116 : i32 to index
        %swap3A_126 = arith.constant 0 : index
        %swap3A_127 = tpu.vector_load %arg10[%swap3A, %swap3A_126] {strides = array<i32>} : memref<128x128xf32, #tpu.memory_space<vmem>>, vector<1x16xf32>,
        %swap3A_128 = vector.shape_cast %swap3A_127 : vector<1x16xf32> to vector<16xf32>
        %swap3A_129 = vector.shape_cast %add3A_125 : vector<16xf32> to vector<1x16xf32>
        tpu.vector_store %arg10[%swap3A, %swap3A_126], %swap3A_129 {strides = array<i32>} : memref<128x128xf32, #tpu.memory_space<vmem>>, vector<1x16xf32>,
        %get3A_130 = arith.index_cast %scan3A_116 : i32 to index
        %get3A_131 = arith.constant 16 : index
        %get3A_132 = tpu.vector_load %arg10[%get3A_130, %get3A_131] {strides = array<i32>} : memref<128x128xf32, #tpu.memory_space<vmem>>, vector<1x16xf32>,
        %get3A_133 = vector.shape_cast %get3A_132 : vector<1x16xf32> to vector<16xf32>
        %get3A_134 = arith.index_cast %scan3A_116 : i32 to index
        %get3A_135 = arith.constant 16 : index
        %get3A_136 = tpu.vector_load %arg11[%get3A_134, %get3A_135] {strides = array<i32>} : memref<128x128xf32, #tpu.memory_space<vmem>>, vector<1x16xf32>,
        %get3A_137 = vector.shape_cast %get3A_136 : vector<1x16xf32> to vector<16xf32>
        %add3A_138 = arith.addf %get3A_133, %get3A_137 : vector<16xf32>
        %swap3A_139 = arith.index_cast %scan3A_116 : i32 to index
        %swap3A_140 = arith.constant 16 : index
        %swap3A_141 = tpu.vector_load %arg10[%swap3A_139, %swap3A_140] {strides = array<i32>} : memref<128x128xf32, #tpu.memory_space<vmem>>, vector<1x16xf32>,
        %swap3A_142 = vector.shape_cast %swap3A_141 : vector<1x16xf32> to vector<16xf32>
        %swap3A_143 = vector.shape_cast %add3A_138 : vector<16xf32> to vector<1x16xf32>
        tpu.vector_store %arg10[%swap3A_139, %swap3A_140], %swap3A_143 {strides = array<i32>} : memref<128x128xf32, #tpu.memory_space<vmem>>, vector<1x16xf32>,
        %get3A_144 = arith.index_cast %scan3A_116 : i32 to index
        %get3A_145 = arith.constant 32 : index
        %get3A_146 = tpu.vector_load %arg10[%get3A_144, %get3A_145] {strides = array<i32>} : memref<128x128xf32, #tpu.memory_space<vmem>>, vector<1x16xf32>,
        %get3A_147 = vector.shape_cast %get3A_146 : vector<1x16xf32> to vector<16xf32>
        %get3A_148 = arith.index_cast %scan3A_116 : i32 to index
        %get3A_149 = arith.constant 32 : index
        %get3A_150 = tpu.vector_load %arg11[%get3A_148, %get3A_149] {strides = array<i32>} : memref<128x128xf32, #tpu.memory_space<vmem>>, vector<1x16xf32>,
        %get3A_151 = vector.shape_cast %get3A_150 : vector<1x16xf32> to vector<16xf32>
        %add3A_152 = arith.addf %get3A_147, %get3A_151 : vector<16xf32>
        %swap3A_153 = arith.index_cast %scan3A_116 : i32 to index
        %swap3A_154 = arith.constant 32 : index
        %swap3A_155 = tpu.vector_load %arg10[%swap3A_153, %swap3A_154] {strides = array<i32>} : memref<128x128xf32, #tpu.memory_space<vmem>>, vector<1x16xf32>,
        %swap3A_156 = vector.shape_cast %swap3A_155 : vector<1x16xf32> to vector<16xf32>
        %swap3A_157 = vector.shape_cast %add3A_152 : vector<16xf32> to vector<1x16xf32>
        tpu.vector_store %arg10[%swap3A_153, %swap3A_154], %swap3A_157 {strides = array<i32>} : memref<128x128xf32, #tpu.memory_space<vmem>>, vector<1x16xf32>,
        %get3A_158 = arith.index_cast %scan3A_116 : i32 to index
        %get3A_159 = arith.constant 48 : index
        %get3A_160 = tpu.vector_load %arg10[%get3A_158, %get3A_159] {strides = array<i32>} : memref<128x128xf32, #tpu.memory_space<vmem>>, vector<1x16xf32>,
        %get3A_161 = vector.shape_cast %get3A_160 : vector<1x16xf32> to vector<16xf32>
        %get3A_162 = arith.index_cast %scan3A_116 : i32 to index
        %get3A_163 = arith.constant 48 : index
        %get3A_164 = tpu.vector_load %arg11[%get3A_162, %get3A_163] {strides = array<i32>} : memref<128x128xf32, #tpu.memory_space<vmem>>, vector<1x16xf32>,
        %get3A_165 = vector.shape_cast %get3A_164 : vector<1x16xf32> to vector<16xf32>
        %add3A_166 = arith.addf %get3A_161, %get3A_165 : vector<16xf32>
        %swap3A_167 = arith.index_cast %scan3A_116 : i32 to index
        %swap3A_168 = arith.constant 48 : index
        %swap3A_169 = tpu.vector_load %arg10[%swap3A_167, %swap3A_168] {strides = array<i32>} : memref<128x128xf32, #tpu.memory_space<vmem>>, vector<1x16xf32>,
        %swap3A_170 = vector.shape_cast %swap3A_169 : vector<1x16xf32> to vector<16xf32>
        %swap3A_171 = vector.shape_cast %add3A_166 : vector<16xf32> to vector<1x16xf32>
        tpu.vector_store %arg10[%swap3A_167, %swap3A_168], %swap3A_171 {strides = array<i32>} : memref<128x128xf32, #tpu.memory_space<vmem>>, vector<1x16xf32>,
        %get3A_172 = arith.index_cast %scan3A_116 : i32 to index
        %get3A_173 = arith.constant 64 : index
        %get3A_174 = tpu.vector_load %arg10[%get3A_172, %get3A_173] {strides = array<i32>} : memref<128x128xf32, #tpu.memory_space<vmem>>, vector<1x16xf32>,
        %get3A_175 = vector.shape_cast %get3A_174 : vector<1x16xf32> to vector<16xf32>
        %get3A_176 = arith.index_cast %scan3A_116 : i32 to index
        %get3A_177 = arith.constant 64 : index
        %get3A_178 = tpu.vector_load %arg11[%get3A_176, %get3A_177] {strides = array<i32>} : memref<128x128xf32, #tpu.memory_space<vmem>>, vector<1x16xf32>,
        %get3A_179 = vector.shape_cast %get3A_178 : vector<1x16xf32> to vector<16xf32>
        %add3A_180 = arith.addf %get3A_175, %get3A_179 : vector<16xf32>
        %swap3A_181 = arith.index_cast %scan3A_116 : i32 to index
        %swap3A_182 = arith.constant 64 : index
        %swap3A_183 = tpu.vector_load %arg10[%swap3A_181, %swap3A_182] {strides = array<i32>} : memref<128x128xf32, #tpu.memory_space<vmem>>, vector<1x16xf32>,
        %swap3A_184 = vector.shape_cast %swap3A_183 : vector<1x16xf32> to vector<16xf32>
        %swap3A_185 = vector.shape_cast %add3A_180 : vector<16xf32> to vector<1x16xf32>
        tpu.vector_store %arg10[%swap3A_181, %swap3A_182], %swap3A_185 {strides = array<i32>} : memref<128x128xf32, #tpu.memory_space<vmem>>, vector<1x16xf32>,
        %get3A_186 = arith.index_cast %scan3A_116 : i32 to index
        %get3A_187 = arith.constant 80 : index
        %get3A_188 = tpu.vector_load %arg10[%get3A_186, %get3A_187] {strides = array<i32>} : memref<128x128xf32, #tpu.memory_space<vmem>>, vector<1x16xf32>,
        %get3A_189 = vector.shape_cast %get3A_188 : vector<1x16xf32> to vector<16xf32>
        %get3A_190 = arith.index_cast %scan3A_116 : i32 to index
        %get3A_191 = arith.constant 80 : index
        %get3A_192 = tpu.vector_load %arg11[%get3A_190, %get3A_191] {strides = array<i32>} : memref<128x128xf32, #tpu.memory_space<vmem>>, vector<1x16xf32>,
        %get3A_193 = vector.shape_cast %get3A_192 : vector<1x16xf32> to vector<16xf32>
        %add3A_194 = arith.addf %get3A_189, %get3A_193 : vector<16xf32>
        %swap3A_195 = arith.index_cast %scan3A_116 : i32 to index
        %swap3A_196 = arith.constant 80 : index
        %swap3A_197 = tpu.vector_load %arg10[%swap3A_195, %swap3A_196] {strides = array<i32>} : memref<128x128xf32, #tpu.memory_space<vmem>>, vector<1x16xf32>,
        %swap3A_198 = vector.shape_cast %swap3A_197 : vector<1x16xf32> to vector<16xf32>
        %swap3A_199 = vector.shape_cast %add3A_194 : vector<16xf32> to vector<1x16xf32>
        tpu.vector_store %arg10[%swap3A_195, %swap3A_196], %swap3A_199 {strides = array<i32>} : memref<128x128xf32, #tpu.memory_space<vmem>>, vector<1x16xf32>,
        %get3A_200 = arith.index_cast %scan3A_116 : i32 to index
        %get3A_201 = arith.constant 96 : index
        %get3A_202 = tpu.vector_load %arg10[%get3A_200, %get3A_201] {strides = array<i32>} : memref<128x128xf32, #tpu.memory_space<vmem>>, vector<1x16xf32>,
        %get3A_203 = vector.shape_cast %get3A_202 : vector<1x16xf32> to vector<16xf32>
        %get3A_204 = arith.index_cast %scan3A_116 : i32 to index
        %get3A_205 = arith.constant 96 : index
        %get3A_206 = tpu.vector_load %arg11[%get3A_204, %get3A_205] {strides = array<i32>} : memref<128x128xf32, #tpu.memory_space<vmem>>, vector<1x16xf32>,
        %get3A_207 = vector.shape_cast %get3A_206 : vector<1x16xf32> to vector<16xf32>
        %add3A_208 = arith.addf %get3A_203, %get3A_207 : vector<16xf32>
        %swap3A_209 = arith.index_cast %scan3A_116 : i32 to index
        %swap3A_210 = arith.constant 96 : index
        %swap3A_211 = tpu.vector_load %arg10[%swap3A_209, %swap3A_210] {strides = array<i32>} : memref<128x128xf32, #tpu.memory_space<vmem>>, vector<1x16xf32>,
        %swap3A_212 = vector.shape_cast %swap3A_211 : vector<1x16xf32> to vector<16xf32>
        %swap3A_213 = vector.shape_cast %add3A_208 : vector<16xf32> to vector<1x16xf32>
        tpu.vector_store %arg10[%swap3A_209, %swap3A_210], %swap3A_213 {strides = array<i32>} : memref<128x128xf32, #tpu.memory_space<vmem>>, vector<1x16xf32>,
        %get3A_214 = arith.index_cast %scan3A_116 : i32 to index
        %get3A_215 = arith.constant 112 : index
        %get3A_216 = tpu.vector_load %arg10[%get3A_214, %get3A_215] {strides = array<i32>} : memref<128x128xf32, #tpu.memory_space<vmem>>, vector<1x16xf32>,
        %get3A_217 = vector.shape_cast %get3A_216 : vector<1x16xf32> to vector<16xf32>
        %get3A_218 = arith.index_cast %scan3A_116 : i32 to index
        %get3A_219 = arith.constant 112 : index
        %get3A_220 = tpu.vector_load %arg11[%get3A_218, %get3A_219] {strides = array<i32>} : memref<128x128xf32, #tpu.memory_space<vmem>>, vector<1x16xf32>,
        %get3A_221 = vector.shape_cast %get3A_220 : vector<1x16xf32> to vector<16xf32>
        %add3A_222 = arith.addf %get3A_217, %get3A_221 : vector<16xf32>
        %swap3A_223 = arith.index_cast %scan3A_116 : i32 to index
        %swap3A_224 = arith.constant 112 : index
        %swap3A_225 = tpu.vector_load %arg10[%swap3A_223, %swap3A_224] {strides = array<i32>} : memref<128x128xf32, #tpu.memory_space<vmem>>, vector<1x16xf32>,
        %swap3A_226 = vector.shape_cast %swap3A_225 : vector<1x16xf32> to vector<16xf32>
        %swap3A_227 = vector.shape_cast %add3A_222 : vector<16xf32> to vector<1x16xf32>
        tpu.vector_store %arg10[%swap3A_223, %swap3A_224], %swap3A_227 {strides = array<i32>} : memref<128x128xf32, #tpu.memory_space<vmem>>, vector<1x16xf32>,
        %scan3A_228 = arith.constant 0 : i32
        scf.yield %scan3A_228 : i32
      }
      %scan3A_81 = arith.constant 128 : i32
      %mul3A_82 = arith.constant 128 : i32
      %mul3A_83 = arith.muli %add3A_42, %mul3A_82 : i32
      %dma_start3A_84 = arith.constant 0 : i32
      %dma_start3A_85 = arith.constant 0 : i32
      %dma_start3A_86 = tpu.memref_slice %arg6[%arg0, %dma_start3A_84, %dma_start3A_85] : memref<2x163840x128xf32, #tpu.memory_space<hbm>> -> memref<1x163840x128xf32, #tpu.memory_space<hbm>>
      %dma_start3A_87 = tpu.memref_squeeze %dma_start3A_86 : memref<1x163840x128xf32, #tpu.memory_space<hbm>> -> memref<163840x128xf32, #tpu.memory_space<hbm>>
      %dma_start3A_88 = arith.constant 0 : i32
      %dma_start3A_89 = tpu.memref_slice %dma_start3A_87[%mul3A_83, %dma_start3A_88] : memref<163840x128xf32, #tpu.memory_space<hbm>> -> memref<128x128xf32, #tpu.memory_space<hbm>>
      %dma_start3A_90 = arith.constant 0 : i32
      %dma_start3A_91 = arith.constant 0 : i32
      %dma_start3A_92 = tpu.memref_slice %arg6[%arg0, %dma_start3A_90, %dma_start3A_91] : memref<2x163840x128xf32, #tpu.memory_space<hbm>> -> memref<1x163840x128xf32, #tpu.memory_space<hbm>>
      %dma_start3A_93 = tpu.memref_squeeze %dma_start3A_92 : memref<1x163840x128xf32, #tpu.memory_space<hbm>> -> memref<163840x128xf32, #tpu.memory_space<hbm>>
      %dma_start3A_94 = arith.constant 0 : i32
      %dma_start3A_95 = tpu.memref_slice %dma_start3A_93[%mul3A_83, %dma_start3A_94] : memref<163840x128xf32, #tpu.memory_space<hbm>> -> memref<128x128xf32, #tpu.memory_space<hbm>>
      tpu.enqueue_dma source(%dma_start3A_95 : memref<128x128xf32, #tpu.memory_space<hbm>>) target(%arg11 : memref<128x128xf32, #tpu.memory_space<vmem>>) target_semaphore(%arg15 : memref<!tpu.dma_semaphore, #tpu.memory_space<semaphore_mem>>)
      %dma_wait3A_96 = arith.constant 0 : i32
      %dma_wait3A_97 = arith.constant 0 : i32
      %dma_wait3A_98 = tpu.memref_slice %arg6[%arg0, %dma_wait3A_96, %dma_wait3A_97] : memref<2x163840x128xf32, #tpu.memory_space<hbm>> -> memref<1x163840x128xf32, #tpu.memory_space<hbm>>
      %dma_wait3A_99 = tpu.memref_squeeze %dma_wait3A_98 : memref<1x163840x128xf32, #tpu.memory_space<hbm>> -> memref<163840x128xf32, #tpu.memory_space<hbm>>
      %dma_wait3A_100 = arith.constant 0 : i32
      %dma_wait3A_101 = tpu.memref_slice %dma_wait3A_99[%mul3A_83, %dma_wait3A_100] : memref<163840x128xf32, #tpu.memory_space<hbm>> -> memref<128x128xf32, #tpu.memory_space<hbm>>
      %dma_wait3A_102 = arith.constant 0 : i32
      %dma_wait3A_103 = arith.constant 0 : i32
      %dma_wait3A_104 = tpu.memref_slice %arg6[%arg0, %dma_wait3A_102, %dma_wait3A_103] : memref<2x163840x128xf32, #tpu.memory_space<hbm>> -> memref<1x163840x128xf32, #tpu.memory_space<hbm>>
      %dma_wait3A_105 = tpu.memref_squeeze %dma_wait3A_104 : memref<1x163840x128xf32, #tpu.memory_space<hbm>> -> memref<163840x128xf32, #tpu.memory_space<hbm>>
      %dma_wait3A_106 = arith.constant 0 : i32
      %dma_wait3A_107 = tpu.memref_slice %dma_wait3A_105[%mul3A_83, %dma_wait3A_106] : memref<163840x128xf32, #tpu.memory_space<hbm>> -> memref<128x128xf32, #tpu.memory_space<hbm>>
      tpu.wait_dma2 semaphore(%arg15 : memref<!tpu.dma_semaphore, #tpu.memory_space<semaphore_mem>>) src(%dma_wait3A_107 : memref<128x128xf32, #tpu.memory_space<hbm>>) dst(%arg11 : memref<128x128xf32, #tpu.memory_space<vmem>>)
      %scan3A_108 = arith.constant 0 : i32
      %scan3A_109 = arith.constant 0 : i32
      %scan3A_110 = arith.constant 128 : i32
      %scan3A_111 = arith.addi %scan3A_109, %scan3A_110 : i32
      %scan3A_112 = arith.constant 1 : i32
      %scan3A_113 = scf.for %scan3A_116 = %scan3A_109 to %scan3A_111 step %scan3A_112 iter_args(%scan3A_117 = %scan3A_108) -> (i32)  : i32 {
        %get3A = arith.index_cast %scan3A_116 : i32 to index
        %get3A_118 = arith.constant 0 : index
        %get3A_119 = tpu.vector_load %arg10[%get3A, %get3A_118] {strides = array<i32>} : memref<128x128xf32, #tpu.memory_space<vmem>>, vector<1x16xf32>,
        %get3A_120 = vector.shape_cast %get3A_119 : vector<1x16xf32> to vector<16xf32>
        %get3A_121 = arith.index_cast %scan3A_116 : i32 to index
        %get3A_122 = arith.constant 0 : index
        %get3A_123 = tpu.vector_load %arg11[%get3A_121, %get3A_122] {strides = array<i32>} : memref<128x128xf32, #tpu.memory_space<vmem>>, vector<1x16xf32>,
        %get3A_124 = vector.shape_cast %get3A_123 : vector<1x16xf32> to vector<16xf32>
        %add3A_125 = arith.addf %get3A_120, %get3A_124 : vector<16xf32>
        %max3A = arith.constant 0.000000e+00 : f32
        %max3A_126 = vector.broadcast %max3A : f32 to vector<16xf32>
        %max3A_127 = arith.maximumf %add3A_125, %max3A_126 : vector<16xf32>
        %swap3A = arith.index_cast %scan3A_116 : i32 to index
        %swap3A_128 = arith.constant 0 : index
        %swap3A_129 = tpu.vector_load %arg10[%swap3A, %swap3A_128] {strides = array<i32>} : memref<128x128xf32, #tpu.memory_space<vmem>>, vector<1x16xf32>,
        %swap3A_130 = vector.shape_cast %swap3A_129 : vector<1x16xf32> to vector<16xf32>
        %swap3A_131 = vector.shape_cast %max3A_127 : vector<16xf32> to vector<1x16xf32>
        tpu.vector_store %arg10[%swap3A, %swap3A_128], %swap3A_131 {strides = array<i32>} : memref<128x128xf32, #tpu.memory_space<vmem>>, vector<1x16xf32>,
        %get3A_132 = arith.index_cast %scan3A_116 : i32 to index
        %get3A_133 = arith.constant 16 : index
        %get3A_134 = tpu.vector_load %arg10[%get3A_132, %get3A_133] {strides = array<i32>} : memref<128x128xf32, #tpu.memory_space<vmem>>, vector<1x16xf32>,
        %get3A_135 = vector.shape_cast %get3A_134 : vector<1x16xf32> to vector<16xf32>
        %get3A_136 = arith.index_cast %scan3A_116 : i32 to index
        %get3A_137 = arith.constant 16 : index
        %get3A_138 = tpu.vector_load %arg11[%get3A_136, %get3A_137] {strides = array<i32>} : memref<128x128xf32, #tpu.memory_space<vmem>>, vector<1x16xf32>,
        %get3A_139 = vector.shape_cast %get3A_138 : vector<1x16xf32> to vector<16xf32>
        %add3A_140 = arith.addf %get3A_135, %get3A_139 : vector<16xf32>
        %max3A_141 = arith.constant 0.000000e+00 : f32
        %max3A_142 = vector.broadcast %max3A_141 : f32 to vector<16xf32>
        %max3A_143 = arith.maximumf %add3A_140, %max3A_142 : vector<16xf32>
        %swap3A_144 = arith.index_cast %scan3A_116 : i32 to index
        %swap3A_145 = arith.constant 16 : index
        %swap3A_146 = tpu.vector_load %arg10[%swap3A_144, %swap3A_145] {strides = array<i32>} : memref<128x128xf32, #tpu.memory_space<vmem>>, vector<1x16xf32>,
        %swap3A_147 = vector.shape_cast %swap3A_146 : vector<1x16xf32> to vector<16xf32>
        %swap3A_148 = vector.shape_cast %max3A_143 : vector<16xf32> to vector<1x16xf32>
        tpu.vector_store %arg10[%swap3A_144, %swap3A_145], %swap3A_148 {strides = array<i32>} : memref<128x128xf32, #tpu.memory_space<vmem>>, vector<1x16xf32>,
        %get3A_149 = arith.index_cast %scan3A_116 : i32 to index
        %get3A_150 = arith.constant 32 : index
        %get3A_151 = tpu.vector_load %arg10[%get3A_149, %get3A_150] {strides = array<i32>} : memref<128x128xf32, #tpu.memory_space<vmem>>, vector<1x16xf32>,
        %get3A_152 = vector.shape_cast %get3A_151 : vector<1x16xf32> to vector<16xf32>
        %get3A_153 = arith.index_cast %scan3A_116 : i32 to index
        %get3A_154 = arith.constant 32 : index
        %get3A_155 = tpu.vector_load %arg11[%get3A_153, %get3A_154] {strides = array<i32>} : memref<128x128xf32, #tpu.memory_space<vmem>>, vector<1x16xf32>,
        %get3A_156 = vector.shape_cast %get3A_155 : vector<1x16xf32> to vector<16xf32>
        %add3A_157 = arith.addf %get3A_152, %get3A_156 : vector<16xf32>
        %max3A_158 = arith.constant 0.000000e+00 : f32
        %max3A_159 = vector.broadcast %max3A_158 : f32 to vector<16xf32>
        %max3A_160 = arith.maximumf %add3A_157, %max3A_159 : vector<16xf32>
        %swap3A_161 = arith.index_cast %scan3A_116 : i32 to index
        %swap3A_162 = arith.constant 32 : index
        %swap3A_163 = tpu.vector_load %arg10[%swap3A_161, %swap3A_162] {strides = array<i32>} : memref<128x128xf32, #tpu.memory_space<vmem>>, vector<1x16xf32>,
        %swap3A_164 = vector.shape_cast %swap3A_163 : vector<1x16xf32> to vector<16xf32>
        %swap3A_165 = vector.shape_cast %max3A_160 : vector<16xf32> to vector<1x16xf32>
        tpu.vector_store %arg10[%swap3A_161, %swap3A_162], %swap3A_165 {strides = array<i32>} : memref<128x128xf32, #tpu.memory_space<vmem>>, vector<1x16xf32>,
        %get3A_166 = arith.index_cast %scan3A_116 : i32 to index
        %get3A_167 = arith.constant 48 : index
        %get3A_168 = tpu.vector_load %arg10[%get3A_166, %get3A_167] {strides = array<i32>} : memref<128x128xf32, #tpu.memory_space<vmem>>, vector<1x16xf32>,
        %get3A_169 = vector.shape_cast %get3A_168 : vector<1x16xf32> to vector<16xf32>
        %get3A_170 = arith.index_cast %scan3A_116 : i32 to index
        %get3A_171 = arith.constant 48 : index
        %get3A_172 = tpu.vector_load %arg11[%get3A_170, %get3A_171] {strides = array<i32>} : memref<128x128xf32, #tpu.memory_space<vmem>>, vector<1x16xf32>,
        %get3A_173 = vector.shape_cast %get3A_172 : vector<1x16xf32> to vector<16xf32>
        %add3A_174 = arith.addf %get3A_169, %get3A_173 : vector<16xf32>
        %max3A_175 = arith.constant 0.000000e+00 : f32
        %max3A_176 = vector.broadcast %max3A_175 : f32 to vector<16xf32>
        %max3A_177 = arith.maximumf %add3A_174, %max3A_176 : vector<16xf32>
        %swap3A_178 = arith.index_cast %scan3A_116 : i32 to index
        %swap3A_179 = arith.constant 48 : index
        %swap3A_180 = tpu.vector_load %arg10[%swap3A_178, %swap3A_179] {strides = array<i32>} : memref<128x128xf32, #tpu.memory_space<vmem>>, vector<1x16xf32>,
        %swap3A_181 = vector.shape_cast %swap3A_180 : vector<1x16xf32> to vector<16xf32>
        %swap3A_182 = vector.shape_cast %max3A_177 : vector<16xf32> to vector<1x16xf32>
        tpu.vector_store %arg10[%swap3A_178, %swap3A_179], %swap3A_182 {strides = array<i32>} : memref<128x128xf32, #tpu.memory_space<vmem>>, vector<1x16xf32>,
        %get3A_183 = arith.index_cast %scan3A_116 : i32 to index
        %get3A_184 = arith.constant 64 : index
        %get3A_185 = tpu.vector_load %arg10[%get3A_183, %get3A_184] {strides = array<i32>} : memref<128x128xf32, #tpu.memory_space<vmem>>, vector<1x16xf32>,
        %get3A_186 = vector.shape_cast %get3A_185 : vector<1x16xf32> to vector<16xf32>
        %get3A_187 = arith.index_cast %scan3A_116 : i32 to index
        %get3A_188 = arith.constant 64 : index
        %get3A_189 = tpu.vector_load %arg11[%get3A_187, %get3A_188] {strides = array<i32>} : memref<128x128xf32, #tpu.memory_space<vmem>>, vector<1x16xf32>,
        %get3A_190 = vector.shape_cast %get3A_189 : vector<1x16xf32> to vector<16xf32>
        %add3A_191 = arith.addf %get3A_186, %get3A_190 : vector<16xf32>
        %max3A_192 = arith.constant 0.000000e+00 : f32
        %max3A_193 = vector.broadcast %max3A_192 : f32 to vector<16xf32>
        %max3A_194 = arith.maximumf %add3A_191, %max3A_193 : vector<16xf32>
        %swap3A_195 = arith.index_cast %scan3A_116 : i32 to index
        %swap3A_196 = arith.constant 64 : index
        %swap3A_197 = tpu.vector_load %arg10[%swap3A_195, %swap3A_196] {strides = array<i32>} : memref<128x128xf32, #tpu.memory_space<vmem>>, vector<1x16xf32>,
        %swap3A_198 = vector.shape_cast %swap3A_197 : vector<1x16xf32> to vector<16xf32>
        %swap3A_199 = vector.shape_cast %max3A_194 : vector<16xf32> to vector<1x16xf32>
        tpu.vector_store %arg10[%swap3A_195, %swap3A_196], %swap3A_199 {strides = array<i32>} : memref<128x128xf32, #tpu.memory_space<vmem>>, vector<1x16xf32>,
        %get3A_200 = arith.index_cast %scan3A_116 : i32 to index
        %get3A_201 = arith.constant 80 : index
        %get3A_202 = tpu.vector_load %arg10[%get3A_200, %get3A_201] {strides = array<i32>} : memref<128x128xf32, #tpu.memory_space<vmem>>, vector<1x16xf32>,
        %get3A_203 = vector.shape_cast %get3A_202 : vector<1x16xf32> to vector<16xf32>
        %get3A_204 = arith.index_cast %scan3A_116 : i32 to index
        %get3A_205 = arith.constant 80 : index
        %get3A_206 = tpu.vector_load %arg11[%get3A_204, %get3A_205] {strides = array<i32>} : memref<128x128xf32, #tpu.memory_space<vmem>>, vector<1x16xf32>,
        %get3A_207 = vector.shape_cast %get3A_206 : vector<1x16xf32> to vector<16xf32>
        %add3A_208 = arith.addf %get3A_203, %get3A_207 : vector<16xf32>
        %max3A_209 = arith.constant 0.000000e+00 : f32
        %max3A_210 = vector.broadcast %max3A_209 : f32 to vector<16xf32>
        %max3A_211 = arith.maximumf %add3A_208, %max3A_210 : vector<16xf32>
        %swap3A_212 = arith.index_cast %scan3A_116 : i32 to index
        %swap3A_213 = arith.constant 80 : index
        %swap3A_214 = tpu.vector_load %arg10[%swap3A_212, %swap3A_213] {strides = array<i32>} : memref<128x128xf32, #tpu.memory_space<vmem>>, vector<1x16xf32>,
        %swap3A_215 = vector.shape_cast %swap3A_214 : vector<1x16xf32> to vector<16xf32>
        %swap3A_216 = vector.shape_cast %max3A_211 : vector<16xf32> to vector<1x16xf32>
        tpu.vector_store %arg10[%swap3A_212, %swap3A_213], %swap3A_216 {strides = array<i32>} : memref<128x128xf32, #tpu.memory_space<vmem>>, vector<1x16xf32>,
        %get3A_217 = arith.index_cast %scan3A_116 : i32 to index
        %get3A_218 = arith.constant 96 : index
        %get3A_219 = tpu.vector_load %arg10[%get3A_217, %get3A_218] {strides = array<i32>} : memref<128x128xf32, #tpu.memory_space<vmem>>, vector<1x16xf32>,
        %get3A_220 = vector.shape_cast %get3A_219 : vector<1x16xf32> to vector<16xf32>
        %get3A_221 = arith.index_cast %scan3A_116 : i32 to index
        %get3A_222 = arith.constant 96 : index
        %get3A_223 = tpu.vector_load %arg11[%get3A_221, %get3A_222] {strides = array<i32>} : memref<128x128xf32, #tpu.memory_space<vmem>>, vector<1x16xf32>,
        %get3A_224 = vector.shape_cast %get3A_223 : vector<1x16xf32> to vector<16xf32>
        %add3A_225 = arith.addf %get3A_220, %get3A_224 : vector<16xf32>
        %max3A_226 = arith.constant 0.000000e+00 : f32
        %max3A_227 = vector.broadcast %max3A_226 : f32 to vector<16xf32>
        %max3A_228 = arith.maximumf %add3A_225, %max3A_227 : vector<16xf32>
        %swap3A_229 = arith.index_cast %scan3A_116 : i32 to index
        %swap3A_230 = arith.constant 96 : index
        %swap3A_231 = tpu.vector_load %arg10[%swap3A_229, %swap3A_230] {strides = array<i32>} : memref<128x128xf32, #tpu.memory_space<vmem>>, vector<1x16xf32>,
        %swap3A_232 = vector.shape_cast %swap3A_231 : vector<1x16xf32> to vector<16xf32>
        %swap3A_233 = vector.shape_cast %max3A_228 : vector<16xf32> to vector<1x16xf32>
        tpu.vector_store %arg10[%swap3A_229, %swap3A_230], %swap3A_233 {strides = array<i32>} : memref<128x128xf32, #tpu.memory_space<vmem>>, vector<1x16xf32>,
        %get3A_234 = arith.index_cast %scan3A_116 : i32 to index
        %get3A_235 = arith.constant 112 : index
        %get3A_236 = tpu.vector_load %arg10[%get3A_234, %get3A_235] {strides = array<i32>} : memref<128x128xf32, #tpu.memory_space<vmem>>, vector<1x16xf32>,
        %get3A_237 = vector.shape_cast %get3A_236 : vector<1x16xf32> to vector<16xf32>
        %get3A_238 = arith.index_cast %scan3A_116 : i32 to index
        %get3A_239 = arith.constant 112 : index
        %get3A_240 = tpu.vector_load %arg11[%get3A_238, %get3A_239] {strides = array<i32>} : memref<128x128xf32, #tpu.memory_space<vmem>>, vector<1x16xf32>,
        %get3A_241 = vector.shape_cast %get3A_240 : vector<1x16xf32> to vector<16xf32>
        %add3A_242 = arith.addf %get3A_237, %get3A_241 : vector<16xf32>
        %max3A_243 = arith.constant 0.000000e+00 : f32
        %max3A_244 = vector.broadcast %max3A_243 : f32 to vector<16xf32>
        %max3A_245 = arith.maximumf %add3A_242, %max3A_244 : vector<16xf32>
        %swap3A_246 = arith.index_cast %scan3A_116 : i32 to index
        %swap3A_247 = arith.constant 112 : index
        %swap3A_248 = tpu.vector_load %arg10[%swap3A_246, %swap3A_247] {strides = array<i32>} : memref<128x128xf32, #tpu.memory_space<vmem>>, vector<1x16xf32>,
        %swap3A_249 = vector.shape_cast %swap3A_248 : vector<1x16xf32> to vector<16xf32>
        %swap3A_250 = vector.shape_cast %max3A_245 : vector<16xf32> to vector<1x16xf32>
        tpu.vector_store %arg10[%swap3A_246, %swap3A_247], %swap3A_250 {strides = array<i32>} : memref<128x128xf32, #tpu.memory_space<vmem>>, vector<1x16xf32>,
        %scan3A_251 = arith.constant 0 : i32
        scf.yield %scan3A_251 : i32
      }
      %scan3A_114 = arith.constant 128 : i32
      "tpu.region"() ({
        %run_scoped3A = tpu.sem_alloc : memref<!tpu.dma_semaphore, #tpu.memory_space<semaphore_mem>>
        %dma_start3A_116 = arith.constant 0 : i32
        %dma_start3A_117 = tpu.memref_slice %arg8[%scan3A_38, %dma_start3A_116] : memref<80x128xi32, #tpu.memory_space<vmem>> -> memref<1x128xi32, #tpu.memory_space<vmem>>
        %dma_start3A_118 = tpu.memref_squeeze %dma_start3A_117 : memref<1x128xi32, #tpu.memory_space<vmem>> -> memref<128xi32, #tpu.memory_space<vmem>>
        %dma_start3A_119 = arith.constant 0 : i32
        %dma_start3A_120 = arith.constant 0 : i32
        %dma_start3A_121 = tpu.memref_slice %arg12[%dma_start3A_119, %dma_start3A_120] : memref<10240x128xf32, #tpu.memory_space<vmem_shared>> -> memref<10240x128xf32, #tpu.memory_space<vmem_shared>>
        tpu.enqueue_indirect_dma source(%arg10 : memref<128x128xf32, #tpu.memory_space<vmem>>) target(%dma_start3A_121 : memref<10240x128xf32, #tpu.memory_space<vmem_shared>>) offsets(%dma_start3A_118 : memref<128xi32, #tpu.memory_space<vmem>>) semaphore(%run_scoped3A : memref<!tpu.dma_semaphore, #tpu.memory_space<semaphore_mem>>) {add = true}
        %dma_wait3A_122 = arith.constant 0 : i32
        %dma_wait3A_123 = tpu.memref_slice %arg8[%scan3A_38, %dma_wait3A_122] : memref<80x128xi32, #tpu.memory_space<vmem>> -> memref<1x128xi32, #tpu.memory_space<vmem>>
        %dma_wait3A_124 = tpu.memref_squeeze %dma_wait3A_123 : memref<1x128xi32, #tpu.memory_space<vmem>> -> memref<128xi32, #tpu.memory_space<vmem>>
        %dma_wait3A_125 = arith.constant 0 : i32
        %dma_wait3A_126 = arith.constant 0 : i32
        %dma_wait3A_127 = tpu.memref_slice %arg12[%dma_wait3A_125, %dma_wait3A_126] : memref<10240x128xf32, #tpu.memory_space<vmem_shared>> -> memref<10240x128xf32, #tpu.memory_space<vmem_shared>>
        tpu.wait_indirect_dma semaphore(%run_scoped3A : memref<!tpu.dma_semaphore, #tpu.memory_space<semaphore_mem>>) src(%arg10 : memref<128x128xf32, #tpu.memory_space<vmem>>) dst(%dma_wait3A_127 : memref<10240x128xf32, #tpu.memory_space<vmem_shared>>)
        tpu.yield
      }) : () -> ()
      %scan3A_115 = arith.constant 0 : i32
      scf.yield %scan3A_115 : i32
    }
    %scan3A_32 = arith.constant 80 : i32
    %barrier3A_33 = arith.constant 0 : index
    tpu.barrier barrier_id(%barrier3A_33)
    %mul3A_34 = arith.constant 640 : i32
    %mul3A_35 = arith.muli %arg1, %mul3A_34 : i32
    %mul3A_36 = arith.constant 640 : i32
    %mul3A_37 = arith.muli %arg1, %mul3A_36 : i32
    "tpu.region"() ({
      %run_scoped3A = tpu.sem_alloc : memref<!tpu.dma_semaphore, #tpu.memory_space<semaphore_mem>>
      %dma_start3A = arith.constant 0 : i32
      %dma_start3A_38 = arith.constant 0 : i32
      %dma_start3A_39 = tpu.memref_slice %arg7[%arg0, %dma_start3A, %dma_start3A_38] : memref<2x10240x128xf32, #tpu.memory_space<hbm>> -> memref<1x10240x128xf32, #tpu.memory_space<hbm>>
      %dma_start3A_40 = tpu.memref_squeeze %dma_start3A_39 : memref<1x10240x128xf32, #tpu.memory_space<hbm>> -> memref<10240x128xf32, #tpu.memory_space<hbm>>
      %dma_start3A_41 = arith.constant 0 : i32
      %dma_start3A_42 = tpu.memref_slice %dma_start3A_40[%mul3A_37, %dma_start3A_41] : memref<10240x128xf32, #tpu.memory_space<hbm>> -> memref<640x128xf32, #tpu.memory_space<hbm>>
      %dma_start3A_43 = arith.constant 0 : i32
      %dma_start3A_44 = tpu.memref_slice %arg12[%mul3A_35, %dma_start3A_43] : memref<10240x128xf32, #tpu.memory_space<vmem_shared>> -> memref<640x128xf32, #tpu.memory_space<vmem_shared>>
      tpu.enqueue_dma source(%dma_start3A_44 : memref<640x128xf32, #tpu.memory_space<vmem_shared>>) target(%dma_start3A_42 : memref<640x128xf32, #tpu.memory_space<hbm>>) target_semaphore(%run_scoped3A : memref<!tpu.dma_semaphore, #tpu.memory_space<semaphore_mem>>)
      %dma_wait3A = arith.constant 0 : i32
      %dma_wait3A_45 = arith.constant 0 : i32
      %dma_wait3A_46 = tpu.memref_slice %arg7[%arg0, %dma_wait3A, %dma_wait3A_45] : memref<2x10240x128xf32, #tpu.memory_space<hbm>> -> memref<1x10240x128xf32, #tpu.memory_space<hbm>>
      %dma_wait3A_47 = tpu.memref_squeeze %dma_wait3A_46 : memref<1x10240x128xf32, #tpu.memory_space<hbm>> -> memref<10240x128xf32, #tpu.memory_space<hbm>>
      %dma_wait3A_48 = arith.constant 0 : i32
      %dma_wait3A_49 = tpu.memref_slice %dma_wait3A_47[%mul3A_37, %dma_wait3A_48] : memref<10240x128xf32, #tpu.memory_space<hbm>> -> memref<640x128xf32, #tpu.memory_space<hbm>>
      %dma_wait3A_50 = arith.constant 0 : i32
      %dma_wait3A_51 = tpu.memref_slice %arg12[%mul3A_35, %dma_wait3A_50] : memref<10240x128xf32, #tpu.memory_space<vmem_shared>> -> memref<640x128xf32, #tpu.memory_space<vmem_shared>>
      tpu.wait_dma2 semaphore(%run_scoped3A : memref<!tpu.dma_semaphore, #tpu.memory_space<semaphore_mem>>) src(%dma_wait3A_51 : memref<640x128xf32, #tpu.memory_space<vmem_shared>>) dst(%dma_wait3A_49 : memref<640x128xf32, #tpu.memory_space<hbm>>)
      tpu.yield
    }) : () -> ()
    return
  }
}

module attributes {stable_mosaic.version = 14 : i64} {
  func.func @body(%arg0: memref<10000x8xf32, #tpu.memory_space<vmem>>, %arg1: memref<8x256xf32, #tpu.memory_space<vmem>>, %arg2: memref<1x256xf32, #tpu.memory_space<vmem>>, %arg3: memref<256x256xf32, #tpu.memory_space<vmem>>, %arg4: memref<1x256xf32, #tpu.memory_space<vmem>>, %arg5: memref<10000x256xf32, #tpu.memory_space<vmem>>) attributes {dimension_semantics = [], scalar_prefetch = 0 : i64, scratch_operands = 0 : i64, tpu.core_type = #tpu.core_type<tc>} {
    %get3A = arith.constant 0 : index
    %get3A_0 = arith.constant 0 : index
    %get3A_1 = vector.load %arg0[%get3A, %get3A_0] : memref<10000x8xf32, #tpu.memory_space<vmem>>, vector<10000x8xf32>
    %get3A_2 = arith.constant 0 : index
    %get3A_3 = arith.constant 0 : index
    %get3A_4 = vector.load %arg1[%get3A_2, %get3A_3] : memref<8x256xf32, #tpu.memory_space<vmem>>, vector<8x256xf32>
    %dot_general3A = arith.constant dense<0.000000e+00> : vector<10000x256xf32>
    %dot_general3A_5 = tpu.matmul %get3A_1, %get3A_4, %dot_general3A {dimension_numbers = #tpu.dot_dimension_numbers<[1], [0], [0], [1], [0, 0, 1, 1], [], []>, transpose_lhs_hint = false} : vector<10000x8xf32>, vector<8x256xf32>, vector<10000x256xf32> -> vector<10000x256xf32>
    %get3A_6 = arith.constant 0 : index
    %get3A_7 = arith.constant 0 : index
    %get3A_8 = vector.load %arg2[%get3A_6, %get3A_7] : memref<1x256xf32, #tpu.memory_space<vmem>>, vector<1x256xf32>
    %add3A = vector.broadcast %get3A_8 : vector<1x256xf32> to vector<10000x256xf32>
    %add3A_9 = arith.addf %dot_general3A_5, %add3A : vector<10000x256xf32>
    %max3A = arith.constant 0.000000e+00 : f32
    %max3A_10 = vector.broadcast %max3A : f32 to vector<10000x256xf32>
    %max3A_11 = arith.maximumf %add3A_9, %max3A_10 : vector<10000x256xf32>
    %get3A_12 = arith.constant 0 : index
    %get3A_13 = arith.constant 0 : index
    %get3A_14 = vector.load %arg3[%get3A_12, %get3A_13] : memref<256x256xf32, #tpu.memory_space<vmem>>, vector<256x256xf32>
    %dot_general3A_15 = arith.constant dense<0.000000e+00> : vector<10000x256xf32>
    %dot_general3A_16 = tpu.matmul %max3A_11, %get3A_14, %dot_general3A_15 {dimension_numbers = #tpu.dot_dimension_numbers<[1], [0], [0], [1], [0, 0, 1, 1], [], []>, transpose_lhs_hint = false} : vector<10000x256xf32>, vector<256x256xf32>, vector<10000x256xf32> -> vector<10000x256xf32>
    %get3A_17 = arith.constant 0 : index
    %get3A_18 = arith.constant 0 : index
    %get3A_19 = vector.load %arg4[%get3A_17, %get3A_18] : memref<1x256xf32, #tpu.memory_space<vmem>>, vector<1x256xf32>
    %add3A_20 = vector.broadcast %get3A_19 : vector<1x256xf32> to vector<10000x256xf32>
    %add3A_21 = arith.addf %dot_general3A_16, %add3A_20 : vector<10000x256xf32>
    %swap3A = arith.constant 0 : index
    %swap3A_22 = arith.constant 0 : index
    %swap3A_23 = vector.load %arg5[%swap3A, %swap3A_22] : memref<10000x256xf32, #tpu.memory_space<vmem>>, vector<10000x256xf32>
    tpu.vector_store %arg5[%swap3A, %swap3A_22], %add3A_21 {strides = array<i32>} : memref<10000x256xf32, #tpu.memory_space<vmem>>, vector<10000x256xf32>,
    return
  }
}

module attributes {stable_mosaic.version = 14 : i64} {
  func.func @body(%arg0: i32, %arg1: memref<10000x256xf32, #tpu.memory_space<vmem>>, %arg2: memref<256x128xf32, #tpu.memory_space<vmem>>, %arg3: memref<256x128xf32, #tpu.memory_space<vmem>>, %arg4: memref<1x10016x128xf32, #tpu.memory_space<vmem>>, %arg5: memref<1x10016x128xf32, #tpu.memory_space<vmem>>) attributes {dimension_semantics = [#tpu.dimension_semantics<arbitrary>], iteration_bounds = array<i64: 2>, scalar_prefetch = 0 : i64, scratch_operands = 0 : i64, tpu.core_type = #tpu.core_type<tc>, window_params = [{pipeline_mode = #tpu.pipeline_mode<synchronous>, transform_indices = @transform_0, window_bounds = array<i64: 10000, 256>}, {transform_indices = @transform_1, window_bounds = array<i64: 256, 128>}, {transform_indices = @transform_2, window_bounds = array<i64: 256, 128>}, {transform_indices = @transform_3, window_bounds = array<i64: 1, 10016, 128>}, {transform_indices = @transform_4, window_bounds = array<i64: 1, 10016, 128>}]} {
    %get3A = arith.constant 0 : index
    %get3A_0 = arith.constant 0 : index
    %get3A_1 = vector.load %arg1[%get3A, %get3A_0] : memref<10000x256xf32, #tpu.memory_space<vmem>>, vector<10000x256xf32>
    %get3A_2 = arith.constant 0 : index
    %get3A_3 = arith.constant 0 : index
    %get3A_4 = vector.load %arg2[%get3A_2, %get3A_3] : memref<256x128xf32, #tpu.memory_space<vmem>>, vector<256x128xf32>
    %dot_general3A = arith.constant dense<0.000000e+00> : vector<10000x128xf32>
    %dot_general3A_5 = tpu.matmul %get3A_1, %get3A_4, %dot_general3A {dimension_numbers = #tpu.dot_dimension_numbers<[1], [0], [0], [1], [0, 0, 1, 1], [], []>, transpose_lhs_hint = false} : vector<10000x256xf32>, vector<256x128xf32>, vector<10000x128xf32> -> vector<10000x128xf32>
    %get3A_6 = arith.constant 0 : index
    %get3A_7 = arith.constant 0 : index
    %get3A_8 = vector.load %arg1[%get3A_6, %get3A_7] : memref<10000x256xf32, #tpu.memory_space<vmem>>, vector<10000x256xf32>
    %get3A_9 = arith.constant 0 : index
    %get3A_10 = arith.constant 0 : index
    %get3A_11 = vector.load %arg3[%get3A_9, %get3A_10] : memref<256x128xf32, #tpu.memory_space<vmem>>, vector<256x128xf32>
    %dot_general3A_12 = arith.constant dense<0.000000e+00> : vector<10000x128xf32>
    %dot_general3A_13 = tpu.matmul %get3A_8, %get3A_11, %dot_general3A_12 {dimension_numbers = #tpu.dot_dimension_numbers<[1], [0], [0], [1], [0, 0, 1, 1], [], []>, transpose_lhs_hint = false} : vector<10000x256xf32>, vector<256x128xf32>, vector<10000x128xf32> -> vector<10000x128xf32>
    %swap3A = arith.constant 0 : index
    %swap3A_14 = arith.constant 0 : index
    %swap3A_15 = arith.constant 0 : index
    %swap3A_16 = vector.load %arg4[%swap3A, %swap3A_14, %swap3A_15] : memref<1x10016x128xf32, #tpu.memory_space<vmem>>, vector<1x10000x128xf32>
    %swap3A_17 = vector.shape_cast %swap3A_16 : vector<1x10000x128xf32> to vector<10000x128xf32>
    %swap3A_18 = vector.shape_cast %dot_general3A_5 : vector<10000x128xf32> to vector<1x10000x128xf32>
    tpu.vector_store %arg4[%swap3A, %swap3A_14, %swap3A_15], %swap3A_18 {strides = array<i32>} : memref<1x10016x128xf32, #tpu.memory_space<vmem>>, vector<1x10000x128xf32>,
    %swap3A_19 = arith.constant 0 : index
    %swap3A_20 = arith.constant 0 : index
    %swap3A_21 = arith.constant 0 : index
    %swap3A_22 = vector.load %arg5[%swap3A_19, %swap3A_20, %swap3A_21] : memref<1x10016x128xf32, #tpu.memory_space<vmem>>, vector<1x10000x128xf32>
    %swap3A_23 = vector.shape_cast %swap3A_22 : vector<1x10000x128xf32> to vector<10000x128xf32>
    %swap3A_24 = vector.shape_cast %dot_general3A_13 : vector<10000x128xf32> to vector<1x10000x128xf32>
    tpu.vector_store %arg5[%swap3A_19, %swap3A_20, %swap3A_21], %swap3A_24 {strides = array<i32>} : memref<1x10016x128xf32, #tpu.memory_space<vmem>>, vector<1x10000x128xf32>,
    %broadcast_in_dim3A = arith.constant 0.000000e+00 : f32
    %broadcast_in_dim3A_25 = vector.broadcast %broadcast_in_dim3A : f32 to vector<16x128xf32>
    %swap3A_26 = arith.constant 0 : index
    %swap3A_27 = arith.constant 10000 : index
    %swap3A_28 = arith.constant 0 : index
    %swap3A_29 = vector.load %arg4[%swap3A_26, %swap3A_27, %swap3A_28] : memref<1x10016x128xf32, #tpu.memory_space<vmem>>, vector<1x16x128xf32>
    %swap3A_30 = vector.shape_cast %swap3A_29 : vector<1x16x128xf32> to vector<16x128xf32>
    %swap3A_31 = vector.shape_cast %broadcast_in_dim3A_25 : vector<16x128xf32> to vector<1x16x128xf32>
    tpu.vector_store %arg4[%swap3A_26, %swap3A_27, %swap3A_28], %swap3A_31 {strides = array<i32>} : memref<1x10016x128xf32, #tpu.memory_space<vmem>>, vector<1x16x128xf32>,
    %broadcast_in_dim3A_32 = arith.constant 0.000000e+00 : f32
    %broadcast_in_dim3A_33 = vector.broadcast %broadcast_in_dim3A_32 : f32 to vector<16x128xf32>
    %swap3A_34 = arith.constant 0 : index
    %swap3A_35 = arith.constant 10000 : index
    %swap3A_36 = arith.constant 0 : index
    %swap3A_37 = vector.load %arg5[%swap3A_34, %swap3A_35, %swap3A_36] : memref<1x10016x128xf32, #tpu.memory_space<vmem>>, vector<1x16x128xf32>
    %swap3A_38 = vector.shape_cast %swap3A_37 : vector<1x16x128xf32> to vector<16x128xf32>
    %swap3A_39 = vector.shape_cast %broadcast_in_dim3A_33 : vector<16x128xf32> to vector<1x16x128xf32>
    tpu.vector_store %arg5[%swap3A_34, %swap3A_35, %swap3A_36], %swap3A_39 {strides = array<i32>} : memref<1x10016x128xf32, #tpu.memory_space<vmem>>, vector<1x16x128xf32>,
    return
  }
  func.func @transform_0(%arg0: i32) -> (i32, i32) {
    %c0_i32 = arith.constant 0 : i32
    %c0_i32_0 = arith.constant 0 : i32
    %c0_i32_1 = arith.constant 0 : i32
    return %c0_i32, %c0_i32_0 : i32, i32
  }
  func.func @transform_1(%arg0: i32) -> (i32, i32) {
    %c0_i32 = arith.constant 0 : i32
    %c0_i32_0 = arith.constant 0 : i32
    return %c0_i32, %arg0 : i32, i32
  }
  func.func @transform_2(%arg0: i32) -> (i32, i32) {
    %c0_i32 = arith.constant 0 : i32
    %c0_i32_0 = arith.constant 0 : i32
    return %c0_i32, %arg0 : i32, i32
  }
  func.func @transform_3(%arg0: i32) -> (i32, i32, i32) {
    %c0_i32 = arith.constant 0 : i32
    %c0_i32_0 = arith.constant 0 : i32
    %c0_i32_1 = arith.constant 0 : i32
    return %arg0, %c0_i32, %c0_i32_0 : i32, i32, i32
  }
  func.func @transform_4(%arg0: i32) -> (i32, i32, i32) {
    %c0_i32 = arith.constant 0 : i32
    %c0_i32_0 = arith.constant 0 : i32
    %c0_i32_1 = arith.constant 0 : i32
    return %arg0, %c0_i32, %c0_i32_0 : i32, i32, i32
  }
}

module attributes {stable_mosaic.version = 14 : i64} {
  func.func @body(%arg0: memref<256x256xf32, #tpu.memory_space<vmem>>, %arg1: memref<256x768xf32, #tpu.memory_space<vmem>>, %arg2: memref<1x256xf32, #tpu.memory_space<vmem>>, %arg3: memref<1x768xf32, #tpu.memory_space<vmem>>, %arg4: memref<256x768xf32, #tpu.memory_space<vmem>>, %arg5: memref<1x768xf32, #tpu.memory_space<vmem>>) attributes {dimension_semantics = [], scalar_prefetch = 0 : i64, scratch_operands = 0 : i64, tpu.core_type = #tpu.core_type<tc>} {
    %get3A = arith.constant 0 : index
    %get3A_0 = arith.constant 0 : index
    %get3A_1 = vector.load %arg0[%get3A, %get3A_0] : memref<256x256xf32, #tpu.memory_space<vmem>>, vector<256x256xf32>
    %get3A_2 = arith.constant 0 : index
    %get3A_3 = arith.constant 0 : index
    %get3A_4 = vector.load %arg1[%get3A_2, %get3A_3] : memref<256x768xf32, #tpu.memory_space<vmem>>, vector<256x768xf32>
    %dot_general3A = arith.constant dense<0.000000e+00> : vector<256x768xf32>
    %dot_general3A_5 = tpu.matmul %get3A_1, %get3A_4, %dot_general3A {dimension_numbers = #tpu.dot_dimension_numbers<[1], [0], [0], [1], [0, 0, 1, 1], [], []>, transpose_lhs_hint = false} : vector<256x256xf32>, vector<256x768xf32>, vector<256x768xf32> -> vector<256x768xf32>
    %swap3A = arith.constant 0 : index
    %swap3A_6 = arith.constant 0 : index
    %swap3A_7 = vector.load %arg4[%swap3A, %swap3A_6] : memref<256x768xf32, #tpu.memory_space<vmem>>, vector<256x768xf32>
    tpu.vector_store %arg4[%swap3A, %swap3A_6], %dot_general3A_5 {strides = array<i32>} : memref<256x768xf32, #tpu.memory_space<vmem>>, vector<256x768xf32>,
    %get3A_8 = arith.constant 0 : index
    %get3A_9 = arith.constant 0 : index
    %get3A_10 = vector.load %arg2[%get3A_8, %get3A_9] : memref<1x256xf32, #tpu.memory_space<vmem>>, vector<1x256xf32>
    %get3A_11 = arith.constant 0 : index
    %get3A_12 = arith.constant 0 : index
    %get3A_13 = vector.load %arg1[%get3A_11, %get3A_12] : memref<256x768xf32, #tpu.memory_space<vmem>>, vector<256x768xf32>
    %dot_general3A_14 = arith.constant dense<0.000000e+00> : vector<1x768xf32>
    %dot_general3A_15 = tpu.matmul %get3A_10, %get3A_13, %dot_general3A_14 {dimension_numbers = #tpu.dot_dimension_numbers<[1], [0], [0], [1], [0, 0, 1, 1], [], []>, transpose_lhs_hint = false} : vector<1x256xf32>, vector<256x768xf32>, vector<1x768xf32> -> vector<1x768xf32>
    %get3A_16 = arith.constant 0 : index
    %get3A_17 = arith.constant 0 : index
    %get3A_18 = vector.load %arg3[%get3A_16, %get3A_17] : memref<1x768xf32, #tpu.memory_space<vmem>>, vector<1x768xf32>
    %add3A = arith.addf %dot_general3A_15, %get3A_18 : vector<1x768xf32>
    %swap3A_19 = arith.constant 0 : index
    %swap3A_20 = arith.constant 0 : index
    %swap3A_21 = vector.load %arg5[%swap3A_19, %swap3A_20] : memref<1x768xf32, #tpu.memory_space<vmem>>, vector<1x768xf32>
    tpu.vector_store %arg5[%swap3A_19, %swap3A_20], %add3A {strides = array<i32>} : memref<1x768xf32, #tpu.memory_space<vmem>>, vector<1x768xf32>,
    return
  }
}

module attributes {stable_mosaic.version = 14 : i64} {
  func.func @body(%arg0: i32, %arg1: memref<512x128xf32, #tpu.memory_space<vmem>>, %arg2: memref<8x256xf32, #tpu.memory_space<vmem>>, %arg3: memref<1x256xf32, #tpu.memory_space<vmem>>, %arg4: memref<256x768xf32, #tpu.memory_space<vmem>>, %arg5: memref<1x768xf32, #tpu.memory_space<vmem>>, %arg6: memref<2x512x128xf32, #tpu.memory_space<vmem>>, %arg7: memref<2x512x128xf32, #tpu.memory_space<vmem>>, %arg8: memref<2x512x128xf32, #tpu.memory_space<vmem>>) attributes {dimension_semantics = [#tpu.dimension_semantics<arbitrary>], iteration_bounds = array<i64: 320>, scalar_prefetch = 0 : i64, scratch_operands = 0 : i64, tpu.core_type = #tpu.core_type<tc>, window_params = [{transform_indices = @transform_0, window_bounds = array<i64: 512, 128>}, {pipeline_mode = #tpu.pipeline_mode<synchronous>, transform_indices = @transform_1, window_bounds = array<i64: 8, 256>}, {pipeline_mode = #tpu.pipeline_mode<synchronous>, transform_indices = @transform_2, window_bounds = array<i64: 1, 256>}, {pipeline_mode = #tpu.pipeline_mode<synchronous>, transform_indices = @transform_3, window_bounds = array<i64: 256, 768>}, {pipeline_mode = #tpu.pipeline_mode<synchronous>, transform_indices = @transform_4, window_bounds = array<i64: 1, 768>}, {transform_indices = @transform_5, window_bounds = array<i64: 2, 512, 128>}, {transform_indices = @transform_6, window_bounds = array<i64: 2, 512, 128>}, {transform_indices = @transform_7, window_bounds = array<i64: 2, 512, 128>}]} {
    %get3A = arith.constant 0 : index
    %get3A_0 = arith.constant 0 : index
    %get3A_1 = vector.load %arg1[%get3A, %get3A_0] : memref<512x128xf32, #tpu.memory_space<vmem>>, vector<512x128xf32>
    %slice3A = vector.extract_strided_slice %get3A_1 {offsets = [0, 0], sizes = [512, 1], strides = [1, 1]} : vector<512x128xf32> to vector<512x1xf32>
    %slice3A_2 = vector.extract_strided_slice %get3A_1 {offsets = [0, 1], sizes = [512, 1], strides = [1, 1]} : vector<512x128xf32> to vector<512x1xf32>
    %slice3A_3 = vector.extract_strided_slice %get3A_1 {offsets = [0, 2], sizes = [512, 1], strides = [1, 1]} : vector<512x128xf32> to vector<512x1xf32>
    %mul3A = arith.mulf %slice3A, %slice3A : vector<512x1xf32>
    %mul3A_4 = arith.mulf %slice3A_2, %slice3A_2 : vector<512x1xf32>
    %add3A = arith.addf %mul3A, %mul3A_4 : vector<512x1xf32>
    %mul3A_5 = arith.mulf %slice3A_3, %slice3A_3 : vector<512x1xf32>
    %add3A_6 = arith.addf %add3A, %mul3A_5 : vector<512x1xf32>
    %sqrt3A = math.sqrt %add3A_6 : vector<512x1xf32>
    %mul3A_7 = arith.mulf %slice3A, %slice3A : vector<512x1xf32>
    %mul3A_8 = arith.mulf %slice3A_2, %slice3A_2 : vector<512x1xf32>
    %add3A_9 = arith.addf %mul3A_7, %mul3A_8 : vector<512x1xf32>
    %sqrt3A_10 = math.sqrt %add3A_9 : vector<512x1xf32>
    %get3A_11 = arith.constant 0 : index
    %get3A_12 = arith.constant 0 : index
    %get3A_13 = vector.load %arg2[%get3A_11, %get3A_12] : memref<8x256xf32, #tpu.memory_space<vmem>>, vector<1x256xf32>
    %mul3A_14 = vector.broadcast %sqrt3A : vector<512x1xf32> to vector<512x256xf32>
    %mul3A_15 = vector.broadcast %get3A_13 : vector<1x256xf32> to vector<512x256xf32>
    %mul3A_16 = arith.mulf %mul3A_14, %mul3A_15 : vector<512x256xf32>
    %get3A_17 = arith.constant 1 : index
    %get3A_18 = arith.constant 0 : index
    %get3A_19 = vector.load %arg2[%get3A_17, %get3A_18] : memref<8x256xf32, #tpu.memory_space<vmem>>, vector<1x256xf32>
    %mul3A_20 = vector.broadcast %sqrt3A_10 : vector<512x1xf32> to vector<512x256xf32>
    %mul3A_21 = vector.broadcast %get3A_19 : vector<1x256xf32> to vector<512x256xf32>
    %mul3A_22 = arith.mulf %mul3A_20, %mul3A_21 : vector<512x256xf32>
    %add3A_23 = arith.addf %mul3A_16, %mul3A_22 : vector<512x256xf32>
    %get3A_24 = arith.constant 2 : index
    %get3A_25 = arith.constant 0 : index
    %get3A_26 = vector.load %arg2[%get3A_24, %get3A_25] : memref<8x256xf32, #tpu.memory_space<vmem>>, vector<1x256xf32>
    %mul3A_27 = vector.broadcast %slice3A_3 : vector<512x1xf32> to vector<512x256xf32>
    %mul3A_28 = vector.broadcast %get3A_26 : vector<1x256xf32> to vector<512x256xf32>
    %mul3A_29 = arith.mulf %mul3A_27, %mul3A_28 : vector<512x256xf32>
    %add3A_30 = arith.addf %add3A_23, %mul3A_29 : vector<512x256xf32>
    %get3A_31 = arith.constant 0 : index
    %get3A_32 = arith.constant 0 : index
    %get3A_33 = vector.load %arg3[%get3A_31, %get3A_32] : memref<1x256xf32, #tpu.memory_space<vmem>>, vector<1x256xf32>
    %add3A_34 = vector.broadcast %get3A_33 : vector<1x256xf32> to vector<512x256xf32>
    %add3A_35 = arith.addf %add3A_30, %add3A_34 : vector<512x256xf32>
    %max3A = arith.constant 0.000000e+00 : f32
    %max3A_36 = vector.broadcast %max3A : f32 to vector<512x256xf32>
    %max3A_37 = arith.maximumf %add3A_35, %max3A_36 : vector<512x256xf32>
    %get3A_38 = arith.constant 0 : index
    %get3A_39 = arith.constant 0 : index
    %get3A_40 = vector.load %arg4[%get3A_38, %get3A_39] : memref<256x768xf32, #tpu.memory_space<vmem>>, vector<256x768xf32>
    %dot_general3A = arith.constant dense<0.000000e+00> : vector<512x768xf32>
    %dot_general3A_41 = tpu.matmul %max3A_37, %get3A_40, %dot_general3A {dimension_numbers = #tpu.dot_dimension_numbers<[1], [0], [0], [1], [0, 0, 1, 1], [], []>, transpose_lhs_hint = false} : vector<512x256xf32>, vector<256x768xf32>, vector<512x768xf32> -> vector<512x768xf32>
    %get3A_42 = arith.constant 0 : index
    %get3A_43 = arith.constant 0 : index
    %get3A_44 = vector.load %arg5[%get3A_42, %get3A_43] : memref<1x768xf32, #tpu.memory_space<vmem>>, vector<1x768xf32>
    %add3A_45 = vector.broadcast %get3A_44 : vector<1x768xf32> to vector<512x768xf32>
    %add3A_46 = arith.addf %dot_general3A_41, %add3A_45 : vector<512x768xf32>
    %slice3A_47 = vector.extract_strided_slice %add3A_46 {offsets = [0, 0], sizes = [512, 128], strides = [1, 1]} : vector<512x768xf32> to vector<512x128xf32>
    %swap3A = arith.constant 0 : index
    %swap3A_48 = arith.constant 0 : index
    %swap3A_49 = arith.constant 0 : index
    %swap3A_50 = vector.load %arg6[%swap3A, %swap3A_48, %swap3A_49] : memref<2x512x128xf32, #tpu.memory_space<vmem>>, vector<1x512x128xf32>
    %swap3A_51 = vector.shape_cast %swap3A_50 : vector<1x512x128xf32> to vector<512x128xf32>
    %swap3A_52 = vector.shape_cast %slice3A_47 : vector<512x128xf32> to vector<1x512x128xf32>
    tpu.vector_store %arg6[%swap3A, %swap3A_48, %swap3A_49], %swap3A_52 {strides = array<i32>} : memref<2x512x128xf32, #tpu.memory_space<vmem>>, vector<1x512x128xf32>,
    %slice3A_53 = vector.extract_strided_slice %add3A_46 {offsets = [0, 128], sizes = [512, 128], strides = [1, 1]} : vector<512x768xf32> to vector<512x128xf32>
    %swap3A_54 = arith.constant 1 : index
    %swap3A_55 = arith.constant 0 : index
    %swap3A_56 = arith.constant 0 : index
    %swap3A_57 = vector.load %arg6[%swap3A_54, %swap3A_55, %swap3A_56] : memref<2x512x128xf32, #tpu.memory_space<vmem>>, vector<1x512x128xf32>
    %swap3A_58 = vector.shape_cast %swap3A_57 : vector<1x512x128xf32> to vector<512x128xf32>
    %swap3A_59 = vector.shape_cast %slice3A_53 : vector<512x128xf32> to vector<1x512x128xf32>
    tpu.vector_store %arg6[%swap3A_54, %swap3A_55, %swap3A_56], %swap3A_59 {strides = array<i32>} : memref<2x512x128xf32, #tpu.memory_space<vmem>>, vector<1x512x128xf32>,
    %slice3A_60 = vector.extract_strided_slice %add3A_46 {offsets = [0, 256], sizes = [512, 128], strides = [1, 1]} : vector<512x768xf32> to vector<512x128xf32>
    %swap3A_61 = arith.constant 0 : index
    %swap3A_62 = arith.constant 0 : index
    %swap3A_63 = arith.constant 0 : index
    %swap3A_64 = vector.load %arg7[%swap3A_61, %swap3A_62, %swap3A_63] : memref<2x512x128xf32, #tpu.memory_space<vmem>>, vector<1x512x128xf32>
    %swap3A_65 = vector.shape_cast %swap3A_64 : vector<1x512x128xf32> to vector<512x128xf32>
    %swap3A_66 = vector.shape_cast %slice3A_60 : vector<512x128xf32> to vector<1x512x128xf32>
    tpu.vector_store %arg7[%swap3A_61, %swap3A_62, %swap3A_63], %swap3A_66 {strides = array<i32>} : memref<2x512x128xf32, #tpu.memory_space<vmem>>, vector<1x512x128xf32>,
    %slice3A_67 = vector.extract_strided_slice %add3A_46 {offsets = [0, 384], sizes = [512, 128], strides = [1, 1]} : vector<512x768xf32> to vector<512x128xf32>
    %swap3A_68 = arith.constant 1 : index
    %swap3A_69 = arith.constant 0 : index
    %swap3A_70 = arith.constant 0 : index
    %swap3A_71 = vector.load %arg7[%swap3A_68, %swap3A_69, %swap3A_70] : memref<2x512x128xf32, #tpu.memory_space<vmem>>, vector<1x512x128xf32>
    %swap3A_72 = vector.shape_cast %swap3A_71 : vector<1x512x128xf32> to vector<512x128xf32>
    %swap3A_73 = vector.shape_cast %slice3A_67 : vector<512x128xf32> to vector<1x512x128xf32>
    tpu.vector_store %arg7[%swap3A_68, %swap3A_69, %swap3A_70], %swap3A_73 {strides = array<i32>} : memref<2x512x128xf32, #tpu.memory_space<vmem>>, vector<1x512x128xf32>,
    %slice3A_74 = vector.extract_strided_slice %add3A_46 {offsets = [0, 512], sizes = [512, 128], strides = [1, 1]} : vector<512x768xf32> to vector<512x128xf32>
    %swap3A_75 = arith.constant 0 : index
    %swap3A_76 = arith.constant 0 : index
    %swap3A_77 = arith.constant 0 : index
    %swap3A_78 = vector.load %arg8[%swap3A_75, %swap3A_76, %swap3A_77] : memref<2x512x128xf32, #tpu.memory_space<vmem>>, vector<1x512x128xf32>
    %swap3A_79 = vector.shape_cast %swap3A_78 : vector<1x512x128xf32> to vector<512x128xf32>
    %swap3A_80 = vector.shape_cast %slice3A_74 : vector<512x128xf32> to vector<1x512x128xf32>
    tpu.vector_store %arg8[%swap3A_75, %swap3A_76, %swap3A_77], %swap3A_80 {strides = array<i32>} : memref<2x512x128xf32, #tpu.memory_space<vmem>>, vector<1x512x128xf32>,
    %slice3A_81 = vector.extract_strided_slice %add3A_46 {offsets = [0, 640], sizes = [512, 128], strides = [1, 1]} : vector<512x768xf32> to vector<512x128xf32>
    %swap3A_82 = arith.constant 1 : index
    %swap3A_83 = arith.constant 0 : index
    %swap3A_84 = arith.constant 0 : index
    %swap3A_85 = vector.load %arg8[%swap3A_82, %swap3A_83, %swap3A_84] : memref<2x512x128xf32, #tpu.memory_space<vmem>>, vector<1x512x128xf32>
    %swap3A_86 = vector.shape_cast %swap3A_85 : vector<1x512x128xf32> to vector<512x128xf32>
    %swap3A_87 = vector.shape_cast %slice3A_81 : vector<512x128xf32> to vector<1x512x128xf32>
    tpu.vector_store %arg8[%swap3A_82, %swap3A_83, %swap3A_84], %swap3A_87 {strides = array<i32>} : memref<2x512x128xf32, #tpu.memory_space<vmem>>, vector<1x512x128xf32>,
    return
  }
  func.func @transform_0(%arg0: i32) -> (i32, i32) {
    %c0_i32 = arith.constant 0 : i32
    %c0_i32_0 = arith.constant 0 : i32
    return %arg0, %c0_i32 : i32, i32
  }
  func.func @transform_1(%arg0: i32) -> (i32, i32) {
    %c0_i32 = arith.constant 0 : i32
    %c0_i32_0 = arith.constant 0 : i32
    %c0_i32_1 = arith.constant 0 : i32
    return %c0_i32, %c0_i32_0 : i32, i32
  }
  func.func @transform_2(%arg0: i32) -> (i32, i32) {
    %c0_i32 = arith.constant 0 : i32
    %c0_i32_0 = arith.constant 0 : i32
    %c0_i32_1 = arith.constant 0 : i32
    return %c0_i32, %c0_i32_0 : i32, i32
  }
  func.func @transform_3(%arg0: i32) -> (i32, i32) {
    %c0_i32 = arith.constant 0 : i32
    %c0_i32_0 = arith.constant 0 : i32
    %c0_i32_1 = arith.constant 0 : i32
    return %c0_i32, %c0_i32_0 : i32, i32
  }
  func.func @transform_4(%arg0: i32) -> (i32, i32) {
    %c0_i32 = arith.constant 0 : i32
    %c0_i32_0 = arith.constant 0 : i32
    %c0_i32_1 = arith.constant 0 : i32
    return %c0_i32, %c0_i32_0 : i32, i32
  }
  func.func @transform_5(%arg0: i32) -> (i32, i32, i32) {
    %c0_i32 = arith.constant 0 : i32
    %c0_i32_0 = arith.constant 0 : i32
    %c0_i32_1 = arith.constant 0 : i32
    return %c0_i32, %arg0, %c0_i32_0 : i32, i32, i32
  }
  func.func @transform_6(%arg0: i32) -> (i32, i32, i32) {
    %c0_i32 = arith.constant 0 : i32
    %c0_i32_0 = arith.constant 0 : i32
    %c0_i32_1 = arith.constant 0 : i32
    return %c0_i32, %arg0, %c0_i32_0 : i32, i32, i32
  }
  func.func @transform_7(%arg0: i32) -> (i32, i32, i32) {
    %c0_i32 = arith.constant 0 : i32
    %c0_i32_0 = arith.constant 0 : i32
    %c0_i32_1 = arith.constant 0 : i32
    return %c0_i32, %arg0, %c0_i32_0 : i32, i32, i32
  }
}

module attributes {stable_mosaic.version = 14 : i64} {
  func.func @body(%arg0: i32, %arg1: memref<2000x256xf32, #tpu.memory_space<vmem>>, %arg2: memref<2x2000x128xf32, #tpu.memory_space<vmem>>, %arg3: memref<2x2000x128xf32, #tpu.memory_space<vmem>>, %arg4: memref<256x256xf32, #tpu.memory_space<vmem>>, %arg5: memref<1x256xf32, #tpu.memory_space<vmem>>, %arg6: memref<256x256xf32, #tpu.memory_space<vmem>>, %arg7: memref<256x256xf32, #tpu.memory_space<vmem>>, %arg8: memref<1x256xf32, #tpu.memory_space<vmem>>, %arg9: memref<256x256xf32, #tpu.memory_space<vmem>>, %arg10: memref<1x256xf32, #tpu.memory_space<vmem>>, %arg11: memref<2000x256xf32, #tpu.memory_space<vmem>>) attributes {dimension_semantics = [#tpu.dimension_semantics<arbitrary>], iteration_bounds = array<i64: 5>, scalar_prefetch = 0 : i64, scratch_operands = 0 : i64, tpu.core_type = #tpu.core_type<tc>, window_params = [{transform_indices = @transform_0, window_bounds = array<i64: 2000, 256>}, {transform_indices = @transform_1, window_bounds = array<i64: 2, 2000, 128>}, {transform_indices = @transform_2, window_bounds = array<i64: 2, 2000, 128>}, {pipeline_mode = #tpu.pipeline_mode<synchronous>, transform_indices = @transform_3, window_bounds = array<i64: 256, 256>}, {pipeline_mode = #tpu.pipeline_mode<synchronous>, transform_indices = @transform_4, window_bounds = array<i64: 1, 256>}, {pipeline_mode = #tpu.pipeline_mode<synchronous>, transform_indices = @transform_5, window_bounds = array<i64: 256, 256>}, {pipeline_mode = #tpu.pipeline_mode<synchronous>, transform_indices = @transform_6, window_bounds = array<i64: 256, 256>}, {pipeline_mode = #tpu.pipeline_mode<synchronous>, transform_indices = @transform_7, window_bounds = array<i64: 1, 256>}, {pipeline_mode = #tpu.pipeline_mode<synchronous>, transform_indices = @transform_8, window_bounds = array<i64: 256, 256>}, {pipeline_mode = #tpu.pipeline_mode<synchronous>, transform_indices = @transform_9, window_bounds = array<i64: 1, 256>}, {transform_indices = @transform_10, window_bounds = array<i64: 2000, 256>}]} {
    %get3A = arith.constant 0 : index
    %get3A_0 = arith.constant 0 : index
    %get3A_1 = vector.load %arg1[%get3A, %get3A_0] : memref<2000x256xf32, #tpu.memory_space<vmem>>, vector<2000x256xf32>
    %get3A_2 = arith.constant 0 : index
    %get3A_3 = arith.constant 0 : index
    %get3A_4 = arith.constant 0 : index
    %get3A_5 = vector.load %arg3[%get3A_2, %get3A_3, %get3A_4] : memref<2x2000x128xf32, #tpu.memory_space<vmem>>, vector<1x2000x1xf32>
    %get3A_6 = vector.shape_cast %get3A_5 : vector<1x2000x1xf32> to vector<2000x1xf32>
    %get3A_7 = arith.constant 1 : index
    %get3A_8 = arith.constant 0 : index
    %get3A_9 = arith.constant 0 : index
    %get3A_10 = vector.load %arg3[%get3A_7, %get3A_8, %get3A_9] : memref<2x2000x128xf32, #tpu.memory_space<vmem>>, vector<1x2000x1xf32>
    %get3A_11 = vector.shape_cast %get3A_10 : vector<1x2000x1xf32> to vector<2000x1xf32>
    %add3A = arith.addf %get3A_6, %get3A_11 : vector<2000x1xf32>
    %get3A_12 = arith.constant 0 : index
    %get3A_13 = arith.constant 0 : index
    %get3A_14 = arith.constant 0 : index
    %get3A_15 = vector.load %arg2[%get3A_12, %get3A_13, %get3A_14] : memref<2x2000x128xf32, #tpu.memory_space<vmem>>, vector<1x2000x128xf32>
    %get3A_16 = vector.shape_cast %get3A_15 : vector<1x2000x128xf32> to vector<2000x128xf32>
    %get3A_17 = arith.constant 0 : index
    %get3A_18 = arith.constant 0 : index
    %get3A_19 = vector.load %arg4[%get3A_17, %get3A_18] : memref<256x256xf32, #tpu.memory_space<vmem>>, vector<128x256xf32>
    %dot_general3A = arith.constant dense<0.000000e+00> : vector<2000x256xf32>
    %dot_general3A_20 = tpu.matmul %get3A_16, %get3A_19, %dot_general3A {dimension_numbers = #tpu.dot_dimension_numbers<[1], [0], [0], [1], [0, 0, 1, 1], [], []>, transpose_lhs_hint = false} : vector<2000x128xf32>, vector<128x256xf32>, vector<2000x256xf32> -> vector<2000x256xf32>
    %get3A_21 = arith.constant 1 : index
    %get3A_22 = arith.constant 0 : index
    %get3A_23 = arith.constant 0 : index
    %get3A_24 = vector.load %arg2[%get3A_21, %get3A_22, %get3A_23] : memref<2x2000x128xf32, #tpu.memory_space<vmem>>, vector<1x2000x128xf32>
    %get3A_25 = vector.shape_cast %get3A_24 : vector<1x2000x128xf32> to vector<2000x128xf32>
    %get3A_26 = arith.constant 128 : index
    %get3A_27 = arith.constant 0 : index
    %get3A_28 = vector.load %arg4[%get3A_26, %get3A_27] : memref<256x256xf32, #tpu.memory_space<vmem>>, vector<128x256xf32>
    %dot_general3A_29 = arith.constant dense<0.000000e+00> : vector<2000x256xf32>
    %dot_general3A_30 = tpu.matmul %get3A_25, %get3A_28, %dot_general3A_29 {dimension_numbers = #tpu.dot_dimension_numbers<[1], [0], [0], [1], [0, 0, 1, 1], [], []>, transpose_lhs_hint = false} : vector<2000x128xf32>, vector<128x256xf32>, vector<2000x256xf32> -> vector<2000x256xf32>
    %add3A_31 = arith.addf %dot_general3A_20, %dot_general3A_30 : vector<2000x256xf32>
    %get3A_32 = arith.constant 0 : index
    %get3A_33 = arith.constant 0 : index
    %get3A_34 = vector.load %arg5[%get3A_32, %get3A_33] : memref<1x256xf32, #tpu.memory_space<vmem>>, vector<1x256xf32>
    %mul3A = vector.broadcast %add3A : vector<2000x1xf32> to vector<2000x256xf32>
    %mul3A_35 = vector.broadcast %get3A_34 : vector<1x256xf32> to vector<2000x256xf32>
    %mul3A_36 = arith.mulf %mul3A, %mul3A_35 : vector<2000x256xf32>
    %add3A_37 = arith.addf %add3A_31, %mul3A_36 : vector<2000x256xf32>
    %get3A_38 = arith.constant 0 : index
    %get3A_39 = arith.constant 0 : index
    %get3A_40 = vector.load %arg6[%get3A_38, %get3A_39] : memref<256x256xf32, #tpu.memory_space<vmem>>, vector<256x256xf32>
    %dot_general3A_41 = arith.constant dense<0.000000e+00> : vector<2000x256xf32>
    %dot_general3A_42 = tpu.matmul %get3A_1, %get3A_40, %dot_general3A_41 {dimension_numbers = #tpu.dot_dimension_numbers<[1], [0], [0], [1], [0, 0, 1, 1], [], []>, transpose_lhs_hint = false} : vector<2000x256xf32>, vector<256x256xf32>, vector<2000x256xf32> -> vector<2000x256xf32>
    %get3A_43 = arith.constant 0 : index
    %get3A_44 = arith.constant 0 : index
    %get3A_45 = vector.load %arg7[%get3A_43, %get3A_44] : memref<256x256xf32, #tpu.memory_space<vmem>>, vector<256x256xf32>
    %dot_general3A_46 = arith.constant dense<0.000000e+00> : vector<2000x256xf32>
    %dot_general3A_47 = tpu.matmul %add3A_37, %get3A_45, %dot_general3A_46 {dimension_numbers = #tpu.dot_dimension_numbers<[1], [0], [0], [1], [0, 0, 1, 1], [], []>, transpose_lhs_hint = false} : vector<2000x256xf32>, vector<256x256xf32>, vector<2000x256xf32> -> vector<2000x256xf32>
    %add3A_48 = arith.addf %dot_general3A_42, %dot_general3A_47 : vector<2000x256xf32>
    %get3A_49 = arith.constant 0 : index
    %get3A_50 = arith.constant 0 : index
    %get3A_51 = vector.load %arg8[%get3A_49, %get3A_50] : memref<1x256xf32, #tpu.memory_space<vmem>>, vector<1x256xf32>
    %add3A_52 = vector.broadcast %get3A_51 : vector<1x256xf32> to vector<2000x256xf32>
    %add3A_53 = arith.addf %add3A_48, %add3A_52 : vector<2000x256xf32>
    %max3A = arith.constant 0.000000e+00 : f32
    %max3A_54 = vector.broadcast %max3A : f32 to vector<2000x256xf32>
    %max3A_55 = arith.maximumf %add3A_53, %max3A_54 : vector<2000x256xf32>
    %get3A_56 = arith.constant 0 : index
    %get3A_57 = arith.constant 0 : index
    %get3A_58 = vector.load %arg9[%get3A_56, %get3A_57] : memref<256x256xf32, #tpu.memory_space<vmem>>, vector<256x256xf32>
    %dot_general3A_59 = arith.constant dense<0.000000e+00> : vector<2000x256xf32>
    %dot_general3A_60 = tpu.matmul %max3A_55, %get3A_58, %dot_general3A_59 {dimension_numbers = #tpu.dot_dimension_numbers<[1], [0], [0], [1], [0, 0, 1, 1], [], []>, transpose_lhs_hint = false} : vector<2000x256xf32>, vector<256x256xf32>, vector<2000x256xf32> -> vector<2000x256xf32>
    %get3A_61 = arith.constant 0 : index
    %get3A_62 = arith.constant 0 : index
    %get3A_63 = vector.load %arg10[%get3A_61, %get3A_62] : memref<1x256xf32, #tpu.memory_space<vmem>>, vector<1x256xf32>
    %add3A_64 = vector.broadcast %get3A_63 : vector<1x256xf32> to vector<2000x256xf32>
    %add3A_65 = arith.addf %dot_general3A_60, %add3A_64 : vector<2000x256xf32>
    %add3A_66 = arith.addf %get3A_1, %add3A_65 : vector<2000x256xf32>
    %swap3A = arith.constant 0 : index
    %swap3A_67 = arith.constant 0 : index
    %swap3A_68 = vector.load %arg11[%swap3A, %swap3A_67] : memref<2000x256xf32, #tpu.memory_space<vmem>>, vector<2000x256xf32>
    tpu.vector_store %arg11[%swap3A, %swap3A_67], %add3A_66 {strides = array<i32>} : memref<2000x256xf32, #tpu.memory_space<vmem>>, vector<2000x256xf32>,
    return
  }
  func.func @transform_0(%arg0: i32) -> (i32, i32) {
    %c0_i32 = arith.constant 0 : i32
    %c0_i32_0 = arith.constant 0 : i32
    return %arg0, %c0_i32 : i32, i32
  }
  func.func @transform_1(%arg0: i32) -> (i32, i32, i32) {
    %c0_i32 = arith.constant 0 : i32
    %c0_i32_0 = arith.constant 0 : i32
    %c0_i32_1 = arith.constant 0 : i32
    return %c0_i32, %arg0, %c0_i32_0 : i32, i32, i32
  }
  func.func @transform_2(%arg0: i32) -> (i32, i32, i32) {
    %c0_i32 = arith.constant 0 : i32
    %c0_i32_0 = arith.constant 0 : i32
    %c0_i32_1 = arith.constant 0 : i32
    return %c0_i32, %arg0, %c0_i32_0 : i32, i32, i32
  }
  func.func @transform_3(%arg0: i32) -> (i32, i32) {
    %c0_i32 = arith.constant 0 : i32
    %c0_i32_0 = arith.constant 0 : i32
    %c0_i32_1 = arith.constant 0 : i32
    return %c0_i32, %c0_i32_0 : i32, i32
  }
  func.func @transform_4(%arg0: i32) -> (i32, i32) {
    %c0_i32 = arith.constant 0 : i32
    %c0_i32_0 = arith.constant 0 : i32
    %c0_i32_1 = arith.constant 0 : i32
    return %c0_i32, %c0_i32_0 : i32, i32
  }
  func.func @transform_5(%arg0: i32) -> (i32, i32) {
    %c0_i32 = arith.constant 0 : i32
    %c0_i32_0 = arith.constant 0 : i32
    %c0_i32_1 = arith.constant 0 : i32
    return %c0_i32, %c0_i32_0 : i32, i32
  }
  func.func @transform_6(%arg0: i32) -> (i32, i32) {
    %c0_i32 = arith.constant 0 : i32
    %c0_i32_0 = arith.constant 0 : i32
    %c0_i32_1 = arith.constant 0 : i32
    return %c0_i32, %c0_i32_0 : i32, i32
  }
  func.func @transform_7(%arg0: i32) -> (i32, i32) {
    %c0_i32 = arith.constant 0 : i32
    %c0_i32_0 = arith.constant 0 : i32
    %c0_i32_1 = arith.constant 0 : i32
    return %c0_i32, %c0_i32_0 : i32, i32
  }
  func.func @transform_8(%arg0: i32) -> (i32, i32) {
    %c0_i32 = arith.constant 0 : i32
    %c0_i32_0 = arith.constant 0 : i32
    %c0_i32_1 = arith.constant 0 : i32
    return %c0_i32, %c0_i32_0 : i32, i32
  }
  func.func @transform_9(%arg0: i32) -> (i32, i32) {
    %c0_i32 = arith.constant 0 : i32
    %c0_i32_0 = arith.constant 0 : i32
    %c0_i32_1 = arith.constant 0 : i32
    return %c0_i32, %c0_i32_0 : i32, i32
  }
  func.func @transform_10(%arg0: i32) -> (i32, i32) {
    %c0_i32 = arith.constant 0 : i32
    %c0_i32_0 = arith.constant 0 : i32
    return %arg0, %c0_i32 : i32, i32
  }
}

module attributes {stable_mosaic.version = 14 : i64} {
  func.func @body(%arg0: memref<10000x256xf32, #tpu.memory_space<vmem>>, %arg1: memref<1x10000xi32, #tpu.memory_space<vmem>>, %arg2: memref<256x256xf32, #tpu.memory_space<vmem>>, %arg3: memref<1x256xf32, #tpu.memory_space<vmem>>, %arg4: memref<256x128xf32, #tpu.memory_space<vmem>>, %arg5: memref<1x128xf32, #tpu.memory_space<vmem>>, %arg6: memref<128x128xf32, #tpu.memory_space<vmem>>) attributes {dimension_semantics = [], scalar_prefetch = 0 : i64, scratch_operands = 0 : i64, tpu.core_type = #tpu.core_type<tc>} {
    %iota3A = tpu.iota {dimensions = array<i32: 0>} : vector<128x10000xi32>
    %get3A = arith.constant 0 : index
    %get3A_0 = arith.constant 0 : index
    %get3A_1 = vector.load %arg1[%get3A, %get3A_0] : memref<1x10000xi32, #tpu.memory_space<vmem>>, vector<1x10000xi32>
    %eq3A = vector.broadcast %get3A_1 : vector<1x10000xi32> to vector<128x10000xi32>
    %eq3A_2 = arith.cmpi eq, %eq3A, %iota3A : vector<128x10000xi32>
    %convert_element_type3A = arith.extui %eq3A_2 : vector<128x10000xi1> to vector<128x10000xi32>
    %convert_element_type3A_3 = arith.sitofp %convert_element_type3A : vector<128x10000xi32> to vector<128x10000xf32>
    %get3A_4 = arith.constant 0 : index
    %get3A_5 = arith.constant 0 : index
    %get3A_6 = vector.load %arg0[%get3A_4, %get3A_5] : memref<10000x256xf32, #tpu.memory_space<vmem>>, vector<10000x256xf32>
    %dot_general3A = arith.constant dense<0.000000e+00> : vector<128x256xf32>
    %dot_general3A_7 = tpu.matmul %convert_element_type3A_3, %get3A_6, %dot_general3A {dimension_numbers = #tpu.dot_dimension_numbers<[1], [0], [0], [1], [0, 0, 1, 1], [], []>, transpose_lhs_hint = false} : vector<128x10000xf32>, vector<10000x256xf32>, vector<128x256xf32> -> vector<128x256xf32>
    %reduce_sum3A = arith.constant dense<0.000000e+00> : vector<128xf32>
    %reduce_sum3A_8 = vector.multi_reduction <add>, %convert_element_type3A_3, %reduce_sum3A [1] : vector<128x10000xf32> to vector<128xf32>
    %broadcast_in_dim3A = vector.shape_cast %reduce_sum3A_8 : vector<128xf32> to vector<128x1xf32>
    %max3A = arith.constant 1.000000e+00 : f32
    %max3A_9 = vector.broadcast %max3A : f32 to vector<128x1xf32>
    %max3A_10 = arith.maximumf %broadcast_in_dim3A, %max3A_9 : vector<128x1xf32>
    %div3A = vector.broadcast %max3A_10 : vector<128x1xf32> to vector<128x256xf32>
    %div3A_11 = arith.divf %dot_general3A_7, %div3A : vector<128x256xf32>
    %get3A_12 = arith.constant 0 : index
    %get3A_13 = arith.constant 0 : index
    %get3A_14 = vector.load %arg2[%get3A_12, %get3A_13] : memref<256x256xf32, #tpu.memory_space<vmem>>, vector<256x256xf32>
    %dot_general3A_15 = arith.constant dense<0.000000e+00> : vector<128x256xf32>
    %dot_general3A_16 = tpu.matmul %div3A_11, %get3A_14, %dot_general3A_15 {dimension_numbers = #tpu.dot_dimension_numbers<[1], [0], [0], [1], [0, 0, 1, 1], [], []>, transpose_lhs_hint = false} : vector<128x256xf32>, vector<256x256xf32>, vector<128x256xf32> -> vector<128x256xf32>
    %get3A_17 = arith.constant 0 : index
    %get3A_18 = arith.constant 0 : index
    %get3A_19 = vector.load %arg3[%get3A_17, %get3A_18] : memref<1x256xf32, #tpu.memory_space<vmem>>, vector<1x256xf32>
    %add3A = vector.broadcast %get3A_19 : vector<1x256xf32> to vector<128x256xf32>
    %add3A_20 = arith.addf %dot_general3A_16, %add3A : vector<128x256xf32>
    %max3A_21 = arith.constant 0.000000e+00 : f32
    %max3A_22 = vector.broadcast %max3A_21 : f32 to vector<128x256xf32>
    %max3A_23 = arith.maximumf %add3A_20, %max3A_22 : vector<128x256xf32>
    %get3A_24 = arith.constant 0 : index
    %get3A_25 = arith.constant 0 : index
    %get3A_26 = vector.load %arg4[%get3A_24, %get3A_25] : memref<256x128xf32, #tpu.memory_space<vmem>>, vector<256x128xf32>
    %dot_general3A_27 = arith.constant dense<0.000000e+00> : vector<128x128xf32>
    %dot_general3A_28 = tpu.matmul %max3A_23, %get3A_26, %dot_general3A_27 {dimension_numbers = #tpu.dot_dimension_numbers<[1], [0], [0], [1], [0, 0, 1, 1], [], []>, transpose_lhs_hint = false} : vector<128x256xf32>, vector<256x128xf32>, vector<128x128xf32> -> vector<128x128xf32>
    %get3A_29 = arith.constant 0 : index
    %get3A_30 = arith.constant 0 : index
    %get3A_31 = vector.load %arg5[%get3A_29, %get3A_30] : memref<1x128xf32, #tpu.memory_space<vmem>>, vector<1x128xf32>
    %add3A_32 = vector.broadcast %get3A_31 : vector<1x128xf32> to vector<128x128xf32>
    %add3A_33 = arith.addf %dot_general3A_28, %add3A_32 : vector<128x128xf32>
    %swap3A = arith.constant 0 : index
    %swap3A_34 = arith.constant 0 : index
    %swap3A_35 = vector.load %arg6[%swap3A, %swap3A_34] : memref<128x128xf32, #tpu.memory_space<vmem>>, vector<128x128xf32>
    tpu.vector_store %arg6[%swap3A, %swap3A_34], %add3A_33 {strides = array<i32>} : memref<128x128xf32, #tpu.memory_space<vmem>>, vector<128x128xf32>,
    return
  }
}

</mosaic_0001>

<sc_bundles>
// kernel: kernel.17.cloned.1.call-start
scs
__scs_entry_jumppad:
0x0: {  	(pc) =	sbr.rel $0x88, $3  }
0x1: {  	(tag) =	ssettag $0x0;
	lr =	simm.s32 $0x1  }
0x2: {  	[smem:$0x3F79] =	sst lr;
	_ =	strace $0xD0000000  }
0x3: {  	_ = 	snop  }
0x4: {  	_ = 	snop  }
0x5: {  	_ = 	snop  }
0x6: {  	_ = 	snop  }
0x7: {  	_ = 	snop  }
__scs_overlays_trampoline_lowered:
0x8: {  	[smem:$0x3F88] =	sst s0  }
0x9: {  	[smem:$0x3F89] =	sst s1  }
0xa: {  	[smem:$0x3F8A] =	sst s2  }
0xb: {  	[smem:$0x3F8B] =	sst s3  }
0xc: {  	[smem:$0x3F8C] =	sst s4  }
0xd: {  	[smem:$0x3F8D] =	sst s5  }
0xe: {  	[smem:$0x3F8E] =	sst s6  }
0xf: {  	[smem:$0x3F8F] =	sst s7  }
0x10: {  	[smem:$0x3F90] =	sst s8  }
0x11: {  	[smem:$0x3F91] =	sst s9;
	s0 =	simm.s32 @!p0 $0x0  }
0x12: {  	s1 =	sld [smem:$0x3F77];
	s0 =	simm.s32 @p0 $0x1  }
0x13: {  	[smem:$0x3F92] =	sst s0;
	s0 =	simm.s32 @!p1 $0x0  }
0x14: {  	s2 =	sld [smem:$0x3F76];
	s0 =	simm.s32 @p1 $0x1  }
0x15: {  	[smem:$0x3F93] =	sst s0;
	s0 =	simm.s32 @!p2 $0x0  }
0x16: {  	s3 =	sld [smem:$0x3FDB];
	s0 =	simm.s32 @p2 $0x1  }
0x17: {  	s4 =	simm.s32 $0x1BF5;
	[smem:$0x3F95] =	sst s0  }
0x18: {  	s0 =	sld [smem:$0x3F78];
	_ =	swait.ge [sflag:s4], $0x0  }
0x19: {  	s7 =	sld [smem:$0x3F79]  }
0x1a: {  	s8 =	sadd.s32 $0xFFFFE003, lr  }
0x1b: {  	s9 =	sadd.s32 $0xFFFFFEF7, lr;
	s5 =	simm.s32 $0xFFFFFFFF;
	p2 =	slt.u32 s8, $0xFFFFF086  }
0x1c: {  	p1 =	slt.u32 s9, $0xF7A;
	s5 =	simm.s32 @!p2 $0x0  }
0x1d: {  	s5 =	simm.s32 @p1 $0x1;
	p0 =	seq.s32 s7, s2  }
0x1e: {  	s7 =	smul.u32 @!p0 $0xF7A, s2;
	p2 =	seq.s32 @!p0 s5, $0x0  }
0x1f: {  	s9 =	smul.u32 $0xF7A, s1;
	s8 =	simm.s32 @!p0 $0x1BF5;
	p2 =	por !p2, p0  }
0x20: {  	[sflag:s8] =	ssyncset.s32 @!p0 $0xFFFFF086;
	s6 =	sadd.s32 @!p0 s3, s7;
	s7 =	simm.s32 @!p0 $0x108  }
0x21: {  	s3 =	sadd.s32 s3, s9;
	s6 =	sadd.s32 @!p0 $0x88, s6;
	s7 =	simm.s32 @p2 $0x1082  }
0x22: {  	[simem:s7], [sflag:s8] =	dma.local @!p0 [hbm:s6], $0xF7A  }
0x23: {  	s9 =	sor.u32 $0xD0000000, s2;
	s6 =	simm.s32 $0x108;
	_ =	swait.ge @!p0 [sflag:s8], $0x0  }
0x24: {  	s3 =	sadd.s32 $0x88, s3;
	s6 =	simm.s32 @!p1 $0x1082;
	[sflag:s4] =	ssyncset.s32 $0xFFFFF086  }
0x25: {  	[simem:s6], [sflag:s4] =	dma.local [hbm:s3], $0xF7A  }
0x26: {  	[smem:$0x3F79] =	sst s1;
	(tag) =	ssettag s2;
	_ =	strace s9  }
0x27: {  	s1 =	sld [smem:$0x3F89]  }
0x28: {  	s2 =	sld [smem:$0x3F8A]  }
0x29: {  	s4 =	sld [smem:$0x3F8C]  }
0x2a: {  	p0 =	seq.s32 s5, $0x0;
	s5 =	sld [smem:$0x3F8D]  }
0x2b: {  	s6 =	sld [smem:$0x3F8E]  }
0x2c: {  	s7 =	sld [smem:$0x3F8F]  }
0x2d: {  	s3 =	simm.s32 $0x108;
	s8 =	sld [smem:$0x3F90]  }
0x2e: {  	s3 =	simm.s32 @!p0 $0x1082;
	s9 =	sld [smem:$0x3F91]  }
0x2f: {  	lr =	sadd.s32 s0, s3;
	s0 =	sld [smem:$0x3F88]  }
0x30: {  	s3 =	sld [smem:$0x3F8B]  }
0x31: {  	[smem:$0x3F94] =	sst s10  }
0x32: {  	s10 =	sld [smem:$0x3F92];
	_ =	sdelay $0x3  }
0x33: {  	p0 =	seq.s32 s10, $0x1;
	s10 =	sld [smem:$0x3F94];
	_ =	sdelay $0x3  }
0x34: {  	[smem:$0x3F94] =	sst s10  }
0x35: {  	s10 =	sld [smem:$0x3F93];
	_ =	sdelay $0x3  }
0x36: {  	p1 =	seq.s32 s10, $0x1;
	s10 =	sld [smem:$0x3F94];
	_ =	sdelay $0x3  }
0x37: {  	[smem:$0x3F94] =	sst s10  }
0x38: {  	s10 =	sld [smem:$0x3F95]  }
0x39: {  	_ = 	snop;
	(pc) =	sbr.ind lr, $3  }
0x3a: {  	_ = 	snop  }
0x3b: {  	_ = 	snop  }
0x3c: {  	p2 =	seq.s32 s10, $0x1;
	s10 =	sld [smem:$0x3F94]  }
0x3d: {  	_ =	shalt  }
0x3e: {  	_ =	shalt  }
0x3f: {  	_ =	shalt  }
0x40: {  	_ =	shalt  }
0x41: {  	_ =	shalt  }
0x42: {  	_ =	shalt  }
0x43: {  	_ =	shalt  }
0x44: {  	_ =	shalt  }
0x45: {  	_ =	shalt  }
0x46: {  	_ =	shalt  }
0x47: {  	_ =	shalt  }
0x48: {  	_ =	shalt  }
0x49: {  	_ =	shalt  }
0x4a: {  	_ =	shalt  }
0x4b: {  	_ =	shalt  }
0x4c: {  	_ =	shalt  }
0x4d: {  	_ =	shalt  }
0x4e: {  	_ =	shalt  }
0x4f: {  	_ =	shalt  }
0x50: {  	_ =	shalt  }
0x51: {  	_ =	shalt  }
0x52: {  	_ =	shalt  }
0x53: {  	_ =	shalt  }
0x54: {  	_ =	shalt  }
0x55: {  	_ =	shalt  }
0x56: {  	_ =	shalt  }
0x57: {  	_ =	shalt  }
0x58: {  	_ =	shalt  }
0x59: {  	_ =	shalt  }
0x5a: {  	_ =	shalt  }
0x5b: {  	_ =	shalt  }
0x5c: {  	_ =	shalt  }
0x5d: {  	_ =	shalt  }
0x5e: {  	_ =	shalt  }
0x5f: {  	_ =	shalt  }
0x60: {  	_ =	shalt  }
0x61: {  	_ =	shalt  }
0x62: {  	_ =	shalt  }
0x63: {  	_ =	shalt  }
0x64: {  	_ =	shalt  }
0x65: {  	_ =	shalt  }
0x66: {  	_ =	shalt  }
0x67: {  	_ =	shalt  }
0x68: {  	_ =	shalt  }
0x69: {  	_ =	shalt  }
0x6a: {  	_ =	shalt  }
0x6b: {  	_ =	shalt  }
0x6c: {  	_ =	shalt  }
0x6d: {  	_ =	shalt  }
0x6e: {  	_ =	shalt  }
0x6f: {  	_ =	shalt  }
0x70: {  	_ =	shalt  }
0x71: {  	_ =	shalt  }
0x72: {  	_ =	shalt  }
0x73: {  	_ =	shalt  }
0x74: {  	_ =	shalt  }
0x75: {  	_ =	shalt  }
0x76: {  	_ =	shalt  }
0x77: {  	_ =	shalt  }
0x78: {  	_ =	shalt  }
0x79: {  	_ =	shalt  }
0x7a: {  	_ =	shalt  }
0x7b: {  	_ =	shalt  }
0x7c: {  	_ =	shalt  }
0x7d: {  	_ =	shalt  }
0x7e: {  	_ =	shalt  }
0x7f: {  	_ =	shalt  }
0x80: {  	_ =	shalt  }
0x81: {  	_ =	shalt  }
0x82: {  	_ =	shalt  }
0x83: {  	_ =	shalt  }
0x84: {  	_ =	shalt  }
0x85: {  	_ =	shalt  }
0x86: {  	_ =	shalt  }
0x87: {  	_ =	shalt  }
.Lfunc_end0:
.L_simem_size_0:
called_computation_lowered:
.L_overlay_start_0:
0x88: {  	s2 =	sld [smem:$0x3FD9]  }
0x89: {  	s3 =	sld [smem:$0x3FFE];
	_ =	sdelay $0x1  }
0x8a: {  	s1 =	srdreg.scid  }
0x8b: {  	s0 =	sand.u32 $0x1, s1  }
0x8c: {  	s16 =	sshll.u32 s0, $0xA;
	s2 =	sadd.s32 s3, s2  }
0x8d: {  	s2 =	sadd.s32 s2, s16  }
0x8e: {  	[smem:$0x3FA0] =	sst s2  }
0x8f: {  	_ = 	snop  }
0x90: {  	(tm) =	ssettm $0x1  }
0x91: {  	s17 =	sld [smem:$0x3FFB];
	_ =	sdelay $0x3  }
0x92: {  	_ =	strace s17  }
0x93: {  	s2 =	sld [smem:$0x3FFC];
	_ =	sdelay $0x3  }
0x94: {  	_ =	strace s2  }
0x95: {  	s2 =	sld [smem:$0x3FFD];
	_ =	sdelay $0x3  }
0x96: {  	_ =	strace s2  }
0x97: {  	_ =	strace $0x8FFFFFFF  }
0x98: {  	s18 =	sld [smem:$0x3FDB];
	_ =	sdelay $0x1  }
0x99: {  	s19 =	simm.s32 $_scs_section_size  }
0x9a: {  	s4 =	simm.s32 $_size__tile_overlayer_lowered;
	s5 =	simm.s32 $_tile_overlayer_lowered  }
0x9b: {  	s22 =	simm.s32 $0x1BFF;
	s21 =	sshll.u32 s5, $0x1;
	s2 =	sadd.s32 s19, s18  }
0x9c: {  	s6 =	simm.s32 $0x0;
	s20 =	sshll.u32 s4, $0x1;
	s4 =	sadd.s32 s21, s2  }
0x9d: {  	[timem:s6], [sflag:s22] =	dma.local [hbm:s4], s20  }
0x9e: {  	_ =	swait.ge [sflag:s22], s20  }
0x9f: {  	s3 =	ssub.s32 $0x0, s20;
	[sflag:s22] =	ssyncset.done $0x0  }
0xa0: {  	[sflag:s22] =	ssyncadd.s32 s3;
	_ =	sdelay $0x1  }
0xa1: {  	s23 =	simm.s32 $0x1B8B  }
0xa2: {  	_ =	swait.ge [sflag:s23], $0x1  }
0xa3: {  	[sflag:s23] =	ssyncset.done $0x0  }
0xa4: {  	s25 =	simm.s32 $0x1B8E;
	s24 =	sld [smem:$0x3FFE];
	[sflag:s23] =	ssyncadd.s32 $0xFFFFFFFF  }
0xa5: {  	s26 =	simm.s32 $execute0_lowered;
	[smem:$0x3FD2] =	sst s25  }
0xa6: {  	s4 =	sshll.u32 s26, $0x1;
	_ =	strace $0x80000046;
	[dreg:$0x1] =	wrdreg $0xFFFFFFFF  }
0xa7: {  	s28 =	simm.s32 $_size_execute0_lowered;
	s2 =	sadd.s32 s2, s4;
	[dreg:$0x0] =	wrdreg $0x0  }
0xa8: {  	s4 =	sshll.u32 s28, $0x1;
	[dreg:$0x2] =	wrdreg s2  }
0xa9: {  	[dreg:$0x3] =	wrdreg s4  }
0xaa: {  	[dreg:$0x4] =	wrdreg $0xC0  }
0xab: {  	_ =	task [dreg:s6], $0x5FFFF  }
0xac: {  	[dreg:$0x1] =	wrdreg $0xFFFFFFFF  }
0xad: {  	[dreg:$0x0] =	wrdreg $0x60  }
0xae: {  	[dreg:$0x2] =	wrdreg s24  }
0xaf: {  	[dreg:$0x3] =	wrdreg $0xA  }
0xb0: {  	_ =	task.clear_ibuf [dreg:s6], $0x4FFFF;
	_ =	strace $0x90000046  }
0xb1: {  	s29 =	simm.s32 $0xA;
	_ =	strace $0x80000048  }
0xb2: {  	_ =	swait.ge [sflag:s29], $0x1  }
0xb3: {  	[sflag:s29] =	ssyncadd.s32 $0xFFFFFFFF  }
0xb4: {  	_ =	strace $0x90000048  }
0xb5: {  	_ =	sfence  }
0xb6: {  	s30 =	sld [smem:$0x0];
	_ =	sdelay $0x2  }
0xb7: {  	s31 =	sshll.u32 s1, $0xD;
	s1 =	sshrl.u32 s1, $0x2  }
0xb8: {  	s3 =	sand.u32 $0x4000, s31;
	s1 =	sadd.s32 s1, s30  }
0xb9: {  	s0 =	sor.u32 s3, s0;
	s1 =	sshll.u32 s1, $0x11  }
0xba: {  	s0 =	sor.u32 s1, s0  }
0xbb: {  	s0 =	sadd.s32 $0x8F2B, s0  }
0xbc: {  	[sflag:s0] =	ssyncadd.remote.s32 $0x1  }
0xbd: {  	_ =	sfence.sel $0xFFFF  }
0xbe: {  	[dreg:$0x0] =	wrdreg $0xFFFFFFFF;
	(pc) =	sbr.abs _section_cstart, $3  }
0xbf: {  	[dreg:$0x1] =	wrdreg $0xFFFFFFFF  }
0xc0: {  	_ =	task.clear_ibuf [dreg:s6], $0x2FFFF;
	_ =	strace $0x9FFFFFFF  }
0xc1: {  	(tm) =	ssettm $0x7FFFFFFF  }
tec
execute0_lowered:
.L_overlay_start_1:
0x0: {  	(tag) =	ssettag $0x1  }
0x1: {  	s0 =	srdreg.scid;
	s5 =	rddreg [dreg:$0x0]  }
0x2: {  	s1 =	stileid.u32;
	s2 =	simm.s32 $0x0;
	s10 =	simm.s32 $0x1400  }
0x3: {  	s11 =	simm.s32 $0x80;
	s12 =	simm.s32 $0x1480;
	s13 =	simm.s32 $0x5480  }
0x4: {  	s14 =	simm.s32 $0x1;
	s15 =	simm.s32 $0x2;
	s4 =	sand.u32 $0x1, s0  }
0x5: {  	s16 =	simm.s32 $0x0;
	s0 =	rddreg [dreg:$0x1];
	s3 =	sshll.u32 s4, $0x4  }
0x6: {  	[smem:$0x7FF] =	sst s2;
	s8 =	ssub.s32 $0x2, s4;
	s6 =	sor.u32 s1, s3  }
0x7: {  	_ =	strace $0x80000047;
	s9 =	sshrl.u32 s8, $0x1;
	s3 =	smul.u32 $0x280, s6  }
0x8: {  	s4 =	sadd.s32 $0x12000, s5;
	s8 =	ssub.s32 s8, s9;
	s6 =	smul.u32 $0x28, s6  }
0x9: {  	s9 =	simm.s32 $0x3;
	s8 =	smax.u32 s8, $0x1;
	s7 =	sadd.s32 s3, s5  }
0xa: {  	s3 =	sadd.s32 $0x8000, s5;
	s5 =	sadd.s32 $0x39200, s5;
	s7 =	sadd.s32 $0xD000, s7  }
.LBB2_1:
0xb: {  	[tilespmem:s2], [sflag:$0x3] =	stream.linear.gather [hbm4b:s7+s2], $0x1400, $0x38;
	[tilespmem:$0x9480] =	vst v63  }
0xc: {  	_ =	swait.ge [sflag:s9], $0x1400  }
0xd: {  	[sflag:s9] =	ssyncset.done $0x0  }
0xe: {  	s17 =	simm.s32 $0x0;
	[sflag:s9] =	ssyncadd.s32 $0xFFFFEC00  }
.LBB2_2:
0xf: {  	s18 =	sadd.s32 s6, s17;
	s19 =	sshll.u32 s17, $0x4  }
0x10: {  	s20 =	sshll.u32 s18, $0x4;
	s19 =	sand.u32 $0x70, s19  }
0x11: {  	s20 =	sand.u32 $0xFFFFF80, s20;
	s19 =	sadd.s32 s3, s19  }
0x12: {  	s30 =	simm.s32 $0x0;
	s19 =	sadd.s32 s20, s19  }
0x13: {  	[tilespmem:s10], [sflag:$0x3] =	stream.linear.gather [hbm4b:s19+s30], $0x80, $0x38;
	[tilespmem:$0x9480] =	vst v63  }
0x14: {  	_ =	swait.ge [sflag:s9], $0x80  }
0x15: {  	s31 =	sshll.u32 s17, $0x7;
	[sflag:s9] =	ssyncset.done $0x0  }
0x16: {  	s19 =	sand.u32 $0x3FFFFF80, s31;
	[sflag:s9] =	ssyncadd.s32 $0xFFFFFF80  }
0x17: {  	[tilespmem:s12], [sflag:$0x1] =	stream.indirect.gather [hbm4b:s4+s11], $0x80, s19, s11, $0xb8;
	[tilespmem:$0x9480] =	vst v63  }
0x18: {  	_ = 	snop  }
0x19: {  	[tilespmem:s13], [sflag:$0x2] =	stream.indirect.gather [hbm4b:s4+s11], $0x80, s10, s11, $0xb8;
	[tilespmem:$0x9480] =	vst v63  }
0x1a: {  	_ =	swait.ge [sflag:s14], $0x4000  }
0x1b: {  	[sflag:s14] =	ssyncset.done $0x0  }
0x1c: {  	[sflag:s14] =	ssyncadd.s32 $0xFFFFC000  }
0x1d: {  	_ =	swait.ge [sflag:s15], $0x4000  }
0x1e: {  	[sflag:s15] =	ssyncset.done $0x0  }
0x1f: {  	s19 =	simm.s32 $0x0;
	[sflag:s15] =	ssyncadd.s32 $0xFFFFC000  }
0x20: {  	v7 =	vld [tilespmem:s19+$0x5480]  }
0x21: {  	v11 =	vld [tilespmem:s19+$0x5490]  }
0x22: {  	v5 =	vld [tilespmem:s19+$0x54A0]  }
0x23: {  	v4 =	vld [tilespmem:s19+$0x54B0]  }
0x24: {  	v3 =	vld [tilespmem:s19+$0x54C0]  }
0x25: {  	v2 =	vld [tilespmem:s19+$0x54D0]  }
0x26: {  	v1 =	vld [tilespmem:s19+$0x54E0]  }
0x27: {  	v0 =	vld [tilespmem:s19+$0x54F0]  }
0x28: {  	v12 =	vld [tilespmem:s19+$0x1480]  }
0x29: {  	v13 =	vld [tilespmem:s19+$0x1490]  }
0x2a: {  	v10 =	vld [tilespmem:s19+$0x14A0]  }
0x2b: {  	v9 =	vld [tilespmem:s19+$0x14B0]  }
0x2c: {  	v8 =	vld [tilespmem:s19+$0x14C0]  }
0x2d: {  	v6 =	vld [tilespmem:s19+$0x14D0];
	v12 =	vsub.f32 v7, v12  }
0x2e: {  	s20 =	simm.s32 $0x200;
	v11 =	vsub.f32 v11, v13;
	v7 =	vld [tilespmem:s19+$0x14E0]  }
.LBB2_3:
0x2f: {  	s21 =	sshra.s32 s20, $0x2;
	p0 =	sne.s32 s20, $0xFE00;
	[tilespmem:s19+$0x1480] =	vst v12;
	v5 =	vsub.f32 v5, v10;
	v10 =	vld [tilespmem:s19+$0x14F0]  }
0x30: {  	v12 =	vld [tilespmem:s21+$0x5480];
	[tilespmem:s19+$0x1490] =	vst v11;
	v4 =	vsub.f32 v4, v9  }
0x31: {  	v11 =	vld [tilespmem:s21+$0x5490];
	[tilespmem:s19+$0x14A0] =	vst v5;
	v3 =	vsub.f32 v3, v8  }
0x32: {  	v5 =	vld [tilespmem:s21+$0x54A0];
	[tilespmem:s19+$0x14B0] =	vst v4;
	v2 =	vsub.f32 v2, v6  }
0x33: {  	v4 =	vld [tilespmem:s21+$0x54B0];
	[tilespmem:s19+$0x14C0] =	vst v3;
	v1 =	vsub.f32 v1, v7  }
0x34: {  	v3 =	vld [tilespmem:s21+$0x54C0];
	[tilespmem:s19+$0x14D0] =	vst v2;
	v0 =	vsub.f32 v0, v10  }
0x35: {  	v2 =	vld [tilespmem:s21+$0x54D0];
	[tilespmem:s19+$0x14E0] =	vst v1  }
0x36: {  	v1 =	vld [tilespmem:s21+$0x54E0];
	[tilespmem:s19+$0x14F0] =	vst v0;
	s19 =	smov.u32 s21  }
0x37: {  	v0 =	vld [tilespmem:s19+$0x54F0]  }
0x38: {  	v6 =	vld [tilespmem:s19+$0x1480]  }
0x39: {  	v7 =	vld [tilespmem:s19+$0x1490]  }
.Ltmp0:
0x3a: {  	v10 =	vld [tilespmem:s19+$0x14A0];
	(pc) =	sbr.rel @p0 .LBB2_3-.Ltmp0, $4  }
0x3b: {  	v9 =	vld [tilespmem:s19+$0x14B0]  }
0x3c: {  	v8 =	vld [tilespmem:s19+$0x14C0]  }
0x3d: {  	v12 =	vsub.f32 v12, v6;
	v6 =	vld [tilespmem:s19+$0x14D0]  }
0x3e: {  	s20 =	sadd.s32 $0x200, s20;
	v11 =	vsub.f32 v11, v7;
	v7 =	vld [tilespmem:s19+$0x14E0]  }
0x3f: {  	[tilespmem:s19+$0x1480] =	vst v12;
	v5 =	vsub.f32 v5, v10;
	v63 =	vld [tilespmem:s19+$0x14F0]  }
0x40: {  	[tilespmem:s19+$0x1490] =	vst v11;
	v4 =	vsub.f32 v4, v9  }
0x41: {  	[tilespmem:s19+$0x14A0] =	vst v5;
	v3 =	vsub.f32 v3, v8  }
0x42: {  	[tilespmem:s19+$0x14B0] =	vst v4;
	v2 =	vsub.f32 v2, v6  }
0x43: {  	[tilespmem:s19+$0x14C0] =	vst v3;
	v1 =	vsub.f32 v1, v7  }
0x44: {  	s17 =	sadd.s32 $0x1, s17;
	[tilespmem:s19+$0x14D0] =	vst v2;
	v0 =	vsub.f32 v0, v63  }
0x45: {  	s18 =	sshll.u32 s18, $0xB;
	p0 =	sne.s32 s17, $0x28;
	[tilespmem:s19+$0x14E0] =	vst v1  }
.Ltmp1:
0x46: {  	s18 =	sadd.s32 s5, s18;
	[tilespmem:s19+$0x14F0] =	vst v0;
	(pc) =	sbr.rel @p0 .LBB2_2-.Ltmp1, $4  }
0x47: {  	[hbm4b:s18+s2] =	stream.linear.scatter [tilespmem:s12], [sflag:$0x3], $0x4000, $0x38;
	[tilespmem:$0x9480] =	vst v63  }
0x48: {  	_ =	swait.ge [sflag:s9], $0x4000  }
0x49: {  	[sflag:s9] =	ssyncset.done $0x0  }
0x4a: {  	[sflag:s9] =	ssyncadd.s32 $0xFFFFC000  }
0x4b: {  	s16 =	sadd.s32 $0x1, s16  }
0x4c: {  	p0 =	sne.s32 s16, s8  }
.Ltmp2:
0x4d: {  	_ = 	snop;
	(pc) =	sbr.rel @p0 .LBB2_1-.Ltmp2, $1  }
0x4e: {  	_ =	sdelay $0x3  }
0x4f: {  	_ =	sfence.sel $0x180000  }
0x50: {  	[bflag:$0x0] =	sbarrier.arrive $0xFFFF  }
0x51: {  	p0 =	sne.s32 s1, $0x0;
	_ =	strace $0x90000047  }
0x52: {  	s0 =	sadd.s32 @!p0 $0x100000, s0;
	[bflag:$0x2] =	sbarrier.arrive $0xFFFF  }
0x53: {  	[sflag:s0] =	ssyncadd.tile.s32 @!p0 $0x1;
	_ =	shalt  }
.Lfunc_end2:
_tile_overlayer_lowered:
.L_overlay_start_2:
0x54: {  	(tag) =	ssettag $0x2  }
0x55: {  	s0 =	rddreg [dreg:$0x0];
	s2 =	stileid.u32  }
0x56: {  	s1 =	rddreg [dreg:$0x1];
	p0 =	sne.s32 s2, $0x0  }
0x57: {  	s3 =	rddreg [dreg:$0x2];
	[bflag:$0x3] =	sbarrier.arrive $0xFFFF;
	s2 =	simm.s32 @!p0 $0x1C03  }
0x58: {  	[timem:s3], [sflag:s2] =	dma.local @!p0 [hbm:s0], s1  }
0x59: {  	s0 =	simm.s32 @!p0 $0x3  }
0x5a: {  	_ =	swait.ge @!p0 [sflag:s0], s1  }
0x5b: {  	s1 =	ssub.s32 @!p0 $0x0, s1;
	[sflag:s0] =	ssyncset.done @!p0 $0x0  }
0x5c: {  	[sflag:s0] =	ssyncadd.s32 @!p0 s1  }
0x5d: {  	[bflag:$0x3] =	sbarrier.arrive $0xFFFF  }
0x5e: {  	_ =	shalt  }

// kernel: kernel.20.cloned.1.call-start
scs
__scs_entry_jumppad:
0x0: {  	(pc) =	sbr.rel $0x88, $3  }
0x1: {  	(tag) =	ssettag $0x0;
	lr =	simm.s32 $0x1  }
0x2: {  	[smem:$0x3F79] =	sst lr;
	_ =	strace $0xD0000000  }
0x3: {  	_ = 	snop  }
0x4: {  	_ = 	snop  }
0x5: {  	_ = 	snop  }
0x6: {  	_ = 	snop  }
0x7: {  	_ = 	snop  }
__scs_overlays_trampoline_lowered:
0x8: {  	[smem:$0x3F88] =	sst s0  }
0x9: {  	[smem:$0x3F89] =	sst s1  }
0xa: {  	[smem:$0x3F8A] =	sst s2  }
0xb: {  	[smem:$0x3F8B] =	sst s3  }
0xc: {  	[smem:$0x3F8C] =	sst s4  }
0xd: {  	[smem:$0x3F8D] =	sst s5  }
0xe: {  	[smem:$0x3F8E] =	sst s6  }
0xf: {  	[smem:$0x3F8F] =	sst s7  }
0x10: {  	[smem:$0x3F90] =	sst s8  }
0x11: {  	[smem:$0x3F91] =	sst s9;
	s0 =	simm.s32 @!p0 $0x0  }
0x12: {  	s1 =	sld [smem:$0x3F77];
	s0 =	simm.s32 @p0 $0x1  }
0x13: {  	[smem:$0x3F92] =	sst s0;
	s0 =	simm.s32 @!p1 $0x0  }
0x14: {  	s2 =	sld [smem:$0x3F76];
	s0 =	simm.s32 @p1 $0x1  }
0x15: {  	[smem:$0x3F93] =	sst s0;
	s0 =	simm.s32 @!p2 $0x0  }
0x16: {  	s3 =	sld [smem:$0x3FDB];
	s0 =	simm.s32 @p2 $0x1  }
0x17: {  	s4 =	simm.s32 $0x1BF5;
	[smem:$0x3F95] =	sst s0  }
0x18: {  	s0 =	sld [smem:$0x3F78];
	_ =	swait.ge [sflag:s4], $0x0  }
0x19: {  	s7 =	sld [smem:$0x3F79]  }
0x1a: {  	s8 =	sadd.s32 $0xFFFFE003, lr  }
0x1b: {  	s9 =	sadd.s32 $0xFFFFFEF7, lr;
	s5 =	simm.s32 $0xFFFFFFFF;
	p2 =	slt.u32 s8, $0xFFFFF086  }
0x1c: {  	p1 =	slt.u32 s9, $0xF7A;
	s5 =	simm.s32 @!p2 $0x0  }
0x1d: {  	s5 =	simm.s32 @p1 $0x1;
	p0 =	seq.s32 s7, s2  }
0x1e: {  	s7 =	smul.u32 @!p0 $0xF7A, s2;
	p2 =	seq.s32 @!p0 s5, $0x0  }
0x1f: {  	s9 =	smul.u32 $0xF7A, s1;
	s8 =	simm.s32 @!p0 $0x1BF5;
	p2 =	por !p2, p0  }
0x20: {  	[sflag:s8] =	ssyncset.s32 @!p0 $0xFFFFF086;
	s6 =	sadd.s32 @!p0 s3, s7;
	s7 =	simm.s32 @!p0 $0x108  }
0x21: {  	s3 =	sadd.s32 s3, s9;
	s6 =	sadd.s32 @!p0 $0x88, s6;
	s7 =	simm.s32 @p2 $0x1082  }
0x22: {  	[simem:s7], [sflag:s8] =	dma.local @!p0 [hbm:s6], $0xF7A  }
0x23: {  	s9 =	sor.u32 $0xD0000000, s2;
	s6 =	simm.s32 $0x108;
	_ =	swait.ge @!p0 [sflag:s8], $0x0  }
0x24: {  	s3 =	sadd.s32 $0x88, s3;
	s6 =	simm.s32 @!p1 $0x1082;
	[sflag:s4] =	ssyncset.s32 $0xFFFFF086  }
0x25: {  	[simem:s6], [sflag:s4] =	dma.local [hbm:s3], $0xF7A  }
0x26: {  	[smem:$0x3F79] =	sst s1;
	(tag) =	ssettag s2;
	_ =	strace s9  }
0x27: {  	s1 =	sld [smem:$0x3F89]  }
0x28: {  	s2 =	sld [smem:$0x3F8A]  }
0x29: {  	s4 =	sld [smem:$0x3F8C]  }
0x2a: {  	p0 =	seq.s32 s5, $0x0;
	s5 =	sld [smem:$0x3F8D]  }
0x2b: {  	s6 =	sld [smem:$0x3F8E]  }
0x2c: {  	s7 =	sld [smem:$0x3F8F]  }
0x2d: {  	s3 =	simm.s32 $0x108;
	s8 =	sld [smem:$0x3F90]  }
0x2e: {  	s3 =	simm.s32 @!p0 $0x1082;
	s9 =	sld [smem:$0x3F91]  }
0x2f: {  	lr =	sadd.s32 s0, s3;
	s0 =	sld [smem:$0x3F88]  }
0x30: {  	s3 =	sld [smem:$0x3F8B]  }
0x31: {  	[smem:$0x3F94] =	sst s10  }
0x32: {  	s10 =	sld [smem:$0x3F92];
	_ =	sdelay $0x3  }
0x33: {  	p0 =	seq.s32 s10, $0x1;
	s10 =	sld [smem:$0x3F94];
	_ =	sdelay $0x3  }
0x34: {  	[smem:$0x3F94] =	sst s10  }
0x35: {  	s10 =	sld [smem:$0x3F93];
	_ =	sdelay $0x3  }
0x36: {  	p1 =	seq.s32 s10, $0x1;
	s10 =	sld [smem:$0x3F94];
	_ =	sdelay $0x3  }
0x37: {  	[smem:$0x3F94] =	sst s10  }
0x38: {  	s10 =	sld [smem:$0x3F95]  }
0x39: {  	_ = 	snop;
	(pc) =	sbr.ind lr, $3  }
0x3a: {  	_ = 	snop  }
0x3b: {  	_ = 	snop  }
0x3c: {  	p2 =	seq.s32 s10, $0x1;
	s10 =	sld [smem:$0x3F94]  }
0x3d: {  	_ =	shalt  }
0x3e: {  	_ =	shalt  }
0x3f: {  	_ =	shalt  }
0x40: {  	_ =	shalt  }
0x41: {  	_ =	shalt  }
0x42: {  	_ =	shalt  }
0x43: {  	_ =	shalt  }
0x44: {  	_ =	shalt  }
0x45: {  	_ =	shalt  }
0x46: {  	_ =	shalt  }
0x47: {  	_ =	shalt  }
0x48: {  	_ =	shalt  }
0x49: {  	_ =	shalt  }
0x4a: {  	_ =	shalt  }
0x4b: {  	_ =	shalt  }
0x4c: {  	_ =	shalt  }
0x4d: {  	_ =	shalt  }
0x4e: {  	_ =	shalt  }
0x4f: {  	_ =	shalt  }
0x50: {  	_ =	shalt  }
0x51: {  	_ =	shalt  }
0x52: {  	_ =	shalt  }
0x53: {  	_ =	shalt  }
0x54: {  	_ =	shalt  }
0x55: {  	_ =	shalt  }
0x56: {  	_ =	shalt  }
0x57: {  	_ =	shalt  }
0x58: {  	_ =	shalt  }
0x59: {  	_ =	shalt  }
0x5a: {  	_ =	shalt  }
0x5b: {  	_ =	shalt  }
0x5c: {  	_ =	shalt  }
0x5d: {  	_ =	shalt  }
0x5e: {  	_ =	shalt  }
0x5f: {  	_ =	shalt  }
0x60: {  	_ =	shalt  }
0x61: {  	_ =	shalt  }
0x62: {  	_ =	shalt  }
0x63: {  	_ =	shalt  }
0x64: {  	_ =	shalt  }
0x65: {  	_ =	shalt  }
0x66: {  	_ =	shalt  }
0x67: {  	_ =	shalt  }
0x68: {  	_ =	shalt  }
0x69: {  	_ =	shalt  }
0x6a: {  	_ =	shalt  }
0x6b: {  	_ =	shalt  }
0x6c: {  	_ =	shalt  }
0x6d: {  	_ =	shalt  }
0x6e: {  	_ =	shalt  }
0x6f: {  	_ =	shalt  }
0x70: {  	_ =	shalt  }
0x71: {  	_ =	shalt  }
0x72: {  	_ =	shalt  }
0x73: {  	_ =	shalt  }
0x74: {  	_ =	shalt  }
0x75: {  	_ =	shalt  }
0x76: {  	_ =	shalt  }
0x77: {  	_ =	shalt  }
0x78: {  	_ =	shalt  }
0x79: {  	_ =	shalt  }
0x7a: {  	_ =	shalt  }
0x7b: {  	_ =	shalt  }
0x7c: {  	_ =	shalt  }
0x7d: {  	_ =	shalt  }
0x7e: {  	_ =	shalt  }
0x7f: {  	_ =	shalt  }
0x80: {  	_ =	shalt  }
0x81: {  	_ =	shalt  }
0x82: {  	_ =	shalt  }
0x83: {  	_ =	shalt  }
0x84: {  	_ =	shalt  }
0x85: {  	_ =	shalt  }
0x86: {  	_ =	shalt  }
0x87: {  	_ =	shalt  }
.Lfunc_end0:
.L_simem_size_0:
called_computation.1_lowered:
.L_overlay_start_0:
0x88: {  	s2 =	sld [smem:$0x3FD9]  }
0x89: {  	s3 =	sld [smem:$0x3FFE];
	_ =	sdelay $0x1  }
0x8a: {  	s1 =	srdreg.scid  }
0x8b: {  	s0 =	sand.u32 $0x1, s1  }
0x8c: {  	s17 =	sshll.u32 s0, $0xA;
	s2 =	sadd.s32 s3, s2  }
0x8d: {  	s2 =	sadd.s32 s2, s17  }
0x8e: {  	[smem:$0x3FA0] =	sst s2  }
0x8f: {  	_ = 	snop  }
0x90: {  	(tm) =	ssettm $0x1  }
0x91: {  	s18 =	sld [smem:$0x3FFB];
	_ =	sdelay $0x3  }
0x92: {  	_ =	strace s18  }
0x93: {  	s2 =	sld [smem:$0x3FFC];
	_ =	sdelay $0x3  }
0x94: {  	_ =	strace s2  }
0x95: {  	s2 =	sld [smem:$0x3FFD];
	_ =	sdelay $0x3  }
0x96: {  	_ =	strace s2  }
0x97: {  	_ =	strace $0x8FFFFFFF  }
0x98: {  	s19 =	sld [smem:$0x3FDB];
	_ =	sdelay $0x1  }
0x99: {  	s20 =	simm.s32 $_scs_section_size  }
0x9a: {  	s4 =	simm.s32 $_size__tile_overlayer_lowered;
	s5 =	simm.s32 $_tile_overlayer_lowered  }
0x9b: {  	s6 =	simm.s32 $0x1BFF;
	s21 =	sshll.u32 s5, $0x1;
	s3 =	sadd.s32 s20, s19  }
0x9c: {  	s22 =	simm.s32 $0x0;
	s4 =	sshll.u32 s4, $0x1;
	s5 =	sadd.s32 s21, s3  }
0x9d: {  	[timem:s22], [sflag:s6] =	dma.local [hbm:s5], s4  }
0x9e: {  	_ =	swait.ge [sflag:s6], s4  }
0x9f: {  	s4 =	ssub.s32 $0x0, s4;
	[sflag:s6] =	ssyncset.done $0x0  }
0xa0: {  	[sflag:s6] =	ssyncadd.s32 s4;
	_ =	sdelay $0x1  }
0xa1: {  	s23 =	simm.s32 $0x1B8B  }
0xa2: {  	_ =	swait.ge [sflag:s23], $0x1  }
0xa3: {  	[sflag:s23] =	ssyncset.done $0x0  }
0xa4: {  	[sflag:s23] =	ssyncadd.s32 $0xFFFFFFFF  }
0xa5: {  	s4 =	sld [smem:$0x0]  }
0xa6: {  	s5 =	sand.u32 $0xFFFFFFFE, s1  }
0xa7: {  	p0 =	sne.s32 s1, s5  }
0xa8: {  	s5 =	sshll.u32 @p0 s5, $0xE  }
0xa9: {  	s5 =	sadd.s32 @p0 $0x11B8D, s5;
	s6 =	sshll.u32 @p0 s4, $0x11  }
0xaa: {  	s5 =	sor.u32 @p0 s6, s5  }
0xab: {  	[sflag:s5] =	ssyncadd.remote.s32 @p0 $0x1;
	_ =	sdelay $0x1  }
0xac: {  	s5 =	simm.s32 @p0 $0x1B8D  }
0xad: {  	_ =	swait.eq @p0 [sflag:s5], $0x1  }
0xae: {  	[sflag:s5] =	ssyncadd.s32 @p0 $0xFFFFFFFF  }
0xaf: {  	s6 =	sshll.u32 @!p0 s1, $0xE  }
0xb0: {  	s6 =	sor.u32 @!p0 $0x4000, s6;
	s5 =	simm.s32 @!p0 $0x1B8D  }
0xb1: {  	s4 =	sshll.u32 @!p0 s4, $0x11;
	s6 =	sadd.s32 @!p0 $0x11B8D, s6;
	_ =	swait.eq @!p0 [sflag:s5], $0x1  }
0xb2: {  	s4 =	sor.u32 @!p0 s4, s6;
	[sflag:s5] =	ssyncadd.s32 @!p0 $0xFFFFFFFF  }
0xb3: {  	s25 =	simm.s32 $0x1B8E;
	s24 =	sld [smem:$0x3FFE];
	[sflag:s4] =	ssyncadd.remote.s32 @!p0 $0x1  }
0xb4: {  	s26 =	simm.s32 $execute0_lowered;
	[smem:$0x3FD2] =	sst s25  }
0xb5: {  	s5 =	sshll.u32 s26, $0x1;
	_ =	strace $0x80000049;
	[dreg:$0x1] =	wrdreg $0xFFFFFFFF  }
0xb6: {  	s28 =	simm.s32 $_size_execute0_lowered;
	s3 =	sadd.s32 s3, s5;
	[dreg:$0x0] =	wrdreg $0x0  }
0xb7: {  	s5 =	sshll.u32 s28, $0x1;
	[dreg:$0x2] =	wrdreg s3  }
0xb8: {  	[dreg:$0x3] =	wrdreg s5  }
0xb9: {  	[dreg:$0x4] =	wrdreg $0xC0  }
0xba: {  	_ =	task [dreg:s22], $0x5FFFF  }
0xbb: {  	[dreg:$0x1] =	wrdreg $0xFFFFFFFF  }
0xbc: {  	[dreg:$0x0] =	wrdreg $0x60  }
0xbd: {  	[dreg:$0x2] =	wrdreg s24  }
0xbe: {  	[dreg:$0x3] =	wrdreg $0x54000  }
0xbf: {  	[dreg:$0x4] =	wrdreg $0x9  }
0xc0: {  	_ =	task.clear_ibuf [dreg:s22], $0x5FFFF;
	_ =	strace $0x90000049  }
0xc1: {  	s29 =	simm.s32 $0x9;
	_ =	strace $0x8000004B  }
0xc2: {  	_ =	swait.ge [sflag:s29], $0x1  }
0xc3: {  	[sflag:s29] =	ssyncadd.s32 $0xFFFFFFFF  }
0xc4: {  	_ =	strace $0x9000004B  }
0xc5: {  	_ =	sfence  }
0xc6: {  	s30 =	sld [smem:$0x0];
	_ =	sdelay $0x2  }
0xc7: {  	s31 =	sshll.u32 s1, $0xD;
	s1 =	sshrl.u32 s1, $0x2  }
0xc8: {  	s4 =	sand.u32 $0x4000, s31;
	s1 =	sadd.s32 s1, s30  }
0xc9: {  	s0 =	sor.u32 s4, s0;
	s1 =	sshll.u32 s1, $0x11  }
0xca: {  	s0 =	sor.u32 s1, s0  }
0xcb: {  	s0 =	sadd.s32 $0x8F2B, s0  }
0xcc: {  	[sflag:s0] =	ssyncadd.remote.s32 $0x1  }
0xcd: {  	_ =	sfence.sel $0xFFFF  }
0xce: {  	[dreg:$0x0] =	wrdreg $0xFFFFFFFF;
	(pc) =	sbr.abs _section_cstart, $3  }
0xcf: {  	[dreg:$0x1] =	wrdreg $0xFFFFFFFF  }
0xd0: {  	_ =	task.clear_ibuf [dreg:s22], $0x2FFFF;
	_ =	strace $0x9FFFFFFF  }
0xd1: {  	(tm) =	ssettm $0x7FFFFFFF  }
tec
execute0_lowered:
.L_overlay_start_1:
0x0: {  	(tag) =	ssettag $0x1  }
0x1: {  	s5 =	rddreg [dreg:$0x0]  }
0x2: {  	s0 =	srdreg.scid;
	s2 =	rddreg [dreg:$0x1]  }
0x3: {  	s3 =	simm.s32 $0x0;
	s4 =	sand.u32 $0x1, s0;
	s0 =	stileid.u32  }
0x4: {  	s12 =	simm.s32 $0x1;
	s13 =	simm.s32 $0x80;
	s7 =	smul.u32 $0x50000, s0  }
0x5: {  	[smem:$0x7FF] =	sst s3;
	s1 =	sshll.u32 s4, $0x4;
	s8 =	smul.u32 $0x28000, s4  }
0x6: {  	s4 =	ssub.s32 $0x2, s4;
	s15 =	smul.u32 $0x2800, s0;
	s16 =	sshll.u32 s0, $0x6  }
0x7: {  	s6 =	sor.u32 s0, s1;
	s1 =	rddreg [dreg:$0x2];
	_ =	strace $0x8000004A  }
0x8: {  	s31 =	sshrl.u32 s4, $0x1;
	s6 =	smul.u32 $0x280, s6;
	s7 =	sshrl.u32 s7, $0x2  }
0x9: {  	s10 =	sadd.s32 s8, s5;
	s11 =	ssub.s32 s4, s31;
	s4 =	sadd.s32 s7, s2  }
0xa: {  	s14 =	sadd.s32 $0x2B9200, s10;
	s10 =	smax.u32 s11, $0x1;
	s11 =	simm.s32 $0x1400  }
0xb: {  	s9 =	sadd.s32 s6, s5;
	s5 =	sadd.s32 $0x4000, s4;
	s6 =	sadd.s32 $0x8000, s4  }
0xc: {  	s7 =	sadd.s32 $0xC000, s4;
	s8 =	sadd.s32 $0x10000, s4;
	s14 =	sadd.s32 s15, s14  }
0xd: {  	v0 =	vimm.f32 $0.0e+00;
	v1 =	vimm.f32 $1.000000000e+00;
	s15 =	sor.u32 $0x1C01, s16;
	s16 =	sshrl.u32 s4, $0x3;
	s9 =	sadd.s32 $0xD000, s9  }
.LBB2_1:
0xe: {  	s17 =	simm.s32 $0x0;
	s18 =	simm.s32 $0x200  }
.LBB2_2:
0xf: {  	p0 =	sne.s32 s18, $0xFE00;
	[tilespmem:s17+$0x1470] =	vst v0  }
0x10: {  	[tilespmem:s17+$0x1400] =	vst v0  }
0x11: {  	[tilespmem:s17+$0x1410] =	vst v0  }
.Ltmp0:
0x12: {  	[tilespmem:s17+$0x1420] =	vst v0;
	(pc) =	sbr.rel @p0 .LBB2_2-.Ltmp0, $4  }
0x13: {  	[tilespmem:s17+$0x1430] =	vst v0  }
0x14: {  	[tilespmem:s17+$0x1440] =	vst v0  }
0x15: {  	[tilespmem:s17+$0x1450] =	vst v0  }
0x16: {  	[tilespmem:s17+$0x1460] =	vst v0;
	s17 =	sshra.s32 s18, $0x2;
	s18 =	sadd.s32 $0x200, s18  }
0x17: {  	[tilespmem:s17+$0x1470] =	vst v0  }
0x18: {  	[tilespmem:s17+$0x1400] =	vst v0  }
0x19: {  	[tilespmem:s17+$0x1410] =	vst v0  }
0x1a: {  	[tilespmem:s17+$0x1420] =	vst v0  }
0x1b: {  	[tilespmem:s17+$0x1430] =	vst v0  }
0x1c: {  	[tilespmem:s17+$0x1440] =	vst v0  }
0x1d: {  	[tilespmem:s17+$0x1450] =	vst v0  }
0x1e: {  	[tilespmem:s17+$0x1460] =	vst v0  }
0x1f: {  	[spmem:s4] =	stream.linear.scatter [tilespmem:s11], [sflag:$0x1], $0x4000, $0x38;
	[tilespmem:$0x19400] =	vst v63  }
0x20: {  	_ =	swait.ge [sflag:s12], $0x4000  }
0x21: {  	[sflag:s12] =	ssyncset.done $0x0  }
0x22: {  	[sflag:s12] =	ssyncadd.s32 $0xFFFFC000  }
0x23: {  	[spmem:s5] =	stream.linear.scatter [tilespmem:s11], [sflag:$0x1], $0x4000, $0x38;
	[tilespmem:$0x19400] =	vst v63  }
0x24: {  	_ =	swait.ge [sflag:s12], $0x4000  }
0x25: {  	[sflag:s12] =	ssyncset.done $0x0  }
0x26: {  	[sflag:s12] =	ssyncadd.s32 $0xFFFFC000  }
0x27: {  	[spmem:s6] =	stream.linear.scatter [tilespmem:s11], [sflag:$0x1], $0x4000, $0x38;
	[tilespmem:$0x19400] =	vst v63  }
0x28: {  	_ =	swait.ge [sflag:s12], $0x4000  }
0x29: {  	[sflag:s12] =	ssyncset.done $0x0  }
0x2a: {  	[sflag:s12] =	ssyncadd.s32 $0xFFFFC000  }
0x2b: {  	[spmem:s7] =	stream.linear.scatter [tilespmem:s11], [sflag:$0x1], $0x4000, $0x38;
	[tilespmem:$0x19400] =	vst v63  }
0x2c: {  	_ =	swait.ge [sflag:s12], $0x4000  }
0x2d: {  	[sflag:s12] =	ssyncset.done $0x0  }
0x2e: {  	[sflag:s12] =	ssyncadd.s32 $0xFFFFC000  }
0x2f: {  	[spmem:s8] =	stream.linear.scatter [tilespmem:s11], [sflag:$0x1], $0x4000, $0x38;
	[tilespmem:$0x19400] =	vst v63  }
0x30: {  	_ =	swait.ge [sflag:s12], $0x4000  }
0x31: {  	[sflag:s12] =	ssyncset.done $0x0  }
0x32: {  	s17 =	simm.s32 $0x0;
	s18 =	simm.s32 $0x200;
	[sflag:s12] =	ssyncadd.s32 $0xFFFFC000  }
.LBB2_4:
0x33: {  	p0 =	sne.s32 s18, $0xFE00;
	[tilespmem:s17+$0x1470] =	vst v1  }
0x34: {  	[tilespmem:s17+$0x1400] =	vst v1  }
0x35: {  	[tilespmem:s17+$0x1410] =	vst v1  }
.Ltmp1:
0x36: {  	[tilespmem:s17+$0x1420] =	vst v1;
	(pc) =	sbr.rel @p0 .LBB2_4-.Ltmp1, $4  }
0x37: {  	[tilespmem:s17+$0x1430] =	vst v1  }
0x38: {  	[tilespmem:s17+$0x1440] =	vst v1  }
0x39: {  	[tilespmem:s17+$0x1450] =	vst v1  }
0x3a: {  	[tilespmem:s17+$0x1460] =	vst v1;
	s17 =	sshra.s32 s18, $0x2;
	s18 =	sadd.s32 $0x200, s18  }
0x3b: {  	[tilespmem:s17+$0x1470] =	vst v1  }
0x3c: {  	[tilespmem:s17+$0x1400] =	vst v1  }
0x3d: {  	[tilespmem:s17+$0x1410] =	vst v1  }
0x3e: {  	[tilespmem:s17+$0x1420] =	vst v1  }
0x3f: {  	[tilespmem:s17+$0x1430] =	vst v1  }
0x40: {  	[tilespmem:s17+$0x1440] =	vst v1  }
0x41: {  	[tilespmem:s17+$0x1450] =	vst v1  }
0x42: {  	[tilespmem:s17+$0x1460] =	vst v1  }
0x43: {  	s30 =	simm.s32 $0x0;
	[bflag:$0x0] =	sbarrier.arrive $0xFFFF  }
0x44: {  	[tilespmem:s30], [sflag:$0x1] =	stream.linear.gather [hbm4b:s9+s30], $0x1400, $0x38;
	[tilespmem:$0x19400] =	vst v63  }
0x45: {  	_ =	swait.ge [sflag:s12], $0x1400  }
0x46: {  	[sflag:s12] =	ssyncset.done $0x0  }
0x47: {  	s31 =	simm.s32 $0x0;
	[sflag:s12] =	ssyncadd.s32 $0xFFFFEC00  }
0x48: {  	[spmem:s2] =	stream.indirect.scatter.add.f32 [tilespmem:s11], [sflag:$0x1], $0x80, s31, s13, $0xb8;
	[tilespmem:$0x19400] =	vst v63  }
0x49: {  	_ =	swait.ge [sflag:s12], $0x4000  }
0x4a: {  	s17 =	simm.s32 $0x200;
	[sflag:s12] =	ssyncset.done $0x0  }
.LBB2_6:
0x4b: {  	s18 =	sshra.s32 s17, $0x2;
	[sflag:s12] =	ssyncadd.s32 $0xFFFFC000;
	p0 =	sne.s32 s17, $0x4E00  }
0x4c: {  	[spmem:s2] =	stream.indirect.scatter.add.f32 [tilespmem:s11], [sflag:$0x1], $0x80, s18, s13, $0xb8;
	[tilespmem:$0x19400] =	vst v63  }
.Ltmp2:
0x4d: {  	_ = 	snop;
	(pc) =	sbr.rel @p0 .LBB2_6-.Ltmp2, $4  }
0x4e: {  	_ = 	snop  }
0x4f: {  	s17 =	sadd.s32 $0x200, s17  }
0x50: {  	_ =	swait.ge [sflag:s12], $0x4000  }
0x51: {  	[sflag:s12] =	ssyncset.done $0x0  }
0x52: {  	s3 =	sadd.s32 $0x1, s3  }
0x53: {  	[sflag:s12] =	ssyncadd.s32 $0xFFFFC000;
	p0 =	sne.s32 s3, s10  }
.Ltmp3:
0x54: {  	[bflag:$0x0] =	sbarrier.arrive $0xFFFF;
	(pc) =	sbr.rel @p0 .LBB2_1-.Ltmp3, $4  }
0x55: {  	[hbm:s14], [sflag:s15] =	dma.local [spmem:s16], $0x2800  }
0x56: {  	_ =	swait.ge [sflag:s12], $0x2800  }
0x57: {  	[sflag:s12] =	ssyncset.done $0x0  }
0x58: {  	[sflag:s12] =	ssyncadd.s32 $0xFFFFD800  }
0x59: {  	_ =	sfence.sel $0x180000  }
0x5a: {  	[bflag:$0x0] =	sbarrier.arrive $0xFFFF  }
0x5b: {  	p0 =	sne.s32 s0, $0x0;
	_ =	strace $0x9000004A  }
0x5c: {  	s0 =	sadd.s32 @!p0 $0x100000, s1;
	[bflag:$0x2] =	sbarrier.arrive $0xFFFF  }
0x5d: {  	[sflag:s0] =	ssyncadd.tile.s32 @!p0 $0x1;
	_ =	shalt  }
.Lfunc_end2:
_tile_overlayer_lowered:
.L_overlay_start_2:
0x5e: {  	(tag) =	ssettag $0x2  }
0x5f: {  	s0 =	rddreg [dreg:$0x0];
	s2 =	stileid.u32  }
0x60: {  	s1 =	rddreg [dreg:$0x1];
	p0 =	sne.s32 s2, $0x0  }
0x61: {  	s3 =	rddreg [dreg:$0x2];
	[bflag:$0x3] =	sbarrier.arrive $0xFFFF;
	s2 =	simm.s32 @!p0 $0x1C01  }
0x62: {  	[timem:s3], [sflag:s2] =	dma.local @!p0 [hbm:s0], s1  }
0x63: {  	s0 =	simm.s32 @!p0 $0x1  }
0x64: {  	_ =	swait.ge @!p0 [sflag:s0], s1  }
0x65: {  	s1 =	ssub.s32 @!p0 $0x0, s1;
	[sflag:s0] =	ssyncset.done @!p0 $0x0  }
0x66: {  	[sflag:s0] =	ssyncadd.s32 @!p0 s1  }
0x67: {  	[bflag:$0x3] =	sbarrier.arrive $0xFFFF  }
0x68: {  	_ =	shalt  }

// kernel: kernel.23.cloned.1.call-start
scs
__scs_entry_jumppad:
0x0: {  	(pc) =	sbr.rel $0x88, $3  }
0x1: {  	(tag) =	ssettag $0x0;
	lr =	simm.s32 $0x1  }
0x2: {  	[smem:$0x3F79] =	sst lr;
	_ =	strace $0xD0000000  }
0x3: {  	_ = 	snop  }
0x4: {  	_ = 	snop  }
0x5: {  	_ = 	snop  }
0x6: {  	_ = 	snop  }
0x7: {  	_ = 	snop  }
__scs_overlays_trampoline_lowered:
0x8: {  	[smem:$0x3F88] =	sst s0  }
0x9: {  	[smem:$0x3F89] =	sst s1  }
0xa: {  	[smem:$0x3F8A] =	sst s2  }
0xb: {  	[smem:$0x3F8B] =	sst s3  }
0xc: {  	[smem:$0x3F8C] =	sst s4  }
0xd: {  	[smem:$0x3F8D] =	sst s5  }
0xe: {  	[smem:$0x3F8E] =	sst s6  }
0xf: {  	[smem:$0x3F8F] =	sst s7  }
0x10: {  	[smem:$0x3F90] =	sst s8  }
0x11: {  	[smem:$0x3F91] =	sst s9;
	s0 =	simm.s32 @!p0 $0x0  }
0x12: {  	s1 =	sld [smem:$0x3F77];
	s0 =	simm.s32 @p0 $0x1  }
0x13: {  	[smem:$0x3F92] =	sst s0;
	s0 =	simm.s32 @!p1 $0x0  }
0x14: {  	s2 =	sld [smem:$0x3F76];
	s0 =	simm.s32 @p1 $0x1  }
0x15: {  	[smem:$0x3F93] =	sst s0;
	s0 =	simm.s32 @!p2 $0x0  }
0x16: {  	s3 =	sld [smem:$0x3FDB];
	s0 =	simm.s32 @p2 $0x1  }
0x17: {  	s4 =	simm.s32 $0x1BF5;
	[smem:$0x3F95] =	sst s0  }
0x18: {  	s0 =	sld [smem:$0x3F78];
	_ =	swait.ge [sflag:s4], $0x0  }
0x19: {  	s7 =	sld [smem:$0x3F79]  }
0x1a: {  	s8 =	sadd.s32 $0xFFFFE003, lr  }
0x1b: {  	s9 =	sadd.s32 $0xFFFFFEF7, lr;
	s5 =	simm.s32 $0xFFFFFFFF;
	p2 =	slt.u32 s8, $0xFFFFF086  }
0x1c: {  	p1 =	slt.u32 s9, $0xF7A;
	s5 =	simm.s32 @!p2 $0x0  }
0x1d: {  	s5 =	simm.s32 @p1 $0x1;
	p0 =	seq.s32 s7, s2  }
0x1e: {  	s7 =	smul.u32 @!p0 $0xF7A, s2;
	p2 =	seq.s32 @!p0 s5, $0x0  }
0x1f: {  	s9 =	smul.u32 $0xF7A, s1;
	s8 =	simm.s32 @!p0 $0x1BF5;
	p2 =	por !p2, p0  }
0x20: {  	[sflag:s8] =	ssyncset.s32 @!p0 $0xFFFFF086;
	s6 =	sadd.s32 @!p0 s3, s7;
	s7 =	simm.s32 @!p0 $0x108  }
0x21: {  	s3 =	sadd.s32 s3, s9;
	s6 =	sadd.s32 @!p0 $0x88, s6;
	s7 =	simm.s32 @p2 $0x1082  }
0x22: {  	[simem:s7], [sflag:s8] =	dma.local @!p0 [hbm:s6], $0xF7A  }
0x23: {  	s9 =	sor.u32 $0xD0000000, s2;
	s6 =	simm.s32 $0x108;
	_ =	swait.ge @!p0 [sflag:s8], $0x0  }
0x24: {  	s3 =	sadd.s32 $0x88, s3;
	s6 =	simm.s32 @!p1 $0x1082;
	[sflag:s4] =	ssyncset.s32 $0xFFFFF086  }
0x25: {  	[simem:s6], [sflag:s4] =	dma.local [hbm:s3], $0xF7A  }
0x26: {  	[smem:$0x3F79] =	sst s1;
	(tag) =	ssettag s2;
	_ =	strace s9  }
0x27: {  	s1 =	sld [smem:$0x3F89]  }
0x28: {  	s2 =	sld [smem:$0x3F8A]  }
0x29: {  	s4 =	sld [smem:$0x3F8C]  }
0x2a: {  	p0 =	seq.s32 s5, $0x0;
	s5 =	sld [smem:$0x3F8D]  }
0x2b: {  	s6 =	sld [smem:$0x3F8E]  }
0x2c: {  	s7 =	sld [smem:$0x3F8F]  }
0x2d: {  	s3 =	simm.s32 $0x108;
	s8 =	sld [smem:$0x3F90]  }
0x2e: {  	s3 =	simm.s32 @!p0 $0x1082;
	s9 =	sld [smem:$0x3F91]  }
0x2f: {  	lr =	sadd.s32 s0, s3;
	s0 =	sld [smem:$0x3F88]  }
0x30: {  	s3 =	sld [smem:$0x3F8B]  }
0x31: {  	[smem:$0x3F94] =	sst s10  }
0x32: {  	s10 =	sld [smem:$0x3F92];
	_ =	sdelay $0x3  }
0x33: {  	p0 =	seq.s32 s10, $0x1;
	s10 =	sld [smem:$0x3F94];
	_ =	sdelay $0x3  }
0x34: {  	[smem:$0x3F94] =	sst s10  }
0x35: {  	s10 =	sld [smem:$0x3F93];
	_ =	sdelay $0x3  }
0x36: {  	p1 =	seq.s32 s10, $0x1;
	s10 =	sld [smem:$0x3F94];
	_ =	sdelay $0x3  }
0x37: {  	[smem:$0x3F94] =	sst s10  }
0x38: {  	s10 =	sld [smem:$0x3F95]  }
0x39: {  	_ = 	snop;
	(pc) =	sbr.ind lr, $3  }
0x3a: {  	_ = 	snop  }
0x3b: {  	_ = 	snop  }
0x3c: {  	p2 =	seq.s32 s10, $0x1;
	s10 =	sld [smem:$0x3F94]  }
0x3d: {  	_ =	shalt  }
0x3e: {  	_ =	shalt  }
0x3f: {  	_ =	shalt  }
0x40: {  	_ =	shalt  }
0x41: {  	_ =	shalt  }
0x42: {  	_ =	shalt  }
0x43: {  	_ =	shalt  }
0x44: {  	_ =	shalt  }
0x45: {  	_ =	shalt  }
0x46: {  	_ =	shalt  }
0x47: {  	_ =	shalt  }
0x48: {  	_ =	shalt  }
0x49: {  	_ =	shalt  }
0x4a: {  	_ =	shalt  }
0x4b: {  	_ =	shalt  }
0x4c: {  	_ =	shalt  }
0x4d: {  	_ =	shalt  }
0x4e: {  	_ =	shalt  }
0x4f: {  	_ =	shalt  }
0x50: {  	_ =	shalt  }
0x51: {  	_ =	shalt  }
0x52: {  	_ =	shalt  }
0x53: {  	_ =	shalt  }
0x54: {  	_ =	shalt  }
0x55: {  	_ =	shalt  }
0x56: {  	_ =	shalt  }
0x57: {  	_ =	shalt  }
0x58: {  	_ =	shalt  }
0x59: {  	_ =	shalt  }
0x5a: {  	_ =	shalt  }
0x5b: {  	_ =	shalt  }
0x5c: {  	_ =	shalt  }
0x5d: {  	_ =	shalt  }
0x5e: {  	_ =	shalt  }
0x5f: {  	_ =	shalt  }
0x60: {  	_ =	shalt  }
0x61: {  	_ =	shalt  }
0x62: {  	_ =	shalt  }
0x63: {  	_ =	shalt  }
0x64: {  	_ =	shalt  }
0x65: {  	_ =	shalt  }
0x66: {  	_ =	shalt  }
0x67: {  	_ =	shalt  }
0x68: {  	_ =	shalt  }
0x69: {  	_ =	shalt  }
0x6a: {  	_ =	shalt  }
0x6b: {  	_ =	shalt  }
0x6c: {  	_ =	shalt  }
0x6d: {  	_ =	shalt  }
0x6e: {  	_ =	shalt  }
0x6f: {  	_ =	shalt  }
0x70: {  	_ =	shalt  }
0x71: {  	_ =	shalt  }
0x72: {  	_ =	shalt  }
0x73: {  	_ =	shalt  }
0x74: {  	_ =	shalt  }
0x75: {  	_ =	shalt  }
0x76: {  	_ =	shalt  }
0x77: {  	_ =	shalt  }
0x78: {  	_ =	shalt  }
0x79: {  	_ =	shalt  }
0x7a: {  	_ =	shalt  }
0x7b: {  	_ =	shalt  }
0x7c: {  	_ =	shalt  }
0x7d: {  	_ =	shalt  }
0x7e: {  	_ =	shalt  }
0x7f: {  	_ =	shalt  }
0x80: {  	_ =	shalt  }
0x81: {  	_ =	shalt  }
0x82: {  	_ =	shalt  }
0x83: {  	_ =	shalt  }
0x84: {  	_ =	shalt  }
0x85: {  	_ =	shalt  }
0x86: {  	_ =	shalt  }
0x87: {  	_ =	shalt  }
.Lfunc_end0:
.L_simem_size_0:
called_computation.2_lowered:
.L_overlay_start_0:
0x88: {  	s2 =	sld [smem:$0x3FD9]  }
0x89: {  	s3 =	sld [smem:$0x3FFE];
	_ =	sdelay $0x1  }
0x8a: {  	s1 =	srdreg.scid  }
0x8b: {  	s0 =	sand.u32 $0x1, s1  }
0x8c: {  	s17 =	sshll.u32 s0, $0xA;
	s2 =	sadd.s32 s3, s2  }
0x8d: {  	s2 =	sadd.s32 s2, s17  }
0x8e: {  	[smem:$0x3FA0] =	sst s2  }
0x8f: {  	_ = 	snop  }
0x90: {  	(tm) =	ssettm $0x1  }
0x91: {  	s18 =	sld [smem:$0x3FFB];
	_ =	sdelay $0x3  }
0x92: {  	_ =	strace s18  }
0x93: {  	s2 =	sld [smem:$0x3FFC];
	_ =	sdelay $0x3  }
0x94: {  	_ =	strace s2  }
0x95: {  	s2 =	sld [smem:$0x3FFD];
	_ =	sdelay $0x3  }
0x96: {  	_ =	strace s2  }
0x97: {  	_ =	strace $0x8FFFFFFF  }
0x98: {  	s19 =	sld [smem:$0x3FDB];
	_ =	sdelay $0x1  }
0x99: {  	s20 =	simm.s32 $_scs_section_size  }
0x9a: {  	s4 =	simm.s32 $_size__tile_overlayer_lowered;
	s5 =	simm.s32 $_tile_overlayer_lowered  }
0x9b: {  	s6 =	simm.s32 $0x1BFF;
	s21 =	sshll.u32 s5, $0x1;
	s3 =	sadd.s32 s20, s19  }
0x9c: {  	s22 =	simm.s32 $0x0;
	s4 =	sshll.u32 s4, $0x1;
	s5 =	sadd.s32 s21, s3  }
0x9d: {  	[timem:s22], [sflag:s6] =	dma.local [hbm:s5], s4  }
0x9e: {  	_ =	swait.ge [sflag:s6], s4  }
0x9f: {  	s4 =	ssub.s32 $0x0, s4;
	[sflag:s6] =	ssyncset.done $0x0  }
0xa0: {  	[sflag:s6] =	ssyncadd.s32 s4;
	_ =	sdelay $0x1  }
0xa1: {  	s23 =	simm.s32 $0x1B8B  }
0xa2: {  	_ =	swait.ge [sflag:s23], $0x1  }
0xa3: {  	[sflag:s23] =	ssyncset.done $0x0  }
0xa4: {  	[sflag:s23] =	ssyncadd.s32 $0xFFFFFFFF  }
0xa5: {  	s4 =	sld [smem:$0x0]  }
0xa6: {  	s5 =	sand.u32 $0xFFFFFFFE, s1  }
0xa7: {  	p0 =	sne.s32 s1, s5  }
0xa8: {  	s5 =	sshll.u32 @p0 s5, $0xE  }
0xa9: {  	s5 =	sadd.s32 @p0 $0x11B8D, s5;
	s6 =	sshll.u32 @p0 s4, $0x11  }
0xaa: {  	s5 =	sor.u32 @p0 s6, s5  }
0xab: {  	[sflag:s5] =	ssyncadd.remote.s32 @p0 $0x1;
	_ =	sdelay $0x1  }
0xac: {  	s5 =	simm.s32 @p0 $0x1B8D  }
0xad: {  	_ =	swait.eq @p0 [sflag:s5], $0x1  }
0xae: {  	[sflag:s5] =	ssyncadd.s32 @p0 $0xFFFFFFFF  }
0xaf: {  	s6 =	sshll.u32 @!p0 s1, $0xE  }
0xb0: {  	s6 =	sor.u32 @!p0 $0x4000, s6;
	s5 =	simm.s32 @!p0 $0x1B8D  }
0xb1: {  	s4 =	sshll.u32 @!p0 s4, $0x11;
	s6 =	sadd.s32 @!p0 $0x11B8D, s6;
	_ =	swait.eq @!p0 [sflag:s5], $0x1  }
0xb2: {  	s4 =	sor.u32 @!p0 s4, s6;
	[sflag:s5] =	ssyncadd.s32 @!p0 $0xFFFFFFFF  }
0xb3: {  	s25 =	simm.s32 $0x1B8E;
	s24 =	sld [smem:$0x3FFE];
	[sflag:s4] =	ssyncadd.remote.s32 @!p0 $0x1  }
0xb4: {  	s26 =	simm.s32 $execute0_lowered;
	[smem:$0x3FD2] =	sst s25  }
0xb5: {  	s5 =	sshll.u32 s26, $0x1;
	_ =	strace $0x8000004C;
	[dreg:$0x1] =	wrdreg $0xFFFFFFFF  }
0xb6: {  	s28 =	simm.s32 $_size_execute0_lowered;
	s3 =	sadd.s32 s3, s5;
	[dreg:$0x0] =	wrdreg $0x0  }
0xb7: {  	s5 =	sshll.u32 s28, $0x1;
	[dreg:$0x2] =	wrdreg s3  }
0xb8: {  	[dreg:$0x3] =	wrdreg s5  }
0xb9: {  	[dreg:$0x4] =	wrdreg $0xC0  }
0xba: {  	_ =	task [dreg:s22], $0x5FFFF  }
0xbb: {  	[dreg:$0x1] =	wrdreg $0xFFFFFFFF  }
0xbc: {  	[dreg:$0x0] =	wrdreg $0x60  }
0xbd: {  	[dreg:$0x2] =	wrdreg s24  }
0xbe: {  	[dreg:$0x3] =	wrdreg $0xA8800  }
0xbf: {  	[dreg:$0x4] =	wrdreg $0xA  }
0xc0: {  	_ =	task.clear_ibuf [dreg:s22], $0x5FFFF;
	_ =	strace $0x9000004C  }
0xc1: {  	s29 =	simm.s32 $0xA;
	_ =	strace $0x8000004E  }
0xc2: {  	_ =	swait.ge [sflag:s29], $0x1  }
0xc3: {  	[sflag:s29] =	ssyncadd.s32 $0xFFFFFFFF  }
0xc4: {  	_ =	strace $0x9000004E  }
0xc5: {  	_ =	sfence  }
0xc6: {  	s30 =	sld [smem:$0x0];
	_ =	sdelay $0x2  }
0xc7: {  	s31 =	sshll.u32 s1, $0xD;
	s1 =	sshrl.u32 s1, $0x2  }
0xc8: {  	s4 =	sand.u32 $0x4000, s31;
	s1 =	sadd.s32 s1, s30  }
0xc9: {  	s0 =	sor.u32 s4, s0;
	s1 =	sshll.u32 s1, $0x11  }
0xca: {  	s0 =	sor.u32 s1, s0  }
0xcb: {  	s0 =	sadd.s32 $0x8F2B, s0  }
0xcc: {  	[sflag:s0] =	ssyncadd.remote.s32 $0x1  }
0xcd: {  	_ =	sfence.sel $0xFFFF  }
0xce: {  	[dreg:$0x0] =	wrdreg $0xFFFFFFFF;
	(pc) =	sbr.abs _section_cstart, $3  }
0xcf: {  	[dreg:$0x1] =	wrdreg $0xFFFFFFFF  }
0xd0: {  	_ =	task.clear_ibuf [dreg:s22], $0x2FFFF;
	_ =	strace $0x9FFFFFFF  }
0xd1: {  	(tm) =	ssettm $0x7FFFFFFF  }
tec
execute0_lowered:
.L_overlay_start_1:
0x0: {  	(tag) =	ssettag $0x1  }
0x1: {  	s6 =	rddreg [dreg:$0x0]  }
0x2: {  	s2 =	rddreg [dreg:$0x1];
	s1 =	stileid.u32  }
0x3: {  	s4 =	srdreg.scid;
	s5 =	smul.u32 $0x500, s1  }
0x4: {  	s3 =	simm.s32 $0x0;
	s18 =	simm.s32 $0x2800;
	s9 =	smul.u32 $0x50000, s1  }
0x5: {  	s19 =	simm.s32 $0x80;
	s20 =	simm.s32 $0x6880;
	s10 =	smul.u32 $0x50, s1  }
0x6: {  	s21 =	simm.s32 $0x1;
	s7 =	sand.u32 $0x1, s4;
	s25 =	smul.u32 $0x2800, s1  }
0x7: {  	s22 =	simm.s32 $0x2;
	s23 =	simm.s32 $0x3;
	s8 =	smul.u32 $0x27200, s7  }
0x8: {  	[smem:$0x7FF] =	sst s3;
	s4 =	sadd.s32 $0x8000, s6;
	s30 =	smul.u32 $0x280000, s7  }
0x9: {  	_ =	strace $0x8000004D;
	s31 =	smul.u32 $0x28000, s7;
	s15 =	ssub.s32 $0x2, s7  }
0xa: {  	s11 =	sadd.s32 s5, s6;
	s9 =	sshrl.u32 s9, $0x2;
	s17 =	sshrl.u32 s15, $0x1  }
0xb: {  	s13 =	sadd.s32 s8, s6;
	s14 =	sadd.s32 s30, s6;
	s5 =	sadd.s32 s9, s2  }
0xc: {  	s16 =	sadd.s32 s31, s6;
	s11 =	sadd.s32 $0xD000, s11;
	s15 =	ssub.s32 s15, s17  }
0xd: {  	s6 =	sadd.s32 $0x4000, s5;
	s7 =	sadd.s32 $0x8000, s5;
	s8 =	sadd.s32 $0xC000, s5  }
0xe: {  	s17 =	simm.s32 $0x4;
	s12 =	sadd.s32 $0x3A5800, s13;
	s13 =	sadd.s32 $0x357400, s13  }
0xf: {  	s9 =	sadd.s32 $0x10000, s5;
	s14 =	sadd.s32 $0x3FBC00, s14;
	s24 =	sadd.s32 $0x12000, s16  }
0x10: {  	v0 =	vimm.f32 $0.0e+00;
	s15 =	smax.u32 s15, $0x1;
	s16 =	simm.s32 $0x2880;
	s24 =	sadd.s32 s25, s24  }
.LBB2_1:
0x11: {  	s25 =	simm.s32 $0x0;
	s26 =	simm.s32 $0x200  }
.LBB2_2:
0x12: {  	p0 =	sne.s32 s26, $0xFE00;
	[tilespmem:s25+$0x28F0] =	vst v0  }
0x13: {  	[tilespmem:s25+$0x2880] =	vst v0  }
0x14: {  	[tilespmem:s25+$0x2890] =	vst v0  }
.Ltmp0:
0x15: {  	[tilespmem:s25+$0x28A0] =	vst v0;
	(pc) =	sbr.rel @p0 .LBB2_2-.Ltmp0, $4  }
0x16: {  	[tilespmem:s25+$0x28B0] =	vst v0  }
0x17: {  	[tilespmem:s25+$0x28C0] =	vst v0  }
0x18: {  	[tilespmem:s25+$0x28D0] =	vst v0  }
0x19: {  	[tilespmem:s25+$0x28E0] =	vst v0;
	s25 =	sshra.s32 s26, $0x2;
	s26 =	sadd.s32 $0x200, s26  }
0x1a: {  	[tilespmem:s25+$0x28F0] =	vst v0  }
0x1b: {  	[tilespmem:s25+$0x2880] =	vst v0  }
0x1c: {  	[tilespmem:s25+$0x2890] =	vst v0  }
0x1d: {  	[tilespmem:s25+$0x28A0] =	vst v0  }
0x1e: {  	[tilespmem:s25+$0x28B0] =	vst v0  }
0x1f: {  	[tilespmem:s25+$0x28C0] =	vst v0  }
0x20: {  	[tilespmem:s25+$0x28D0] =	vst v0  }
0x21: {  	[tilespmem:s25+$0x28E0] =	vst v0  }
0x22: {  	[spmem:s5] =	stream.linear.scatter [tilespmem:s16], [sflag:$0x4], $0x4000, $0x38;
	[tilespmem:$0x1E880] =	vst v63  }
0x23: {  	_ =	swait.ge [sflag:s17], $0x4000  }
0x24: {  	[sflag:s17] =	ssyncset.done $0x0  }
0x25: {  	[sflag:s17] =	ssyncadd.s32 $0xFFFFC000  }
0x26: {  	[spmem:s6] =	stream.linear.scatter [tilespmem:s16], [sflag:$0x4], $0x4000, $0x38;
	[tilespmem:$0x1E880] =	vst v63  }
0x27: {  	_ =	swait.ge [sflag:s17], $0x4000  }
0x28: {  	[sflag:s17] =	ssyncset.done $0x0  }
0x29: {  	[sflag:s17] =	ssyncadd.s32 $0xFFFFC000  }
0x2a: {  	[spmem:s7] =	stream.linear.scatter [tilespmem:s16], [sflag:$0x4], $0x4000, $0x38;
	[tilespmem:$0x1E880] =	vst v63  }
0x2b: {  	_ =	swait.ge [sflag:s17], $0x4000  }
0x2c: {  	[sflag:s17] =	ssyncset.done $0x0  }
0x2d: {  	[sflag:s17] =	ssyncadd.s32 $0xFFFFC000  }
0x2e: {  	[spmem:s8] =	stream.linear.scatter [tilespmem:s16], [sflag:$0x4], $0x4000, $0x38;
	[tilespmem:$0x1E880] =	vst v63  }
0x2f: {  	_ =	swait.ge [sflag:s17], $0x4000  }
0x30: {  	[sflag:s17] =	ssyncset.done $0x0  }
0x31: {  	[sflag:s17] =	ssyncadd.s32 $0xFFFFC000  }
0x32: {  	[spmem:s9] =	stream.linear.scatter [tilespmem:s16], [sflag:$0x4], $0x4000, $0x38;
	[tilespmem:$0x1E880] =	vst v63  }
0x33: {  	_ =	swait.ge [sflag:s17], $0x4000  }
0x34: {  	[sflag:s17] =	ssyncset.done $0x0  }
0x35: {  	[sflag:s17] =	ssyncadd.s32 $0xFFFFC000  }
0x36: {  	s25 =	simm.s32 $0x0;
	[bflag:$0x0] =	sbarrier.arrive $0xFFFF  }
0x37: {  	[tilespmem:s25], [sflag:$0x4] =	stream.linear.gather [hbm4b:s11+s25], $0x2800, $0x38;
	[tilespmem:$0x1E880] =	vst v63  }
0x38: {  	_ =	swait.ge [sflag:s17], $0x2800  }
0x39: {  	[sflag:s17] =	ssyncset.done $0x0  }
0x3a: {  	s26 =	simm.s32 $0x0;
	[sflag:s17] =	ssyncadd.s32 $0xFFFFD800  }
.LBB2_4:
0x3b: {  	s29 =	sadd.s32 s10, s26;
	s28 =	sshll.u32 s26, $0x4  }
0x3c: {  	s30 =	sshll.u32 s29, $0x4;
	s28 =	sand.u32 $0x70, s28  }
0x3d: {  	s30 =	sand.u32 $0xFF80, s30;
	s28 =	sadd.s32 s4, s28  }
0x3e: {  	s28 =	sadd.s32 s30, s28  }
0x3f: {  	[tilespmem:s18], [sflag:$0x4] =	stream.linear.gather [hbm4b:s28+s25], $0x80, $0x38;
	[tilespmem:$0x1E880] =	vst v63  }
0x40: {  	_ =	swait.ge [sflag:s17], $0x80  }
0x41: {  	s28 =	sshll.u32 s26, $0x7;
	[sflag:s17] =	ssyncset.done $0x0  }
0x42: {  	s28 =	sand.u32 $0x3FFFFF80, s28;
	[sflag:s17] =	ssyncadd.s32 $0xFFFFFF80  }
0x43: {  	[tilespmem:s16], [sflag:$0x1] =	stream.indirect.gather [hbm4b:s12+s19], $0x80, s28, s19, $0xb8;
	[tilespmem:$0x1E880] =	vst v63  }
0x44: {  	_ = 	snop  }
0x45: {  	[tilespmem:s20], [sflag:$0x2] =	stream.indirect.gather [hbm4b:s13+s19], $0x80, s18, s19, $0xb8;
	[tilespmem:$0x1E880] =	vst v63  }
0x46: {  	_ =	swait.ge [sflag:s21], $0x4000  }
0x47: {  	[sflag:s21] =	ssyncset.done $0x0  }
0x48: {  	[sflag:s21] =	ssyncadd.s32 $0xFFFFC000  }
0x49: {  	_ =	swait.ge [sflag:s22], $0x4000  }
0x4a: {  	[sflag:s22] =	ssyncset.done $0x0  }
0x4b: {  	s30 =	simm.s32 $0x0;
	[sflag:s22] =	ssyncadd.s32 $0xFFFFC000  }
0x4c: {  	v8 =	vld [tilespmem:s30+$0x6880]  }
0x4d: {  	v12 =	vld [tilespmem:s30+$0x6890]  }
0x4e: {  	v6 =	vld [tilespmem:s30+$0x68A0]  }
0x4f: {  	v5 =	vld [tilespmem:s30+$0x68B0]  }
0x50: {  	v4 =	vld [tilespmem:s30+$0x68C0]  }
0x51: {  	v3 =	vld [tilespmem:s30+$0x68D0]  }
0x52: {  	v2 =	vld [tilespmem:s30+$0x68E0]  }
0x53: {  	v1 =	vld [tilespmem:s30+$0x68F0]  }
0x54: {  	v13 =	vld [tilespmem:s30+$0x2880]  }
0x55: {  	v14 =	vld [tilespmem:s30+$0x2890]  }
0x56: {  	v11 =	vld [tilespmem:s30+$0x28A0]  }
0x57: {  	v10 =	vld [tilespmem:s30+$0x28B0]  }
0x58: {  	v9 =	vld [tilespmem:s30+$0x28C0]  }
0x59: {  	v7 =	vld [tilespmem:s30+$0x28D0];
	v13 =	vadd.f32 v8, v13  }
0x5a: {  	s31 =	simm.s32 $0x200;
	v12 =	vadd.f32 v12, v14;
	v8 =	vld [tilespmem:s30+$0x28E0]  }
.LBB2_5:
0x5b: {  	s0 =	sshra.s32 s31, $0x2;
	p0 =	sne.s32 s31, $0xFE00;
	[tilespmem:s30+$0x2880] =	vst v13;
	v6 =	vadd.f32 v6, v11;
	v11 =	vld [tilespmem:s30+$0x28F0]  }
0x5c: {  	v13 =	vld [tilespmem:s0+$0x6880];
	[tilespmem:s30+$0x2890] =	vst v12;
	v5 =	vadd.f32 v5, v10  }
0x5d: {  	v12 =	vld [tilespmem:s0+$0x6890];
	[tilespmem:s30+$0x28A0] =	vst v6;
	v4 =	vadd.f32 v4, v9  }
0x5e: {  	v6 =	vld [tilespmem:s0+$0x68A0];
	[tilespmem:s30+$0x28B0] =	vst v5;
	v3 =	vadd.f32 v3, v7  }
0x5f: {  	v5 =	vld [tilespmem:s0+$0x68B0];
	[tilespmem:s30+$0x28C0] =	vst v4;
	v2 =	vadd.f32 v2, v8  }
0x60: {  	v4 =	vld [tilespmem:s0+$0x68C0];
	[tilespmem:s30+$0x28D0] =	vst v3;
	v1 =	vadd.f32 v1, v11  }
0x61: {  	v3 =	vld [tilespmem:s0+$0x68D0];
	[tilespmem:s30+$0x28E0] =	vst v2  }
0x62: {  	v2 =	vld [tilespmem:s0+$0x68E0];
	[tilespmem:s30+$0x28F0] =	vst v1;
	s30 =	smov.u32 s0  }
0x63: {  	v1 =	vld [tilespmem:s30+$0x68F0]  }
0x64: {  	v7 =	vld [tilespmem:s30+$0x2880]  }
0x65: {  	v8 =	vld [tilespmem:s30+$0x2890]  }
.Ltmp1:
0x66: {  	v11 =	vld [tilespmem:s30+$0x28A0];
	(pc) =	sbr.rel @p0 .LBB2_5-.Ltmp1, $4  }
0x67: {  	v10 =	vld [tilespmem:s30+$0x28B0]  }
0x68: {  	v9 =	vld [tilespmem:s30+$0x28C0]  }
0x69: {  	v13 =	vadd.f32 v13, v7;
	v7 =	vld [tilespmem:s30+$0x28D0]  }
0x6a: {  	s31 =	sadd.s32 $0x200, s31;
	v12 =	vadd.f32 v12, v8;
	v8 =	vld [tilespmem:s30+$0x28E0]  }
0x6b: {  	[tilespmem:s30+$0x2880] =	vst v13;
	v6 =	vadd.f32 v6, v11;
	v11 =	vld [tilespmem:s30+$0x28F0]  }
0x6c: {  	[tilespmem:s30+$0x2890] =	vst v12;
	v5 =	vadd.f32 v5, v10  }
0x6d: {  	[tilespmem:s30+$0x28A0] =	vst v6;
	v4 =	vadd.f32 v4, v9  }
0x6e: {  	[tilespmem:s30+$0x28B0] =	vst v5;
	v3 =	vadd.f32 v3, v7  }
0x6f: {  	[tilespmem:s30+$0x28C0] =	vst v4;
	v2 =	vadd.f32 v2, v8  }
0x70: {  	[tilespmem:s30+$0x28D0] =	vst v3;
	v1 =	vadd.f32 v1, v11  }
0x71: {  	s0 =	sshll.u32 s29, $0xB;
	[tilespmem:s30+$0x28E0] =	vst v2  }
0x72: {  	s29 =	simm.s32 $0x0;
	s0 =	sadd.s32 s0, s14;
	[tilespmem:s30+$0x28F0] =	vst v1  }
0x73: {  	[tilespmem:s20], [sflag:$0x3] =	stream.linear.gather [hbm4b:s0+s29], $0x4000, $0x38;
	[tilespmem:$0x1E880] =	vst v63  }
0x74: {  	_ =	swait.ge [sflag:s23], $0x4000  }
0x75: {  	[sflag:s23] =	ssyncset.done $0x0  }
0x76: {  	s29 =	simm.s32 $0x0;
	[sflag:s23] =	ssyncadd.s32 $0xFFFFC000  }
0x77: {  	v7 =	vld [tilespmem:s29+$0x6880]  }
0x78: {  	v12 =	vld [tilespmem:s29+$0x6890]  }
0x79: {  	v6 =	vld [tilespmem:s29+$0x68A0]  }
0x7a: {  	v5 =	vld [tilespmem:s29+$0x68B0]  }
0x7b: {  	v4 =	vld [tilespmem:s29+$0x68C0]  }
0x7c: {  	v3 =	vld [tilespmem:s29+$0x68D0]  }
0x7d: {  	v2 =	vld [tilespmem:s29+$0x68E0]  }
0x7e: {  	v1 =	vld [tilespmem:s29+$0x68F0]  }
0x7f: {  	v13 =	vld [tilespmem:s29+$0x2880]  }
0x80: {  	v14 =	vld [tilespmem:s29+$0x2890]  }
0x81: {  	v11 =	vld [tilespmem:s29+$0x28A0]  }
0x82: {  	v10 =	vld [tilespmem:s29+$0x28B0]  }
0x83: {  	v9 =	vld [tilespmem:s29+$0x28C0]  }
0x84: {  	v8 =	vld [tilespmem:s29+$0x28D0];
	v13 =	vadd.f32 v7, v13  }
0x85: {  	s30 =	simm.s32 $0x200;
	v12 =	vadd.f32 v12, v14;
	v7 =	vld [tilespmem:s29+$0x28E0]  }
.LBB2_7:
0x86: {  	s0 =	sshra.s32 s30, $0x2;
	p0 =	sne.s32 s30, $0xFE00;
	v13 =	vmax.f32 v13, $0.0e+00;
	v6 =	vadd.f32 v6, v11;
	v11 =	vld [tilespmem:s29+$0x28F0]  }
0x87: {  	v14 =	vld [tilespmem:s0+$0x6880];
	[tilespmem:s29+$0x2880] =	vst v13;
	v12 =	vmax.f32 v12, $0.0e+00;
	v5 =	vadd.f32 v5, v10  }
0x88: {  	v15 =	vld [tilespmem:s0+$0x6890];
	[tilespmem:s29+$0x2890] =	vst v12;
	v10 =	vmax.f32 v6, $0.0e+00;
	v4 =	vadd.f32 v4, v9  }
0x89: {  	v6 =	vld [tilespmem:s0+$0x68A0];
	[tilespmem:s29+$0x28A0] =	vst v10;
	v9 =	vmax.f32 v5, $0.0e+00;
	v3 =	vadd.f32 v3, v8  }
0x8a: {  	v5 =	vld [tilespmem:s0+$0x68B0];
	[tilespmem:s29+$0x28B0] =	vst v9;
	v8 =	vmax.f32 v4, $0.0e+00;
	v2 =	vadd.f32 v2, v7  }
0x8b: {  	v4 =	vld [tilespmem:s0+$0x68C0];
	[tilespmem:s29+$0x28C0] =	vst v8;
	v7 =	vmax.f32 v3, $0.0e+00;
	v1 =	vadd.f32 v1, v11  }
0x8c: {  	v3 =	vld [tilespmem:s0+$0x68D0];
	[tilespmem:s29+$0x28D0] =	vst v7;
	v7 =	vmax.f32 v2, $0.0e+00  }
0x8d: {  	v2 =	vld [tilespmem:s0+$0x68E0];
	[tilespmem:s29+$0x28E0] =	vst v7;
	v7 =	vmax.f32 v1, $0.0e+00  }
0x8e: {  	v1 =	vld [tilespmem:s0+$0x68F0];
	[tilespmem:s29+$0x28F0] =	vst v7;
	s29 =	smov.u32 s0  }
0x8f: {  	v7 =	vld [tilespmem:s29+$0x2880]  }
0x90: {  	v12 =	vld [tilespmem:s29+$0x2890]  }
.Ltmp2:
0x91: {  	v11 =	vld [tilespmem:s29+$0x28A0];
	(pc) =	sbr.rel @p0 .LBB2_7-.Ltmp2, $4  }
0x92: {  	v10 =	vld [tilespmem:s29+$0x28B0]  }
0x93: {  	v9 =	vld [tilespmem:s29+$0x28C0]  }
0x94: {  	v13 =	vadd.f32 v14, v7;
	v8 =	vld [tilespmem:s29+$0x28D0]  }
0x95: {  	s30 =	sadd.s32 $0x200, s30;
	v12 =	vadd.f32 v15, v12;
	v7 =	vld [tilespmem:s29+$0x28E0]  }
0x96: {  	v13 =	vmax.f32 v13, $0.0e+00;
	v6 =	vadd.f32 v6, v11;
	v63 =	vld [tilespmem:s29+$0x28F0]  }
0x97: {  	[tilespmem:s29+$0x2880] =	vst v13;
	v12 =	vmax.f32 v12, $0.0e+00;
	v5 =	vadd.f32 v5, v10  }
0x98: {  	[tilespmem:s29+$0x2890] =	vst v12;
	v6 =	vmax.f32 v6, $0.0e+00;
	v4 =	vadd.f32 v4, v9  }
0x99: {  	[tilespmem:s29+$0x28A0] =	vst v6;
	v5 =	vmax.f32 v5, $0.0e+00;
	v3 =	vadd.f32 v3, v8  }
0x9a: {  	[tilespmem:s29+$0x28B0] =	vst v5;
	v4 =	vmax.f32 v4, $0.0e+00;
	v2 =	vadd.f32 v2, v7  }
0x9b: {  	[tilespmem:s29+$0x28C0] =	vst v4;
	v3 =	vmax.f32 v3, $0.0e+00;
	v1 =	vadd.f32 v1, v63  }
0x9c: {  	s26 =	sadd.s32 $0x1, s26;
	[tilespmem:s29+$0x28D0] =	vst v3;
	v2 =	vmax.f32 v2, $0.0e+00  }
0x9d: {  	p0 =	sne.s32 s26, $0x50;
	[tilespmem:s29+$0x28E0] =	vst v2;
	v1 =	vmax.f32 v1, $0.0e+00  }
.Ltmp3:
0x9e: {  	[tilespmem:s29+$0x28F0] =	vst v1;
	(pc) =	sbr.rel @p0 .LBB2_4-.Ltmp3, $4  }
0x9f: {  	[spmem:s2] =	stream.indirect.scatter.add.f32 [tilespmem:s16], [sflag:$0x4], $0x80, s28, s19, $0xb8;
	[tilespmem:$0x1E880] =	vst v63  }
0xa0: {  	_ =	swait.ge [sflag:s17], $0x4000  }
0xa1: {  	[sflag:s17] =	ssyncset.done $0x0  }
0xa2: {  	[sflag:s17] =	ssyncadd.s32 $0xFFFFC000  }
0xa3: {  	s3 =	sadd.s32 $0x1, s3  }
0xa4: {  	s0 =	sshll.u32 s1, $0x6;
	[bflag:$0x0] =	sbarrier.arrive $0xFFFF;
	p0 =	sne.s32 s3, s15  }
.Ltmp4:
0xa5: {  	s25 =	sshrl.u32 s5, $0x3;
	s0 =	sor.u32 $0x1C04, s0;
	(pc) =	sbr.rel @p0 .LBB2_1-.Ltmp4, $4  }
0xa6: {  	[hbm:s24], [sflag:s0] =	dma.local [spmem:s25], $0x2800  }
0xa7: {  	_ =	swait.ge [sflag:s17], $0x2800  }
0xa8: {  	[sflag:s17] =	ssyncset.done $0x0  }
0xa9: {  	[sflag:s17] =	ssyncadd.s32 $0xFFFFD800  }
0xaa: {  	_ =	sfence.sel $0x180000  }
0xab: {  	[bflag:$0x0] =	sbarrier.arrive $0xFFFF  }
0xac: {  	_ =	strace $0x9000004D  }
0xad: {  	[bflag:$0x2] =	sbarrier.arrive $0xFFFF  }
0xae: {  	p0 =	sne.s32 s1, $0x0;
	s0 =	rddreg [dreg:$0x2]  }
0xaf: {  	s0 =	sadd.s32 @!p0 $0x100000, s0  }
0xb0: {  	[sflag:s0] =	ssyncadd.tile.s32 @!p0 $0x1;
	_ =	shalt  }
.Lfunc_end2:
_tile_overlayer_lowered:
.L_overlay_start_2:
0xb1: {  	(tag) =	ssettag $0x2  }
0xb2: {  	s0 =	rddreg [dreg:$0x0];
	s2 =	stileid.u32  }
0xb3: {  	s1 =	rddreg [dreg:$0x1];
	p0 =	sne.s32 s2, $0x0  }
0xb4: {  	s3 =	rddreg [dreg:$0x2];
	[bflag:$0x3] =	sbarrier.arrive $0xFFFF;
	s2 =	simm.s32 @!p0 $0x1C04  }
0xb5: {  	[timem:s3], [sflag:s2] =	dma.local @!p0 [hbm:s0], s1  }
0xb6: {  	s0 =	simm.s32 @!p0 $0x4  }
0xb7: {  	_ =	swait.ge @!p0 [sflag:s0], s1  }
0xb8: {  	s1 =	ssub.s32 @!p0 $0x0, s1;
	[sflag:s0] =	ssyncset.done @!p0 $0x0  }
0xb9: {  	[sflag:s0] =	ssyncadd.s32 @!p0 s1  }
0xba: {  	[bflag:$0x3] =	sbarrier.arrive $0xFFFF  }
0xbb: {  	_ =	shalt  }

// kernel: kernel.26.cloned.1.call-start
scs
__scs_entry_jumppad:
0x0: {  	(pc) =	sbr.rel $0x88, $3  }
0x1: {  	(tag) =	ssettag $0x0;
	lr =	simm.s32 $0x1  }
0x2: {  	[smem:$0x3F79] =	sst lr;
	_ =	strace $0xD0000000  }
0x3: {  	_ = 	snop  }
0x4: {  	_ = 	snop  }
0x5: {  	_ = 	snop  }
0x6: {  	_ = 	snop  }
0x7: {  	_ = 	snop  }
__scs_overlays_trampoline_lowered:
0x8: {  	[smem:$0x3F88] =	sst s0  }
0x9: {  	[smem:$0x3F89] =	sst s1  }
0xa: {  	[smem:$0x3F8A] =	sst s2  }
0xb: {  	[smem:$0x3F8B] =	sst s3  }
0xc: {  	[smem:$0x3F8C] =	sst s4  }
0xd: {  	[smem:$0x3F8D] =	sst s5  }
0xe: {  	[smem:$0x3F8E] =	sst s6  }
0xf: {  	[smem:$0x3F8F] =	sst s7  }
0x10: {  	[smem:$0x3F90] =	sst s8  }
0x11: {  	[smem:$0x3F91] =	sst s9;
	s0 =	simm.s32 @!p0 $0x0  }
0x12: {  	s1 =	sld [smem:$0x3F77];
	s0 =	simm.s32 @p0 $0x1  }
0x13: {  	[smem:$0x3F92] =	sst s0;
	s0 =	simm.s32 @!p1 $0x0  }
0x14: {  	s2 =	sld [smem:$0x3F76];
	s0 =	simm.s32 @p1 $0x1  }
0x15: {  	[smem:$0x3F93] =	sst s0;
	s0 =	simm.s32 @!p2 $0x0  }
0x16: {  	s3 =	sld [smem:$0x3FDB];
	s0 =	simm.s32 @p2 $0x1  }
0x17: {  	s4 =	simm.s32 $0x1BF5;
	[smem:$0x3F95] =	sst s0  }
0x18: {  	s0 =	sld [smem:$0x3F78];
	_ =	swait.ge [sflag:s4], $0x0  }
0x19: {  	s7 =	sld [smem:$0x3F79]  }
0x1a: {  	s8 =	sadd.s32 $0xFFFFE003, lr  }
0x1b: {  	s9 =	sadd.s32 $0xFFFFFEF7, lr;
	s5 =	simm.s32 $0xFFFFFFFF;
	p2 =	slt.u32 s8, $0xFFFFF086  }
0x1c: {  	p1 =	slt.u32 s9, $0xF7A;
	s5 =	simm.s32 @!p2 $0x0  }
0x1d: {  	s5 =	simm.s32 @p1 $0x1;
	p0 =	seq.s32 s7, s2  }
0x1e: {  	s7 =	smul.u32 @!p0 $0xF7A, s2;
	p2 =	seq.s32 @!p0 s5, $0x0  }
0x1f: {  	s9 =	smul.u32 $0xF7A, s1;
	s8 =	simm.s32 @!p0 $0x1BF5;
	p2 =	por !p2, p0  }
0x20: {  	[sflag:s8] =	ssyncset.s32 @!p0 $0xFFFFF086;
	s6 =	sadd.s32 @!p0 s3, s7;
	s7 =	simm.s32 @!p0 $0x108  }
0x21: {  	s3 =	sadd.s32 s3, s9;
	s6 =	sadd.s32 @!p0 $0x88, s6;
	s7 =	simm.s32 @p2 $0x1082  }
0x22: {  	[simem:s7], [sflag:s8] =	dma.local @!p0 [hbm:s6], $0xF7A  }
0x23: {  	s9 =	sor.u32 $0xD0000000, s2;
	s6 =	simm.s32 $0x108;
	_ =	swait.ge @!p0 [sflag:s8], $0x0  }
0x24: {  	s3 =	sadd.s32 $0x88, s3;
	s6 =	simm.s32 @!p1 $0x1082;
	[sflag:s4] =	ssyncset.s32 $0xFFFFF086  }
0x25: {  	[simem:s6], [sflag:s4] =	dma.local [hbm:s3], $0xF7A  }
0x26: {  	[smem:$0x3F79] =	sst s1;
	(tag) =	ssettag s2;
	_ =	strace s9  }
0x27: {  	s1 =	sld [smem:$0x3F89]  }
0x28: {  	s2 =	sld [smem:$0x3F8A]  }
0x29: {  	s4 =	sld [smem:$0x3F8C]  }
0x2a: {  	p0 =	seq.s32 s5, $0x0;
	s5 =	sld [smem:$0x3F8D]  }
0x2b: {  	s6 =	sld [smem:$0x3F8E]  }
0x2c: {  	s7 =	sld [smem:$0x3F8F]  }
0x2d: {  	s3 =	simm.s32 $0x108;
	s8 =	sld [smem:$0x3F90]  }
0x2e: {  	s3 =	simm.s32 @!p0 $0x1082;
	s9 =	sld [smem:$0x3F91]  }
0x2f: {  	lr =	sadd.s32 s0, s3;
	s0 =	sld [smem:$0x3F88]  }
0x30: {  	s3 =	sld [smem:$0x3F8B]  }
0x31: {  	[smem:$0x3F94] =	sst s10  }
0x32: {  	s10 =	sld [smem:$0x3F92];
	_ =	sdelay $0x3  }
0x33: {  	p0 =	seq.s32 s10, $0x1;
	s10 =	sld [smem:$0x3F94];
	_ =	sdelay $0x3  }
0x34: {  	[smem:$0x3F94] =	sst s10  }
0x35: {  	s10 =	sld [smem:$0x3F93];
	_ =	sdelay $0x3  }
0x36: {  	p1 =	seq.s32 s10, $0x1;
	s10 =	sld [smem:$0x3F94];
	_ =	sdelay $0x3  }
0x37: {  	[smem:$0x3F94] =	sst s10  }
0x38: {  	s10 =	sld [smem:$0x3F95]  }
0x39: {  	_ = 	snop;
	(pc) =	sbr.ind lr, $3  }
0x3a: {  	_ = 	snop  }
0x3b: {  	_ = 	snop  }
0x3c: {  	p2 =	seq.s32 s10, $0x1;
	s10 =	sld [smem:$0x3F94]  }
0x3d: {  	_ =	shalt  }
0x3e: {  	_ =	shalt  }
0x3f: {  	_ =	shalt  }
0x40: {  	_ =	shalt  }
0x41: {  	_ =	shalt  }
0x42: {  	_ =	shalt  }
0x43: {  	_ =	shalt  }
0x44: {  	_ =	shalt  }
0x45: {  	_ =	shalt  }
0x46: {  	_ =	shalt  }
0x47: {  	_ =	shalt  }
0x48: {  	_ =	shalt  }
0x49: {  	_ =	shalt  }
0x4a: {  	_ =	shalt  }
0x4b: {  	_ =	shalt  }
0x4c: {  	_ =	shalt  }
0x4d: {  	_ =	shalt  }
0x4e: {  	_ =	shalt  }
0x4f: {  	_ =	shalt  }
0x50: {  	_ =	shalt  }
0x51: {  	_ =	shalt  }
0x52: {  	_ =	shalt  }
0x53: {  	_ =	shalt  }
0x54: {  	_ =	shalt  }
0x55: {  	_ =	shalt  }
0x56: {  	_ =	shalt  }
0x57: {  	_ =	shalt  }
0x58: {  	_ =	shalt  }
0x59: {  	_ =	shalt  }
0x5a: {  	_ =	shalt  }
0x5b: {  	_ =	shalt  }
0x5c: {  	_ =	shalt  }
0x5d: {  	_ =	shalt  }
0x5e: {  	_ =	shalt  }
0x5f: {  	_ =	shalt  }
0x60: {  	_ =	shalt  }
0x61: {  	_ =	shalt  }
0x62: {  	_ =	shalt  }
0x63: {  	_ =	shalt  }
0x64: {  	_ =	shalt  }
0x65: {  	_ =	shalt  }
0x66: {  	_ =	shalt  }
0x67: {  	_ =	shalt  }
0x68: {  	_ =	shalt  }
0x69: {  	_ =	shalt  }
0x6a: {  	_ =	shalt  }
0x6b: {  	_ =	shalt  }
0x6c: {  	_ =	shalt  }
0x6d: {  	_ =	shalt  }
0x6e: {  	_ =	shalt  }
0x6f: {  	_ =	shalt  }
0x70: {  	_ =	shalt  }
0x71: {  	_ =	shalt  }
0x72: {  	_ =	shalt  }
0x73: {  	_ =	shalt  }
0x74: {  	_ =	shalt  }
0x75: {  	_ =	shalt  }
0x76: {  	_ =	shalt  }
0x77: {  	_ =	shalt  }
0x78: {  	_ =	shalt  }
0x79: {  	_ =	shalt  }
0x7a: {  	_ =	shalt  }
0x7b: {  	_ =	shalt  }
0x7c: {  	_ =	shalt  }
0x7d: {  	_ =	shalt  }
0x7e: {  	_ =	shalt  }
0x7f: {  	_ =	shalt  }
0x80: {  	_ =	shalt  }
0x81: {  	_ =	shalt  }
0x82: {  	_ =	shalt  }
0x83: {  	_ =	shalt  }
0x84: {  	_ =	shalt  }
0x85: {  	_ =	shalt  }
0x86: {  	_ =	shalt  }
0x87: {  	_ =	shalt  }
.Lfunc_end0:
.L_simem_size_0:
called_computation.3_lowered:
.L_overlay_start_0:
0x88: {  	s2 =	sld [smem:$0x3FD9]  }
0x89: {  	s3 =	sld [smem:$0x3FFE];
	_ =	sdelay $0x1  }
0x8a: {  	s1 =	srdreg.scid  }
0x8b: {  	s0 =	sand.u32 $0x1, s1  }
0x8c: {  	s16 =	sshll.u32 s0, $0xA;
	s2 =	sadd.s32 s3, s2  }
0x8d: {  	s2 =	sadd.s32 s2, s16  }
0x8e: {  	[smem:$0x3FA0] =	sst s2  }
0x8f: {  	_ = 	snop  }
0x90: {  	(tm) =	ssettm $0x1  }
0x91: {  	s17 =	sld [smem:$0x3FFB];
	_ =	sdelay $0x3  }
0x92: {  	_ =	strace s17  }
0x93: {  	s2 =	sld [smem:$0x3FFC];
	_ =	sdelay $0x3  }
0x94: {  	_ =	strace s2  }
0x95: {  	s2 =	sld [smem:$0x3FFD];
	_ =	sdelay $0x3  }
0x96: {  	_ =	strace s2  }
0x97: {  	_ =	strace $0x8FFFFFFF  }
0x98: {  	s18 =	sld [smem:$0x3FDB];
	_ =	sdelay $0x1  }
0x99: {  	s19 =	simm.s32 $_scs_section_size  }
0x9a: {  	s4 =	simm.s32 $_size__tile_overlayer_lowered;
	s5 =	simm.s32 $_tile_overlayer_lowered  }
0x9b: {  	s22 =	simm.s32 $0x1BFF;
	s21 =	sshll.u32 s5, $0x1;
	s2 =	sadd.s32 s19, s18  }
0x9c: {  	s6 =	simm.s32 $0x0;
	s20 =	sshll.u32 s4, $0x1;
	s4 =	sadd.s32 s21, s2  }
0x9d: {  	[timem:s6], [sflag:s22] =	dma.local [hbm:s4], s20  }
0x9e: {  	_ =	swait.ge [sflag:s22], s20  }
0x9f: {  	s3 =	ssub.s32 $0x0, s20;
	[sflag:s22] =	ssyncset.done $0x0  }
0xa0: {  	[sflag:s22] =	ssyncadd.s32 s3;
	_ =	sdelay $0x1  }
0xa1: {  	s23 =	simm.s32 $0x1B8B  }
0xa2: {  	_ =	swait.ge [sflag:s23], $0x1  }
0xa3: {  	[sflag:s23] =	ssyncset.done $0x0  }
0xa4: {  	s25 =	simm.s32 $0x1B8E;
	s24 =	sld [smem:$0x3FFE];
	[sflag:s23] =	ssyncadd.s32 $0xFFFFFFFF  }
0xa5: {  	s26 =	simm.s32 $execute0_lowered;
	[smem:$0x3FD2] =	sst s25  }
0xa6: {  	s4 =	sshll.u32 s26, $0x1;
	_ =	strace $0x8000004F;
	[dreg:$0x1] =	wrdreg $0xFFFFFFFF  }
0xa7: {  	s28 =	simm.s32 $_size_execute0_lowered;
	s2 =	sadd.s32 s2, s4;
	[dreg:$0x0] =	wrdreg $0x0  }
0xa8: {  	s4 =	sshll.u32 s28, $0x1;
	[dreg:$0x2] =	wrdreg s2  }
0xa9: {  	[dreg:$0x3] =	wrdreg s4  }
0xaa: {  	[dreg:$0x4] =	wrdreg $0xC0  }
0xab: {  	_ =	task [dreg:s6], $0x5FFFF  }
0xac: {  	[dreg:$0x1] =	wrdreg $0xFFFFFFFF  }
0xad: {  	[dreg:$0x0] =	wrdreg $0x60  }
0xae: {  	[dreg:$0x2] =	wrdreg s24  }
0xaf: {  	[dreg:$0x3] =	wrdreg $0xA8800  }
0xb0: {  	[dreg:$0x4] =	wrdreg $0x9  }
0xb1: {  	_ =	task.clear_ibuf [dreg:s6], $0x5FFFF;
	_ =	strace $0x9000004F  }
0xb2: {  	s29 =	simm.s32 $0x9;
	_ =	strace $0x80000051  }
0xb3: {  	_ =	swait.ge [sflag:s29], $0x1  }
0xb4: {  	[sflag:s29] =	ssyncadd.s32 $0xFFFFFFFF  }
0xb5: {  	_ =	strace $0x90000051  }
0xb6: {  	_ =	sfence  }
0xb7: {  	s30 =	sld [smem:$0x0];
	_ =	sdelay $0x2  }
0xb8: {  	s31 =	sshll.u32 s1, $0xD;
	s1 =	sshrl.u32 s1, $0x2  }
0xb9: {  	s3 =	sand.u32 $0x4000, s31;
	s1 =	sadd.s32 s1, s30  }
0xba: {  	s0 =	sor.u32 s3, s0;
	s1 =	sshll.u32 s1, $0x11  }
0xbb: {  	s0 =	sor.u32 s1, s0  }
0xbc: {  	s0 =	sadd.s32 $0x8F2B, s0  }
0xbd: {  	[sflag:s0] =	ssyncadd.remote.s32 $0x1  }
0xbe: {  	_ =	sfence.sel $0xFFFF  }
0xbf: {  	[dreg:$0x0] =	wrdreg $0xFFFFFFFF;
	(pc) =	sbr.abs _section_cstart, $3  }
0xc0: {  	[dreg:$0x1] =	wrdreg $0xFFFFFFFF  }
0xc1: {  	_ =	task.clear_ibuf [dreg:s6], $0x2FFFF;
	_ =	strace $0x9FFFFFFF  }
0xc2: {  	(tm) =	ssettm $0x7FFFFFFF  }
0xc3: {  	_ =	shalt  }
tec
execute0_lowered:
.L_overlay_start_1:
0x0: {  	(tag) =	ssettag $0x1  }
0x1: {  	s6 =	rddreg [dreg:$0x0]  }
0x2: {  	s2 =	rddreg [dreg:$0x1];
	s1 =	stileid.u32  }
0x3: {  	s4 =	srdreg.scid;
	s5 =	smul.u32 $0x500, s1  }
0x4: {  	s3 =	simm.s32 $0x0;
	s18 =	simm.s32 $0x2800;
	s9 =	smul.u32 $0x50000, s1  }
0x5: {  	s19 =	simm.s32 $0x80;
	s20 =	simm.s32 $0x6880;
	s10 =	smul.u32 $0x50, s1  }
0x6: {  	s21 =	simm.s32 $0x1;
	s7 =	sand.u32 $0x1, s4;
	s25 =	smul.u32 $0x2800, s1  }
0x7: {  	s22 =	simm.s32 $0x2;
	s23 =	simm.s32 $0x3;
	s8 =	smul.u32 $0x27200, s7  }
0x8: {  	[smem:$0x7FF] =	sst s3;
	s4 =	sadd.s32 $0x8000, s6;
	s30 =	smul.u32 $0x280000, s7  }
0x9: {  	_ =	strace $0x80000050;
	s31 =	smul.u32 $0x28000, s7;
	s15 =	ssub.s32 $0x2, s7  }
0xa: {  	s11 =	sadd.s32 s5, s6;
	s9 =	sshrl.u32 s9, $0x2;
	s17 =	sshrl.u32 s15, $0x1  }
0xb: {  	s13 =	sadd.s32 s8, s6;
	s14 =	sadd.s32 s30, s6;
	s5 =	sadd.s32 s9, s2  }
0xc: {  	s16 =	sadd.s32 s31, s6;
	s11 =	sadd.s32 $0xD000, s11;
	s15 =	ssub.s32 s15, s17  }
0xd: {  	s6 =	sadd.s32 $0x4000, s5;
	s7 =	sadd.s32 $0x8000, s5;
	s8 =	sadd.s32 $0xC000, s5  }
0xe: {  	s17 =	simm.s32 $0x4;
	s12 =	sadd.s32 $0x3A5800, s13;
	s13 =	sadd.s32 $0x357400, s13  }
0xf: {  	s9 =	sadd.s32 $0x10000, s5;
	s14 =	sadd.s32 $0x8FBC00, s14;
	s24 =	sadd.s32 $0x12000, s16  }
0x10: {  	v0 =	vimm.f32 $0.0e+00;
	s15 =	smax.u32 s15, $0x1;
	s16 =	simm.s32 $0x2880;
	s24 =	sadd.s32 s25, s24  }
.LBB2_1:
0x11: {  	s25 =	simm.s32 $0x0;
	s26 =	simm.s32 $0x200  }
.LBB2_2:
0x12: {  	p0 =	sne.s32 s26, $0xFE00;
	[tilespmem:s25+$0x28F0] =	vst v0  }
0x13: {  	[tilespmem:s25+$0x2880] =	vst v0  }
0x14: {  	[tilespmem:s25+$0x2890] =	vst v0  }
.Ltmp0:
0x15: {  	[tilespmem:s25+$0x28A0] =	vst v0;
	(pc) =	sbr.rel @p0 .LBB2_2-.Ltmp0, $4  }
0x16: {  	[tilespmem:s25+$0x28B0] =	vst v0  }
0x17: {  	[tilespmem:s25+$0x28C0] =	vst v0  }
0x18: {  	[tilespmem:s25+$0x28D0] =	vst v0  }
0x19: {  	[tilespmem:s25+$0x28E0] =	vst v0;
	s25 =	sshra.s32 s26, $0x2;
	s26 =	sadd.s32 $0x200, s26  }
0x1a: {  	[tilespmem:s25+$0x28F0] =	vst v0  }
0x1b: {  	[tilespmem:s25+$0x2880] =	vst v0  }
0x1c: {  	[tilespmem:s25+$0x2890] =	vst v0  }
0x1d: {  	[tilespmem:s25+$0x28A0] =	vst v0  }
0x1e: {  	[tilespmem:s25+$0x28B0] =	vst v0  }
0x1f: {  	[tilespmem:s25+$0x28C0] =	vst v0  }
0x20: {  	[tilespmem:s25+$0x28D0] =	vst v0  }
0x21: {  	[tilespmem:s25+$0x28E0] =	vst v0  }
0x22: {  	[spmem:s5] =	stream.linear.scatter [tilespmem:s16], [sflag:$0x4], $0x4000, $0x38;
	[tilespmem:$0x1E880] =	vst v63  }
0x23: {  	_ =	swait.ge [sflag:s17], $0x4000  }
0x24: {  	[sflag:s17] =	ssyncset.done $0x0  }
0x25: {  	[sflag:s17] =	ssyncadd.s32 $0xFFFFC000  }
0x26: {  	[spmem:s6] =	stream.linear.scatter [tilespmem:s16], [sflag:$0x4], $0x4000, $0x38;
	[tilespmem:$0x1E880] =	vst v63  }
0x27: {  	_ =	swait.ge [sflag:s17], $0x4000  }
0x28: {  	[sflag:s17] =	ssyncset.done $0x0  }
0x29: {  	[sflag:s17] =	ssyncadd.s32 $0xFFFFC000  }
0x2a: {  	[spmem:s7] =	stream.linear.scatter [tilespmem:s16], [sflag:$0x4], $0x4000, $0x38;
	[tilespmem:$0x1E880] =	vst v63  }
0x2b: {  	_ =	swait.ge [sflag:s17], $0x4000  }
0x2c: {  	[sflag:s17] =	ssyncset.done $0x0  }
0x2d: {  	[sflag:s17] =	ssyncadd.s32 $0xFFFFC000  }
0x2e: {  	[spmem:s8] =	stream.linear.scatter [tilespmem:s16], [sflag:$0x4], $0x4000, $0x38;
	[tilespmem:$0x1E880] =	vst v63  }
0x2f: {  	_ =	swait.ge [sflag:s17], $0x4000  }
0x30: {  	[sflag:s17] =	ssyncset.done $0x0  }
0x31: {  	[sflag:s17] =	ssyncadd.s32 $0xFFFFC000  }
0x32: {  	[spmem:s9] =	stream.linear.scatter [tilespmem:s16], [sflag:$0x4], $0x4000, $0x38;
	[tilespmem:$0x1E880] =	vst v63  }
0x33: {  	_ =	swait.ge [sflag:s17], $0x4000  }
0x34: {  	[sflag:s17] =	ssyncset.done $0x0  }
0x35: {  	[sflag:s17] =	ssyncadd.s32 $0xFFFFC000  }
0x36: {  	s25 =	simm.s32 $0x0;
	[bflag:$0x0] =	sbarrier.arrive $0xFFFF  }
0x37: {  	[tilespmem:s25], [sflag:$0x4] =	stream.linear.gather [hbm4b:s11+s25], $0x2800, $0x38;
	[tilespmem:$0x1E880] =	vst v63  }
0x38: {  	_ =	swait.ge [sflag:s17], $0x2800  }
0x39: {  	[sflag:s17] =	ssyncset.done $0x0  }
0x3a: {  	s26 =	simm.s32 $0x0;
	[sflag:s17] =	ssyncadd.s32 $0xFFFFD800  }
.LBB2_4:
0x3b: {  	s29 =	sadd.s32 s10, s26;
	s28 =	sshll.u32 s26, $0x4  }
0x3c: {  	s30 =	sshll.u32 s29, $0x4;
	s28 =	sand.u32 $0x70, s28  }
0x3d: {  	s30 =	sand.u32 $0xFF80, s30;
	s28 =	sadd.s32 s4, s28  }
0x3e: {  	s28 =	sadd.s32 s30, s28  }
0x3f: {  	[tilespmem:s18], [sflag:$0x4] =	stream.linear.gather [hbm4b:s28+s25], $0x80, $0x38;
	[tilespmem:$0x1E880] =	vst v63  }
0x40: {  	_ =	swait.ge [sflag:s17], $0x80  }
0x41: {  	s28 =	sshll.u32 s26, $0x7;
	[sflag:s17] =	ssyncset.done $0x0  }
0x42: {  	s28 =	sand.u32 $0x3FFFFF80, s28;
	[sflag:s17] =	ssyncadd.s32 $0xFFFFFF80  }
0x43: {  	[tilespmem:s16], [sflag:$0x1] =	stream.indirect.gather [hbm4b:s12+s19], $0x80, s28, s19, $0xb8;
	[tilespmem:$0x1E880] =	vst v63  }
0x44: {  	_ = 	snop  }
0x45: {  	[tilespmem:s20], [sflag:$0x2] =	stream.indirect.gather [hbm4b:s13+s19], $0x80, s18, s19, $0xb8;
	[tilespmem:$0x1E880] =	vst v63  }
0x46: {  	_ =	swait.ge [sflag:s21], $0x4000  }
0x47: {  	[sflag:s21] =	ssyncset.done $0x0  }
0x48: {  	[sflag:s21] =	ssyncadd.s32 $0xFFFFC000  }
0x49: {  	_ =	swait.ge [sflag:s22], $0x4000  }
0x4a: {  	[sflag:s22] =	ssyncset.done $0x0  }
0x4b: {  	s30 =	simm.s32 $0x0;
	[sflag:s22] =	ssyncadd.s32 $0xFFFFC000  }
0x4c: {  	v8 =	vld [tilespmem:s30+$0x6880]  }
0x4d: {  	v12 =	vld [tilespmem:s30+$0x6890]  }
0x4e: {  	v6 =	vld [tilespmem:s30+$0x68A0]  }
0x4f: {  	v5 =	vld [tilespmem:s30+$0x68B0]  }
0x50: {  	v4 =	vld [tilespmem:s30+$0x68C0]  }
0x51: {  	v3 =	vld [tilespmem:s30+$0x68D0]  }
0x52: {  	v2 =	vld [tilespmem:s30+$0x68E0]  }
0x53: {  	v1 =	vld [tilespmem:s30+$0x68F0]  }
0x54: {  	v13 =	vld [tilespmem:s30+$0x2880]  }
0x55: {  	v14 =	vld [tilespmem:s30+$0x2890]  }
0x56: {  	v11 =	vld [tilespmem:s30+$0x28A0]  }
0x57: {  	v10 =	vld [tilespmem:s30+$0x28B0]  }
0x58: {  	v9 =	vld [tilespmem:s30+$0x28C0]  }
0x59: {  	v7 =	vld [tilespmem:s30+$0x28D0];
	v13 =	vadd.f32 v8, v13  }
0x5a: {  	s31 =	simm.s32 $0x200;
	v12 =	vadd.f32 v12, v14;
	v8 =	vld [tilespmem:s30+$0x28E0]  }
.LBB2_5:
0x5b: {  	s0 =	sshra.s32 s31, $0x2;
	p0 =	sne.s32 s31, $0xFE00;
	[tilespmem:s30+$0x2880] =	vst v13;
	v6 =	vadd.f32 v6, v11;
	v11 =	vld [tilespmem:s30+$0x28F0]  }
0x5c: {  	v13 =	vld [tilespmem:s0+$0x6880];
	[tilespmem:s30+$0x2890] =	vst v12;
	v5 =	vadd.f32 v5, v10  }
0x5d: {  	v12 =	vld [tilespmem:s0+$0x6890];
	[tilespmem:s30+$0x28A0] =	vst v6;
	v4 =	vadd.f32 v4, v9  }
0x5e: {  	v6 =	vld [tilespmem:s0+$0x68A0];
	[tilespmem:s30+$0x28B0] =	vst v5;
	v3 =	vadd.f32 v3, v7  }
0x5f: {  	v5 =	vld [tilespmem:s0+$0x68B0];
	[tilespmem:s30+$0x28C0] =	vst v4;
	v2 =	vadd.f32 v2, v8  }
0x60: {  	v4 =	vld [tilespmem:s0+$0x68C0];
	[tilespmem:s30+$0x28D0] =	vst v3;
	v1 =	vadd.f32 v1, v11  }
0x61: {  	v3 =	vld [tilespmem:s0+$0x68D0];
	[tilespmem:s30+$0x28E0] =	vst v2  }
0x62: {  	v2 =	vld [tilespmem:s0+$0x68E0];
	[tilespmem:s30+$0x28F0] =	vst v1;
	s30 =	smov.u32 s0  }
0x63: {  	v1 =	vld [tilespmem:s30+$0x68F0]  }
0x64: {  	v7 =	vld [tilespmem:s30+$0x2880]  }
0x65: {  	v8 =	vld [tilespmem:s30+$0x2890]  }
.Ltmp1:
0x66: {  	v11 =	vld [tilespmem:s30+$0x28A0];
	(pc) =	sbr.rel @p0 .LBB2_5-.Ltmp1, $4  }
0x67: {  	v10 =	vld [tilespmem:s30+$0x28B0]  }
0x68: {  	v9 =	vld [tilespmem:s30+$0x28C0]  }
0x69: {  	v13 =	vadd.f32 v13, v7;
	v7 =	vld [tilespmem:s30+$0x28D0]  }
0x6a: {  	s31 =	sadd.s32 $0x200, s31;
	v12 =	vadd.f32 v12, v8;
	v8 =	vld [tilespmem:s30+$0x28E0]  }
0x6b: {  	[tilespmem:s30+$0x2880] =	vst v13;
	v6 =	vadd.f32 v6, v11;
	v11 =	vld [tilespmem:s30+$0x28F0]  }
0x6c: {  	[tilespmem:s30+$0x2890] =	vst v12;
	v5 =	vadd.f32 v5, v10  }
0x6d: {  	[tilespmem:s30+$0x28A0] =	vst v6;
	v4 =	vadd.f32 v4, v9  }
0x6e: {  	[tilespmem:s30+$0x28B0] =	vst v5;
	v3 =	vadd.f32 v3, v7  }
0x6f: {  	[tilespmem:s30+$0x28C0] =	vst v4;
	v2 =	vadd.f32 v2, v8  }
0x70: {  	[tilespmem:s30+$0x28D0] =	vst v3;
	v1 =	vadd.f32 v1, v11  }
0x71: {  	s0 =	sshll.u32 s29, $0xB;
	[tilespmem:s30+$0x28E0] =	vst v2  }
0x72: {  	s29 =	simm.s32 $0x0;
	s0 =	sadd.s32 s0, s14;
	[tilespmem:s30+$0x28F0] =	vst v1  }
0x73: {  	[tilespmem:s20], [sflag:$0x3] =	stream.linear.gather [hbm4b:s0+s29], $0x4000, $0x38;
	[tilespmem:$0x1E880] =	vst v63  }
0x74: {  	_ =	swait.ge [sflag:s23], $0x4000  }
0x75: {  	[sflag:s23] =	ssyncset.done $0x0  }
0x76: {  	s29 =	simm.s32 $0x0;
	[sflag:s23] =	ssyncadd.s32 $0xFFFFC000  }
0x77: {  	v7 =	vld [tilespmem:s29+$0x6880]  }
0x78: {  	v12 =	vld [tilespmem:s29+$0x6890]  }
0x79: {  	v6 =	vld [tilespmem:s29+$0x68A0]  }
0x7a: {  	v5 =	vld [tilespmem:s29+$0x68B0]  }
0x7b: {  	v4 =	vld [tilespmem:s29+$0x68C0]  }
0x7c: {  	v3 =	vld [tilespmem:s29+$0x68D0]  }
0x7d: {  	v2 =	vld [tilespmem:s29+$0x68E0]  }
0x7e: {  	v1 =	vld [tilespmem:s29+$0x68F0]  }
0x7f: {  	v13 =	vld [tilespmem:s29+$0x2880]  }
0x80: {  	v14 =	vld [tilespmem:s29+$0x2890]  }
0x81: {  	v11 =	vld [tilespmem:s29+$0x28A0]  }
0x82: {  	v10 =	vld [tilespmem:s29+$0x28B0]  }
0x83: {  	v9 =	vld [tilespmem:s29+$0x28C0]  }
0x84: {  	v8 =	vld [tilespmem:s29+$0x28D0];
	v13 =	vadd.f32 v7, v13  }
0x85: {  	s30 =	simm.s32 $0x200;
	v12 =	vadd.f32 v12, v14;
	v7 =	vld [tilespmem:s29+$0x28E0]  }
.LBB2_7:
0x86: {  	s0 =	sshra.s32 s30, $0x2;
	p0 =	sne.s32 s30, $0xFE00;
	v13 =	vmax.f32 v13, $0.0e+00;
	v6 =	vadd.f32 v6, v11;
	v11 =	vld [tilespmem:s29+$0x28F0]  }
0x87: {  	v14 =	vld [tilespmem:s0+$0x6880];
	[tilespmem:s29+$0x2880] =	vst v13;
	v12 =	vmax.f32 v12, $0.0e+00;
	v5 =	vadd.f32 v5, v10  }
0x88: {  	v15 =	vld [tilespmem:s0+$0x6890];
	[tilespmem:s29+$0x2890] =	vst v12;
	v10 =	vmax.f32 v6, $0.0e+00;
	v4 =	vadd.f32 v4, v9  }
0x89: {  	v6 =	vld [tilespmem:s0+$0x68A0];
	[tilespmem:s29+$0x28A0] =	vst v10;
	v9 =	vmax.f32 v5, $0.0e+00;
	v3 =	vadd.f32 v3, v8  }
0x8a: {  	v5 =	vld [tilespmem:s0+$0x68B0];
	[tilespmem:s29+$0x28B0] =	vst v9;
	v8 =	vmax.f32 v4, $0.0e+00;
	v2 =	vadd.f32 v2, v7  }
0x8b: {  	v4 =	vld [tilespmem:s0+$0x68C0];
	[tilespmem:s29+$0x28C0] =	vst v8;
	v7 =	vmax.f32 v3, $0.0e+00;
	v1 =	vadd.f32 v1, v11  }
0x8c: {  	v3 =	vld [tilespmem:s0+$0x68D0];
	[tilespmem:s29+$0x28D0] =	vst v7;
	v7 =	vmax.f32 v2, $0.0e+00  }
0x8d: {  	v2 =	vld [tilespmem:s0+$0x68E0];
	[tilespmem:s29+$0x28E0] =	vst v7;
	v7 =	vmax.f32 v1, $0.0e+00  }
0x8e: {  	v1 =	vld [tilespmem:s0+$0x68F0];
	[tilespmem:s29+$0x28F0] =	vst v7;
	s29 =	smov.u32 s0  }
0x8f: {  	v7 =	vld [tilespmem:s29+$0x2880]  }
0x90: {  	v12 =	vld [tilespmem:s29+$0x2890]  }
.Ltmp2:
0x91: {  	v11 =	vld [tilespmem:s29+$0x28A0];
	(pc) =	sbr.rel @p0 .LBB2_7-.Ltmp2, $4  }
0x92: {  	v10 =	vld [tilespmem:s29+$0x28B0]  }
0x93: {  	v9 =	vld [tilespmem:s29+$0x28C0]  }
0x94: {  	v13 =	vadd.f32 v14, v7;
	v8 =	vld [tilespmem:s29+$0x28D0]  }
0x95: {  	s30 =	sadd.s32 $0x200, s30;
	v12 =	vadd.f32 v15, v12;
	v7 =	vld [tilespmem:s29+$0x28E0]  }
0x96: {  	v13 =	vmax.f32 v13, $0.0e+00;
	v6 =	vadd.f32 v6, v11;
	v63 =	vld [tilespmem:s29+$0x28F0]  }
0x97: {  	[tilespmem:s29+$0x2880] =	vst v13;
	v12 =	vmax.f32 v12, $0.0e+00;
	v5 =	vadd.f32 v5, v10  }
0x98: {  	[tilespmem:s29+$0x2890] =	vst v12;
	v6 =	vmax.f32 v6, $0.0e+00;
	v4 =	vadd.f32 v4, v9  }
0x99: {  	[tilespmem:s29+$0x28A0] =	vst v6;
	v5 =	vmax.f32 v5, $0.0e+00;
	v3 =	vadd.f32 v3, v8  }
0x9a: {  	[tilespmem:s29+$0x28B0] =	vst v5;
	v4 =	vmax.f32 v4, $0.0e+00;
	v2 =	vadd.f32 v2, v7  }
0x9b: {  	[tilespmem:s29+$0x28C0] =	vst v4;
	v3 =	vmax.f32 v3, $0.0e+00;
	v1 =	vadd.f32 v1, v63  }
0x9c: {  	s26 =	sadd.s32 $0x1, s26;
	[tilespmem:s29+$0x28D0] =	vst v3;
	v2 =	vmax.f32 v2, $0.0e+00  }
0x9d: {  	p0 =	sne.s32 s26, $0x50;
	[tilespmem:s29+$0x28E0] =	vst v2;
	v1 =	vmax.f32 v1, $0.0e+00  }
.Ltmp3:
0x9e: {  	[tilespmem:s29+$0x28F0] =	vst v1;
	(pc) =	sbr.rel @p0 .LBB2_4-.Ltmp3, $4  }
0x9f: {  	[spmem:s2] =	stream.indirect.scatter.add.f32 [tilespmem:s16], [sflag:$0x4], $0x80, s28, s19, $0xb8;
	[tilespmem:$0x1E880] =	vst v63  }
0xa0: {  	_ =	swait.ge [sflag:s17], $0x4000  }
0xa1: {  	[sflag:s17] =	ssyncset.done $0x0  }
0xa2: {  	[sflag:s17] =	ssyncadd.s32 $0xFFFFC000  }
0xa3: {  	s3 =	sadd.s32 $0x1, s3  }
0xa4: {  	s0 =	sshll.u32 s1, $0x6;
	[bflag:$0x0] =	sbarrier.arrive $0xFFFF;
	p0 =	sne.s32 s3, s15  }
.Ltmp4:
0xa5: {  	s25 =	sshrl.u32 s5, $0x3;
	s0 =	sor.u32 $0x1C04, s0;
	(pc) =	sbr.rel @p0 .LBB2_1-.Ltmp4, $4  }
0xa6: {  	[hbm:s24], [sflag:s0] =	dma.local [spmem:s25], $0x2800  }
0xa7: {  	_ =	swait.ge [sflag:s17], $0x2800  }
0xa8: {  	[sflag:s17] =	ssyncset.done $0x0  }
0xa9: {  	[sflag:s17] =	ssyncadd.s32 $0xFFFFD800  }
0xaa: {  	_ =	sfence.sel $0x180000  }
0xab: {  	[bflag:$0x0] =	sbarrier.arrive $0xFFFF  }
0xac: {  	_ =	strace $0x90000050  }
0xad: {  	[bflag:$0x2] =	sbarrier.arrive $0xFFFF  }
0xae: {  	p0 =	sne.s32 s1, $0x0;
	s0 =	rddreg [dreg:$0x2]  }
0xaf: {  	s0 =	sadd.s32 @!p0 $0x100000, s0  }
0xb0: {  	[sflag:s0] =	ssyncadd.tile.s32 @!p0 $0x1;
	_ =	shalt  }
.Lfunc_end2:
_tile_overlayer_lowered:
.L_overlay_start_2:
0xb1: {  	(tag) =	ssettag $0x2  }
0xb2: {  	s0 =	rddreg [dreg:$0x0];
	s2 =	stileid.u32  }
0xb3: {  	s1 =	rddreg [dreg:$0x1];
	p0 =	sne.s32 s2, $0x0  }
0xb4: {  	s3 =	rddreg [dreg:$0x2];
	[bflag:$0x3] =	sbarrier.arrive $0xFFFF;
	s2 =	simm.s32 @!p0 $0x1C04  }
0xb5: {  	[timem:s3], [sflag:s2] =	dma.local @!p0 [hbm:s0], s1  }
0xb6: {  	s0 =	simm.s32 @!p0 $0x4  }
0xb7: {  	_ =	swait.ge @!p0 [sflag:s0], s1  }
0xb8: {  	s1 =	ssub.s32 @!p0 $0x0, s1;
	[sflag:s0] =	ssyncset.done @!p0 $0x0  }
0xb9: {  	[sflag:s0] =	ssyncadd.s32 @!p0 s1  }
0xba: {  	[bflag:$0x3] =	sbarrier.arrive $0xFFFF  }
0xbb: {  	_ =	shalt  }

// kernel: kernel.29.cloned.1.call-start
scs
__scs_entry_jumppad:
0x0: {  	(pc) =	sbr.rel $0x88, $3  }
0x1: {  	(tag) =	ssettag $0x0;
	lr =	simm.s32 $0x1  }
0x2: {  	[smem:$0x3F79] =	sst lr;
	_ =	strace $0xD0000000  }
0x3: {  	_ = 	snop  }
0x4: {  	_ = 	snop  }
0x5: {  	_ = 	snop  }
0x6: {  	_ = 	snop  }
0x7: {  	_ = 	snop  }
__scs_overlays_trampoline_lowered:
0x8: {  	[smem:$0x3F88] =	sst s0  }
0x9: {  	[smem:$0x3F89] =	sst s1  }
0xa: {  	[smem:$0x3F8A] =	sst s2  }
0xb: {  	[smem:$0x3F8B] =	sst s3  }
0xc: {  	[smem:$0x3F8C] =	sst s4  }
0xd: {  	[smem:$0x3F8D] =	sst s5  }
0xe: {  	[smem:$0x3F8E] =	sst s6  }
0xf: {  	[smem:$0x3F8F] =	sst s7  }
0x10: {  	[smem:$0x3F90] =	sst s8  }
0x11: {  	[smem:$0x3F91] =	sst s9;
	s0 =	simm.s32 @!p0 $0x0  }
0x12: {  	s1 =	sld [smem:$0x3F77];
	s0 =	simm.s32 @p0 $0x1  }
0x13: {  	[smem:$0x3F92] =	sst s0;
	s0 =	simm.s32 @!p1 $0x0  }
0x14: {  	s2 =	sld [smem:$0x3F76];
	s0 =	simm.s32 @p1 $0x1  }
0x15: {  	[smem:$0x3F93] =	sst s0;
	s0 =	simm.s32 @!p2 $0x0  }
0x16: {  	s3 =	sld [smem:$0x3FDB];
	s0 =	simm.s32 @p2 $0x1  }
0x17: {  	s4 =	simm.s32 $0x1BF5;
	[smem:$0x3F95] =	sst s0  }
0x18: {  	s0 =	sld [smem:$0x3F78];
	_ =	swait.ge [sflag:s4], $0x0  }
0x19: {  	s7 =	sld [smem:$0x3F79]  }
0x1a: {  	s8 =	sadd.s32 $0xFFFFE003, lr  }
0x1b: {  	s9 =	sadd.s32 $0xFFFFFEF7, lr;
	s5 =	simm.s32 $0xFFFFFFFF;
	p2 =	slt.u32 s8, $0xFFFFF086  }
0x1c: {  	p1 =	slt.u32 s9, $0xF7A;
	s5 =	simm.s32 @!p2 $0x0  }
0x1d: {  	s5 =	simm.s32 @p1 $0x1;
	p0 =	seq.s32 s7, s2  }
0x1e: {  	s7 =	smul.u32 @!p0 $0xF7A, s2;
	p2 =	seq.s32 @!p0 s5, $0x0  }
0x1f: {  	s9 =	smul.u32 $0xF7A, s1;
	s8 =	simm.s32 @!p0 $0x1BF5;
	p2 =	por !p2, p0  }
0x20: {  	[sflag:s8] =	ssyncset.s32 @!p0 $0xFFFFF086;
	s6 =	sadd.s32 @!p0 s3, s7;
	s7 =	simm.s32 @!p0 $0x108  }
0x21: {  	s3 =	sadd.s32 s3, s9;
	s6 =	sadd.s32 @!p0 $0x88, s6;
	s7 =	simm.s32 @p2 $0x1082  }
0x22: {  	[simem:s7], [sflag:s8] =	dma.local @!p0 [hbm:s6], $0xF7A  }
0x23: {  	s9 =	sor.u32 $0xD0000000, s2;
	s6 =	simm.s32 $0x108;
	_ =	swait.ge @!p0 [sflag:s8], $0x0  }
0x24: {  	s3 =	sadd.s32 $0x88, s3;
	s6 =	simm.s32 @!p1 $0x1082;
	[sflag:s4] =	ssyncset.s32 $0xFFFFF086  }
0x25: {  	[simem:s6], [sflag:s4] =	dma.local [hbm:s3], $0xF7A  }
0x26: {  	[smem:$0x3F79] =	sst s1;
	(tag) =	ssettag s2;
	_ =	strace s9  }
0x27: {  	s1 =	sld [smem:$0x3F89]  }
0x28: {  	s2 =	sld [smem:$0x3F8A]  }
0x29: {  	s4 =	sld [smem:$0x3F8C]  }
0x2a: {  	p0 =	seq.s32 s5, $0x0;
	s5 =	sld [smem:$0x3F8D]  }
0x2b: {  	s6 =	sld [smem:$0x3F8E]  }
0x2c: {  	s7 =	sld [smem:$0x3F8F]  }
0x2d: {  	s3 =	simm.s32 $0x108;
	s8 =	sld [smem:$0x3F90]  }
0x2e: {  	s3 =	simm.s32 @!p0 $0x1082;
	s9 =	sld [smem:$0x3F91]  }
0x2f: {  	lr =	sadd.s32 s0, s3;
	s0 =	sld [smem:$0x3F88]  }
0x30: {  	s3 =	sld [smem:$0x3F8B]  }
0x31: {  	[smem:$0x3F94] =	sst s10  }
0x32: {  	s10 =	sld [smem:$0x3F92];
	_ =	sdelay $0x3  }
0x33: {  	p0 =	seq.s32 s10, $0x1;
	s10 =	sld [smem:$0x3F94];
	_ =	sdelay $0x3  }
0x34: {  	[smem:$0x3F94] =	sst s10  }
0x35: {  	s10 =	sld [smem:$0x3F93];
	_ =	sdelay $0x3  }
0x36: {  	p1 =	seq.s32 s10, $0x1;
	s10 =	sld [smem:$0x3F94];
	_ =	sdelay $0x3  }
0x37: {  	[smem:$0x3F94] =	sst s10  }
0x38: {  	s10 =	sld [smem:$0x3F95]  }
0x39: {  	_ = 	snop;
	(pc) =	sbr.ind lr, $3  }
0x3a: {  	_ = 	snop  }
0x3b: {  	_ = 	snop  }
0x3c: {  	p2 =	seq.s32 s10, $0x1;
	s10 =	sld [smem:$0x3F94]  }
0x3d: {  	_ =	shalt  }
0x3e: {  	_ =	shalt  }
0x3f: {  	_ =	shalt  }
0x40: {  	_ =	shalt  }
0x41: {  	_ =	shalt  }
0x42: {  	_ =	shalt  }
0x43: {  	_ =	shalt  }
0x44: {  	_ =	shalt  }
0x45: {  	_ =	shalt  }
0x46: {  	_ =	shalt  }
0x47: {  	_ =	shalt  }
0x48: {  	_ =	shalt  }
0x49: {  	_ =	shalt  }
0x4a: {  	_ =	shalt  }
0x4b: {  	_ =	shalt  }
0x4c: {  	_ =	shalt  }
0x4d: {  	_ =	shalt  }
0x4e: {  	_ =	shalt  }
0x4f: {  	_ =	shalt  }
0x50: {  	_ =	shalt  }
0x51: {  	_ =	shalt  }
0x52: {  	_ =	shalt  }
0x53: {  	_ =	shalt  }
0x54: {  	_ =	shalt  }
0x55: {  	_ =	shalt  }
0x56: {  	_ =	shalt  }
0x57: {  	_ =	shalt  }
0x58: {  	_ =	shalt  }
0x59: {  	_ =	shalt  }
0x5a: {  	_ =	shalt  }
0x5b: {  	_ =	shalt  }
0x5c: {  	_ =	shalt  }
0x5d: {  	_ =	shalt  }
0x5e: {  	_ =	shalt  }
0x5f: {  	_ =	shalt  }
0x60: {  	_ =	shalt  }
0x61: {  	_ =	shalt  }
0x62: {  	_ =	shalt  }
0x63: {  	_ =	shalt  }
0x64: {  	_ =	shalt  }
0x65: {  	_ =	shalt  }
0x66: {  	_ =	shalt  }
0x67: {  	_ =	shalt  }
0x68: {  	_ =	shalt  }
0x69: {  	_ =	shalt  }
0x6a: {  	_ =	shalt  }
0x6b: {  	_ =	shalt  }
0x6c: {  	_ =	shalt  }
0x6d: {  	_ =	shalt  }
0x6e: {  	_ =	shalt  }
0x6f: {  	_ =	shalt  }
0x70: {  	_ =	shalt  }
0x71: {  	_ =	shalt  }
0x72: {  	_ =	shalt  }
0x73: {  	_ =	shalt  }
0x74: {  	_ =	shalt  }
0x75: {  	_ =	shalt  }
0x76: {  	_ =	shalt  }
0x77: {  	_ =	shalt  }
0x78: {  	_ =	shalt  }
0x79: {  	_ =	shalt  }
0x7a: {  	_ =	shalt  }
0x7b: {  	_ =	shalt  }
0x7c: {  	_ =	shalt  }
0x7d: {  	_ =	shalt  }
0x7e: {  	_ =	shalt  }
0x7f: {  	_ =	shalt  }
0x80: {  	_ =	shalt  }
0x81: {  	_ =	shalt  }
0x82: {  	_ =	shalt  }
0x83: {  	_ =	shalt  }
0x84: {  	_ =	shalt  }
0x85: {  	_ =	shalt  }
0x86: {  	_ =	shalt  }
0x87: {  	_ =	shalt  }
.Lfunc_end0:
.L_simem_size_0:
called_computation.4_lowered:
.L_overlay_start_0:
0x88: {  	s2 =	sld [smem:$0x3FD9]  }
0x89: {  	s3 =	sld [smem:$0x3FFE];
	_ =	sdelay $0x1  }
0x8a: {  	s1 =	srdreg.scid  }
0x8b: {  	s0 =	sand.u32 $0x1, s1  }
0x8c: {  	s16 =	sshll.u32 s0, $0xA;
	s2 =	sadd.s32 s3, s2  }
0x8d: {  	s2 =	sadd.s32 s2, s16  }
0x8e: {  	[smem:$0x3FA0] =	sst s2  }
0x8f: {  	_ = 	snop  }
0x90: {  	(tm) =	ssettm $0x1  }
0x91: {  	s17 =	sld [smem:$0x3FFB];
	_ =	sdelay $0x3  }
0x92: {  	_ =	strace s17  }
0x93: {  	s2 =	sld [smem:$0x3FFC];
	_ =	sdelay $0x3  }
0x94: {  	_ =	strace s2  }
0x95: {  	s2 =	sld [smem:$0x3FFD];
	_ =	sdelay $0x3  }
0x96: {  	_ =	strace s2  }
0x97: {  	_ =	strace $0x8FFFFFFF  }
0x98: {  	s18 =	sld [smem:$0x3FDB];
	_ =	sdelay $0x1  }
0x99: {  	s19 =	simm.s32 $_scs_section_size  }
0x9a: {  	s4 =	simm.s32 $_size__tile_overlayer_lowered;
	s5 =	simm.s32 $_tile_overlayer_lowered  }
0x9b: {  	s22 =	simm.s32 $0x1BFF;
	s21 =	sshll.u32 s5, $0x1;
	s2 =	sadd.s32 s19, s18  }
0x9c: {  	s6 =	simm.s32 $0x0;
	s20 =	sshll.u32 s4, $0x1;
	s4 =	sadd.s32 s21, s2  }
0x9d: {  	[timem:s6], [sflag:s22] =	dma.local [hbm:s4], s20  }
0x9e: {  	_ =	swait.ge [sflag:s22], s20  }
0x9f: {  	s3 =	ssub.s32 $0x0, s20;
	[sflag:s22] =	ssyncset.done $0x0  }
0xa0: {  	[sflag:s22] =	ssyncadd.s32 s3;
	_ =	sdelay $0x1  }
0xa1: {  	s23 =	simm.s32 $0x1B8B  }
0xa2: {  	_ =	swait.ge [sflag:s23], $0x1  }
0xa3: {  	[sflag:s23] =	ssyncset.done $0x0  }
0xa4: {  	s25 =	simm.s32 $0x1B8E;
	s24 =	sld [smem:$0x3FFE];
	[sflag:s23] =	ssyncadd.s32 $0xFFFFFFFF  }
0xa5: {  	s26 =	simm.s32 $execute0_lowered;
	[smem:$0x3FD2] =	sst s25  }
0xa6: {  	s4 =	sshll.u32 s26, $0x1;
	_ =	strace $0x80000052;
	[dreg:$0x1] =	wrdreg $0xFFFFFFFF  }
0xa7: {  	s28 =	simm.s32 $_size_execute0_lowered;
	s2 =	sadd.s32 s2, s4;
	[dreg:$0x0] =	wrdreg $0x0  }
0xa8: {  	s4 =	sshll.u32 s28, $0x1;
	[dreg:$0x2] =	wrdreg s2  }
0xa9: {  	[dreg:$0x3] =	wrdreg s4  }
0xaa: {  	[dreg:$0x4] =	wrdreg $0xC0  }
0xab: {  	_ =	task [dreg:s6], $0x5FFFF  }
0xac: {  	[dreg:$0x1] =	wrdreg $0xFFFFFFFF  }
0xad: {  	[dreg:$0x0] =	wrdreg $0x60  }
0xae: {  	[dreg:$0x2] =	wrdreg s24  }
0xaf: {  	[dreg:$0x3] =	wrdreg $0xA8800  }
0xb0: {  	[dreg:$0x4] =	wrdreg $0x9  }
0xb1: {  	_ =	task.clear_ibuf [dreg:s6], $0x5FFFF;
	_ =	strace $0x90000052  }
0xb2: {  	s29 =	simm.s32 $0x9;
	_ =	strace $0x80000054  }
0xb3: {  	_ =	swait.ge [sflag:s29], $0x1  }
0xb4: {  	[sflag:s29] =	ssyncadd.s32 $0xFFFFFFFF  }
0xb5: {  	_ =	strace $0x90000054  }
0xb6: {  	_ =	sfence  }
0xb7: {  	s30 =	sld [smem:$0x0];
	_ =	sdelay $0x2  }
0xb8: {  	s31 =	sshll.u32 s1, $0xD;
	s1 =	sshrl.u32 s1, $0x2  }
0xb9: {  	s3 =	sand.u32 $0x4000, s31;
	s1 =	sadd.s32 s1, s30  }
0xba: {  	s0 =	sor.u32 s3, s0;
	s1 =	sshll.u32 s1, $0x11  }
0xbb: {  	s0 =	sor.u32 s1, s0  }
0xbc: {  	s0 =	sadd.s32 $0x8F2B, s0  }
0xbd: {  	[sflag:s0] =	ssyncadd.remote.s32 $0x1  }
0xbe: {  	_ =	sfence.sel $0xFFFF  }
0xbf: {  	[dreg:$0x0] =	wrdreg $0xFFFFFFFF;
	(pc) =	sbr.abs _section_cstart, $3  }
0xc0: {  	[dreg:$0x1] =	wrdreg $0xFFFFFFFF  }
0xc1: {  	_ =	task.clear_ibuf [dreg:s6], $0x2FFFF;
	_ =	strace $0x9FFFFFFF  }
0xc2: {  	(tm) =	ssettm $0x7FFFFFFF  }
0xc3: {  	_ =	shalt  }
tec
execute0_lowered:
.L_overlay_start_1:
0x0: {  	(tag) =	ssettag $0x1  }
0x1: {  	s5 =	rddreg [dreg:$0x0]  }
0x2: {  	s2 =	rddreg [dreg:$0x1];
	s1 =	stileid.u32  }
0x3: {  	s4 =	srdreg.scid;
	s6 =	smul.u32 $0x500, s1  }
0x4: {  	s3 =	simm.s32 $0x0;
	s17 =	simm.s32 $0x4;
	s29 =	smul.u32 $0x50000, s1  }
0x5: {  	s18 =	simm.s32 $0x2800;
	s19 =	simm.s32 $0x80;
	s10 =	smul.u32 $0x50, s1  }
0x6: {  	s20 =	simm.s32 $0x6880;
	s7 =	sand.u32 $0x1, s4;
	s25 =	smul.u32 $0x2800, s1  }
0x7: {  	s21 =	simm.s32 $0x1;
	s22 =	simm.s32 $0x2;
	s8 =	smul.u32 $0x27200, s7  }
0x8: {  	s23 =	simm.s32 $0x3;
	[smem:$0x7FF] =	sst s3;
	s9 =	smul.u32 $0x280000, s7  }
0x9: {  	s4 =	sadd.s32 $0x8000, s5;
	s30 =	smul.u32 $0x28000, s7;
	s7 =	ssub.s32 $0x2, s7  }
0xa: {  	_ =	strace $0x80000053;
	s11 =	sadd.s32 s6, s5;
	s31 =	sshrl.u32 s7, $0x1  }
0xb: {  	s6 =	sshrl.u32 s29, $0x2;
	s13 =	sadd.s32 s8, s5;
	s14 =	sadd.s32 s9, s5  }
0xc: {  	s15 =	sadd.s32 s30, s5;
	s16 =	ssub.s32 s7, s31;
	s5 =	sadd.s32 s6, s2  }
0xd: {  	s11 =	sadd.s32 $0xD000, s11;
	s6 =	sadd.s32 $0x4000, s5;
	s7 =	sadd.s32 $0x8000, s5  }
0xe: {  	s8 =	sadd.s32 $0xC000, s5;
	s9 =	sadd.s32 $0x10000, s5;
	s12 =	sadd.s32 $0x60400, s13  }
0xf: {  	s13 =	sadd.s32 $0x12000, s13;
	s14 =	sadd.s32 $0xDFBC00, s14;
	s24 =	sadd.s32 $0xAE800, s15  }
0x10: {  	v0 =	vimm.f32 $0.0e+00;
	s15 =	smax.u32 s16, $0x1;
	s16 =	simm.s32 $0x2880;
	s24 =	sadd.s32 s25, s24  }
.LBB2_1:
0x11: {  	s25 =	simm.s32 $0x0;
	s26 =	simm.s32 $0x200  }
.LBB2_2:
0x12: {  	p0 =	sne.s32 s26, $0xFE00;
	[tilespmem:s25+$0x28F0] =	vst v0  }
0x13: {  	[tilespmem:s25+$0x2880] =	vst v0  }
0x14: {  	[tilespmem:s25+$0x2890] =	vst v0  }
.Ltmp0:
0x15: {  	[tilespmem:s25+$0x28A0] =	vst v0;
	(pc) =	sbr.rel @p0 .LBB2_2-.Ltmp0, $4  }
0x16: {  	[tilespmem:s25+$0x28B0] =	vst v0  }
0x17: {  	[tilespmem:s25+$0x28C0] =	vst v0  }
0x18: {  	[tilespmem:s25+$0x28D0] =	vst v0  }
0x19: {  	[tilespmem:s25+$0x28E0] =	vst v0;
	s25 =	sshra.s32 s26, $0x2;
	s26 =	sadd.s32 $0x200, s26  }
0x1a: {  	[tilespmem:s25+$0x28F0] =	vst v0  }
0x1b: {  	[tilespmem:s25+$0x2880] =	vst v0  }
0x1c: {  	[tilespmem:s25+$0x2890] =	vst v0  }
0x1d: {  	[tilespmem:s25+$0x28A0] =	vst v0  }
0x1e: {  	[tilespmem:s25+$0x28B0] =	vst v0  }
0x1f: {  	[tilespmem:s25+$0x28C0] =	vst v0  }
0x20: {  	[tilespmem:s25+$0x28D0] =	vst v0  }
0x21: {  	[tilespmem:s25+$0x28E0] =	vst v0  }
0x22: {  	[spmem:s5] =	stream.linear.scatter [tilespmem:s16], [sflag:$0x4], $0x4000, $0x38;
	[tilespmem:$0x1E880] =	vst v63  }
0x23: {  	_ =	swait.ge [sflag:s17], $0x4000  }
0x24: {  	[sflag:s17] =	ssyncset.done $0x0  }
0x25: {  	[sflag:s17] =	ssyncadd.s32 $0xFFFFC000  }
0x26: {  	[spmem:s6] =	stream.linear.scatter [tilespmem:s16], [sflag:$0x4], $0x4000, $0x38;
	[tilespmem:$0x1E880] =	vst v63  }
0x27: {  	_ =	swait.ge [sflag:s17], $0x4000  }
0x28: {  	[sflag:s17] =	ssyncset.done $0x0  }
0x29: {  	[sflag:s17] =	ssyncadd.s32 $0xFFFFC000  }
0x2a: {  	[spmem:s7] =	stream.linear.scatter [tilespmem:s16], [sflag:$0x4], $0x4000, $0x38;
	[tilespmem:$0x1E880] =	vst v63  }
0x2b: {  	_ =	swait.ge [sflag:s17], $0x4000  }
0x2c: {  	[sflag:s17] =	ssyncset.done $0x0  }
0x2d: {  	[sflag:s17] =	ssyncadd.s32 $0xFFFFC000  }
0x2e: {  	[spmem:s8] =	stream.linear.scatter [tilespmem:s16], [sflag:$0x4], $0x4000, $0x38;
	[tilespmem:$0x1E880] =	vst v63  }
0x2f: {  	_ =	swait.ge [sflag:s17], $0x4000  }
0x30: {  	[sflag:s17] =	ssyncset.done $0x0  }
0x31: {  	[sflag:s17] =	ssyncadd.s32 $0xFFFFC000  }
0x32: {  	[spmem:s9] =	stream.linear.scatter [tilespmem:s16], [sflag:$0x4], $0x4000, $0x38;
	[tilespmem:$0x1E880] =	vst v63  }
0x33: {  	_ =	swait.ge [sflag:s17], $0x4000  }
0x34: {  	[sflag:s17] =	ssyncset.done $0x0  }
0x35: {  	[sflag:s17] =	ssyncadd.s32 $0xFFFFC000  }
0x36: {  	s25 =	simm.s32 $0x0;
	[bflag:$0x0] =	sbarrier.arrive $0xFFFF  }
0x37: {  	[tilespmem:s25], [sflag:$0x4] =	stream.linear.gather [hbm4b:s11+s25], $0x2800, $0x38;
	[tilespmem:$0x1E880] =	vst v63  }
0x38: {  	_ =	swait.ge [sflag:s17], $0x2800  }
0x39: {  	[sflag:s17] =	ssyncset.done $0x0  }
0x3a: {  	s26 =	simm.s32 $0x0;
	[sflag:s17] =	ssyncadd.s32 $0xFFFFD800  }
.LBB2_4:
0x3b: {  	s29 =	sadd.s32 s10, s26;
	s28 =	sshll.u32 s26, $0x4  }
0x3c: {  	s30 =	sshll.u32 s29, $0x4;
	s28 =	sand.u32 $0x70, s28  }
0x3d: {  	s30 =	sand.u32 $0xFF80, s30;
	s28 =	sadd.s32 s4, s28  }
0x3e: {  	s28 =	sadd.s32 s30, s28  }
0x3f: {  	[tilespmem:s18], [sflag:$0x4] =	stream.linear.gather [hbm4b:s28+s25], $0x80, $0x38;
	[tilespmem:$0x1E880] =	vst v63  }
0x40: {  	_ =	swait.ge [sflag:s17], $0x80  }
0x41: {  	s28 =	sshll.u32 s26, $0x7;
	[sflag:s17] =	ssyncset.done $0x0  }
0x42: {  	s28 =	sand.u32 $0x3FFFFF80, s28;
	[sflag:s17] =	ssyncadd.s32 $0xFFFFFF80  }
0x43: {  	[tilespmem:s16], [sflag:$0x1] =	stream.indirect.gather [hbm4b:s12+s19], $0x80, s28, s19, $0xb8;
	[tilespmem:$0x1E880] =	vst v63  }
0x44: {  	_ = 	snop  }
0x45: {  	[tilespmem:s20], [sflag:$0x2] =	stream.indirect.gather [hbm4b:s13+s19], $0x80, s18, s19, $0xb8;
	[tilespmem:$0x1E880] =	vst v63  }
0x46: {  	_ =	swait.ge [sflag:s21], $0x4000  }
0x47: {  	[sflag:s21] =	ssyncset.done $0x0  }
0x48: {  	[sflag:s21] =	ssyncadd.s32 $0xFFFFC000  }
0x49: {  	_ =	swait.ge [sflag:s22], $0x4000  }
0x4a: {  	[sflag:s22] =	ssyncset.done $0x0  }
0x4b: {  	s30 =	simm.s32 $0x0;
	[sflag:s22] =	ssyncadd.s32 $0xFFFFC000  }
0x4c: {  	v8 =	vld [tilespmem:s30+$0x6880]  }
0x4d: {  	v12 =	vld [tilespmem:s30+$0x6890]  }
0x4e: {  	v6 =	vld [tilespmem:s30+$0x68A0]  }
0x4f: {  	v5 =	vld [tilespmem:s30+$0x68B0]  }
0x50: {  	v4 =	vld [tilespmem:s30+$0x68C0]  }
0x51: {  	v3 =	vld [tilespmem:s30+$0x68D0]  }
0x52: {  	v2 =	vld [tilespmem:s30+$0x68E0]  }
0x53: {  	v1 =	vld [tilespmem:s30+$0x68F0]  }
0x54: {  	v13 =	vld [tilespmem:s30+$0x2880]  }
0x55: {  	v14 =	vld [tilespmem:s30+$0x2890]  }
0x56: {  	v11 =	vld [tilespmem:s30+$0x28A0]  }
0x57: {  	v10 =	vld [tilespmem:s30+$0x28B0]  }
0x58: {  	v9 =	vld [tilespmem:s30+$0x28C0]  }
0x59: {  	v7 =	vld [tilespmem:s30+$0x28D0];
	v13 =	vadd.f32 v8, v13  }
0x5a: {  	s31 =	simm.s32 $0x200;
	v12 =	vadd.f32 v12, v14;
	v8 =	vld [tilespmem:s30+$0x28E0]  }
.LBB2_5:
0x5b: {  	s0 =	sshra.s32 s31, $0x2;
	p0 =	sne.s32 s31, $0xFE00;
	[tilespmem:s30+$0x2880] =	vst v13;
	v6 =	vadd.f32 v6, v11;
	v11 =	vld [tilespmem:s30+$0x28F0]  }
0x5c: {  	v13 =	vld [tilespmem:s0+$0x6880];
	[tilespmem:s30+$0x2890] =	vst v12;
	v5 =	vadd.f32 v5, v10  }
0x5d: {  	v12 =	vld [tilespmem:s0+$0x6890];
	[tilespmem:s30+$0x28A0] =	vst v6;
	v4 =	vadd.f32 v4, v9  }
0x5e: {  	v6 =	vld [tilespmem:s0+$0x68A0];
	[tilespmem:s30+$0x28B0] =	vst v5;
	v3 =	vadd.f32 v3, v7  }
0x5f: {  	v5 =	vld [tilespmem:s0+$0x68B0];
	[tilespmem:s30+$0x28C0] =	vst v4;
	v2 =	vadd.f32 v2, v8  }
0x60: {  	v4 =	vld [tilespmem:s0+$0x68C0];
	[tilespmem:s30+$0x28D0] =	vst v3;
	v1 =	vadd.f32 v1, v11  }
0x61: {  	v3 =	vld [tilespmem:s0+$0x68D0];
	[tilespmem:s30+$0x28E0] =	vst v2  }
0x62: {  	v2 =	vld [tilespmem:s0+$0x68E0];
	[tilespmem:s30+$0x28F0] =	vst v1;
	s30 =	smov.u32 s0  }
0x63: {  	v1 =	vld [tilespmem:s30+$0x68F0]  }
0x64: {  	v7 =	vld [tilespmem:s30+$0x2880]  }
0x65: {  	v8 =	vld [tilespmem:s30+$0x2890]  }
.Ltmp1:
0x66: {  	v11 =	vld [tilespmem:s30+$0x28A0];
	(pc) =	sbr.rel @p0 .LBB2_5-.Ltmp1, $4  }
0x67: {  	v10 =	vld [tilespmem:s30+$0x28B0]  }
0x68: {  	v9 =	vld [tilespmem:s30+$0x28C0]  }
0x69: {  	v13 =	vadd.f32 v13, v7;
	v7 =	vld [tilespmem:s30+$0x28D0]  }
0x6a: {  	s31 =	sadd.s32 $0x200, s31;
	v12 =	vadd.f32 v12, v8;
	v8 =	vld [tilespmem:s30+$0x28E0]  }
0x6b: {  	[tilespmem:s30+$0x2880] =	vst v13;
	v6 =	vadd.f32 v6, v11;
	v11 =	vld [tilespmem:s30+$0x28F0]  }
0x6c: {  	[tilespmem:s30+$0x2890] =	vst v12;
	v5 =	vadd.f32 v5, v10  }
0x6d: {  	[tilespmem:s30+$0x28A0] =	vst v6;
	v4 =	vadd.f32 v4, v9  }
0x6e: {  	[tilespmem:s30+$0x28B0] =	vst v5;
	v3 =	vadd.f32 v3, v7  }
0x6f: {  	[tilespmem:s30+$0x28C0] =	vst v4;
	v2 =	vadd.f32 v2, v8  }
0x70: {  	[tilespmem:s30+$0x28D0] =	vst v3;
	v1 =	vadd.f32 v1, v11  }
0x71: {  	s0 =	sshll.u32 s29, $0xB;
	[tilespmem:s30+$0x28E0] =	vst v2  }
0x72: {  	s29 =	simm.s32 $0x0;
	s0 =	sadd.s32 s0, s14;
	[tilespmem:s30+$0x28F0] =	vst v1  }
0x73: {  	[tilespmem:s20], [sflag:$0x3] =	stream.linear.gather [hbm4b:s0+s29], $0x4000, $0x38;
	[tilespmem:$0x1E880] =	vst v63  }
0x74: {  	_ =	swait.ge [sflag:s23], $0x4000  }
0x75: {  	[sflag:s23] =	ssyncset.done $0x0  }
0x76: {  	s29 =	simm.s32 $0x0;
	[sflag:s23] =	ssyncadd.s32 $0xFFFFC000  }
0x77: {  	v7 =	vld [tilespmem:s29+$0x6880]  }
0x78: {  	v12 =	vld [tilespmem:s29+$0x6890]  }
0x79: {  	v6 =	vld [tilespmem:s29+$0x68A0]  }
0x7a: {  	v5 =	vld [tilespmem:s29+$0x68B0]  }
0x7b: {  	v4 =	vld [tilespmem:s29+$0x68C0]  }
0x7c: {  	v3 =	vld [tilespmem:s29+$0x68D0]  }
0x7d: {  	v2 =	vld [tilespmem:s29+$0x68E0]  }
0x7e: {  	v1 =	vld [tilespmem:s29+$0x68F0]  }
0x7f: {  	v13 =	vld [tilespmem:s29+$0x2880]  }
0x80: {  	v14 =	vld [tilespmem:s29+$0x2890]  }
0x81: {  	v11 =	vld [tilespmem:s29+$0x28A0]  }
0x82: {  	v10 =	vld [tilespmem:s29+$0x28B0]  }
0x83: {  	v9 =	vld [tilespmem:s29+$0x28C0]  }
0x84: {  	v8 =	vld [tilespmem:s29+$0x28D0];
	v13 =	vadd.f32 v7, v13  }
0x85: {  	s30 =	simm.s32 $0x200;
	v12 =	vadd.f32 v12, v14;
	v7 =	vld [tilespmem:s29+$0x28E0]  }
.LBB2_7:
0x86: {  	s0 =	sshra.s32 s30, $0x2;
	p0 =	sne.s32 s30, $0xFE00;
	v13 =	vmax.f32 v13, $0.0e+00;
	v6 =	vadd.f32 v6, v11;
	v11 =	vld [tilespmem:s29+$0x28F0]  }
0x87: {  	v14 =	vld [tilespmem:s0+$0x6880];
	[tilespmem:s29+$0x2880] =	vst v13;
	v12 =	vmax.f32 v12, $0.0e+00;
	v5 =	vadd.f32 v5, v10  }
0x88: {  	v15 =	vld [tilespmem:s0+$0x6890];
	[tilespmem:s29+$0x2890] =	vst v12;
	v10 =	vmax.f32 v6, $0.0e+00;
	v4 =	vadd.f32 v4, v9  }
0x89: {  	v6 =	vld [tilespmem:s0+$0x68A0];
	[tilespmem:s29+$0x28A0] =	vst v10;
	v9 =	vmax.f32 v5, $0.0e+00;
	v3 =	vadd.f32 v3, v8  }
0x8a: {  	v5 =	vld [tilespmem:s0+$0x68B0];
	[tilespmem:s29+$0x28B0] =	vst v9;
	v8 =	vmax.f32 v4, $0.0e+00;
	v2 =	vadd.f32 v2, v7  }
0x8b: {  	v4 =	vld [tilespmem:s0+$0x68C0];
	[tilespmem:s29+$0x28C0] =	vst v8;
	v7 =	vmax.f32 v3, $0.0e+00;
	v1 =	vadd.f32 v1, v11  }
0x8c: {  	v3 =	vld [tilespmem:s0+$0x68D0];
	[tilespmem:s29+$0x28D0] =	vst v7;
	v7 =	vmax.f32 v2, $0.0e+00  }
0x8d: {  	v2 =	vld [tilespmem:s0+$0x68E0];
	[tilespmem:s29+$0x28E0] =	vst v7;
	v7 =	vmax.f32 v1, $0.0e+00  }
0x8e: {  	v1 =	vld [tilespmem:s0+$0x68F0];
	[tilespmem:s29+$0x28F0] =	vst v7;
	s29 =	smov.u32 s0  }
0x8f: {  	v7 =	vld [tilespmem:s29+$0x2880]  }
0x90: {  	v12 =	vld [tilespmem:s29+$0x2890]  }
.Ltmp2:
0x91: {  	v11 =	vld [tilespmem:s29+$0x28A0];
	(pc) =	sbr.rel @p0 .LBB2_7-.Ltmp2, $4  }
0x92: {  	v10 =	vld [tilespmem:s29+$0x28B0]  }
0x93: {  	v9 =	vld [tilespmem:s29+$0x28C0]  }
0x94: {  	v13 =	vadd.f32 v14, v7;
	v8 =	vld [tilespmem:s29+$0x28D0]  }
0x95: {  	s30 =	sadd.s32 $0x200, s30;
	v12 =	vadd.f32 v15, v12;
	v7 =	vld [tilespmem:s29+$0x28E0]  }
0x96: {  	v13 =	vmax.f32 v13, $0.0e+00;
	v6 =	vadd.f32 v6, v11;
	v63 =	vld [tilespmem:s29+$0x28F0]  }
0x97: {  	[tilespmem:s29+$0x2880] =	vst v13;
	v12 =	vmax.f32 v12, $0.0e+00;
	v5 =	vadd.f32 v5, v10  }
0x98: {  	[tilespmem:s29+$0x2890] =	vst v12;
	v6 =	vmax.f32 v6, $0.0e+00;
	v4 =	vadd.f32 v4, v9  }
0x99: {  	[tilespmem:s29+$0x28A0] =	vst v6;
	v5 =	vmax.f32 v5, $0.0e+00;
	v3 =	vadd.f32 v3, v8  }
0x9a: {  	[tilespmem:s29+$0x28B0] =	vst v5;
	v4 =	vmax.f32 v4, $0.0e+00;
	v2 =	vadd.f32 v2, v7  }
0x9b: {  	[tilespmem:s29+$0x28C0] =	vst v4;
	v3 =	vmax.f32 v3, $0.0e+00;
	v1 =	vadd.f32 v1, v63  }
0x9c: {  	s26 =	sadd.s32 $0x1, s26;
	[tilespmem:s29+$0x28D0] =	vst v3;
	v2 =	vmax.f32 v2, $0.0e+00  }
0x9d: {  	p0 =	sne.s32 s26, $0x50;
	[tilespmem:s29+$0x28E0] =	vst v2;
	v1 =	vmax.f32 v1, $0.0e+00  }
.Ltmp3:
0x9e: {  	[tilespmem:s29+$0x28F0] =	vst v1;
	(pc) =	sbr.rel @p0 .LBB2_4-.Ltmp3, $4  }
0x9f: {  	[spmem:s2] =	stream.indirect.scatter.add.f32 [tilespmem:s16], [sflag:$0x4], $0x80, s28, s19, $0xb8;
	[tilespmem:$0x1E880] =	vst v63  }
0xa0: {  	_ =	swait.ge [sflag:s17], $0x4000  }
0xa1: {  	[sflag:s17] =	ssyncset.done $0x0  }
0xa2: {  	[sflag:s17] =	ssyncadd.s32 $0xFFFFC000  }
0xa3: {  	s3 =	sadd.s32 $0x1, s3  }
0xa4: {  	s0 =	sshll.u32 s1, $0x6;
	[bflag:$0x0] =	sbarrier.arrive $0xFFFF;
	p0 =	sne.s32 s3, s15  }
.Ltmp4:
0xa5: {  	s25 =	sshrl.u32 s5, $0x3;
	s0 =	sor.u32 $0x1C04, s0;
	(pc) =	sbr.rel @p0 .LBB2_1-.Ltmp4, $4  }
0xa6: {  	[hbm:s24], [sflag:s0] =	dma.local [spmem:s25], $0x2800  }
0xa7: {  	_ =	swait.ge [sflag:s17], $0x2800  }
0xa8: {  	[sflag:s17] =	ssyncset.done $0x0  }
0xa9: {  	[sflag:s17] =	ssyncadd.s32 $0xFFFFD800  }
0xaa: {  	_ =	sfence.sel $0x180000  }
0xab: {  	[bflag:$0x0] =	sbarrier.arrive $0xFFFF  }
0xac: {  	_ =	strace $0x90000053  }
0xad: {  	[bflag:$0x2] =	sbarrier.arrive $0xFFFF  }
0xae: {  	p0 =	sne.s32 s1, $0x0;
	s0 =	rddreg [dreg:$0x2]  }
0xaf: {  	s0 =	sadd.s32 @!p0 $0x100000, s0  }
0xb0: {  	[sflag:s0] =	ssyncadd.tile.s32 @!p0 $0x1;
	_ =	shalt  }
.Lfunc_end2:
_tile_overlayer_lowered:
.L_overlay_start_2:
0xb1: {  	(tag) =	ssettag $0x2  }
0xb2: {  	s0 =	rddreg [dreg:$0x0];
	s2 =	stileid.u32  }
0xb3: {  	s1 =	rddreg [dreg:$0x1];
	p0 =	sne.s32 s2, $0x0  }
0xb4: {  	s3 =	rddreg [dreg:$0x2];
	[bflag:$0x3] =	sbarrier.arrive $0xFFFF;
	s2 =	simm.s32 @!p0 $0x1C04  }
0xb5: {  	[timem:s3], [sflag:s2] =	dma.local @!p0 [hbm:s0], s1  }
0xb6: {  	s0 =	simm.s32 @!p0 $0x4  }
0xb7: {  	_ =	swait.ge @!p0 [sflag:s0], s1  }
0xb8: {  	s1 =	ssub.s32 @!p0 $0x0, s1;
	[sflag:s0] =	ssyncset.done @!p0 $0x0  }
0xb9: {  	[sflag:s0] =	ssyncadd.s32 @!p0 s1  }
0xba: {  	[bflag:$0x3] =	sbarrier.arrive $0xFFFF  }
0xbb: {  	_ =	shalt  }

</sc_bundles>
